<compile_context>
chip_gen: v7x
topology: tpu7x:2x2x1
jax: 0.10.2.dev20260603
libtpu: 0.0.44.dev20260713+nightly
codegen_flags: <defaults>
</compile_context>

<pallas_src>
import functools

import jax
import jax.numpy as jnp
from jax import lax
from jax.experimental import pallas as pl
from jax.experimental.pallas import tpu as pltpu
from jax.experimental.pallas import tpu_sc as plsc

N = 10000
E = 320000
D = 128
H = 16

NC = 2
NS = 16
NW = NC * NS
CH = 128
KC = 80
E_PAD = NW * CH * KC
EPW = KC * CH
N_PAD = 10112
RPT = N_PAD // NS

_mesh = plsc.VectorSubcoreMesh(core_axis_name="c", subcore_axis_name="s")
_sc_params = pltpu.CompilerParams(use_tc_tiling_on_sc=False)
_sc_params_nl = pltpu.CompilerParams(use_tc_tiling_on_sc=False,
                                     needs_layout_passes=False)


def _wid():
    return lax.axis_index("s") * NC + lax.axis_index("c")



EPT = E // NW
FR = EPT // CH
TAIL = EPT - FR * CH


@functools.partial(
    pl.kernel,
    out_type=(jax.ShapeDtypeStruct((NC * N_PAD, H), jnp.float32),
              jax.ShapeDtypeStruct((NW, KC, CH), jnp.int32),
              jax.ShapeDtypeStruct((NW, KC, CH), jnp.int32)),
    mesh=_mesh,
    compiler_params=_sc_params,
    scratch_types=[
        pltpu.VMEM((KC, CH), jnp.int32),
        pltpu.VMEM((KC, CH), jnp.int32),
        pltpu.VMEM((CH, H), jnp.float32),
        pltpu.VMEM_SHARED((N_PAD, H), jnp.float32),
        pltpu.SemaphoreType.DMA,
        pltpu.SemaphoreType.DMA,
        pltpu.SemaphoreType.DMA,
        pltpu.SemaphoreType.DMA,
        pltpu.SemaphoreType.DMA,
        pltpu.SemaphoreType.DMA,
        pltpu.SemaphoreType.DMA,
        pltpu.SemaphoreType.DMA,
        pltpu.SemaphoreType.DMA,
        pltpu.SemaphoreType.DMA,
        pltpu.SemaphoreType.DMA,
    ],
)
def _sc_count(ei, ones, zeros, out, src3p, dst3p,
              srcb, dstb, rows, acc, sems, semd, sem,
              l0, l1, l2, l3, l4, l5, l6, l7):
    cid = lax.axis_index("c")
    sid = lax.axis_index("s")
    wid = _wid()
    base = wid * EPT
    QD = 8
    ls = (l0, l1, l2, l3, l4, l5, l6, l7)
    pltpu.sync_copy(ones, rows)
    pltpu.sync_copy(zeros.at[pl.ds(sid * RPT, RPT)], acc.at[pl.ds(sid * RPT, RPT)])

    zi = jnp.zeros((16,), jnp.int32)
    ni = jnp.full((16,), N, jnp.int32)
    for t in range(TAIL, CH, 16):
        srcb[FR, pl.ds(t, 16)] = zi
        dstb[FR, pl.ds(t, 16)] = ni
    for jp in range(FR + 1, KC):
        for t in range(0, CH, 16):
            srcb[jp, pl.ds(t, 16)] = zi
            dstb[jp, pl.ds(t, 16)] = ni
    for jp in range(QD):
        pltpu.async_copy(ei.at[1, pl.ds(base + jp * CH, CH)], dstb.at[jp], ls[jp])
    pltpu.async_copy(ei.at[1, pl.ds(base + FR * CH, TAIL)],
                     dstb.at[FR, pl.ds(0, TAIL)], semd)
    plsc.subcore_barrier()

    def outer(jj, _):
        j8 = jj * QD
        for k in range(QD):
            j = j8 + k
            pltpu.make_async_copy(ei.at[1, pl.ds(base, CH)], dstb.at[k],
                                  ls[k]).wait()
            pltpu.async_copy(rows, acc.at[dstb.at[j]], sem, add=True)

            @pl.when(j >= QD)
            def _drain_sc():
                pltpu.make_async_copy(rows, acc.at[dstb.at[j]], sem).wait()

            @pl.when(j + QD < FR)
            def _pf():
                pltpu.async_copy(ei.at[1, pl.ds(base + (j + QD) * CH, CH)],
                                 dstb.at[j + QD], ls[k])
            pltpu.async_copy(ei.at[0, pl.ds(base + j * CH, CH)], srcb.at[j], sems)

            @pl.when(j >= QD)
            def _drain_src():
                pltpu.make_async_copy(ei.at[0, pl.ds(base, CH)], srcb.at[0],
                                      sems).wait()
        return 0

    FR8 = (FR // QD) * QD
    lax.fori_loop(0, FR8 // QD, outer, 0)
    for j in range(FR8, FR):
        k = j % QD
        pltpu.make_async_copy(ei.at[1, pl.ds(base, CH)], dstb.at[k], ls[k]).wait()
        pltpu.async_copy(rows, acc.at[dstb.at[j]], sem, add=True)
        pltpu.make_async_copy(rows, acc.at[dstb.at[j]], sem).wait()
        pltpu.async_copy(ei.at[0, pl.ds(base + j * CH, CH)], srcb.at[j], sems)
        pltpu.make_async_copy(ei.at[0, pl.ds(base, CH)], srcb.at[0], sems).wait()
    pltpu.make_async_copy(ei.at[1, pl.ds(base, TAIL)],
                          dstb.at[FR, pl.ds(0, TAIL)], semd).wait()
    for j in range(FR, KC):
        pltpu.async_copy(rows, acc.at[dstb.at[j]], sem, add=True)
        pltpu.make_async_copy(rows, acc.at[dstb.at[j]], sem).wait()
    pltpu.sync_copy(ei.at[0, pl.ds(base + FR * CH, TAIL)],
                    srcb.at[FR, pl.ds(0, TAIL)])

    def drain_src(j, _):
        pltpu.make_async_copy(ei.at[0, pl.ds(base, CH)], srcb.at[0], sems).wait()
        return 0

    lax.fori_loop(0, QD, drain_src, 0)

    def drain_sc(j, _):
        pltpu.make_async_copy(rows, acc.at[dstb.at[0]], sem).wait()
        return 0

    lax.fori_loop(0, QD, drain_sc, 0)
    pltpu.sync_copy(srcb, src3p.at[wid])
    pltpu.sync_copy(dstb, dst3p.at[wid])
    plsc.subcore_barrier()
    pltpu.sync_copy(acc.at[pl.ds(sid * RPT, RPT)],
                    out.at[pl.ds(cid * N_PAD + sid * RPT, RPT)])


@functools.partial(
    pl.kernel,
    out_type=jax.ShapeDtypeStruct((NC * N_PAD, H), jnp.float32),
    mesh=_mesh,
    compiler_params=_sc_params,
    scratch_types=[
        pltpu.VMEM((KC, CH), jnp.int32),
        pltpu.VMEM((KC, CH), jnp.int32),
        pltpu.VMEM((CH, H), jnp.float32),
        pltpu.VMEM((CH, H), jnp.float32),
        pltpu.VMEM((CH, H), jnp.float32),
        pltpu.VMEM((CH, H), jnp.float32),
        pltpu.VMEM((CH, H), jnp.float32),
        pltpu.VMEM((CH, H), jnp.float32),
        pltpu.VMEM((CH, H), jnp.float32),
        pltpu.VMEM((CH, H), jnp.float32),
        pltpu.VMEM_SHARED((N_PAD, H), jnp.float32),
        pltpu.VMEM_SHARED((N_PAD, H), jnp.float32),
        pltpu.SemaphoreType.DMA,
        pltpu.SemaphoreType.DMA,
        pltpu.SemaphoreType.DMA,
        pltpu.SemaphoreType.DMA,
        pltpu.SemaphoreType.DMA,
        pltpu.SemaphoreType.DMA,
        pltpu.SemaphoreType.DMA,
        pltpu.SemaphoreType.DMA,
        pltpu.SemaphoreType.DMA,
        pltpu.SemaphoreType.DMA,
        pltpu.SemaphoreType.DMA,
        pltpu.SemaphoreType.DMA,
        pltpu.SemaphoreType.DMA,
        pltpu.SemaphoreType.DMA,
        pltpu.SemaphoreType.DMA,
        pltpu.SemaphoreType.DMA,
    ],
)
def _sc_layer(g, src3, dst3, zeros, out, srcb, dstb,
              r0, r1, r2, r3, r4, r5, r6, r7, tab, acc,
              g0, g1, g2, g3, g4, g5, g6, g7,
              s0, s1, s2, s3, s4, s5, s6, s7):
    cid = lax.axis_index("c")
    sid = lax.axis_index("s")
    wid = _wid()
    rows = (r0, r1, r2, r3, r4, r5, r6, r7)
    gs = (g0, g1, g2, g3, g4, g5, g6, g7)
    ss = (s0, s1, s2, s3, s4, s5, s6, s7)
    NBUF = 8
    DP = NBUF // 2
    my = pl.ds(sid * RPT, RPT)
    pltpu.sync_copy(src3.at[wid], srcb)
    pltpu.sync_copy(dst3.at[wid], dstb)
    pltpu.sync_copy(zeros.at[my], acc.at[my])
    pltpu.sync_copy(g.at[my], tab.at[my])
    plsc.subcore_barrier()

    for b in range(DP):
        pltpu.async_copy(tab.at[srcb.at[b]], rows[b], gs[b])

    def body(jj, _):
        j = jj * NBUF
        for b in range(NBUF):
            jc = j + b
            pltpu.make_async_copy(tab.at[srcb.at[jc]], rows[b], gs[b]).wait()
            pltpu.async_copy(rows[b], acc.at[dstb.at[jc]], ss[b], add=True)
            b2 = (b + DP) % NBUF

            @pl.when(jc + DP < KC)
            def _prefetch():
                @pl.when(jc >= DP)
                def _wait_prev_scatter():
                    pltpu.make_async_copy(rows[b2], acc.at[dstb.at[jc]],
                                          ss[b2]).wait()
                pltpu.async_copy(tab.at[srcb.at[jc + DP]], rows[b2], gs[b2])
        return 0

    lax.fori_loop(0, KC // NBUF, body, 0)
    for b in range(NBUF):
        pltpu.make_async_copy(rows[b], acc.at[dstb.at[0]], ss[b]).wait()
    plsc.subcore_barrier()
    pltpu.sync_copy(acc.at[pl.ds(sid * RPT, RPT)],
                    out.at[pl.ds(cid * N_PAD + sid * RPT, RPT)])


@functools.partial(
    pl.kernel,
    out_type=jax.ShapeDtypeStruct((E,), jnp.float32),
    mesh=_mesh,
    compiler_params=_sc_params_nl,
    scratch_types=[
        pltpu.VMEM((2 * N_PAD,), jnp.float32),
        pltpu.VMEM((KC, CH), jnp.int32),
        pltpu.VMEM((KC, CH), jnp.int32),
        pltpu.VMEM((KC, CH), jnp.float32),
        pltpu.SemaphoreType.DMA,
    ],
)
def _sc_edge(pqf, src3, dst3, out, pqv, srcb, dstb, outb, sem):
    wid = _wid()
    base = wid * EPT
    QD = 8
    pltpu.sync_copy(pqf, pqv)
    pltpu.sync_copy(src3.at[wid], srcb)
    pltpu.sync_copy(dst3.at[wid], dstb)

    def body(jj, _):
        for t in range(2):
            j = jj * 2 + t
            for k in range(CH // 16):
                si = srcb[j, pl.ds(k * 16, 16)]
                di = dstb[j, pl.ds(k * 16, 16)]
                v = (plsc.load_gather(pqv, [si * 2])
                     + plsc.load_gather(pqv, [di * 2 + 1]))
                outb[j, pl.ds(k * 16, 16)] = v
            pltpu.async_copy(outb.at[j], out.at[pl.ds(base + j * CH, CH)], sem)

            @pl.when(j >= QD)
            def _drain():
                pltpu.make_async_copy(outb.at[0], out.at[pl.ds(base, CH)],
                                      sem).wait()
        return 0

    lax.fori_loop(0, FR // 2, body, 0)
    for k in range(TAIL // 16):
        si = srcb[FR, pl.ds(k * 16, 16)]
        di = dstb[FR, pl.ds(k * 16, 16)]
        outb[FR, pl.ds(k * 16, 16)] = (plsc.load_gather(pqv, [si * 2])
                                       + plsc.load_gather(pqv, [di * 2 + 1]))
    pltpu.async_copy(outb.at[FR, pl.ds(0, TAIL)],
                     out.at[pl.ds(base + FR * CH, TAIL)], sem)

    def drain(j, _):
        pltpu.make_async_copy(outb.at[0], out.at[pl.ds(base, CH)], sem).wait()
        return 0

    lax.fori_loop(0, QD, drain, 0)
    pltpu.make_async_copy(outb.at[0, pl.ds(0, TAIL)],
                          out.at[pl.ds(base, TAIL)], sem).wait()



NB = N_PAD // 8


def _mm1_body(x_ref, w_ref, o_ref):
    o_ref[...] = jnp.dot(x_ref[...], w_ref[...],
                         preferred_element_type=jnp.float32)


def _prep_body(cnt_ref, h1_ref, g1_ref, dinv_ref):
    deg = cnt_ref[0:NB] + cnt_ref[NB:2 * NB] + 1.0
    dinv = lax.rsqrt(deg)
    dinv_ref[...] = dinv
    g1_ref[...] = h1_ref[...] * dinv


def _mid_body(s_ref, g1_ref, dinv_ref, b1_ref, w2_ref, g2_ref):
    dinv = dinv_ref[...]
    agg = dinv * (s_ref[0:NB] + s_ref[NB:2 * NB] + g1_ref[...]) + b1_ref[...]
    h1r = jnp.maximum(agg, 0.0)
    g2_ref[...] = jnp.dot(h1r, w2_ref[...],
                          preferred_element_type=jnp.float32) * dinv


def _post_body(s_ref, g2_ref, dinv_ref, b2_ref, wfc_ref, bfc_ref, pq_ref):
    h2 = dinv_ref[...] * (s_ref[0:NB] + s_ref[NB:2 * NB] + g2_ref[...]) + b2_ref[...]
    pq_ref[...] = jnp.dot(h2, wfc_ref[...],
                          preferred_element_type=jnp.float32) + bfc_ref[...]


_f32 = jnp.float32


def kernel(x, edge_index, W1, b1, W2, b2, Wfc, bfc):
    zeros = jnp.zeros((N_PAD, H), _f32)
    ones = jnp.ones((CH, H), _f32)
    xp = jnp.pad(x, ((0, N_PAD - N), (0, 0)))
    xg = xp.reshape(NB, 8 * D)
    eye8 = jnp.eye(8, dtype=_f32)
    W1blk = jnp.kron(eye8, W1)
    W2blk = jnp.kron(eye8, W2)
    Wfc2 = jnp.concatenate([Wfc[:H], Wfc[H:]], axis=1)
    Wfcblk = jnp.kron(eye8, Wfc2)
    b1p = jnp.tile(b1, 8).reshape(1, 128)
    b2p = jnp.tile(b2, 8).reshape(1, 128)
    bfcp = jnp.tile(jnp.pad(bfc, (0, 1)), 8).reshape(1, 16)

    cnt, src3, dst3 = _sc_count(edge_index, ones, zeros)
    h1p = pl.pallas_call(
        _mm1_body,
        out_shape=jax.ShapeDtypeStruct((NB, 128), _f32),
    )(xg, W1blk)
    g1p, dinvp = pl.pallas_call(
        _prep_body,
        out_shape=(jax.ShapeDtypeStruct((NB, 128), _f32),
                   jax.ShapeDtypeStruct((NB, 128), _f32)),
    )(cnt.reshape(2 * NB, 128), h1p)

    s1 = _sc_layer(g1p.reshape(N_PAD, H), src3, dst3, zeros)

    g2p = pl.pallas_call(
        _mid_body,
        out_shape=jax.ShapeDtypeStruct((NB, 128), _f32),
    )(s1.reshape(2 * NB, 128), g1p, dinvp, b1p, W2blk)

    s2 = _sc_layer(g2p.reshape(N_PAD, H), src3, dst3, zeros)

    pq = pl.pallas_call(
        _post_body,
        out_shape=jax.ShapeDtypeStruct((NB, 16), _f32),
    )(s2.reshape(2 * NB, 128), g2p, dinvp, b2p, Wfcblk, bfcp)

    return _sc_edge(pq.reshape(-1), src3, dst3)

# --- scband reference (transcript-rebuilt; emitter-appended) ---
"""Pipeline reference for scband-gcnmodel-43714177138844 (READ-ONLY COPY).

The authoritative reference and input builder live on the scoring server;
editing this copy changes nothing except your own understanding.
"""

import jax, jax.numpy as jnp
import numpy as np

N_NODES = 10000
N_EDGES = 320000
D_FEAT = 128
HIDDEN = 16
OUT_DIM = 1


def gcn_conv(x, edge_index, W, b):
    # Faithful PyG GCNConv: add self-loops, symmetric deg^{-1/2} normalization,
    # linear transform, scatter-add aggregation, bias.
    n = x.shape[0]
    loop = jnp.arange(n, dtype=edge_index.dtype)
    src = jnp.concatenate([edge_index[0], loop])
    dst = jnp.concatenate([edge_index[1], loop])
    h = x @ W
    deg = jax.ops.segment_sum(jnp.ones_like(src, dtype=h.dtype), dst, num_segments=n)
    dinv = jnp.where(deg > 0, jax.lax.rsqrt(jnp.maximum(deg, 1e-12)), 0.0)
    norm = dinv[src] * dinv[dst]
    msgs = h[src] * norm[:, None]
    out = jax.ops.segment_sum(msgs, dst, num_segments=n)
    return out + b


def setup_inputs(seed: int = 0) -> dict:
    key = jax.random.key(seed)
    ks = jax.random.split(key, 8)
    x = jax.random.normal(ks[0], (N_NODES, D_FEAT), dtype=jnp.float32)
    edge_index = jax.random.randint(ks[1], (2, N_EDGES), 0, N_NODES, dtype=jnp.int32)
    W1 = jax.random.normal(ks[2], (D_FEAT, HIDDEN), dtype=jnp.float32) * (1.0 / np.sqrt(D_FEAT))
    b1 = jnp.zeros((HIDDEN,), dtype=jnp.float32)
    W2 = jax.random.normal(ks[3], (HIDDEN, HIDDEN), dtype=jnp.float32) * (1.0 / np.sqrt(HIDDEN))
    b2 = jnp.zeros((HIDDEN,), dtype=jnp.float32)
    Wfc = jax.random.normal(ks[4], (2 * HIDDEN, OUT_DIM), dtype=jnp.float32) * (1.0 / np.sqrt(2 * HIDDEN))
    bfc = jnp.zeros((OUT_DIM,), dtype=jnp.float32)
    return {"x": x, "edge_index": edge_index, "W1": W1, "b1": b1, "W2": W2, "b2": b2, "Wfc": Wfc, "bfc": bfc}


def reference(x, edge_index, W1, b1, W2, b2, Wfc, bfc):
    h = gcn_conv(x, edge_index, W1, b1)
    h = jax.nn.relu(h)
    # F.dropout with training=False is identity (eval mode); omitted.
    h = gcn_conv(h, edge_index, W2, b2)
    edge_embeddings = jnp.concatenate([h[edge_index[0]], h[edge_index[1]]], axis=1)
    edge_predictions = jnp.squeeze(edge_embeddings @ Wfc + bfc)
    return edge_predictions

if __name__ == "__main__":
    import jax
    _d = setup_inputs()
    print(jax.jit(kernel)(*tuple(_d.values())))

</pallas_src>

<mosaic_0001>
#map = affine_map<(d0, d1) -> (0, 0)>
#map1 = affine_map<(d0, d1) -> (0, 0, 0)>
module attributes {stable_mosaic.version = 14 : i64} {
  func.func @_sc_count(%arg0: i32, %arg1: i32, %arg2: memref<2x320000xi32, #tpu.memory_space<hbm>>, %arg3: memref<128x16xf32, #tpu.memory_space<hbm>>, %arg4: memref<10112x16xf32, #tpu.memory_space<hbm>>, %arg5: memref<20224x16xf32, #tpu.memory_space<hbm>>, %arg6: memref<32x80x128xi32, #tpu.memory_space<hbm>>, %arg7: memref<32x80x128xi32, #tpu.memory_space<hbm>>, %arg8: memref<80x128xi32, #tpu.memory_space<vmem>>, %arg9: memref<80x128xi32, #tpu.memory_space<vmem>>, %arg10: memref<128x16xf32, #tpu.memory_space<vmem>>, %arg11: memref<10112x16xf32, #tpu.memory_space<vmem_shared>>, %arg12: memref<!tpu.dma_semaphore, #tpu.memory_space<semaphore_mem>>, %arg13: memref<!tpu.dma_semaphore, #tpu.memory_space<semaphore_mem>>, %arg14: memref<!tpu.dma_semaphore, #tpu.memory_space<semaphore_mem>>, %arg15: memref<!tpu.dma_semaphore, #tpu.memory_space<semaphore_mem>>, %arg16: memref<!tpu.dma_semaphore, #tpu.memory_space<semaphore_mem>>, %arg17: memref<!tpu.dma_semaphore, #tpu.memory_space<semaphore_mem>>, %arg18: memref<!tpu.dma_semaphore, #tpu.memory_space<semaphore_mem>>, %arg19: memref<!tpu.dma_semaphore, #tpu.memory_space<semaphore_mem>>, %arg20: memref<!tpu.dma_semaphore, #tpu.memory_space<semaphore_mem>>, %arg21: memref<!tpu.dma_semaphore, #tpu.memory_space<semaphore_mem>>, %arg22: memref<!tpu.dma_semaphore, #tpu.memory_space<semaphore_mem>>) attributes {dimension_semantics = [#tpu.dimension_semantics<core_parallel>, #tpu.dimension_semantics<subcore_parallel>], iteration_bounds = array<i64: 2, 16>, scalar_prefetch = 0 : i64, scratch_operands = 15 : i64, tpu.core_type = #tpu.core_type<sc_vector_subcore>, window_params = [{transform_indices = #map}, {transform_indices = #map}, {transform_indices = #map}, {transform_indices = #map}, {transform_indices = #map1}, {transform_indices = #map1}]} {
    %mul3A = arith.constant 2 : i32
    %mul3A_0 = arith.muli %arg1, %mul3A : i32
    %add3A = arith.addi %mul3A_0, %arg0 : i32
    %mul3A_1 = arith.constant 10000 : i32
    %mul3A_2 = arith.muli %add3A, %mul3A_1 : i32
    "tpu.region"() ({
      %run_scoped3A_696 = tpu.sem_alloc : memref<!tpu.dma_semaphore, #tpu.memory_space<semaphore_mem>>
      tpu.enqueue_dma source(%arg3 : memref<128x16xf32, #tpu.memory_space<hbm>>) target(%arg10 : memref<128x16xf32, #tpu.memory_space<vmem>>) target_semaphore(%run_scoped3A_696 : memref<!tpu.dma_semaphore, #tpu.memory_space<semaphore_mem>>)
      tpu.wait_dma2 semaphore(%run_scoped3A_696 : memref<!tpu.dma_semaphore, #tpu.memory_space<semaphore_mem>>) src(%arg3 : memref<128x16xf32, #tpu.memory_space<hbm>>) dst(%arg10 : memref<128x16xf32, #tpu.memory_space<vmem>>)
      tpu.yield
    }) : () -> ()
    %mul3A_3 = arith.constant 632 : i32
    %mul3A_4 = arith.muli %arg1, %mul3A_3 : i32
    %mul3A_5 = arith.constant 632 : i32
    %mul3A_6 = arith.muli %arg1, %mul3A_5 : i32
    "tpu.region"() ({
      %run_scoped3A_696 = tpu.sem_alloc : memref<!tpu.dma_semaphore, #tpu.memory_space<semaphore_mem>>
      %dma_start3A_697 = arith.constant 0 : i32
      %dma_start3A_698 = tpu.memref_slice %arg11[%mul3A_6, %dma_start3A_697] : memref<10112x16xf32, #tpu.memory_space<vmem_shared>> -> memref<632x16xf32, #tpu.memory_space<vmem_shared>>
      %dma_start3A_699 = arith.constant 0 : i32
      %dma_start3A_700 = tpu.memref_slice %arg4[%mul3A_4, %dma_start3A_699] : memref<10112x16xf32, #tpu.memory_space<hbm>> -> memref<632x16xf32, #tpu.memory_space<hbm>>
      tpu.enqueue_dma source(%dma_start3A_700 : memref<632x16xf32, #tpu.memory_space<hbm>>) target(%dma_start3A_698 : memref<632x16xf32, #tpu.memory_space<vmem_shared>>) target_semaphore(%run_scoped3A_696 : memref<!tpu.dma_semaphore, #tpu.memory_space<semaphore_mem>>)
      %dma_wait3A_701 = arith.constant 0 : i32
      %dma_wait3A_702 = tpu.memref_slice %arg11[%mul3A_6, %dma_wait3A_701] : memref<10112x16xf32, #tpu.memory_space<vmem_shared>> -> memref<632x16xf32, #tpu.memory_space<vmem_shared>>
      %dma_wait3A_703 = arith.constant 0 : i32
      %dma_wait3A_704 = tpu.memref_slice %arg4[%mul3A_4, %dma_wait3A_703] : memref<10112x16xf32, #tpu.memory_space<hbm>> -> memref<632x16xf32, #tpu.memory_space<hbm>>
      tpu.wait_dma2 semaphore(%run_scoped3A_696 : memref<!tpu.dma_semaphore, #tpu.memory_space<semaphore_mem>>) src(%dma_wait3A_704 : memref<632x16xf32, #tpu.memory_space<hbm>>) dst(%dma_wait3A_702 : memref<632x16xf32, #tpu.memory_space<vmem_shared>>)
      tpu.yield
    }) : () -> ()
    %broadcast_in_dim3A = arith.constant 0 : i32
    %broadcast_in_dim3A_7 = vector.broadcast %broadcast_in_dim3A : i32 to vector<16xi32>
    %broadcast_in_dim3A_8 = arith.constant 10000 : i32
    %broadcast_in_dim3A_9 = vector.broadcast %broadcast_in_dim3A_8 : i32 to vector<16xi32>
    %swap3A = arith.constant 78 : i32
    %swap3A_10 = arith.index_cast %swap3A : i32 to index
    %swap3A_11 = arith.constant 16 : index
    %swap3A_12 = tpu.vector_load %arg8[%swap3A_10, %swap3A_11] {strides = array<i32>} : memref<80x128xi32, #tpu.memory_space<vmem>>, vector<1x16xi32>,
    %swap3A_13 = vector.shape_cast %swap3A_12 : vector<1x16xi32> to vector<16xi32>
    %swap3A_14 = vector.shape_cast %broadcast_in_dim3A_7 : vector<16xi32> to vector<1x16xi32>
    tpu.vector_store %arg8[%swap3A_10, %swap3A_11], %swap3A_14 {strides = array<i32>} : memref<80x128xi32, #tpu.memory_space<vmem>>, vector<1x16xi32>,
    %swap3A_15 = arith.constant 78 : i32
    %swap3A_16 = arith.index_cast %swap3A_15 : i32 to index
    %swap3A_17 = arith.constant 16 : index
    %swap3A_18 = tpu.vector_load %arg9[%swap3A_16, %swap3A_17] {strides = array<i32>} : memref<80x128xi32, #tpu.memory_space<vmem>>, vector<1x16xi32>,
    %swap3A_19 = vector.shape_cast %swap3A_18 : vector<1x16xi32> to vector<16xi32>
    %swap3A_20 = vector.shape_cast %broadcast_in_dim3A_9 : vector<16xi32> to vector<1x16xi32>
    tpu.vector_store %arg9[%swap3A_16, %swap3A_17], %swap3A_20 {strides = array<i32>} : memref<80x128xi32, #tpu.memory_space<vmem>>, vector<1x16xi32>,
    %swap3A_21 = arith.constant 78 : i32
    %swap3A_22 = arith.index_cast %swap3A_21 : i32 to index
    %swap3A_23 = arith.constant 32 : index
    %swap3A_24 = tpu.vector_load %arg8[%swap3A_22, %swap3A_23] {strides = array<i32>} : memref<80x128xi32, #tpu.memory_space<vmem>>, vector<1x16xi32>,
    %swap3A_25 = vector.shape_cast %swap3A_24 : vector<1x16xi32> to vector<16xi32>
    %swap3A_26 = vector.shape_cast %broadcast_in_dim3A_7 : vector<16xi32> to vector<1x16xi32>
    tpu.vector_store %arg8[%swap3A_22, %swap3A_23], %swap3A_26 {strides = array<i32>} : memref<80x128xi32, #tpu.memory_space<vmem>>, vector<1x16xi32>,
    %swap3A_27 = arith.constant 78 : i32
    %swap3A_28 = arith.index_cast %swap3A_27 : i32 to index
    %swap3A_29 = arith.constant 32 : index
    %swap3A_30 = tpu.vector_load %arg9[%swap3A_28, %swap3A_29] {strides = array<i32>} : memref<80x128xi32, #tpu.memory_space<vmem>>, vector<1x16xi32>,
    %swap3A_31 = vector.shape_cast %swap3A_30 : vector<1x16xi32> to vector<16xi32>
    %swap3A_32 = vector.shape_cast %broadcast_in_dim3A_9 : vector<16xi32> to vector<1x16xi32>
    tpu.vector_store %arg9[%swap3A_28, %swap3A_29], %swap3A_32 {strides = array<i32>} : memref<80x128xi32, #tpu.memory_space<vmem>>, vector<1x16xi32>,
    %swap3A_33 = arith.constant 78 : i32
    %swap3A_34 = arith.index_cast %swap3A_33 : i32 to index
    %swap3A_35 = arith.constant 48 : index
    %swap3A_36 = tpu.vector_load %arg8[%swap3A_34, %swap3A_35] {strides = array<i32>} : memref<80x128xi32, #tpu.memory_space<vmem>>, vector<1x16xi32>,
    %swap3A_37 = vector.shape_cast %swap3A_36 : vector<1x16xi32> to vector<16xi32>
    %swap3A_38 = vector.shape_cast %broadcast_in_dim3A_7 : vector<16xi32> to vector<1x16xi32>
    tpu.vector_store %arg8[%swap3A_34, %swap3A_35], %swap3A_38 {strides = array<i32>} : memref<80x128xi32, #tpu.memory_space<vmem>>, vector<1x16xi32>,
    %swap3A_39 = arith.constant 78 : i32
    %swap3A_40 = arith.index_cast %swap3A_39 : i32 to index
    %swap3A_41 = arith.constant 48 : index
    %swap3A_42 = tpu.vector_load %arg9[%swap3A_40, %swap3A_41] {strides = array<i32>} : memref<80x128xi32, #tpu.memory_space<vmem>>, vector<1x16xi32>,
    %swap3A_43 = vector.shape_cast %swap3A_42 : vector<1x16xi32> to vector<16xi32>
    %swap3A_44 = vector.shape_cast %broadcast_in_dim3A_9 : vector<16xi32> to vector<1x16xi32>
    tpu.vector_store %arg9[%swap3A_40, %swap3A_41], %swap3A_44 {strides = array<i32>} : memref<80x128xi32, #tpu.memory_space<vmem>>, vector<1x16xi32>,
    %swap3A_45 = arith.constant 78 : i32
    %swap3A_46 = arith.index_cast %swap3A_45 : i32 to index
    %swap3A_47 = arith.constant 64 : index
    %swap3A_48 = tpu.vector_load %arg8[%swap3A_46, %swap3A_47] {strides = array<i32>} : memref<80x128xi32, #tpu.memory_space<vmem>>, vector<1x16xi32>,
    %swap3A_49 = vector.shape_cast %swap3A_48 : vector<1x16xi32> to vector<16xi32>
    %swap3A_50 = vector.shape_cast %broadcast_in_dim3A_7 : vector<16xi32> to vector<1x16xi32>
    tpu.vector_store %arg8[%swap3A_46, %swap3A_47], %swap3A_50 {strides = array<i32>} : memref<80x128xi32, #tpu.memory_space<vmem>>, vector<1x16xi32>,
    %swap3A_51 = arith.constant 78 : i32
    %swap3A_52 = arith.index_cast %swap3A_51 : i32 to index
    %swap3A_53 = arith.constant 64 : index
    %swap3A_54 = tpu.vector_load %arg9[%swap3A_52, %swap3A_53] {strides = array<i32>} : memref<80x128xi32, #tpu.memory_space<vmem>>, vector<1x16xi32>,
    %swap3A_55 = vector.shape_cast %swap3A_54 : vector<1x16xi32> to vector<16xi32>
    %swap3A_56 = vector.shape_cast %broadcast_in_dim3A_9 : vector<16xi32> to vector<1x16xi32>
    tpu.vector_store %arg9[%swap3A_52, %swap3A_53], %swap3A_56 {strides = array<i32>} : memref<80x128xi32, #tpu.memory_space<vmem>>, vector<1x16xi32>,
    %swap3A_57 = arith.constant 78 : i32
    %swap3A_58 = arith.index_cast %swap3A_57 : i32 to index
    %swap3A_59 = arith.constant 80 : index
    %swap3A_60 = tpu.vector_load %arg8[%swap3A_58, %swap3A_59] {strides = array<i32>} : memref<80x128xi32, #tpu.memory_space<vmem>>, vector<1x16xi32>,
    %swap3A_61 = vector.shape_cast %swap3A_60 : vector<1x16xi32> to vector<16xi32>
    %swap3A_62 = vector.shape_cast %broadcast_in_dim3A_7 : vector<16xi32> to vector<1x16xi32>
    tpu.vector_store %arg8[%swap3A_58, %swap3A_59], %swap3A_62 {strides = array<i32>} : memref<80x128xi32, #tpu.memory_space<vmem>>, vector<1x16xi32>,
    %swap3A_63 = arith.constant 78 : i32
    %swap3A_64 = arith.index_cast %swap3A_63 : i32 to index
    %swap3A_65 = arith.constant 80 : index
    %swap3A_66 = tpu.vector_load %arg9[%swap3A_64, %swap3A_65] {strides = array<i32>} : memref<80x128xi32, #tpu.memory_space<vmem>>, vector<1x16xi32>,
    %swap3A_67 = vector.shape_cast %swap3A_66 : vector<1x16xi32> to vector<16xi32>
    %swap3A_68 = vector.shape_cast %broadcast_in_dim3A_9 : vector<16xi32> to vector<1x16xi32>
    tpu.vector_store %arg9[%swap3A_64, %swap3A_65], %swap3A_68 {strides = array<i32>} : memref<80x128xi32, #tpu.memory_space<vmem>>, vector<1x16xi32>,
    %swap3A_69 = arith.constant 78 : i32
    %swap3A_70 = arith.index_cast %swap3A_69 : i32 to index
    %swap3A_71 = arith.constant 96 : index
    %swap3A_72 = tpu.vector_load %arg8[%swap3A_70, %swap3A_71] {strides = array<i32>} : memref<80x128xi32, #tpu.memory_space<vmem>>, vector<1x16xi32>,
    %swap3A_73 = vector.shape_cast %swap3A_72 : vector<1x16xi32> to vector<16xi32>
    %swap3A_74 = vector.shape_cast %broadcast_in_dim3A_7 : vector<16xi32> to vector<1x16xi32>
    tpu.vector_store %arg8[%swap3A_70, %swap3A_71], %swap3A_74 {strides = array<i32>} : memref<80x128xi32, #tpu.memory_space<vmem>>, vector<1x16xi32>,
    %swap3A_75 = arith.constant 78 : i32
    %swap3A_76 = arith.index_cast %swap3A_75 : i32 to index
    %swap3A_77 = arith.constant 96 : index
    %swap3A_78 = tpu.vector_load %arg9[%swap3A_76, %swap3A_77] {strides = array<i32>} : memref<80x128xi32, #tpu.memory_space<vmem>>, vector<1x16xi32>,
    %swap3A_79 = vector.shape_cast %swap3A_78 : vector<1x16xi32> to vector<16xi32>
    %swap3A_80 = vector.shape_cast %broadcast_in_dim3A_9 : vector<16xi32> to vector<1x16xi32>
    tpu.vector_store %arg9[%swap3A_76, %swap3A_77], %swap3A_80 {strides = array<i32>} : memref<80x128xi32, #tpu.memory_space<vmem>>, vector<1x16xi32>,
    %swap3A_81 = arith.constant 78 : i32
    %swap3A_82 = arith.index_cast %swap3A_81 : i32 to index
    %swap3A_83 = arith.constant 112 : index
    %swap3A_84 = tpu.vector_load %arg8[%swap3A_82, %swap3A_83] {strides = array<i32>} : memref<80x128xi32, #tpu.memory_space<vmem>>, vector<1x16xi32>,
    %swap3A_85 = vector.shape_cast %swap3A_84 : vector<1x16xi32> to vector<16xi32>
    %swap3A_86 = vector.shape_cast %broadcast_in_dim3A_7 : vector<16xi32> to vector<1x16xi32>
    tpu.vector_store %arg8[%swap3A_82, %swap3A_83], %swap3A_86 {strides = array<i32>} : memref<80x128xi32, #tpu.memory_space<vmem>>, vector<1x16xi32>,
    %swap3A_87 = arith.constant 78 : i32
    %swap3A_88 = arith.index_cast %swap3A_87 : i32 to index
    %swap3A_89 = arith.constant 112 : index
    %swap3A_90 = tpu.vector_load %arg9[%swap3A_88, %swap3A_89] {strides = array<i32>} : memref<80x128xi32, #tpu.memory_space<vmem>>, vector<1x16xi32>,
    %swap3A_91 = vector.shape_cast %swap3A_90 : vector<1x16xi32> to vector<16xi32>
    %swap3A_92 = vector.shape_cast %broadcast_in_dim3A_9 : vector<16xi32> to vector<1x16xi32>
    tpu.vector_store %arg9[%swap3A_88, %swap3A_89], %swap3A_92 {strides = array<i32>} : memref<80x128xi32, #tpu.memory_space<vmem>>, vector<1x16xi32>,
    %swap3A_93 = arith.constant 79 : i32
    %swap3A_94 = arith.index_cast %swap3A_93 : i32 to index
    %swap3A_95 = arith.constant 0 : index
    %swap3A_96 = tpu.vector_load %arg8[%swap3A_94, %swap3A_95] {strides = array<i32>} : memref<80x128xi32, #tpu.memory_space<vmem>>, vector<1x16xi32>,
    %swap3A_97 = vector.shape_cast %swap3A_96 : vector<1x16xi32> to vector<16xi32>
    %swap3A_98 = vector.shape_cast %broadcast_in_dim3A_7 : vector<16xi32> to vector<1x16xi32>
    tpu.vector_store %arg8[%swap3A_94, %swap3A_95], %swap3A_98 {strides = array<i32>} : memref<80x128xi32, #tpu.memory_space<vmem>>, vector<1x16xi32>,
    %swap3A_99 = arith.constant 79 : i32
    %swap3A_100 = arith.index_cast %swap3A_99 : i32 to index
    %swap3A_101 = arith.constant 0 : index
    %swap3A_102 = tpu.vector_load %arg9[%swap3A_100, %swap3A_101] {strides = array<i32>} : memref<80x128xi32, #tpu.memory_space<vmem>>, vector<1x16xi32>,
    %swap3A_103 = vector.shape_cast %swap3A_102 : vector<1x16xi32> to vector<16xi32>
    %swap3A_104 = vector.shape_cast %broadcast_in_dim3A_9 : vector<16xi32> to vector<1x16xi32>
    tpu.vector_store %arg9[%swap3A_100, %swap3A_101], %swap3A_104 {strides = array<i32>} : memref<80x128xi32, #tpu.memory_space<vmem>>, vector<1x16xi32>,
    %swap3A_105 = arith.constant 79 : i32
    %swap3A_106 = arith.index_cast %swap3A_105 : i32 to index
    %swap3A_107 = arith.constant 16 : index
    %swap3A_108 = tpu.vector_load %arg8[%swap3A_106, %swap3A_107] {strides = array<i32>} : memref<80x128xi32, #tpu.memory_space<vmem>>, vector<1x16xi32>,
    %swap3A_109 = vector.shape_cast %swap3A_108 : vector<1x16xi32> to vector<16xi32>
    %swap3A_110 = vector.shape_cast %broadcast_in_dim3A_7 : vector<16xi32> to vector<1x16xi32>
    tpu.vector_store %arg8[%swap3A_106, %swap3A_107], %swap3A_110 {strides = array<i32>} : memref<80x128xi32, #tpu.memory_space<vmem>>, vector<1x16xi32>,
    %swap3A_111 = arith.constant 79 : i32
    %swap3A_112 = arith.index_cast %swap3A_111 : i32 to index
    %swap3A_113 = arith.constant 16 : index
    %swap3A_114 = tpu.vector_load %arg9[%swap3A_112, %swap3A_113] {strides = array<i32>} : memref<80x128xi32, #tpu.memory_space<vmem>>, vector<1x16xi32>,
    %swap3A_115 = vector.shape_cast %swap3A_114 : vector<1x16xi32> to vector<16xi32>
    %swap3A_116 = vector.shape_cast %broadcast_in_dim3A_9 : vector<16xi32> to vector<1x16xi32>
    tpu.vector_store %arg9[%swap3A_112, %swap3A_113], %swap3A_116 {strides = array<i32>} : memref<80x128xi32, #tpu.memory_space<vmem>>, vector<1x16xi32>,
    %swap3A_117 = arith.constant 79 : i32
    %swap3A_118 = arith.index_cast %swap3A_117 : i32 to index
    %swap3A_119 = arith.constant 32 : index
    %swap3A_120 = tpu.vector_load %arg8[%swap3A_118, %swap3A_119] {strides = array<i32>} : memref<80x128xi32, #tpu.memory_space<vmem>>, vector<1x16xi32>,
    %swap3A_121 = vector.shape_cast %swap3A_120 : vector<1x16xi32> to vector<16xi32>
    %swap3A_122 = vector.shape_cast %broadcast_in_dim3A_7 : vector<16xi32> to vector<1x16xi32>
    tpu.vector_store %arg8[%swap3A_118, %swap3A_119], %swap3A_122 {strides = array<i32>} : memref<80x128xi32, #tpu.memory_space<vmem>>, vector<1x16xi32>,
    %swap3A_123 = arith.constant 79 : i32
    %swap3A_124 = arith.index_cast %swap3A_123 : i32 to index
    %swap3A_125 = arith.constant 32 : index
    %swap3A_126 = tpu.vector_load %arg9[%swap3A_124, %swap3A_125] {strides = array<i32>} : memref<80x128xi32, #tpu.memory_space<vmem>>, vector<1x16xi32>,
    %swap3A_127 = vector.shape_cast %swap3A_126 : vector<1x16xi32> to vector<16xi32>
    %swap3A_128 = vector.shape_cast %broadcast_in_dim3A_9 : vector<16xi32> to vector<1x16xi32>
    tpu.vector_store %arg9[%swap3A_124, %swap3A_125], %swap3A_128 {strides = array<i32>} : memref<80x128xi32, #tpu.memory_space<vmem>>, vector<1x16xi32>,
    %swap3A_129 = arith.constant 79 : i32
    %swap3A_130 = arith.index_cast %swap3A_129 : i32 to index
    %swap3A_131 = arith.constant 48 : index
    %swap3A_132 = tpu.vector_load %arg8[%swap3A_130, %swap3A_131] {strides = array<i32>} : memref<80x128xi32, #tpu.memory_space<vmem>>, vector<1x16xi32>,
    %swap3A_133 = vector.shape_cast %swap3A_132 : vector<1x16xi32> to vector<16xi32>
    %swap3A_134 = vector.shape_cast %broadcast_in_dim3A_7 : vector<16xi32> to vector<1x16xi32>
    tpu.vector_store %arg8[%swap3A_130, %swap3A_131], %swap3A_134 {strides = array<i32>} : memref<80x128xi32, #tpu.memory_space<vmem>>, vector<1x16xi32>,
    %swap3A_135 = arith.constant 79 : i32
    %swap3A_136 = arith.index_cast %swap3A_135 : i32 to index
    %swap3A_137 = arith.constant 48 : index
    %swap3A_138 = tpu.vector_load %arg9[%swap3A_136, %swap3A_137] {strides = array<i32>} : memref<80x128xi32, #tpu.memory_space<vmem>>, vector<1x16xi32>,
    %swap3A_139 = vector.shape_cast %swap3A_138 : vector<1x16xi32> to vector<16xi32>
    %swap3A_140 = vector.shape_cast %broadcast_in_dim3A_9 : vector<16xi32> to vector<1x16xi32>
    tpu.vector_store %arg9[%swap3A_136, %swap3A_137], %swap3A_140 {strides = array<i32>} : memref<80x128xi32, #tpu.memory_space<vmem>>, vector<1x16xi32>,
    %swap3A_141 = arith.constant 79 : i32
    %swap3A_142 = arith.index_cast %swap3A_141 : i32 to index
    %swap3A_143 = arith.constant 64 : index
    %swap3A_144 = tpu.vector_load %arg8[%swap3A_142, %swap3A_143] {strides = array<i32>} : memref<80x128xi32, #tpu.memory_space<vmem>>, vector<1x16xi32>,
    %swap3A_145 = vector.shape_cast %swap3A_144 : vector<1x16xi32> to vector<16xi32>
    %swap3A_146 = vector.shape_cast %broadcast_in_dim3A_7 : vector<16xi32> to vector<1x16xi32>
    tpu.vector_store %arg8[%swap3A_142, %swap3A_143], %swap3A_146 {strides = array<i32>} : memref<80x128xi32, #tpu.memory_space<vmem>>, vector<1x16xi32>,
    %swap3A_147 = arith.constant 79 : i32
    %swap3A_148 = arith.index_cast %swap3A_147 : i32 to index
    %swap3A_149 = arith.constant 64 : index
    %swap3A_150 = tpu.vector_load %arg9[%swap3A_148, %swap3A_149] {strides = array<i32>} : memref<80x128xi32, #tpu.memory_space<vmem>>, vector<1x16xi32>,
    %swap3A_151 = vector.shape_cast %swap3A_150 : vector<1x16xi32> to vector<16xi32>
    %swap3A_152 = vector.shape_cast %broadcast_in_dim3A_9 : vector<16xi32> to vector<1x16xi32>
    tpu.vector_store %arg9[%swap3A_148, %swap3A_149], %swap3A_152 {strides = array<i32>} : memref<80x128xi32, #tpu.memory_space<vmem>>, vector<1x16xi32>,
    %swap3A_153 = arith.constant 79 : i32
    %swap3A_154 = arith.index_cast %swap3A_153 : i32 to index
    %swap3A_155 = arith.constant 80 : index
    %swap3A_156 = tpu.vector_load %arg8[%swap3A_154, %swap3A_155] {strides = array<i32>} : memref<80x128xi32, #tpu.memory_space<vmem>>, vector<1x16xi32>,
    %swap3A_157 = vector.shape_cast %swap3A_156 : vector<1x16xi32> to vector<16xi32>
    %swap3A_158 = vector.shape_cast %broadcast_in_dim3A_7 : vector<16xi32> to vector<1x16xi32>
    tpu.vector_store %arg8[%swap3A_154, %swap3A_155], %swap3A_158 {strides = array<i32>} : memref<80x128xi32, #tpu.memory_space<vmem>>, vector<1x16xi32>,
    %swap3A_159 = arith.constant 79 : i32
    %swap3A_160 = arith.index_cast %swap3A_159 : i32 to index
    %swap3A_161 = arith.constant 80 : index
    %swap3A_162 = tpu.vector_load %arg9[%swap3A_160, %swap3A_161] {strides = array<i32>} : memref<80x128xi32, #tpu.memory_space<vmem>>, vector<1x16xi32>,
    %swap3A_163 = vector.shape_cast %swap3A_162 : vector<1x16xi32> to vector<16xi32>
    %swap3A_164 = vector.shape_cast %broadcast_in_dim3A_9 : vector<16xi32> to vector<1x16xi32>
    tpu.vector_store %arg9[%swap3A_160, %swap3A_161], %swap3A_164 {strides = array<i32>} : memref<80x128xi32, #tpu.memory_space<vmem>>, vector<1x16xi32>,
    %swap3A_165 = arith.constant 79 : i32
    %swap3A_166 = arith.index_cast %swap3A_165 : i32 to index
    %swap3A_167 = arith.constant 96 : index
    %swap3A_168 = tpu.vector_load %arg8[%swap3A_166, %swap3A_167] {strides = array<i32>} : memref<80x128xi32, #tpu.memory_space<vmem>>, vector<1x16xi32>,
    %swap3A_169 = vector.shape_cast %swap3A_168 : vector<1x16xi32> to vector<16xi32>
    %swap3A_170 = vector.shape_cast %broadcast_in_dim3A_7 : vector<16xi32> to vector<1x16xi32>
    tpu.vector_store %arg8[%swap3A_166, %swap3A_167], %swap3A_170 {strides = array<i32>} : memref<80x128xi32, #tpu.memory_space<vmem>>, vector<1x16xi32>,
    %swap3A_171 = arith.constant 79 : i32
    %swap3A_172 = arith.index_cast %swap3A_171 : i32 to index
    %swap3A_173 = arith.constant 96 : index
    %swap3A_174 = tpu.vector_load %arg9[%swap3A_172, %swap3A_173] {strides = array<i32>} : memref<80x128xi32, #tpu.memory_space<vmem>>, vector<1x16xi32>,
    %swap3A_175 = vector.shape_cast %swap3A_174 : vector<1x16xi32> to vector<16xi32>
    %swap3A_176 = vector.shape_cast %broadcast_in_dim3A_9 : vector<16xi32> to vector<1x16xi32>
    tpu.vector_store %arg9[%swap3A_172, %swap3A_173], %swap3A_176 {strides = array<i32>} : memref<80x128xi32, #tpu.memory_space<vmem>>, vector<1x16xi32>,
    %swap3A_177 = arith.constant 79 : i32
    %swap3A_178 = arith.index_cast %swap3A_177 : i32 to index
    %swap3A_179 = arith.constant 112 : index
    %swap3A_180 = tpu.vector_load %arg8[%swap3A_178, %swap3A_179] {strides = array<i32>} : memref<80x128xi32, #tpu.memory_space<vmem>>, vector<1x16xi32>,
    %swap3A_181 = vector.shape_cast %swap3A_180 : vector<1x16xi32> to vector<16xi32>
    %swap3A_182 = vector.shape_cast %broadcast_in_dim3A_7 : vector<16xi32> to vector<1x16xi32>
    tpu.vector_store %arg8[%swap3A_178, %swap3A_179], %swap3A_182 {strides = array<i32>} : memref<80x128xi32, #tpu.memory_space<vmem>>, vector<1x16xi32>,
    %swap3A_183 = arith.constant 79 : i32
    %swap3A_184 = arith.index_cast %swap3A_183 : i32 to index
    %swap3A_185 = arith.constant 112 : index
    %swap3A_186 = tpu.vector_load %arg9[%swap3A_184, %swap3A_185] {strides = array<i32>} : memref<80x128xi32, #tpu.memory_space<vmem>>, vector<1x16xi32>,
    %swap3A_187 = vector.shape_cast %swap3A_186 : vector<1x16xi32> to vector<16xi32>
    %swap3A_188 = vector.shape_cast %broadcast_in_dim3A_9 : vector<16xi32> to vector<1x16xi32>
    tpu.vector_store %arg9[%swap3A_184, %swap3A_185], %swap3A_188 {strides = array<i32>} : memref<80x128xi32, #tpu.memory_space<vmem>>, vector<1x16xi32>,
    %add3A_189 = arith.constant 0 : i32
    %add3A_190 = arith.addi %mul3A_2, %add3A_189 : i32
    %dma_start3A = arith.constant 1 : i32
    %dma_start3A_191 = arith.constant 0 : i32
    %dma_start3A_192 = arith.constant 0 : i32
    %dma_start3A_193 = tpu.memref_slice %arg9[%dma_start3A_191, %dma_start3A_192] : memref<80x128xi32, #tpu.memory_space<vmem>> -> memref<1x128xi32, #tpu.memory_space<vmem>>
    %dma_start3A_194 = tpu.memref_squeeze %dma_start3A_193 : memref<1x128xi32, #tpu.memory_space<vmem>> -> memref<128xi32, #tpu.memory_space<vmem>>
    %dma_start3A_195 = tpu.memref_slice %arg2[%dma_start3A, %add3A_190] : memref<2x320000xi32, #tpu.memory_space<hbm>> -> memref<1x128xi32, #tpu.memory_space<hbm>>
    %dma_start3A_196 = tpu.memref_squeeze %dma_start3A_195 : memref<1x128xi32, #tpu.memory_space<hbm>> -> memref<128xi32, #tpu.memory_space<hbm>>
    %dma_start3A_197 = arith.constant 0 : i32
    %dma_start3A_198 = tpu.memref_slice %arg9[%dma_start3A_191, %dma_start3A_197] : memref<80x128xi32, #tpu.memory_space<vmem>> -> memref<1x128xi32, #tpu.memory_space<vmem>>
    %dma_start3A_199 = tpu.memref_squeeze %dma_start3A_198 : memref<1x128xi32, #tpu.memory_space<vmem>> -> memref<128xi32, #tpu.memory_space<vmem>>
    %dma_start3A_200 = tpu.memref_slice %arg2[%dma_start3A, %add3A_190] : memref<2x320000xi32, #tpu.memory_space<hbm>> -> memref<1x128xi32, #tpu.memory_space<hbm>>
    %dma_start3A_201 = tpu.memref_squeeze %dma_start3A_200 : memref<1x128xi32, #tpu.memory_space<hbm>> -> memref<128xi32, #tpu.memory_space<hbm>>
    tpu.enqueue_dma source(%dma_start3A_201 : memref<128xi32, #tpu.memory_space<hbm>>) target(%dma_start3A_199 : memref<128xi32, #tpu.memory_space<vmem>>) target_semaphore(%arg15 : memref<!tpu.dma_semaphore, #tpu.memory_space<semaphore_mem>>)
    %add3A_202 = arith.constant 128 : i32
    %add3A_203 = arith.addi %mul3A_2, %add3A_202 : i32
    %dma_start3A_204 = arith.constant 1 : i32
    %dma_start3A_205 = arith.constant 1 : i32
    %dma_start3A_206 = arith.constant 0 : i32
    %dma_start3A_207 = tpu.memref_slice %arg9[%dma_start3A_205, %dma_start3A_206] : memref<80x128xi32, #tpu.memory_space<vmem>> -> memref<1x128xi32, #tpu.memory_space<vmem>>
    %dma_start3A_208 = tpu.memref_squeeze %dma_start3A_207 : memref<1x128xi32, #tpu.memory_space<vmem>> -> memref<128xi32, #tpu.memory_space<vmem>>
    %dma_start3A_209 = tpu.memref_slice %arg2[%dma_start3A_204, %add3A_203] : memref<2x320000xi32, #tpu.memory_space<hbm>> -> memref<1x128xi32, #tpu.memory_space<hbm>>
    %dma_start3A_210 = tpu.memref_squeeze %dma_start3A_209 : memref<1x128xi32, #tpu.memory_space<hbm>> -> memref<128xi32, #tpu.memory_space<hbm>>
    %dma_start3A_211 = arith.constant 0 : i32
    %dma_start3A_212 = tpu.memref_slice %arg9[%dma_start3A_205, %dma_start3A_211] : memref<80x128xi32, #tpu.memory_space<vmem>> -> memref<1x128xi32, #tpu.memory_space<vmem>>
    %dma_start3A_213 = tpu.memref_squeeze %dma_start3A_212 : memref<1x128xi32, #tpu.memory_space<vmem>> -> memref<128xi32, #tpu.memory_space<vmem>>
    %dma_start3A_214 = tpu.memref_slice %arg2[%dma_start3A_204, %add3A_203] : memref<2x320000xi32, #tpu.memory_space<hbm>> -> memref<1x128xi32, #tpu.memory_space<hbm>>
    %dma_start3A_215 = tpu.memref_squeeze %dma_start3A_214 : memref<1x128xi32, #tpu.memory_space<hbm>> -> memref<128xi32, #tpu.memory_space<hbm>>
    tpu.enqueue_dma source(%dma_start3A_215 : memref<128xi32, #tpu.memory_space<hbm>>) target(%dma_start3A_213 : memref<128xi32, #tpu.memory_space<vmem>>) target_semaphore(%arg16 : memref<!tpu.dma_semaphore, #tpu.memory_space<semaphore_mem>>)
    %add3A_216 = arith.constant 256 : i32
    %add3A_217 = arith.addi %mul3A_2, %add3A_216 : i32
    %dma_start3A_218 = arith.constant 1 : i32
    %dma_start3A_219 = arith.constant 2 : i32
    %dma_start3A_220 = arith.constant 0 : i32
    %dma_start3A_221 = tpu.memref_slice %arg9[%dma_start3A_219, %dma_start3A_220] : memref<80x128xi32, #tpu.memory_space<vmem>> -> memref<1x128xi32, #tpu.memory_space<vmem>>
    %dma_start3A_222 = tpu.memref_squeeze %dma_start3A_221 : memref<1x128xi32, #tpu.memory_space<vmem>> -> memref<128xi32, #tpu.memory_space<vmem>>
    %dma_start3A_223 = tpu.memref_slice %arg2[%dma_start3A_218, %add3A_217] : memref<2x320000xi32, #tpu.memory_space<hbm>> -> memref<1x128xi32, #tpu.memory_space<hbm>>
    %dma_start3A_224 = tpu.memref_squeeze %dma_start3A_223 : memref<1x128xi32, #tpu.memory_space<hbm>> -> memref<128xi32, #tpu.memory_space<hbm>>
    %dma_start3A_225 = arith.constant 0 : i32
    %dma_start3A_226 = tpu.memref_slice %arg9[%dma_start3A_219, %dma_start3A_225] : memref<80x128xi32, #tpu.memory_space<vmem>> -> memref<1x128xi32, #tpu.memory_space<vmem>>
    %dma_start3A_227 = tpu.memref_squeeze %dma_start3A_226 : memref<1x128xi32, #tpu.memory_space<vmem>> -> memref<128xi32, #tpu.memory_space<vmem>>
    %dma_start3A_228 = tpu.memref_slice %arg2[%dma_start3A_218, %add3A_217] : memref<2x320000xi32, #tpu.memory_space<hbm>> -> memref<1x128xi32, #tpu.memory_space<hbm>>
    %dma_start3A_229 = tpu.memref_squeeze %dma_start3A_228 : memref<1x128xi32, #tpu.memory_space<hbm>> -> memref<128xi32, #tpu.memory_space<hbm>>
    tpu.enqueue_dma source(%dma_start3A_229 : memref<128xi32, #tpu.memory_space<hbm>>) target(%dma_start3A_227 : memref<128xi32, #tpu.memory_space<vmem>>) target_semaphore(%arg17 : memref<!tpu.dma_semaphore, #tpu.memory_space<semaphore_mem>>)
    %add3A_230 = arith.constant 384 : i32
    %add3A_231 = arith.addi %mul3A_2, %add3A_230 : i32
    %dma_start3A_232 = arith.constant 1 : i32
    %dma_start3A_233 = arith.constant 3 : i32
    %dma_start3A_234 = arith.constant 0 : i32
    %dma_start3A_235 = tpu.memref_slice %arg9[%dma_start3A_233, %dma_start3A_234] : memref<80x128xi32, #tpu.memory_space<vmem>> -> memref<1x128xi32, #tpu.memory_space<vmem>>
    %dma_start3A_236 = tpu.memref_squeeze %dma_start3A_235 : memref<1x128xi32, #tpu.memory_space<vmem>> -> memref<128xi32, #tpu.memory_space<vmem>>
    %dma_start3A_237 = tpu.memref_slice %arg2[%dma_start3A_232, %add3A_231] : memref<2x320000xi32, #tpu.memory_space<hbm>> -> memref<1x128xi32, #tpu.memory_space<hbm>>
    %dma_start3A_238 = tpu.memref_squeeze %dma_start3A_237 : memref<1x128xi32, #tpu.memory_space<hbm>> -> memref<128xi32, #tpu.memory_space<hbm>>
    %dma_start3A_239 = arith.constant 0 : i32
    %dma_start3A_240 = tpu.memref_slice %arg9[%dma_start3A_233, %dma_start3A_239] : memref<80x128xi32, #tpu.memory_space<vmem>> -> memref<1x128xi32, #tpu.memory_space<vmem>>
    %dma_start3A_241 = tpu.memref_squeeze %dma_start3A_240 : memref<1x128xi32, #tpu.memory_space<vmem>> -> memref<128xi32, #tpu.memory_space<vmem>>
    %dma_start3A_242 = tpu.memref_slice %arg2[%dma_start3A_232, %add3A_231] : memref<2x320000xi32, #tpu.memory_space<hbm>> -> memref<1x128xi32, #tpu.memory_space<hbm>>
    %dma_start3A_243 = tpu.memref_squeeze %dma_start3A_242 : memref<1x128xi32, #tpu.memory_space<hbm>> -> memref<128xi32, #tpu.memory_space<hbm>>
    tpu.enqueue_dma source(%dma_start3A_243 : memref<128xi32, #tpu.memory_space<hbm>>) target(%dma_start3A_241 : memref<128xi32, #tpu.memory_space<vmem>>) target_semaphore(%arg18 : memref<!tpu.dma_semaphore, #tpu.memory_space<semaphore_mem>>)
    %add3A_244 = arith.constant 512 : i32
    %add3A_245 = arith.addi %mul3A_2, %add3A_244 : i32
    %dma_start3A_246 = arith.constant 1 : i32
    %dma_start3A_247 = arith.constant 4 : i32
    %dma_start3A_248 = arith.constant 0 : i32
    %dma_start3A_249 = tpu.memref_slice %arg9[%dma_start3A_247, %dma_start3A_248] : memref<80x128xi32, #tpu.memory_space<vmem>> -> memref<1x128xi32, #tpu.memory_space<vmem>>
    %dma_start3A_250 = tpu.memref_squeeze %dma_start3A_249 : memref<1x128xi32, #tpu.memory_space<vmem>> -> memref<128xi32, #tpu.memory_space<vmem>>
    %dma_start3A_251 = tpu.memref_slice %arg2[%dma_start3A_246, %add3A_245] : memref<2x320000xi32, #tpu.memory_space<hbm>> -> memref<1x128xi32, #tpu.memory_space<hbm>>
    %dma_start3A_252 = tpu.memref_squeeze %dma_start3A_251 : memref<1x128xi32, #tpu.memory_space<hbm>> -> memref<128xi32, #tpu.memory_space<hbm>>
    %dma_start3A_253 = arith.constant 0 : i32
    %dma_start3A_254 = tpu.memref_slice %arg9[%dma_start3A_247, %dma_start3A_253] : memref<80x128xi32, #tpu.memory_space<vmem>> -> memref<1x128xi32, #tpu.memory_space<vmem>>
    %dma_start3A_255 = tpu.memref_squeeze %dma_start3A_254 : memref<1x128xi32, #tpu.memory_space<vmem>> -> memref<128xi32, #tpu.memory_space<vmem>>
    %dma_start3A_256 = tpu.memref_slice %arg2[%dma_start3A_246, %add3A_245] : memref<2x320000xi32, #tpu.memory_space<hbm>> -> memref<1x128xi32, #tpu.memory_space<hbm>>
    %dma_start3A_257 = tpu.memref_squeeze %dma_start3A_256 : memref<1x128xi32, #tpu.memory_space<hbm>> -> memref<128xi32, #tpu.memory_space<hbm>>
    tpu.enqueue_dma source(%dma_start3A_257 : memref<128xi32, #tpu.memory_space<hbm>>) target(%dma_start3A_255 : memref<128xi32, #tpu.memory_space<vmem>>) target_semaphore(%arg19 : memref<!tpu.dma_semaphore, #tpu.memory_space<semaphore_mem>>)
    %add3A_258 = arith.constant 640 : i32
    %add3A_259 = arith.addi %mul3A_2, %add3A_258 : i32
    %dma_start3A_260 = arith.constant 1 : i32
    %dma_start3A_261 = arith.constant 5 : i32
    %dma_start3A_262 = arith.constant 0 : i32
    %dma_start3A_263 = tpu.memref_slice %arg9[%dma_start3A_261, %dma_start3A_262] : memref<80x128xi32, #tpu.memory_space<vmem>> -> memref<1x128xi32, #tpu.memory_space<vmem>>
    %dma_start3A_264 = tpu.memref_squeeze %dma_start3A_263 : memref<1x128xi32, #tpu.memory_space<vmem>> -> memref<128xi32, #tpu.memory_space<vmem>>
    %dma_start3A_265 = tpu.memref_slice %arg2[%dma_start3A_260, %add3A_259] : memref<2x320000xi32, #tpu.memory_space<hbm>> -> memref<1x128xi32, #tpu.memory_space<hbm>>
    %dma_start3A_266 = tpu.memref_squeeze %dma_start3A_265 : memref<1x128xi32, #tpu.memory_space<hbm>> -> memref<128xi32, #tpu.memory_space<hbm>>
    %dma_start3A_267 = arith.constant 0 : i32
    %dma_start3A_268 = tpu.memref_slice %arg9[%dma_start3A_261, %dma_start3A_267] : memref<80x128xi32, #tpu.memory_space<vmem>> -> memref<1x128xi32, #tpu.memory_space<vmem>>
    %dma_start3A_269 = tpu.memref_squeeze %dma_start3A_268 : memref<1x128xi32, #tpu.memory_space<vmem>> -> memref<128xi32, #tpu.memory_space<vmem>>
    %dma_start3A_270 = tpu.memref_slice %arg2[%dma_start3A_260, %add3A_259] : memref<2x320000xi32, #tpu.memory_space<hbm>> -> memref<1x128xi32, #tpu.memory_space<hbm>>
    %dma_start3A_271 = tpu.memref_squeeze %dma_start3A_270 : memref<1x128xi32, #tpu.memory_space<hbm>> -> memref<128xi32, #tpu.memory_space<hbm>>
    tpu.enqueue_dma source(%dma_start3A_271 : memref<128xi32, #tpu.memory_space<hbm>>) target(%dma_start3A_269 : memref<128xi32, #tpu.memory_space<vmem>>) target_semaphore(%arg20 : memref<!tpu.dma_semaphore, #tpu.memory_space<semaphore_mem>>)
    %add3A_272 = arith.constant 768 : i32
    %add3A_273 = arith.addi %mul3A_2, %add3A_272 : i32
    %dma_start3A_274 = arith.constant 1 : i32
    %dma_start3A_275 = arith.constant 6 : i32
    %dma_start3A_276 = arith.constant 0 : i32
    %dma_start3A_277 = tpu.memref_slice %arg9[%dma_start3A_275, %dma_start3A_276] : memref<80x128xi32, #tpu.memory_space<vmem>> -> memref<1x128xi32, #tpu.memory_space<vmem>>
    %dma_start3A_278 = tpu.memref_squeeze %dma_start3A_277 : memref<1x128xi32, #tpu.memory_space<vmem>> -> memref<128xi32, #tpu.memory_space<vmem>>
    %dma_start3A_279 = tpu.memref_slice %arg2[%dma_start3A_274, %add3A_273] : memref<2x320000xi32, #tpu.memory_space<hbm>> -> memref<1x128xi32, #tpu.memory_space<hbm>>
    %dma_start3A_280 = tpu.memref_squeeze %dma_start3A_279 : memref<1x128xi32, #tpu.memory_space<hbm>> -> memref<128xi32, #tpu.memory_space<hbm>>
    %dma_start3A_281 = arith.constant 0 : i32
    %dma_start3A_282 = tpu.memref_slice %arg9[%dma_start3A_275, %dma_start3A_281] : memref<80x128xi32, #tpu.memory_space<vmem>> -> memref<1x128xi32, #tpu.memory_space<vmem>>
    %dma_start3A_283 = tpu.memref_squeeze %dma_start3A_282 : memref<1x128xi32, #tpu.memory_space<vmem>> -> memref<128xi32, #tpu.memory_space<vmem>>
    %dma_start3A_284 = tpu.memref_slice %arg2[%dma_start3A_274, %add3A_273] : memref<2x320000xi32, #tpu.memory_space<hbm>> -> memref<1x128xi32, #tpu.memory_space<hbm>>
    %dma_start3A_285 = tpu.memref_squeeze %dma_start3A_284 : memref<1x128xi32, #tpu.memory_space<hbm>> -> memref<128xi32, #tpu.memory_space<hbm>>
    tpu.enqueue_dma source(%dma_start3A_285 : memref<128xi32, #tpu.memory_space<hbm>>) target(%dma_start3A_283 : memref<128xi32, #tpu.memory_space<vmem>>) target_semaphore(%arg21 : memref<!tpu.dma_semaphore, #tpu.memory_space<semaphore_mem>>)
    %add3A_286 = arith.constant 896 : i32
    %add3A_287 = arith.addi %mul3A_2, %add3A_286 : i32
    %dma_start3A_288 = arith.constant 1 : i32
    %dma_start3A_289 = arith.constant 7 : i32
    %dma_start3A_290 = arith.constant 0 : i32
    %dma_start3A_291 = tpu.memref_slice %arg9[%dma_start3A_289, %dma_start3A_290] : memref<80x128xi32, #tpu.memory_space<vmem>> -> memref<1x128xi32, #tpu.memory_space<vmem>>
    %dma_start3A_292 = tpu.memref_squeeze %dma_start3A_291 : memref<1x128xi32, #tpu.memory_space<vmem>> -> memref<128xi32, #tpu.memory_space<vmem>>
    %dma_start3A_293 = tpu.memref_slice %arg2[%dma_start3A_288, %add3A_287] : memref<2x320000xi32, #tpu.memory_space<hbm>> -> memref<1x128xi32, #tpu.memory_space<hbm>>
    %dma_start3A_294 = tpu.memref_squeeze %dma_start3A_293 : memref<1x128xi32, #tpu.memory_space<hbm>> -> memref<128xi32, #tpu.memory_space<hbm>>
    %dma_start3A_295 = arith.constant 0 : i32
    %dma_start3A_296 = tpu.memref_slice %arg9[%dma_start3A_289, %dma_start3A_295] : memref<80x128xi32, #tpu.memory_space<vmem>> -> memref<1x128xi32, #tpu.memory_space<vmem>>
    %dma_start3A_297 = tpu.memref_squeeze %dma_start3A_296 : memref<1x128xi32, #tpu.memory_space<vmem>> -> memref<128xi32, #tpu.memory_space<vmem>>
    %dma_start3A_298 = tpu.memref_slice %arg2[%dma_start3A_288, %add3A_287] : memref<2x320000xi32, #tpu.memory_space<hbm>> -> memref<1x128xi32, #tpu.memory_space<hbm>>
    %dma_start3A_299 = tpu.memref_squeeze %dma_start3A_298 : memref<1x128xi32, #tpu.memory_space<hbm>> -> memref<128xi32, #tpu.memory_space<hbm>>
    tpu.enqueue_dma source(%dma_start3A_299 : memref<128xi32, #tpu.memory_space<hbm>>) target(%dma_start3A_297 : memref<128xi32, #tpu.memory_space<vmem>>) target_semaphore(%arg22 : memref<!tpu.dma_semaphore, #tpu.memory_space<semaphore_mem>>)
    %add3A_300 = arith.constant 9984 : i32
    %add3A_301 = arith.addi %mul3A_2, %add3A_300 : i32
    %dma_start3A_302 = arith.constant 1 : i32
    %dma_start3A_303 = arith.constant 78 : i32
    %dma_start3A_304 = arith.constant 0 : i32
    %dma_start3A_305 = tpu.memref_slice %arg9[%dma_start3A_303, %dma_start3A_304] : memref<80x128xi32, #tpu.memory_space<vmem>> -> memref<1x16xi32, #tpu.memory_space<vmem>>
    %dma_start3A_306 = tpu.memref_squeeze %dma_start3A_305 : memref<1x16xi32, #tpu.memory_space<vmem>> -> memref<16xi32, #tpu.memory_space<vmem>>
    %dma_start3A_307 = tpu.memref_slice %arg2[%dma_start3A_302, %add3A_301] : memref<2x320000xi32, #tpu.memory_space<hbm>> -> memref<1x16xi32, #tpu.memory_space<hbm>>
    %dma_start3A_308 = tpu.memref_squeeze %dma_start3A_307 : memref<1x16xi32, #tpu.memory_space<hbm>> -> memref<16xi32, #tpu.memory_space<hbm>>
    %dma_start3A_309 = arith.constant 0 : i32
    %dma_start3A_310 = tpu.memref_slice %arg9[%dma_start3A_303, %dma_start3A_309] : memref<80x128xi32, #tpu.memory_space<vmem>> -> memref<1x16xi32, #tpu.memory_space<vmem>>
    %dma_start3A_311 = tpu.memref_squeeze %dma_start3A_310 : memref<1x16xi32, #tpu.memory_space<vmem>> -> memref<16xi32, #tpu.memory_space<vmem>>
    %dma_start3A_312 = tpu.memref_slice %arg2[%dma_start3A_302, %add3A_301] : memref<2x320000xi32, #tpu.memory_space<hbm>> -> memref<1x16xi32, #tpu.memory_space<hbm>>
    %dma_start3A_313 = tpu.memref_squeeze %dma_start3A_312 : memref<1x16xi32, #tpu.memory_space<hbm>> -> memref<16xi32, #tpu.memory_space<hbm>>
    tpu.enqueue_dma source(%dma_start3A_313 : memref<16xi32, #tpu.memory_space<hbm>>) target(%dma_start3A_311 : memref<16xi32, #tpu.memory_space<vmem>>) target_semaphore(%arg13 : memref<!tpu.dma_semaphore, #tpu.memory_space<semaphore_mem>>)
    %barrier3A = arith.constant 0 : index
    tpu.barrier barrier_id(%barrier3A)
    %scan3A = arith.constant 0 : i32
    %scan3A_314 = arith.constant 0 : i32
    %scan3A_315 = arith.constant 9 : i32
    %scan3A_316 = arith.addi %scan3A_314, %scan3A_315 : i32
    %scan3A_317 = arith.constant 1 : i32
    %scan3A_318 = scf.for %scan3A_696 = %scan3A_314 to %scan3A_316 step %scan3A_317 iter_args(%scan3A_697 = %scan3A) -> (i32)  : i32 {
      %mul3A_698 = arith.constant 8 : i32
      %mul3A_699 = arith.muli %scan3A_696, %mul3A_698 : i32
      %add3A_700 = arith.constant 0 : i32
      %add3A_701 = arith.addi %mul3A_699, %add3A_700 : i32
      %dma_wait3A_702 = arith.constant 1 : i32
      %dma_wait3A_703 = arith.constant 0 : i32
      %dma_wait3A_704 = arith.constant 0 : i32
      %dma_wait3A_705 = tpu.memref_slice %arg9[%dma_wait3A_703, %dma_wait3A_704] : memref<80x128xi32, #tpu.memory_space<vmem>> -> memref<1x128xi32, #tpu.memory_space<vmem>>
      %dma_wait3A_706 = tpu.memref_squeeze %dma_wait3A_705 : memref<1x128xi32, #tpu.memory_space<vmem>> -> memref<128xi32, #tpu.memory_space<vmem>>
      %dma_wait3A_707 = tpu.memref_slice %arg2[%dma_wait3A_702, %mul3A_2] : memref<2x320000xi32, #tpu.memory_space<hbm>> -> memref<1x128xi32, #tpu.memory_space<hbm>>
      %dma_wait3A_708 = tpu.memref_squeeze %dma_wait3A_707 : memref<1x128xi32, #tpu.memory_space<hbm>> -> memref<128xi32, #tpu.memory_space<hbm>>
      %dma_wait3A_709 = arith.constant 0 : i32
      %dma_wait3A_710 = tpu.memref_slice %arg9[%dma_wait3A_703, %dma_wait3A_709] : memref<80x128xi32, #tpu.memory_space<vmem>> -> memref<1x128xi32, #tpu.memory_space<vmem>>
      %dma_wait3A_711 = tpu.memref_squeeze %dma_wait3A_710 : memref<1x128xi32, #tpu.memory_space<vmem>> -> memref<128xi32, #tpu.memory_space<vmem>>
      %dma_wait3A_712 = tpu.memref_slice %arg2[%dma_wait3A_702, %mul3A_2] : memref<2x320000xi32, #tpu.memory_space<hbm>> -> memref<1x128xi32, #tpu.memory_space<hbm>>
      %dma_wait3A_713 = tpu.memref_squeeze %dma_wait3A_712 : memref<1x128xi32, #tpu.memory_space<hbm>> -> memref<128xi32, #tpu.memory_space<hbm>>
      tpu.wait_dma2 semaphore(%arg15 : memref<!tpu.dma_semaphore, #tpu.memory_space<semaphore_mem>>) src(%dma_wait3A_713 : memref<128xi32, #tpu.memory_space<hbm>>) dst(%dma_wait3A_711 : memref<128xi32, #tpu.memory_space<vmem>>)
      %dma_start3A_714 = arith.constant 0 : i32
      %dma_start3A_715 = tpu.memref_slice %arg9[%add3A_701, %dma_start3A_714] : memref<80x128xi32, #tpu.memory_space<vmem>> -> memref<1x128xi32, #tpu.memory_space<vmem>>
      %dma_start3A_716 = tpu.memref_squeeze %dma_start3A_715 : memref<1x128xi32, #tpu.memory_space<vmem>> -> memref<128xi32, #tpu.memory_space<vmem>>
      %dma_start3A_717 = arith.constant 0 : i32
      %dma_start3A_718 = arith.constant 0 : i32
      %dma_start3A_719 = tpu.memref_slice %arg11[%dma_start3A_717, %dma_start3A_718] : memref<10112x16xf32, #tpu.memory_space<vmem_shared>> -> memref<10112x16xf32, #tpu.memory_space<vmem_shared>>
      tpu.enqueue_indirect_dma source(%arg10 : memref<128x16xf32, #tpu.memory_space<vmem>>) target(%dma_start3A_719 : memref<10112x16xf32, #tpu.memory_space<vmem_shared>>) offsets(%dma_start3A_716 : memref<128xi32, #tpu.memory_space<vmem>>) semaphore(%arg14 : memref<!tpu.dma_semaphore, #tpu.memory_space<semaphore_mem>>) {add = true}
      %ge3A = arith.constant 8 : i32
      %ge3A_720 = arith.cmpi sge, %add3A_701, %ge3A : i32
      %convert_element_type3A = arith.extui %ge3A_720 : i1 to i32
      %cond3A = arith.constant 0 : i32
      %cond3A_721 = arith.cmpi ne, %convert_element_type3A, %cond3A : i32
      scf.if %cond3A_721 {
        %dma_wait3A_1105 = arith.constant 0 : i32
        %dma_wait3A_1106 = tpu.memref_slice %arg9[%add3A_701, %dma_wait3A_1105] : memref<80x128xi32, #tpu.memory_space<vmem>> -> memref<1x128xi32, #tpu.memory_space<vmem>>
        %dma_wait3A_1107 = tpu.memref_squeeze %dma_wait3A_1106 : memref<1x128xi32, #tpu.memory_space<vmem>> -> memref<128xi32, #tpu.memory_space<vmem>>
        %dma_wait3A_1108 = arith.constant 0 : i32
        %dma_wait3A_1109 = arith.constant 0 : i32
        %dma_wait3A_1110 = tpu.memref_slice %arg11[%dma_wait3A_1108, %dma_wait3A_1109] : memref<10112x16xf32, #tpu.memory_space<vmem_shared>> -> memref<10112x16xf32, #tpu.memory_space<vmem_shared>>
        tpu.wait_indirect_dma semaphore(%arg14 : memref<!tpu.dma_semaphore, #tpu.memory_space<semaphore_mem>>) src(%arg10 : memref<128x16xf32, #tpu.memory_space<vmem>>) dst(%dma_wait3A_1110 : memref<10112x16xf32, #tpu.memory_space<vmem_shared>>)
      } else {
      }
      %add3A_722 = arith.constant 8 : i32
      %add3A_723 = arith.addi %add3A_701, %add3A_722 : i32
      %lt3A = arith.constant 78 : i32
      %lt3A_724 = arith.cmpi slt, %add3A_723, %lt3A : i32
      %convert_element_type3A_725 = arith.extui %lt3A_724 : i1 to i32
      %cond3A_726 = arith.constant 0 : i32
      %cond3A_727 = arith.cmpi ne, %convert_element_type3A_725, %cond3A_726 : i32
      scf.if %cond3A_727 {
        %add3A_1105 = arith.constant 8 : i32
        %add3A_1106 = arith.addi %add3A_701, %add3A_1105 : i32
        %mul3A_1107 = arith.constant 128 : i32
        %mul3A_1108 = arith.muli %add3A_1106, %mul3A_1107 : i32
        %add3A_1109 = arith.addi %mul3A_2, %mul3A_1108 : i32
        %add3A_1110 = arith.constant 8 : i32
        %add3A_1111 = arith.addi %add3A_701, %add3A_1110 : i32
        %dma_start3A_1112 = arith.constant 1 : i32
        %dma_start3A_1113 = arith.constant 0 : i32
        %dma_start3A_1114 = tpu.memref_slice %arg9[%add3A_1111, %dma_start3A_1113] : memref<80x128xi32, #tpu.memory_space<vmem>> -> memref<1x128xi32, #tpu.memory_space<vmem>>
        %dma_start3A_1115 = tpu.memref_squeeze %dma_start3A_1114 : memref<1x128xi32, #tpu.memory_space<vmem>> -> memref<128xi32, #tpu.memory_space<vmem>>
        %dma_start3A_1116 = tpu.memref_slice %arg2[%dma_start3A_1112, %add3A_1109] : memref<2x320000xi32, #tpu.memory_space<hbm>> -> memref<1x128xi32, #tpu.memory_space<hbm>>
        %dma_start3A_1117 = tpu.memref_squeeze %dma_start3A_1116 : memref<1x128xi32, #tpu.memory_space<hbm>> -> memref<128xi32, #tpu.memory_space<hbm>>
        %dma_start3A_1118 = arith.constant 0 : i32
        %dma_start3A_1119 = tpu.memref_slice %arg9[%add3A_1111, %dma_start3A_1118] : memref<80x128xi32, #tpu.memory_space<vmem>> -> memref<1x128xi32, #tpu.memory_space<vmem>>
        %dma_start3A_1120 = tpu.memref_squeeze %dma_start3A_1119 : memref<1x128xi32, #tpu.memory_space<vmem>> -> memref<128xi32, #tpu.memory_space<vmem>>
        %dma_start3A_1121 = tpu.memref_slice %arg2[%dma_start3A_1112, %add3A_1109] : memref<2x320000xi32, #tpu.memory_space<hbm>> -> memref<1x128xi32, #tpu.memory_space<hbm>>
        %dma_start3A_1122 = tpu.memref_squeeze %dma_start3A_1121 : memref<1x128xi32, #tpu.memory_space<hbm>> -> memref<128xi32, #tpu.memory_space<hbm>>
        tpu.enqueue_dma source(%dma_start3A_1122 : memref<128xi32, #tpu.memory_space<hbm>>) target(%dma_start3A_1120 : memref<128xi32, #tpu.memory_space<vmem>>) target_semaphore(%arg15 : memref<!tpu.dma_semaphore, #tpu.memory_space<semaphore_mem>>)
      } else {
      }
      %mul3A_728 = arith.constant 128 : i32
      %mul3A_729 = arith.muli %add3A_701, %mul3A_728 : i32
      %add3A_730 = arith.addi %mul3A_2, %mul3A_729 : i32
      %dma_start3A_731 = arith.constant 0 : i32
      %dma_start3A_732 = arith.constant 0 : i32
      %dma_start3A_733 = tpu.memref_slice %arg8[%add3A_701, %dma_start3A_732] : memref<80x128xi32, #tpu.memory_space<vmem>> -> memref<1x128xi32, #tpu.memory_space<vmem>>
      %dma_start3A_734 = tpu.memref_squeeze %dma_start3A_733 : memref<1x128xi32, #tpu.memory_space<vmem>> -> memref<128xi32, #tpu.memory_space<vmem>>
      %dma_start3A_735 = tpu.memref_slice %arg2[%dma_start3A_731, %add3A_730] : memref<2x320000xi32, #tpu.memory_space<hbm>> -> memref<1x128xi32, #tpu.memory_space<hbm>>
      %dma_start3A_736 = tpu.memref_squeeze %dma_start3A_735 : memref<1x128xi32, #tpu.memory_space<hbm>> -> memref<128xi32, #tpu.memory_space<hbm>>
      %dma_start3A_737 = arith.constant 0 : i32
      %dma_start3A_738 = tpu.memref_slice %arg8[%add3A_701, %dma_start3A_737] : memref<80x128xi32, #tpu.memory_space<vmem>> -> memref<1x128xi32, #tpu.memory_space<vmem>>
      %dma_start3A_739 = tpu.memref_squeeze %dma_start3A_738 : memref<1x128xi32, #tpu.memory_space<vmem>> -> memref<128xi32, #tpu.memory_space<vmem>>
      %dma_start3A_740 = tpu.memref_slice %arg2[%dma_start3A_731, %add3A_730] : memref<2x320000xi32, #tpu.memory_space<hbm>> -> memref<1x128xi32, #tpu.memory_space<hbm>>
      %dma_start3A_741 = tpu.memref_squeeze %dma_start3A_740 : memref<1x128xi32, #tpu.memory_space<hbm>> -> memref<128xi32, #tpu.memory_space<hbm>>
      tpu.enqueue_dma source(%dma_start3A_741 : memref<128xi32, #tpu.memory_space<hbm>>) target(%dma_start3A_739 : memref<128xi32, #tpu.memory_space<vmem>>) target_semaphore(%arg12 : memref<!tpu.dma_semaphore, #tpu.memory_space<semaphore_mem>>)
      %ge3A_742 = arith.constant 8 : i32
      %ge3A_743 = arith.cmpi sge, %add3A_701, %ge3A_742 : i32
      %convert_element_type3A_744 = arith.extui %ge3A_743 : i1 to i32
      %cond3A_745 = arith.constant 0 : i32
      %cond3A_746 = arith.cmpi ne, %convert_element_type3A_744, %cond3A_745 : i32
      scf.if %cond3A_746 {
        %dma_wait3A_1105 = arith.constant 0 : i32
        %dma_wait3A_1106 = arith.constant 0 : i32
        %dma_wait3A_1107 = arith.constant 0 : i32
        %dma_wait3A_1108 = tpu.memref_slice %arg8[%dma_wait3A_1106, %dma_wait3A_1107] : memref<80x128xi32, #tpu.memory_space<vmem>> -> memref<1x128xi32, #tpu.memory_space<vmem>>
        %dma_wait3A_1109 = tpu.memref_squeeze %dma_wait3A_1108 : memref<1x128xi32, #tpu.memory_space<vmem>> -> memref<128xi32, #tpu.memory_space<vmem>>
        %dma_wait3A_1110 = tpu.memref_slice %arg2[%dma_wait3A_1105, %mul3A_2] : memref<2x320000xi32, #tpu.memory_space<hbm>> -> memref<1x128xi32, #tpu.memory_space<hbm>>
        %dma_wait3A_1111 = tpu.memref_squeeze %dma_wait3A_1110 : memref<1x128xi32, #tpu.memory_space<hbm>> -> memref<128xi32, #tpu.memory_space<hbm>>
        %dma_wait3A_1112 = arith.constant 0 : i32
        %dma_wait3A_1113 = tpu.memref_slice %arg8[%dma_wait3A_1106, %dma_wait3A_1112] : memref<80x128xi32, #tpu.memory_space<vmem>> -> memref<1x128xi32, #tpu.memory_space<vmem>>
        %dma_wait3A_1114 = tpu.memref_squeeze %dma_wait3A_1113 : memref<1x128xi32, #tpu.memory_space<vmem>> -> memref<128xi32, #tpu.memory_space<vmem>>
        %dma_wait3A_1115 = tpu.memref_slice %arg2[%dma_wait3A_1105, %mul3A_2] : memref<2x320000xi32, #tpu.memory_space<hbm>> -> memref<1x128xi32, #tpu.memory_space<hbm>>
        %dma_wait3A_1116 = tpu.memref_squeeze %dma_wait3A_1115 : memref<1x128xi32, #tpu.memory_space<hbm>> -> memref<128xi32, #tpu.memory_space<hbm>>
        tpu.wait_dma2 semaphore(%arg12 : memref<!tpu.dma_semaphore, #tpu.memory_space<semaphore_mem>>) src(%dma_wait3A_1116 : memref<128xi32, #tpu.memory_space<hbm>>) dst(%dma_wait3A_1114 : memref<128xi32, #tpu.memory_space<vmem>>)
      } else {
      }
      %add3A_747 = arith.constant 1 : i32
      %add3A_748 = arith.addi %mul3A_699, %add3A_747 : i32
      %dma_wait3A_749 = arith.constant 1 : i32
      %dma_wait3A_750 = arith.constant 1 : i32
      %dma_wait3A_751 = arith.constant 0 : i32
      %dma_wait3A_752 = tpu.memref_slice %arg9[%dma_wait3A_750, %dma_wait3A_751] : memref<80x128xi32, #tpu.memory_space<vmem>> -> memref<1x128xi32, #tpu.memory_space<vmem>>
      %dma_wait3A_753 = tpu.memref_squeeze %dma_wait3A_752 : memref<1x128xi32, #tpu.memory_space<vmem>> -> memref<128xi32, #tpu.memory_space<vmem>>
      %dma_wait3A_754 = tpu.memref_slice %arg2[%dma_wait3A_749, %mul3A_2] : memref<2x320000xi32, #tpu.memory_space<hbm>> -> memref<1x128xi32, #tpu.memory_space<hbm>>
      %dma_wait3A_755 = tpu.memref_squeeze %dma_wait3A_754 : memref<1x128xi32, #tpu.memory_space<hbm>> -> memref<128xi32, #tpu.memory_space<hbm>>
      %dma_wait3A_756 = arith.constant 0 : i32
      %dma_wait3A_757 = tpu.memref_slice %arg9[%dma_wait3A_750, %dma_wait3A_756] : memref<80x128xi32, #tpu.memory_space<vmem>> -> memref<1x128xi32, #tpu.memory_space<vmem>>
      %dma_wait3A_758 = tpu.memref_squeeze %dma_wait3A_757 : memref<1x128xi32, #tpu.memory_space<vmem>> -> memref<128xi32, #tpu.memory_space<vmem>>
      %dma_wait3A_759 = tpu.memref_slice %arg2[%dma_wait3A_749, %mul3A_2] : memref<2x320000xi32, #tpu.memory_space<hbm>> -> memref<1x128xi32, #tpu.memory_space<hbm>>
      %dma_wait3A_760 = tpu.memref_squeeze %dma_wait3A_759 : memref<1x128xi32, #tpu.memory_space<hbm>> -> memref<128xi32, #tpu.memory_space<hbm>>
      tpu.wait_dma2 semaphore(%arg16 : memref<!tpu.dma_semaphore, #tpu.memory_space<semaphore_mem>>) src(%dma_wait3A_760 : memref<128xi32, #tpu.memory_space<hbm>>) dst(%dma_wait3A_758 : memref<128xi32, #tpu.memory_space<vmem>>)
      %dma_start3A_761 = arith.constant 0 : i32
      %dma_start3A_762 = tpu.memref_slice %arg9[%add3A_748, %dma_start3A_761] : memref<80x128xi32, #tpu.memory_space<vmem>> -> memref<1x128xi32, #tpu.memory_space<vmem>>
      %dma_start3A_763 = tpu.memref_squeeze %dma_start3A_762 : memref<1x128xi32, #tpu.memory_space<vmem>> -> memref<128xi32, #tpu.memory_space<vmem>>
      %dma_start3A_764 = arith.constant 0 : i32
      %dma_start3A_765 = arith.constant 0 : i32
      %dma_start3A_766 = tpu.memref_slice %arg11[%dma_start3A_764, %dma_start3A_765] : memref<10112x16xf32, #tpu.memory_space<vmem_shared>> -> memref<10112x16xf32, #tpu.memory_space<vmem_shared>>
      tpu.enqueue_indirect_dma source(%arg10 : memref<128x16xf32, #tpu.memory_space<vmem>>) target(%dma_start3A_766 : memref<10112x16xf32, #tpu.memory_space<vmem_shared>>) offsets(%dma_start3A_763 : memref<128xi32, #tpu.memory_space<vmem>>) semaphore(%arg14 : memref<!tpu.dma_semaphore, #tpu.memory_space<semaphore_mem>>) {add = true}
      %ge3A_767 = arith.constant 8 : i32
      %ge3A_768 = arith.cmpi sge, %add3A_748, %ge3A_767 : i32
      %convert_element_type3A_769 = arith.extui %ge3A_768 : i1 to i32
      %cond3A_770 = arith.constant 0 : i32
      %cond3A_771 = arith.cmpi ne, %convert_element_type3A_769, %cond3A_770 : i32
      scf.if %cond3A_771 {
        %dma_wait3A_1105 = arith.constant 0 : i32
        %dma_wait3A_1106 = tpu.memref_slice %arg9[%add3A_748, %dma_wait3A_1105] : memref<80x128xi32, #tpu.memory_space<vmem>> -> memref<1x128xi32, #tpu.memory_space<vmem>>
        %dma_wait3A_1107 = tpu.memref_squeeze %dma_wait3A_1106 : memref<1x128xi32, #tpu.memory_space<vmem>> -> memref<128xi32, #tpu.memory_space<vmem>>
        %dma_wait3A_1108 = arith.constant 0 : i32
        %dma_wait3A_1109 = arith.constant 0 : i32
        %dma_wait3A_1110 = tpu.memref_slice %arg11[%dma_wait3A_1108, %dma_wait3A_1109] : memref<10112x16xf32, #tpu.memory_space<vmem_shared>> -> memref<10112x16xf32, #tpu.memory_space<vmem_shared>>
        tpu.wait_indirect_dma semaphore(%arg14 : memref<!tpu.dma_semaphore, #tpu.memory_space<semaphore_mem>>) src(%arg10 : memref<128x16xf32, #tpu.memory_space<vmem>>) dst(%dma_wait3A_1110 : memref<10112x16xf32, #tpu.memory_space<vmem_shared>>)
      } else {
      }
      %add3A_772 = arith.constant 8 : i32
      %add3A_773 = arith.addi %add3A_748, %add3A_772 : i32
      %lt3A_774 = arith.constant 78 : i32
      %lt3A_775 = arith.cmpi slt, %add3A_773, %lt3A_774 : i32
      %convert_element_type3A_776 = arith.extui %lt3A_775 : i1 to i32
      %cond3A_777 = arith.constant 0 : i32
      %cond3A_778 = arith.cmpi ne, %convert_element_type3A_776, %cond3A_777 : i32
      scf.if %cond3A_778 {
        %add3A_1105 = arith.constant 8 : i32
        %add3A_1106 = arith.addi %add3A_748, %add3A_1105 : i32
        %mul3A_1107 = arith.constant 128 : i32
        %mul3A_1108 = arith.muli %add3A_1106, %mul3A_1107 : i32
        %add3A_1109 = arith.addi %mul3A_2, %mul3A_1108 : i32
        %add3A_1110 = arith.constant 8 : i32
        %add3A_1111 = arith.addi %add3A_748, %add3A_1110 : i32
        %dma_start3A_1112 = arith.constant 1 : i32
        %dma_start3A_1113 = arith.constant 0 : i32
        %dma_start3A_1114 = tpu.memref_slice %arg9[%add3A_1111, %dma_start3A_1113] : memref<80x128xi32, #tpu.memory_space<vmem>> -> memref<1x128xi32, #tpu.memory_space<vmem>>
        %dma_start3A_1115 = tpu.memref_squeeze %dma_start3A_1114 : memref<1x128xi32, #tpu.memory_space<vmem>> -> memref<128xi32, #tpu.memory_space<vmem>>
        %dma_start3A_1116 = tpu.memref_slice %arg2[%dma_start3A_1112, %add3A_1109] : memref<2x320000xi32, #tpu.memory_space<hbm>> -> memref<1x128xi32, #tpu.memory_space<hbm>>
        %dma_start3A_1117 = tpu.memref_squeeze %dma_start3A_1116 : memref<1x128xi32, #tpu.memory_space<hbm>> -> memref<128xi32, #tpu.memory_space<hbm>>
        %dma_start3A_1118 = arith.constant 0 : i32
        %dma_start3A_1119 = tpu.memref_slice %arg9[%add3A_1111, %dma_start3A_1118] : memref<80x128xi32, #tpu.memory_space<vmem>> -> memref<1x128xi32, #tpu.memory_space<vmem>>
        %dma_start3A_1120 = tpu.memref_squeeze %dma_start3A_1119 : memref<1x128xi32, #tpu.memory_space<vmem>> -> memref<128xi32, #tpu.memory_space<vmem>>
        %dma_start3A_1121 = tpu.memref_slice %arg2[%dma_start3A_1112, %add3A_1109] : memref<2x320000xi32, #tpu.memory_space<hbm>> -> memref<1x128xi32, #tpu.memory_space<hbm>>
        %dma_start3A_1122 = tpu.memref_squeeze %dma_start3A_1121 : memref<1x128xi32, #tpu.memory_space<hbm>> -> memref<128xi32, #tpu.memory_space<hbm>>
        tpu.enqueue_dma source(%dma_start3A_1122 : memref<128xi32, #tpu.memory_space<hbm>>) target(%dma_start3A_1120 : memref<128xi32, #tpu.memory_space<vmem>>) target_semaphore(%arg16 : memref<!tpu.dma_semaphore, #tpu.memory_space<semaphore_mem>>)
      } else {
      }
      %mul3A_779 = arith.constant 128 : i32
      %mul3A_780 = arith.muli %add3A_748, %mul3A_779 : i32
      %add3A_781 = arith.addi %mul3A_2, %mul3A_780 : i32
      %dma_start3A_782 = arith.constant 0 : i32
      %dma_start3A_783 = arith.constant 0 : i32
      %dma_start3A_784 = tpu.memref_slice %arg8[%add3A_748, %dma_start3A_783] : memref<80x128xi32, #tpu.memory_space<vmem>> -> memref<1x128xi32, #tpu.memory_space<vmem>>
      %dma_start3A_785 = tpu.memref_squeeze %dma_start3A_784 : memref<1x128xi32, #tpu.memory_space<vmem>> -> memref<128xi32, #tpu.memory_space<vmem>>
      %dma_start3A_786 = tpu.memref_slice %arg2[%dma_start3A_782, %add3A_781] : memref<2x320000xi32, #tpu.memory_space<hbm>> -> memref<1x128xi32, #tpu.memory_space<hbm>>
      %dma_start3A_787 = tpu.memref_squeeze %dma_start3A_786 : memref<1x128xi32, #tpu.memory_space<hbm>> -> memref<128xi32, #tpu.memory_space<hbm>>
      %dma_start3A_788 = arith.constant 0 : i32
      %dma_start3A_789 = tpu.memref_slice %arg8[%add3A_748, %dma_start3A_788] : memref<80x128xi32, #tpu.memory_space<vmem>> -> memref<1x128xi32, #tpu.memory_space<vmem>>
      %dma_start3A_790 = tpu.memref_squeeze %dma_start3A_789 : memref<1x128xi32, #tpu.memory_space<vmem>> -> memref<128xi32, #tpu.memory_space<vmem>>
      %dma_start3A_791 = tpu.memref_slice %arg2[%dma_start3A_782, %add3A_781] : memref<2x320000xi32, #tpu.memory_space<hbm>> -> memref<1x128xi32, #tpu.memory_space<hbm>>
      %dma_start3A_792 = tpu.memref_squeeze %dma_start3A_791 : memref<1x128xi32, #tpu.memory_space<hbm>> -> memref<128xi32, #tpu.memory_space<hbm>>
      tpu.enqueue_dma source(%dma_start3A_792 : memref<128xi32, #tpu.memory_space<hbm>>) target(%dma_start3A_790 : memref<128xi32, #tpu.memory_space<vmem>>) target_semaphore(%arg12 : memref<!tpu.dma_semaphore, #tpu.memory_space<semaphore_mem>>)
      %ge3A_793 = arith.constant 8 : i32
      %ge3A_794 = arith.cmpi sge, %add3A_748, %ge3A_793 : i32
      %convert_element_type3A_795 = arith.extui %ge3A_794 : i1 to i32
      %cond3A_796 = arith.constant 0 : i32
      %cond3A_797 = arith.cmpi ne, %convert_element_type3A_795, %cond3A_796 : i32
      scf.if %cond3A_797 {
        %dma_wait3A_1105 = arith.constant 0 : i32
        %dma_wait3A_1106 = arith.constant 0 : i32
        %dma_wait3A_1107 = arith.constant 0 : i32
        %dma_wait3A_1108 = tpu.memref_slice %arg8[%dma_wait3A_1106, %dma_wait3A_1107] : memref<80x128xi32, #tpu.memory_space<vmem>> -> memref<1x128xi32, #tpu.memory_space<vmem>>
        %dma_wait3A_1109 = tpu.memref_squeeze %dma_wait3A_1108 : memref<1x128xi32, #tpu.memory_space<vmem>> -> memref<128xi32, #tpu.memory_space<vmem>>
        %dma_wait3A_1110 = tpu.memref_slice %arg2[%dma_wait3A_1105, %mul3A_2] : memref<2x320000xi32, #tpu.memory_space<hbm>> -> memref<1x128xi32, #tpu.memory_space<hbm>>
        %dma_wait3A_1111 = tpu.memref_squeeze %dma_wait3A_1110 : memref<1x128xi32, #tpu.memory_space<hbm>> -> memref<128xi32, #tpu.memory_space<hbm>>
        %dma_wait3A_1112 = arith.constant 0 : i32
        %dma_wait3A_1113 = tpu.memref_slice %arg8[%dma_wait3A_1106, %dma_wait3A_1112] : memref<80x128xi32, #tpu.memory_space<vmem>> -> memref<1x128xi32, #tpu.memory_space<vmem>>
        %dma_wait3A_1114 = tpu.memref_squeeze %dma_wait3A_1113 : memref<1x128xi32, #tpu.memory_space<vmem>> -> memref<128xi32, #tpu.memory_space<vmem>>
        %dma_wait3A_1115 = tpu.memref_slice %arg2[%dma_wait3A_1105, %mul3A_2] : memref<2x320000xi32, #tpu.memory_space<hbm>> -> memref<1x128xi32, #tpu.memory_space<hbm>>
        %dma_wait3A_1116 = tpu.memref_squeeze %dma_wait3A_1115 : memref<1x128xi32, #tpu.memory_space<hbm>> -> memref<128xi32, #tpu.memory_space<hbm>>
        tpu.wait_dma2 semaphore(%arg12 : memref<!tpu.dma_semaphore, #tpu.memory_space<semaphore_mem>>) src(%dma_wait3A_1116 : memref<128xi32, #tpu.memory_space<hbm>>) dst(%dma_wait3A_1114 : memref<128xi32, #tpu.memory_space<vmem>>)
      } else {
      }
      %add3A_798 = arith.constant 2 : i32
      %add3A_799 = arith.addi %mul3A_699, %add3A_798 : i32
      %dma_wait3A_800 = arith.constant 1 : i32
      %dma_wait3A_801 = arith.constant 2 : i32
      %dma_wait3A_802 = arith.constant 0 : i32
      %dma_wait3A_803 = tpu.memref_slice %arg9[%dma_wait3A_801, %dma_wait3A_802] : memref<80x128xi32, #tpu.memory_space<vmem>> -> memref<1x128xi32, #tpu.memory_space<vmem>>
      %dma_wait3A_804 = tpu.memref_squeeze %dma_wait3A_803 : memref<1x128xi32, #tpu.memory_space<vmem>> -> memref<128xi32, #tpu.memory_space<vmem>>
      %dma_wait3A_805 = tpu.memref_slice %arg2[%dma_wait3A_800, %mul3A_2] : memref<2x320000xi32, #tpu.memory_space<hbm>> -> memref<1x128xi32, #tpu.memory_space<hbm>>
      %dma_wait3A_806 = tpu.memref_squeeze %dma_wait3A_805 : memref<1x128xi32, #tpu.memory_space<hbm>> -> memref<128xi32, #tpu.memory_space<hbm>>
      %dma_wait3A_807 = arith.constant 0 : i32
      %dma_wait3A_808 = tpu.memref_slice %arg9[%dma_wait3A_801, %dma_wait3A_807] : memref<80x128xi32, #tpu.memory_space<vmem>> -> memref<1x128xi32, #tpu.memory_space<vmem>>
      %dma_wait3A_809 = tpu.memref_squeeze %dma_wait3A_808 : memref<1x128xi32, #tpu.memory_space<vmem>> -> memref<128xi32, #tpu.memory_space<vmem>>
      %dma_wait3A_810 = tpu.memref_slice %arg2[%dma_wait3A_800, %mul3A_2] : memref<2x320000xi32, #tpu.memory_space<hbm>> -> memref<1x128xi32, #tpu.memory_space<hbm>>
      %dma_wait3A_811 = tpu.memref_squeeze %dma_wait3A_810 : memref<1x128xi32, #tpu.memory_space<hbm>> -> memref<128xi32, #tpu.memory_space<hbm>>
      tpu.wait_dma2 semaphore(%arg17 : memref<!tpu.dma_semaphore, #tpu.memory_space<semaphore_mem>>) src(%dma_wait3A_811 : memref<128xi32, #tpu.memory_space<hbm>>) dst(%dma_wait3A_809 : memref<128xi32, #tpu.memory_space<vmem>>)
      %dma_start3A_812 = arith.constant 0 : i32
      %dma_start3A_813 = tpu.memref_slice %arg9[%add3A_799, %dma_start3A_812] : memref<80x128xi32, #tpu.memory_space<vmem>> -> memref<1x128xi32, #tpu.memory_space<vmem>>
      %dma_start3A_814 = tpu.memref_squeeze %dma_start3A_813 : memref<1x128xi32, #tpu.memory_space<vmem>> -> memref<128xi32, #tpu.memory_space<vmem>>
      %dma_start3A_815 = arith.constant 0 : i32
      %dma_start3A_816 = arith.constant 0 : i32
      %dma_start3A_817 = tpu.memref_slice %arg11[%dma_start3A_815, %dma_start3A_816] : memref<10112x16xf32, #tpu.memory_space<vmem_shared>> -> memref<10112x16xf32, #tpu.memory_space<vmem_shared>>
      tpu.enqueue_indirect_dma source(%arg10 : memref<128x16xf32, #tpu.memory_space<vmem>>) target(%dma_start3A_817 : memref<10112x16xf32, #tpu.memory_space<vmem_shared>>) offsets(%dma_start3A_814 : memref<128xi32, #tpu.memory_space<vmem>>) semaphore(%arg14 : memref<!tpu.dma_semaphore, #tpu.memory_space<semaphore_mem>>) {add = true}
      %ge3A_818 = arith.constant 8 : i32
      %ge3A_819 = arith.cmpi sge, %add3A_799, %ge3A_818 : i32
      %convert_element_type3A_820 = arith.extui %ge3A_819 : i1 to i32
      %cond3A_821 = arith.constant 0 : i32
      %cond3A_822 = arith.cmpi ne, %convert_element_type3A_820, %cond3A_821 : i32
      scf.if %cond3A_822 {
        %dma_wait3A_1105 = arith.constant 0 : i32
        %dma_wait3A_1106 = tpu.memref_slice %arg9[%add3A_799, %dma_wait3A_1105] : memref<80x128xi32, #tpu.memory_space<vmem>> -> memref<1x128xi32, #tpu.memory_space<vmem>>
        %dma_wait3A_1107 = tpu.memref_squeeze %dma_wait3A_1106 : memref<1x128xi32, #tpu.memory_space<vmem>> -> memref<128xi32, #tpu.memory_space<vmem>>
        %dma_wait3A_1108 = arith.constant 0 : i32
        %dma_wait3A_1109 = arith.constant 0 : i32
        %dma_wait3A_1110 = tpu.memref_slice %arg11[%dma_wait3A_1108, %dma_wait3A_1109] : memref<10112x16xf32, #tpu.memory_space<vmem_shared>> -> memref<10112x16xf32, #tpu.memory_space<vmem_shared>>
        tpu.wait_indirect_dma semaphore(%arg14 : memref<!tpu.dma_semaphore, #tpu.memory_space<semaphore_mem>>) src(%arg10 : memref<128x16xf32, #tpu.memory_space<vmem>>) dst(%dma_wait3A_1110 : memref<10112x16xf32, #tpu.memory_space<vmem_shared>>)
      } else {
      }
      %add3A_823 = arith.constant 8 : i32
      %add3A_824 = arith.addi %add3A_799, %add3A_823 : i32
      %lt3A_825 = arith.constant 78 : i32
      %lt3A_826 = arith.cmpi slt, %add3A_824, %lt3A_825 : i32
      %convert_element_type3A_827 = arith.extui %lt3A_826 : i1 to i32
      %cond3A_828 = arith.constant 0 : i32
      %cond3A_829 = arith.cmpi ne, %convert_element_type3A_827, %cond3A_828 : i32
      scf.if %cond3A_829 {
        %add3A_1105 = arith.constant 8 : i32
        %add3A_1106 = arith.addi %add3A_799, %add3A_1105 : i32
        %mul3A_1107 = arith.constant 128 : i32
        %mul3A_1108 = arith.muli %add3A_1106, %mul3A_1107 : i32
        %add3A_1109 = arith.addi %mul3A_2, %mul3A_1108 : i32
        %add3A_1110 = arith.constant 8 : i32
        %add3A_1111 = arith.addi %add3A_799, %add3A_1110 : i32
        %dma_start3A_1112 = arith.constant 1 : i32
        %dma_start3A_1113 = arith.constant 0 : i32
        %dma_start3A_1114 = tpu.memref_slice %arg9[%add3A_1111, %dma_start3A_1113] : memref<80x128xi32, #tpu.memory_space<vmem>> -> memref<1x128xi32, #tpu.memory_space<vmem>>
        %dma_start3A_1115 = tpu.memref_squeeze %dma_start3A_1114 : memref<1x128xi32, #tpu.memory_space<vmem>> -> memref<128xi32, #tpu.memory_space<vmem>>
        %dma_start3A_1116 = tpu.memref_slice %arg2[%dma_start3A_1112, %add3A_1109] : memref<2x320000xi32, #tpu.memory_space<hbm>> -> memref<1x128xi32, #tpu.memory_space<hbm>>
        %dma_start3A_1117 = tpu.memref_squeeze %dma_start3A_1116 : memref<1x128xi32, #tpu.memory_space<hbm>> -> memref<128xi32, #tpu.memory_space<hbm>>
        %dma_start3A_1118 = arith.constant 0 : i32
        %dma_start3A_1119 = tpu.memref_slice %arg9[%add3A_1111, %dma_start3A_1118] : memref<80x128xi32, #tpu.memory_space<vmem>> -> memref<1x128xi32, #tpu.memory_space<vmem>>
        %dma_start3A_1120 = tpu.memref_squeeze %dma_start3A_1119 : memref<1x128xi32, #tpu.memory_space<vmem>> -> memref<128xi32, #tpu.memory_space<vmem>>
        %dma_start3A_1121 = tpu.memref_slice %arg2[%dma_start3A_1112, %add3A_1109] : memref<2x320000xi32, #tpu.memory_space<hbm>> -> memref<1x128xi32, #tpu.memory_space<hbm>>
        %dma_start3A_1122 = tpu.memref_squeeze %dma_start3A_1121 : memref<1x128xi32, #tpu.memory_space<hbm>> -> memref<128xi32, #tpu.memory_space<hbm>>
        tpu.enqueue_dma source(%dma_start3A_1122 : memref<128xi32, #tpu.memory_space<hbm>>) target(%dma_start3A_1120 : memref<128xi32, #tpu.memory_space<vmem>>) target_semaphore(%arg17 : memref<!tpu.dma_semaphore, #tpu.memory_space<semaphore_mem>>)
      } else {
      }
      %mul3A_830 = arith.constant 128 : i32
      %mul3A_831 = arith.muli %add3A_799, %mul3A_830 : i32
      %add3A_832 = arith.addi %mul3A_2, %mul3A_831 : i32
      %dma_start3A_833 = arith.constant 0 : i32
      %dma_start3A_834 = arith.constant 0 : i32
      %dma_start3A_835 = tpu.memref_slice %arg8[%add3A_799, %dma_start3A_834] : memref<80x128xi32, #tpu.memory_space<vmem>> -> memref<1x128xi32, #tpu.memory_space<vmem>>
      %dma_start3A_836 = tpu.memref_squeeze %dma_start3A_835 : memref<1x128xi32, #tpu.memory_space<vmem>> -> memref<128xi32, #tpu.memory_space<vmem>>
      %dma_start3A_837 = tpu.memref_slice %arg2[%dma_start3A_833, %add3A_832] : memref<2x320000xi32, #tpu.memory_space<hbm>> -> memref<1x128xi32, #tpu.memory_space<hbm>>
      %dma_start3A_838 = tpu.memref_squeeze %dma_start3A_837 : memref<1x128xi32, #tpu.memory_space<hbm>> -> memref<128xi32, #tpu.memory_space<hbm>>
      %dma_start3A_839 = arith.constant 0 : i32
      %dma_start3A_840 = tpu.memref_slice %arg8[%add3A_799, %dma_start3A_839] : memref<80x128xi32, #tpu.memory_space<vmem>> -> memref<1x128xi32, #tpu.memory_space<vmem>>
      %dma_start3A_841 = tpu.memref_squeeze %dma_start3A_840 : memref<1x128xi32, #tpu.memory_space<vmem>> -> memref<128xi32, #tpu.memory_space<vmem>>
      %dma_start3A_842 = tpu.memref_slice %arg2[%dma_start3A_833, %add3A_832] : memref<2x320000xi32, #tpu.memory_space<hbm>> -> memref<1x128xi32, #tpu.memory_space<hbm>>
      %dma_start3A_843 = tpu.memref_squeeze %dma_start3A_842 : memref<1x128xi32, #tpu.memory_space<hbm>> -> memref<128xi32, #tpu.memory_space<hbm>>
      tpu.enqueue_dma source(%dma_start3A_843 : memref<128xi32, #tpu.memory_space<hbm>>) target(%dma_start3A_841 : memref<128xi32, #tpu.memory_space<vmem>>) target_semaphore(%arg12 : memref<!tpu.dma_semaphore, #tpu.memory_space<semaphore_mem>>)
      %ge3A_844 = arith.constant 8 : i32
      %ge3A_845 = arith.cmpi sge, %add3A_799, %ge3A_844 : i32
      %convert_element_type3A_846 = arith.extui %ge3A_845 : i1 to i32
      %cond3A_847 = arith.constant 0 : i32
      %cond3A_848 = arith.cmpi ne, %convert_element_type3A_846, %cond3A_847 : i32
      scf.if %cond3A_848 {
        %dma_wait3A_1105 = arith.constant 0 : i32
        %dma_wait3A_1106 = arith.constant 0 : i32
        %dma_wait3A_1107 = arith.constant 0 : i32
        %dma_wait3A_1108 = tpu.memref_slice %arg8[%dma_wait3A_1106, %dma_wait3A_1107] : memref<80x128xi32, #tpu.memory_space<vmem>> -> memref<1x128xi32, #tpu.memory_space<vmem>>
        %dma_wait3A_1109 = tpu.memref_squeeze %dma_wait3A_1108 : memref<1x128xi32, #tpu.memory_space<vmem>> -> memref<128xi32, #tpu.memory_space<vmem>>
        %dma_wait3A_1110 = tpu.memref_slice %arg2[%dma_wait3A_1105, %mul3A_2] : memref<2x320000xi32, #tpu.memory_space<hbm>> -> memref<1x128xi32, #tpu.memory_space<hbm>>
        %dma_wait3A_1111 = tpu.memref_squeeze %dma_wait3A_1110 : memref<1x128xi32, #tpu.memory_space<hbm>> -> memref<128xi32, #tpu.memory_space<hbm>>
        %dma_wait3A_1112 = arith.constant 0 : i32
        %dma_wait3A_1113 = tpu.memref_slice %arg8[%dma_wait3A_1106, %dma_wait3A_1112] : memref<80x128xi32, #tpu.memory_space<vmem>> -> memref<1x128xi32, #tpu.memory_space<vmem>>
        %dma_wait3A_1114 = tpu.memref_squeeze %dma_wait3A_1113 : memref<1x128xi32, #tpu.memory_space<vmem>> -> memref<128xi32, #tpu.memory_space<vmem>>
        %dma_wait3A_1115 = tpu.memref_slice %arg2[%dma_wait3A_1105, %mul3A_2] : memref<2x320000xi32, #tpu.memory_space<hbm>> -> memref<1x128xi32, #tpu.memory_space<hbm>>
        %dma_wait3A_1116 = tpu.memref_squeeze %dma_wait3A_1115 : memref<1x128xi32, #tpu.memory_space<hbm>> -> memref<128xi32, #tpu.memory_space<hbm>>
        tpu.wait_dma2 semaphore(%arg12 : memref<!tpu.dma_semaphore, #tpu.memory_space<semaphore_mem>>) src(%dma_wait3A_1116 : memref<128xi32, #tpu.memory_space<hbm>>) dst(%dma_wait3A_1114 : memref<128xi32, #tpu.memory_space<vmem>>)
      } else {
      }
      %add3A_849 = arith.constant 3 : i32
      %add3A_850 = arith.addi %mul3A_699, %add3A_849 : i32
      %dma_wait3A_851 = arith.constant 1 : i32
      %dma_wait3A_852 = arith.constant 3 : i32
      %dma_wait3A_853 = arith.constant 0 : i32
      %dma_wait3A_854 = tpu.memref_slice %arg9[%dma_wait3A_852, %dma_wait3A_853] : memref<80x128xi32, #tpu.memory_space<vmem>> -> memref<1x128xi32, #tpu.memory_space<vmem>>
      %dma_wait3A_855 = tpu.memref_squeeze %dma_wait3A_854 : memref<1x128xi32, #tpu.memory_space<vmem>> -> memref<128xi32, #tpu.memory_space<vmem>>
      %dma_wait3A_856 = tpu.memref_slice %arg2[%dma_wait3A_851, %mul3A_2] : memref<2x320000xi32, #tpu.memory_space<hbm>> -> memref<1x128xi32, #tpu.memory_space<hbm>>
      %dma_wait3A_857 = tpu.memref_squeeze %dma_wait3A_856 : memref<1x128xi32, #tpu.memory_space<hbm>> -> memref<128xi32, #tpu.memory_space<hbm>>
      %dma_wait3A_858 = arith.constant 0 : i32
      %dma_wait3A_859 = tpu.memref_slice %arg9[%dma_wait3A_852, %dma_wait3A_858] : memref<80x128xi32, #tpu.memory_space<vmem>> -> memref<1x128xi32, #tpu.memory_space<vmem>>
      %dma_wait3A_860 = tpu.memref_squeeze %dma_wait3A_859 : memref<1x128xi32, #tpu.memory_space<vmem>> -> memref<128xi32, #tpu.memory_space<vmem>>
      %dma_wait3A_861 = tpu.memref_slice %arg2[%dma_wait3A_851, %mul3A_2] : memref<2x320000xi32, #tpu.memory_space<hbm>> -> memref<1x128xi32, #tpu.memory_space<hbm>>
      %dma_wait3A_862 = tpu.memref_squeeze %dma_wait3A_861 : memref<1x128xi32, #tpu.memory_space<hbm>> -> memref<128xi32, #tpu.memory_space<hbm>>
      tpu.wait_dma2 semaphore(%arg18 : memref<!tpu.dma_semaphore, #tpu.memory_space<semaphore_mem>>) src(%dma_wait3A_862 : memref<128xi32, #tpu.memory_space<hbm>>) dst(%dma_wait3A_860 : memref<128xi32, #tpu.memory_space<vmem>>)
      %dma_start3A_863 = arith.constant 0 : i32
      %dma_start3A_864 = tpu.memref_slice %arg9[%add3A_850, %dma_start3A_863] : memref<80x128xi32, #tpu.memory_space<vmem>> -> memref<1x128xi32, #tpu.memory_space<vmem>>
      %dma_start3A_865 = tpu.memref_squeeze %dma_start3A_864 : memref<1x128xi32, #tpu.memory_space<vmem>> -> memref<128xi32, #tpu.memory_space<vmem>>
      %dma_start3A_866 = arith.constant 0 : i32
      %dma_start3A_867 = arith.constant 0 : i32
      %dma_start3A_868 = tpu.memref_slice %arg11[%dma_start3A_866, %dma_start3A_867] : memref<10112x16xf32, #tpu.memory_space<vmem_shared>> -> memref<10112x16xf32, #tpu.memory_space<vmem_shared>>
      tpu.enqueue_indirect_dma source(%arg10 : memref<128x16xf32, #tpu.memory_space<vmem>>) target(%dma_start3A_868 : memref<10112x16xf32, #tpu.memory_space<vmem_shared>>) offsets(%dma_start3A_865 : memref<128xi32, #tpu.memory_space<vmem>>) semaphore(%arg14 : memref<!tpu.dma_semaphore, #tpu.memory_space<semaphore_mem>>) {add = true}
      %ge3A_869 = arith.constant 8 : i32
      %ge3A_870 = arith.cmpi sge, %add3A_850, %ge3A_869 : i32
      %convert_element_type3A_871 = arith.extui %ge3A_870 : i1 to i32
      %cond3A_872 = arith.constant 0 : i32
      %cond3A_873 = arith.cmpi ne, %convert_element_type3A_871, %cond3A_872 : i32
      scf.if %cond3A_873 {
        %dma_wait3A_1105 = arith.constant 0 : i32
        %dma_wait3A_1106 = tpu.memref_slice %arg9[%add3A_850, %dma_wait3A_1105] : memref<80x128xi32, #tpu.memory_space<vmem>> -> memref<1x128xi32, #tpu.memory_space<vmem>>
        %dma_wait3A_1107 = tpu.memref_squeeze %dma_wait3A_1106 : memref<1x128xi32, #tpu.memory_space<vmem>> -> memref<128xi32, #tpu.memory_space<vmem>>
        %dma_wait3A_1108 = arith.constant 0 : i32
        %dma_wait3A_1109 = arith.constant 0 : i32
        %dma_wait3A_1110 = tpu.memref_slice %arg11[%dma_wait3A_1108, %dma_wait3A_1109] : memref<10112x16xf32, #tpu.memory_space<vmem_shared>> -> memref<10112x16xf32, #tpu.memory_space<vmem_shared>>
        tpu.wait_indirect_dma semaphore(%arg14 : memref<!tpu.dma_semaphore, #tpu.memory_space<semaphore_mem>>) src(%arg10 : memref<128x16xf32, #tpu.memory_space<vmem>>) dst(%dma_wait3A_1110 : memref<10112x16xf32, #tpu.memory_space<vmem_shared>>)
      } else {
      }
      %add3A_874 = arith.constant 8 : i32
      %add3A_875 = arith.addi %add3A_850, %add3A_874 : i32
      %lt3A_876 = arith.constant 78 : i32
      %lt3A_877 = arith.cmpi slt, %add3A_875, %lt3A_876 : i32
      %convert_element_type3A_878 = arith.extui %lt3A_877 : i1 to i32
      %cond3A_879 = arith.constant 0 : i32
      %cond3A_880 = arith.cmpi ne, %convert_element_type3A_878, %cond3A_879 : i32
      scf.if %cond3A_880 {
        %add3A_1105 = arith.constant 8 : i32
        %add3A_1106 = arith.addi %add3A_850, %add3A_1105 : i32
        %mul3A_1107 = arith.constant 128 : i32
        %mul3A_1108 = arith.muli %add3A_1106, %mul3A_1107 : i32
        %add3A_1109 = arith.addi %mul3A_2, %mul3A_1108 : i32
        %add3A_1110 = arith.constant 8 : i32
        %add3A_1111 = arith.addi %add3A_850, %add3A_1110 : i32
        %dma_start3A_1112 = arith.constant 1 : i32
        %dma_start3A_1113 = arith.constant 0 : i32
        %dma_start3A_1114 = tpu.memref_slice %arg9[%add3A_1111, %dma_start3A_1113] : memref<80x128xi32, #tpu.memory_space<vmem>> -> memref<1x128xi32, #tpu.memory_space<vmem>>
        %dma_start3A_1115 = tpu.memref_squeeze %dma_start3A_1114 : memref<1x128xi32, #tpu.memory_space<vmem>> -> memref<128xi32, #tpu.memory_space<vmem>>
        %dma_start3A_1116 = tpu.memref_slice %arg2[%dma_start3A_1112, %add3A_1109] : memref<2x320000xi32, #tpu.memory_space<hbm>> -> memref<1x128xi32, #tpu.memory_space<hbm>>
        %dma_start3A_1117 = tpu.memref_squeeze %dma_start3A_1116 : memref<1x128xi32, #tpu.memory_space<hbm>> -> memref<128xi32, #tpu.memory_space<hbm>>
        %dma_start3A_1118 = arith.constant 0 : i32
        %dma_start3A_1119 = tpu.memref_slice %arg9[%add3A_1111, %dma_start3A_1118] : memref<80x128xi32, #tpu.memory_space<vmem>> -> memref<1x128xi32, #tpu.memory_space<vmem>>
        %dma_start3A_1120 = tpu.memref_squeeze %dma_start3A_1119 : memref<1x128xi32, #tpu.memory_space<vmem>> -> memref<128xi32, #tpu.memory_space<vmem>>
        %dma_start3A_1121 = tpu.memref_slice %arg2[%dma_start3A_1112, %add3A_1109] : memref<2x320000xi32, #tpu.memory_space<hbm>> -> memref<1x128xi32, #tpu.memory_space<hbm>>
        %dma_start3A_1122 = tpu.memref_squeeze %dma_start3A_1121 : memref<1x128xi32, #tpu.memory_space<hbm>> -> memref<128xi32, #tpu.memory_space<hbm>>
        tpu.enqueue_dma source(%dma_start3A_1122 : memref<128xi32, #tpu.memory_space<hbm>>) target(%dma_start3A_1120 : memref<128xi32, #tpu.memory_space<vmem>>) target_semaphore(%arg18 : memref<!tpu.dma_semaphore, #tpu.memory_space<semaphore_mem>>)
      } else {
      }
      %mul3A_881 = arith.constant 128 : i32
      %mul3A_882 = arith.muli %add3A_850, %mul3A_881 : i32
      %add3A_883 = arith.addi %mul3A_2, %mul3A_882 : i32
      %dma_start3A_884 = arith.constant 0 : i32
      %dma_start3A_885 = arith.constant 0 : i32
      %dma_start3A_886 = tpu.memref_slice %arg8[%add3A_850, %dma_start3A_885] : memref<80x128xi32, #tpu.memory_space<vmem>> -> memref<1x128xi32, #tpu.memory_space<vmem>>
      %dma_start3A_887 = tpu.memref_squeeze %dma_start3A_886 : memref<1x128xi32, #tpu.memory_space<vmem>> -> memref<128xi32, #tpu.memory_space<vmem>>
      %dma_start3A_888 = tpu.memref_slice %arg2[%dma_start3A_884, %add3A_883] : memref<2x320000xi32, #tpu.memory_space<hbm>> -> memref<1x128xi32, #tpu.memory_space<hbm>>
      %dma_start3A_889 = tpu.memref_squeeze %dma_start3A_888 : memref<1x128xi32, #tpu.memory_space<hbm>> -> memref<128xi32, #tpu.memory_space<hbm>>
      %dma_start3A_890 = arith.constant 0 : i32
      %dma_start3A_891 = tpu.memref_slice %arg8[%add3A_850, %dma_start3A_890] : memref<80x128xi32, #tpu.memory_space<vmem>> -> memref<1x128xi32, #tpu.memory_space<vmem>>
      %dma_start3A_892 = tpu.memref_squeeze %dma_start3A_891 : memref<1x128xi32, #tpu.memory_space<vmem>> -> memref<128xi32, #tpu.memory_space<vmem>>
      %dma_start3A_893 = tpu.memref_slice %arg2[%dma_start3A_884, %add3A_883] : memref<2x320000xi32, #tpu.memory_space<hbm>> -> memref<1x128xi32, #tpu.memory_space<hbm>>
      %dma_start3A_894 = tpu.memref_squeeze %dma_start3A_893 : memref<1x128xi32, #tpu.memory_space<hbm>> -> memref<128xi32, #tpu.memory_space<hbm>>
      tpu.enqueue_dma source(%dma_start3A_894 : memref<128xi32, #tpu.memory_space<hbm>>) target(%dma_start3A_892 : memref<128xi32, #tpu.memory_space<vmem>>) target_semaphore(%arg12 : memref<!tpu.dma_semaphore, #tpu.memory_space<semaphore_mem>>)
      %ge3A_895 = arith.constant 8 : i32
      %ge3A_896 = arith.cmpi sge, %add3A_850, %ge3A_895 : i32
      %convert_element_type3A_897 = arith.extui %ge3A_896 : i1 to i32
      %cond3A_898 = arith.constant 0 : i32
      %cond3A_899 = arith.cmpi ne, %convert_element_type3A_897, %cond3A_898 : i32
      scf.if %cond3A_899 {
        %dma_wait3A_1105 = arith.constant 0 : i32
        %dma_wait3A_1106 = arith.constant 0 : i32
        %dma_wait3A_1107 = arith.constant 0 : i32
        %dma_wait3A_1108 = tpu.memref_slice %arg8[%dma_wait3A_1106, %dma_wait3A_1107] : memref<80x128xi32, #tpu.memory_space<vmem>> -> memref<1x128xi32, #tpu.memory_space<vmem>>
        %dma_wait3A_1109 = tpu.memref_squeeze %dma_wait3A_1108 : memref<1x128xi32, #tpu.memory_space<vmem>> -> memref<128xi32, #tpu.memory_space<vmem>>
        %dma_wait3A_1110 = tpu.memref_slice %arg2[%dma_wait3A_1105, %mul3A_2] : memref<2x320000xi32, #tpu.memory_space<hbm>> -> memref<1x128xi32, #tpu.memory_space<hbm>>
        %dma_wait3A_1111 = tpu.memref_squeeze %dma_wait3A_1110 : memref<1x128xi32, #tpu.memory_space<hbm>> -> memref<128xi32, #tpu.memory_space<hbm>>
        %dma_wait3A_1112 = arith.constant 0 : i32
        %dma_wait3A_1113 = tpu.memref_slice %arg8[%dma_wait3A_1106, %dma_wait3A_1112] : memref<80x128xi32, #tpu.memory_space<vmem>> -> memref<1x128xi32, #tpu.memory_space<vmem>>
        %dma_wait3A_1114 = tpu.memref_squeeze %dma_wait3A_1113 : memref<1x128xi32, #tpu.memory_space<vmem>> -> memref<128xi32, #tpu.memory_space<vmem>>
        %dma_wait3A_1115 = tpu.memref_slice %arg2[%dma_wait3A_1105, %mul3A_2] : memref<2x320000xi32, #tpu.memory_space<hbm>> -> memref<1x128xi32, #tpu.memory_space<hbm>>
        %dma_wait3A_1116 = tpu.memref_squeeze %dma_wait3A_1115 : memref<1x128xi32, #tpu.memory_space<hbm>> -> memref<128xi32, #tpu.memory_space<hbm>>
        tpu.wait_dma2 semaphore(%arg12 : memref<!tpu.dma_semaphore, #tpu.memory_space<semaphore_mem>>) src(%dma_wait3A_1116 : memref<128xi32, #tpu.memory_space<hbm>>) dst(%dma_wait3A_1114 : memref<128xi32, #tpu.memory_space<vmem>>)
      } else {
      }
      %add3A_900 = arith.constant 4 : i32
      %add3A_901 = arith.addi %mul3A_699, %add3A_900 : i32
      %dma_wait3A_902 = arith.constant 1 : i32
      %dma_wait3A_903 = arith.constant 4 : i32
      %dma_wait3A_904 = arith.constant 0 : i32
      %dma_wait3A_905 = tpu.memref_slice %arg9[%dma_wait3A_903, %dma_wait3A_904] : memref<80x128xi32, #tpu.memory_space<vmem>> -> memref<1x128xi32, #tpu.memory_space<vmem>>
      %dma_wait3A_906 = tpu.memref_squeeze %dma_wait3A_905 : memref<1x128xi32, #tpu.memory_space<vmem>> -> memref<128xi32, #tpu.memory_space<vmem>>
      %dma_wait3A_907 = tpu.memref_slice %arg2[%dma_wait3A_902, %mul3A_2] : memref<2x320000xi32, #tpu.memory_space<hbm>> -> memref<1x128xi32, #tpu.memory_space<hbm>>
      %dma_wait3A_908 = tpu.memref_squeeze %dma_wait3A_907 : memref<1x128xi32, #tpu.memory_space<hbm>> -> memref<128xi32, #tpu.memory_space<hbm>>
      %dma_wait3A_909 = arith.constant 0 : i32
      %dma_wait3A_910 = tpu.memref_slice %arg9[%dma_wait3A_903, %dma_wait3A_909] : memref<80x128xi32, #tpu.memory_space<vmem>> -> memref<1x128xi32, #tpu.memory_space<vmem>>
      %dma_wait3A_911 = tpu.memref_squeeze %dma_wait3A_910 : memref<1x128xi32, #tpu.memory_space<vmem>> -> memref<128xi32, #tpu.memory_space<vmem>>
      %dma_wait3A_912 = tpu.memref_slice %arg2[%dma_wait3A_902, %mul3A_2] : memref<2x320000xi32, #tpu.memory_space<hbm>> -> memref<1x128xi32, #tpu.memory_space<hbm>>
      %dma_wait3A_913 = tpu.memref_squeeze %dma_wait3A_912 : memref<1x128xi32, #tpu.memory_space<hbm>> -> memref<128xi32, #tpu.memory_space<hbm>>
      tpu.wait_dma2 semaphore(%arg19 : memref<!tpu.dma_semaphore, #tpu.memory_space<semaphore_mem>>) src(%dma_wait3A_913 : memref<128xi32, #tpu.memory_space<hbm>>) dst(%dma_wait3A_911 : memref<128xi32, #tpu.memory_space<vmem>>)
      %dma_start3A_914 = arith.constant 0 : i32
      %dma_start3A_915 = tpu.memref_slice %arg9[%add3A_901, %dma_start3A_914] : memref<80x128xi32, #tpu.memory_space<vmem>> -> memref<1x128xi32, #tpu.memory_space<vmem>>
      %dma_start3A_916 = tpu.memref_squeeze %dma_start3A_915 : memref<1x128xi32, #tpu.memory_space<vmem>> -> memref<128xi32, #tpu.memory_space<vmem>>
      %dma_start3A_917 = arith.constant 0 : i32
      %dma_start3A_918 = arith.constant 0 : i32
      %dma_start3A_919 = tpu.memref_slice %arg11[%dma_start3A_917, %dma_start3A_918] : memref<10112x16xf32, #tpu.memory_space<vmem_shared>> -> memref<10112x16xf32, #tpu.memory_space<vmem_shared>>
      tpu.enqueue_indirect_dma source(%arg10 : memref<128x16xf32, #tpu.memory_space<vmem>>) target(%dma_start3A_919 : memref<10112x16xf32, #tpu.memory_space<vmem_shared>>) offsets(%dma_start3A_916 : memref<128xi32, #tpu.memory_space<vmem>>) semaphore(%arg14 : memref<!tpu.dma_semaphore, #tpu.memory_space<semaphore_mem>>) {add = true}
      %ge3A_920 = arith.constant 8 : i32
      %ge3A_921 = arith.cmpi sge, %add3A_901, %ge3A_920 : i32
      %convert_element_type3A_922 = arith.extui %ge3A_921 : i1 to i32
      %cond3A_923 = arith.constant 0 : i32
      %cond3A_924 = arith.cmpi ne, %convert_element_type3A_922, %cond3A_923 : i32
      scf.if %cond3A_924 {
        %dma_wait3A_1105 = arith.constant 0 : i32
        %dma_wait3A_1106 = tpu.memref_slice %arg9[%add3A_901, %dma_wait3A_1105] : memref<80x128xi32, #tpu.memory_space<vmem>> -> memref<1x128xi32, #tpu.memory_space<vmem>>
        %dma_wait3A_1107 = tpu.memref_squeeze %dma_wait3A_1106 : memref<1x128xi32, #tpu.memory_space<vmem>> -> memref<128xi32, #tpu.memory_space<vmem>>
        %dma_wait3A_1108 = arith.constant 0 : i32
        %dma_wait3A_1109 = arith.constant 0 : i32
        %dma_wait3A_1110 = tpu.memref_slice %arg11[%dma_wait3A_1108, %dma_wait3A_1109] : memref<10112x16xf32, #tpu.memory_space<vmem_shared>> -> memref<10112x16xf32, #tpu.memory_space<vmem_shared>>
        tpu.wait_indirect_dma semaphore(%arg14 : memref<!tpu.dma_semaphore, #tpu.memory_space<semaphore_mem>>) src(%arg10 : memref<128x16xf32, #tpu.memory_space<vmem>>) dst(%dma_wait3A_1110 : memref<10112x16xf32, #tpu.memory_space<vmem_shared>>)
      } else {
      }
      %add3A_925 = arith.constant 8 : i32
      %add3A_926 = arith.addi %add3A_901, %add3A_925 : i32
      %lt3A_927 = arith.constant 78 : i32
      %lt3A_928 = arith.cmpi slt, %add3A_926, %lt3A_927 : i32
      %convert_element_type3A_929 = arith.extui %lt3A_928 : i1 to i32
      %cond3A_930 = arith.constant 0 : i32
      %cond3A_931 = arith.cmpi ne, %convert_element_type3A_929, %cond3A_930 : i32
      scf.if %cond3A_931 {
        %add3A_1105 = arith.constant 8 : i32
        %add3A_1106 = arith.addi %add3A_901, %add3A_1105 : i32
        %mul3A_1107 = arith.constant 128 : i32
        %mul3A_1108 = arith.muli %add3A_1106, %mul3A_1107 : i32
        %add3A_1109 = arith.addi %mul3A_2, %mul3A_1108 : i32
        %add3A_1110 = arith.constant 8 : i32
        %add3A_1111 = arith.addi %add3A_901, %add3A_1110 : i32
        %dma_start3A_1112 = arith.constant 1 : i32
        %dma_start3A_1113 = arith.constant 0 : i32
        %dma_start3A_1114 = tpu.memref_slice %arg9[%add3A_1111, %dma_start3A_1113] : memref<80x128xi32, #tpu.memory_space<vmem>> -> memref<1x128xi32, #tpu.memory_space<vmem>>
        %dma_start3A_1115 = tpu.memref_squeeze %dma_start3A_1114 : memref<1x128xi32, #tpu.memory_space<vmem>> -> memref<128xi32, #tpu.memory_space<vmem>>
        %dma_start3A_1116 = tpu.memref_slice %arg2[%dma_start3A_1112, %add3A_1109] : memref<2x320000xi32, #tpu.memory_space<hbm>> -> memref<1x128xi32, #tpu.memory_space<hbm>>
        %dma_start3A_1117 = tpu.memref_squeeze %dma_start3A_1116 : memref<1x128xi32, #tpu.memory_space<hbm>> -> memref<128xi32, #tpu.memory_space<hbm>>
        %dma_start3A_1118 = arith.constant 0 : i32
        %dma_start3A_1119 = tpu.memref_slice %arg9[%add3A_1111, %dma_start3A_1118] : memref<80x128xi32, #tpu.memory_space<vmem>> -> memref<1x128xi32, #tpu.memory_space<vmem>>
        %dma_start3A_1120 = tpu.memref_squeeze %dma_start3A_1119 : memref<1x128xi32, #tpu.memory_space<vmem>> -> memref<128xi32, #tpu.memory_space<vmem>>
        %dma_start3A_1121 = tpu.memref_slice %arg2[%dma_start3A_1112, %add3A_1109] : memref<2x320000xi32, #tpu.memory_space<hbm>> -> memref<1x128xi32, #tpu.memory_space<hbm>>
        %dma_start3A_1122 = tpu.memref_squeeze %dma_start3A_1121 : memref<1x128xi32, #tpu.memory_space<hbm>> -> memref<128xi32, #tpu.memory_space<hbm>>
        tpu.enqueue_dma source(%dma_start3A_1122 : memref<128xi32, #tpu.memory_space<hbm>>) target(%dma_start3A_1120 : memref<128xi32, #tpu.memory_space<vmem>>) target_semaphore(%arg19 : memref<!tpu.dma_semaphore, #tpu.memory_space<semaphore_mem>>)
      } else {
      }
      %mul3A_932 = arith.constant 128 : i32
      %mul3A_933 = arith.muli %add3A_901, %mul3A_932 : i32
      %add3A_934 = arith.addi %mul3A_2, %mul3A_933 : i32
      %dma_start3A_935 = arith.constant 0 : i32
      %dma_start3A_936 = arith.constant 0 : i32
      %dma_start3A_937 = tpu.memref_slice %arg8[%add3A_901, %dma_start3A_936] : memref<80x128xi32, #tpu.memory_space<vmem>> -> memref<1x128xi32, #tpu.memory_space<vmem>>
      %dma_start3A_938 = tpu.memref_squeeze %dma_start3A_937 : memref<1x128xi32, #tpu.memory_space<vmem>> -> memref<128xi32, #tpu.memory_space<vmem>>
      %dma_start3A_939 = tpu.memref_slice %arg2[%dma_start3A_935, %add3A_934] : memref<2x320000xi32, #tpu.memory_space<hbm>> -> memref<1x128xi32, #tpu.memory_space<hbm>>
      %dma_start3A_940 = tpu.memref_squeeze %dma_start3A_939 : memref<1x128xi32, #tpu.memory_space<hbm>> -> memref<128xi32, #tpu.memory_space<hbm>>
      %dma_start3A_941 = arith.constant 0 : i32
      %dma_start3A_942 = tpu.memref_slice %arg8[%add3A_901, %dma_start3A_941] : memref<80x128xi32, #tpu.memory_space<vmem>> -> memref<1x128xi32, #tpu.memory_space<vmem>>
      %dma_start3A_943 = tpu.memref_squeeze %dma_start3A_942 : memref<1x128xi32, #tpu.memory_space<vmem>> -> memref<128xi32, #tpu.memory_space<vmem>>
      %dma_start3A_944 = tpu.memref_slice %arg2[%dma_start3A_935, %add3A_934] : memref<2x320000xi32, #tpu.memory_space<hbm>> -> memref<1x128xi32, #tpu.memory_space<hbm>>
      %dma_start3A_945 = tpu.memref_squeeze %dma_start3A_944 : memref<1x128xi32, #tpu.memory_space<hbm>> -> memref<128xi32, #tpu.memory_space<hbm>>
      tpu.enqueue_dma source(%dma_start3A_945 : memref<128xi32, #tpu.memory_space<hbm>>) target(%dma_start3A_943 : memref<128xi32, #tpu.memory_space<vmem>>) target_semaphore(%arg12 : memref<!tpu.dma_semaphore, #tpu.memory_space<semaphore_mem>>)
      %ge3A_946 = arith.constant 8 : i32
      %ge3A_947 = arith.cmpi sge, %add3A_901, %ge3A_946 : i32
      %convert_element_type3A_948 = arith.extui %ge3A_947 : i1 to i32
      %cond3A_949 = arith.constant 0 : i32
      %cond3A_950 = arith.cmpi ne, %convert_element_type3A_948, %cond3A_949 : i32
      scf.if %cond3A_950 {
        %dma_wait3A_1105 = arith.constant 0 : i32
        %dma_wait3A_1106 = arith.constant 0 : i32
        %dma_wait3A_1107 = arith.constant 0 : i32
        %dma_wait3A_1108 = tpu.memref_slice %arg8[%dma_wait3A_1106, %dma_wait3A_1107] : memref<80x128xi32, #tpu.memory_space<vmem>> -> memref<1x128xi32, #tpu.memory_space<vmem>>
        %dma_wait3A_1109 = tpu.memref_squeeze %dma_wait3A_1108 : memref<1x128xi32, #tpu.memory_space<vmem>> -> memref<128xi32, #tpu.memory_space<vmem>>
        %dma_wait3A_1110 = tpu.memref_slice %arg2[%dma_wait3A_1105, %mul3A_2] : memref<2x320000xi32, #tpu.memory_space<hbm>> -> memref<1x128xi32, #tpu.memory_space<hbm>>
        %dma_wait3A_1111 = tpu.memref_squeeze %dma_wait3A_1110 : memref<1x128xi32, #tpu.memory_space<hbm>> -> memref<128xi32, #tpu.memory_space<hbm>>
        %dma_wait3A_1112 = arith.constant 0 : i32
        %dma_wait3A_1113 = tpu.memref_slice %arg8[%dma_wait3A_1106, %dma_wait3A_1112] : memref<80x128xi32, #tpu.memory_space<vmem>> -> memref<1x128xi32, #tpu.memory_space<vmem>>
        %dma_wait3A_1114 = tpu.memref_squeeze %dma_wait3A_1113 : memref<1x128xi32, #tpu.memory_space<vmem>> -> memref<128xi32, #tpu.memory_space<vmem>>
        %dma_wait3A_1115 = tpu.memref_slice %arg2[%dma_wait3A_1105, %mul3A_2] : memref<2x320000xi32, #tpu.memory_space<hbm>> -> memref<1x128xi32, #tpu.memory_space<hbm>>
        %dma_wait3A_1116 = tpu.memref_squeeze %dma_wait3A_1115 : memref<1x128xi32, #tpu.memory_space<hbm>> -> memref<128xi32, #tpu.memory_space<hbm>>
        tpu.wait_dma2 semaphore(%arg12 : memref<!tpu.dma_semaphore, #tpu.memory_space<semaphore_mem>>) src(%dma_wait3A_1116 : memref<128xi32, #tpu.memory_space<hbm>>) dst(%dma_wait3A_1114 : memref<128xi32, #tpu.memory_space<vmem>>)
      } else {
      }
      %add3A_951 = arith.constant 5 : i32
      %add3A_952 = arith.addi %mul3A_699, %add3A_951 : i32
      %dma_wait3A_953 = arith.constant 1 : i32
      %dma_wait3A_954 = arith.constant 5 : i32
      %dma_wait3A_955 = arith.constant 0 : i32
      %dma_wait3A_956 = tpu.memref_slice %arg9[%dma_wait3A_954, %dma_wait3A_955] : memref<80x128xi32, #tpu.memory_space<vmem>> -> memref<1x128xi32, #tpu.memory_space<vmem>>
      %dma_wait3A_957 = tpu.memref_squeeze %dma_wait3A_956 : memref<1x128xi32, #tpu.memory_space<vmem>> -> memref<128xi32, #tpu.memory_space<vmem>>
      %dma_wait3A_958 = tpu.memref_slice %arg2[%dma_wait3A_953, %mul3A_2] : memref<2x320000xi32, #tpu.memory_space<hbm>> -> memref<1x128xi32, #tpu.memory_space<hbm>>
      %dma_wait3A_959 = tpu.memref_squeeze %dma_wait3A_958 : memref<1x128xi32, #tpu.memory_space<hbm>> -> memref<128xi32, #tpu.memory_space<hbm>>
      %dma_wait3A_960 = arith.constant 0 : i32
      %dma_wait3A_961 = tpu.memref_slice %arg9[%dma_wait3A_954, %dma_wait3A_960] : memref<80x128xi32, #tpu.memory_space<vmem>> -> memref<1x128xi32, #tpu.memory_space<vmem>>
      %dma_wait3A_962 = tpu.memref_squeeze %dma_wait3A_961 : memref<1x128xi32, #tpu.memory_space<vmem>> -> memref<128xi32, #tpu.memory_space<vmem>>
      %dma_wait3A_963 = tpu.memref_slice %arg2[%dma_wait3A_953, %mul3A_2] : memref<2x320000xi32, #tpu.memory_space<hbm>> -> memref<1x128xi32, #tpu.memory_space<hbm>>
      %dma_wait3A_964 = tpu.memref_squeeze %dma_wait3A_963 : memref<1x128xi32, #tpu.memory_space<hbm>> -> memref<128xi32, #tpu.memory_space<hbm>>
      tpu.wait_dma2 semaphore(%arg20 : memref<!tpu.dma_semaphore, #tpu.memory_space<semaphore_mem>>) src(%dma_wait3A_964 : memref<128xi32, #tpu.memory_space<hbm>>) dst(%dma_wait3A_962 : memref<128xi32, #tpu.memory_space<vmem>>)
      %dma_start3A_965 = arith.constant 0 : i32
      %dma_start3A_966 = tpu.memref_slice %arg9[%add3A_952, %dma_start3A_965] : memref<80x128xi32, #tpu.memory_space<vmem>> -> memref<1x128xi32, #tpu.memory_space<vmem>>
      %dma_start3A_967 = tpu.memref_squeeze %dma_start3A_966 : memref<1x128xi32, #tpu.memory_space<vmem>> -> memref<128xi32, #tpu.memory_space<vmem>>
      %dma_start3A_968 = arith.constant 0 : i32
      %dma_start3A_969 = arith.constant 0 : i32
      %dma_start3A_970 = tpu.memref_slice %arg11[%dma_start3A_968, %dma_start3A_969] : memref<10112x16xf32, #tpu.memory_space<vmem_shared>> -> memref<10112x16xf32, #tpu.memory_space<vmem_shared>>
      tpu.enqueue_indirect_dma source(%arg10 : memref<128x16xf32, #tpu.memory_space<vmem>>) target(%dma_start3A_970 : memref<10112x16xf32, #tpu.memory_space<vmem_shared>>) offsets(%dma_start3A_967 : memref<128xi32, #tpu.memory_space<vmem>>) semaphore(%arg14 : memref<!tpu.dma_semaphore, #tpu.memory_space<semaphore_mem>>) {add = true}
      %ge3A_971 = arith.constant 8 : i32
      %ge3A_972 = arith.cmpi sge, %add3A_952, %ge3A_971 : i32
      %convert_element_type3A_973 = arith.extui %ge3A_972 : i1 to i32
      %cond3A_974 = arith.constant 0 : i32
      %cond3A_975 = arith.cmpi ne, %convert_element_type3A_973, %cond3A_974 : i32
      scf.if %cond3A_975 {
        %dma_wait3A_1105 = arith.constant 0 : i32
        %dma_wait3A_1106 = tpu.memref_slice %arg9[%add3A_952, %dma_wait3A_1105] : memref<80x128xi32, #tpu.memory_space<vmem>> -> memref<1x128xi32, #tpu.memory_space<vmem>>
        %dma_wait3A_1107 = tpu.memref_squeeze %dma_wait3A_1106 : memref<1x128xi32, #tpu.memory_space<vmem>> -> memref<128xi32, #tpu.memory_space<vmem>>
        %dma_wait3A_1108 = arith.constant 0 : i32
        %dma_wait3A_1109 = arith.constant 0 : i32
        %dma_wait3A_1110 = tpu.memref_slice %arg11[%dma_wait3A_1108, %dma_wait3A_1109] : memref<10112x16xf32, #tpu.memory_space<vmem_shared>> -> memref<10112x16xf32, #tpu.memory_space<vmem_shared>>
        tpu.wait_indirect_dma semaphore(%arg14 : memref<!tpu.dma_semaphore, #tpu.memory_space<semaphore_mem>>) src(%arg10 : memref<128x16xf32, #tpu.memory_space<vmem>>) dst(%dma_wait3A_1110 : memref<10112x16xf32, #tpu.memory_space<vmem_shared>>)
      } else {
      }
      %add3A_976 = arith.constant 8 : i32
      %add3A_977 = arith.addi %add3A_952, %add3A_976 : i32
      %lt3A_978 = arith.constant 78 : i32
      %lt3A_979 = arith.cmpi slt, %add3A_977, %lt3A_978 : i32
      %convert_element_type3A_980 = arith.extui %lt3A_979 : i1 to i32
      %cond3A_981 = arith.constant 0 : i32
      %cond3A_982 = arith.cmpi ne, %convert_element_type3A_980, %cond3A_981 : i32
      scf.if %cond3A_982 {
        %add3A_1105 = arith.constant 8 : i32
        %add3A_1106 = arith.addi %add3A_952, %add3A_1105 : i32
        %mul3A_1107 = arith.constant 128 : i32
        %mul3A_1108 = arith.muli %add3A_1106, %mul3A_1107 : i32
        %add3A_1109 = arith.addi %mul3A_2, %mul3A_1108 : i32
        %add3A_1110 = arith.constant 8 : i32
        %add3A_1111 = arith.addi %add3A_952, %add3A_1110 : i32
        %dma_start3A_1112 = arith.constant 1 : i32
        %dma_start3A_1113 = arith.constant 0 : i32
        %dma_start3A_1114 = tpu.memref_slice %arg9[%add3A_1111, %dma_start3A_1113] : memref<80x128xi32, #tpu.memory_space<vmem>> -> memref<1x128xi32, #tpu.memory_space<vmem>>
        %dma_start3A_1115 = tpu.memref_squeeze %dma_start3A_1114 : memref<1x128xi32, #tpu.memory_space<vmem>> -> memref<128xi32, #tpu.memory_space<vmem>>
        %dma_start3A_1116 = tpu.memref_slice %arg2[%dma_start3A_1112, %add3A_1109] : memref<2x320000xi32, #tpu.memory_space<hbm>> -> memref<1x128xi32, #tpu.memory_space<hbm>>
        %dma_start3A_1117 = tpu.memref_squeeze %dma_start3A_1116 : memref<1x128xi32, #tpu.memory_space<hbm>> -> memref<128xi32, #tpu.memory_space<hbm>>
        %dma_start3A_1118 = arith.constant 0 : i32
        %dma_start3A_1119 = tpu.memref_slice %arg9[%add3A_1111, %dma_start3A_1118] : memref<80x128xi32, #tpu.memory_space<vmem>> -> memref<1x128xi32, #tpu.memory_space<vmem>>
        %dma_start3A_1120 = tpu.memref_squeeze %dma_start3A_1119 : memref<1x128xi32, #tpu.memory_space<vmem>> -> memref<128xi32, #tpu.memory_space<vmem>>
        %dma_start3A_1121 = tpu.memref_slice %arg2[%dma_start3A_1112, %add3A_1109] : memref<2x320000xi32, #tpu.memory_space<hbm>> -> memref<1x128xi32, #tpu.memory_space<hbm>>
        %dma_start3A_1122 = tpu.memref_squeeze %dma_start3A_1121 : memref<1x128xi32, #tpu.memory_space<hbm>> -> memref<128xi32, #tpu.memory_space<hbm>>
        tpu.enqueue_dma source(%dma_start3A_1122 : memref<128xi32, #tpu.memory_space<hbm>>) target(%dma_start3A_1120 : memref<128xi32, #tpu.memory_space<vmem>>) target_semaphore(%arg20 : memref<!tpu.dma_semaphore, #tpu.memory_space<semaphore_mem>>)
      } else {
      }
      %mul3A_983 = arith.constant 128 : i32
      %mul3A_984 = arith.muli %add3A_952, %mul3A_983 : i32
      %add3A_985 = arith.addi %mul3A_2, %mul3A_984 : i32
      %dma_start3A_986 = arith.constant 0 : i32
      %dma_start3A_987 = arith.constant 0 : i32
      %dma_start3A_988 = tpu.memref_slice %arg8[%add3A_952, %dma_start3A_987] : memref<80x128xi32, #tpu.memory_space<vmem>> -> memref<1x128xi32, #tpu.memory_space<vmem>>
      %dma_start3A_989 = tpu.memref_squeeze %dma_start3A_988 : memref<1x128xi32, #tpu.memory_space<vmem>> -> memref<128xi32, #tpu.memory_space<vmem>>
      %dma_start3A_990 = tpu.memref_slice %arg2[%dma_start3A_986, %add3A_985] : memref<2x320000xi32, #tpu.memory_space<hbm>> -> memref<1x128xi32, #tpu.memory_space<hbm>>
      %dma_start3A_991 = tpu.memref_squeeze %dma_start3A_990 : memref<1x128xi32, #tpu.memory_space<hbm>> -> memref<128xi32, #tpu.memory_space<hbm>>
      %dma_start3A_992 = arith.constant 0 : i32
      %dma_start3A_993 = tpu.memref_slice %arg8[%add3A_952, %dma_start3A_992] : memref<80x128xi32, #tpu.memory_space<vmem>> -> memref<1x128xi32, #tpu.memory_space<vmem>>
      %dma_start3A_994 = tpu.memref_squeeze %dma_start3A_993 : memref<1x128xi32, #tpu.memory_space<vmem>> -> memref<128xi32, #tpu.memory_space<vmem>>
      %dma_start3A_995 = tpu.memref_slice %arg2[%dma_start3A_986, %add3A_985] : memref<2x320000xi32, #tpu.memory_space<hbm>> -> memref<1x128xi32, #tpu.memory_space<hbm>>
      %dma_start3A_996 = tpu.memref_squeeze %dma_start3A_995 : memref<1x128xi32, #tpu.memory_space<hbm>> -> memref<128xi32, #tpu.memory_space<hbm>>
      tpu.enqueue_dma source(%dma_start3A_996 : memref<128xi32, #tpu.memory_space<hbm>>) target(%dma_start3A_994 : memref<128xi32, #tpu.memory_space<vmem>>) target_semaphore(%arg12 : memref<!tpu.dma_semaphore, #tpu.memory_space<semaphore_mem>>)
      %ge3A_997 = arith.constant 8 : i32
      %ge3A_998 = arith.cmpi sge, %add3A_952, %ge3A_997 : i32
      %convert_element_type3A_999 = arith.extui %ge3A_998 : i1 to i32
      %cond3A_1000 = arith.constant 0 : i32
      %cond3A_1001 = arith.cmpi ne, %convert_element_type3A_999, %cond3A_1000 : i32
      scf.if %cond3A_1001 {
        %dma_wait3A_1105 = arith.constant 0 : i32
        %dma_wait3A_1106 = arith.constant 0 : i32
        %dma_wait3A_1107 = arith.constant 0 : i32
        %dma_wait3A_1108 = tpu.memref_slice %arg8[%dma_wait3A_1106, %dma_wait3A_1107] : memref<80x128xi32, #tpu.memory_space<vmem>> -> memref<1x128xi32, #tpu.memory_space<vmem>>
        %dma_wait3A_1109 = tpu.memref_squeeze %dma_wait3A_1108 : memref<1x128xi32, #tpu.memory_space<vmem>> -> memref<128xi32, #tpu.memory_space<vmem>>
        %dma_wait3A_1110 = tpu.memref_slice %arg2[%dma_wait3A_1105, %mul3A_2] : memref<2x320000xi32, #tpu.memory_space<hbm>> -> memref<1x128xi32, #tpu.memory_space<hbm>>
        %dma_wait3A_1111 = tpu.memref_squeeze %dma_wait3A_1110 : memref<1x128xi32, #tpu.memory_space<hbm>> -> memref<128xi32, #tpu.memory_space<hbm>>
        %dma_wait3A_1112 = arith.constant 0 : i32
        %dma_wait3A_1113 = tpu.memref_slice %arg8[%dma_wait3A_1106, %dma_wait3A_1112] : memref<80x128xi32, #tpu.memory_space<vmem>> -> memref<1x128xi32, #tpu.memory_space<vmem>>
        %dma_wait3A_1114 = tpu.memref_squeeze %dma_wait3A_1113 : memref<1x128xi32, #tpu.memory_space<vmem>> -> memref<128xi32, #tpu.memory_space<vmem>>
        %dma_wait3A_1115 = tpu.memref_slice %arg2[%dma_wait3A_1105, %mul3A_2] : memref<2x320000xi32, #tpu.memory_space<hbm>> -> memref<1x128xi32, #tpu.memory_space<hbm>>
        %dma_wait3A_1116 = tpu.memref_squeeze %dma_wait3A_1115 : memref<1x128xi32, #tpu.memory_space<hbm>> -> memref<128xi32, #tpu.memory_space<hbm>>
        tpu.wait_dma2 semaphore(%arg12 : memref<!tpu.dma_semaphore, #tpu.memory_space<semaphore_mem>>) src(%dma_wait3A_1116 : memref<128xi32, #tpu.memory_space<hbm>>) dst(%dma_wait3A_1114 : memref<128xi32, #tpu.memory_space<vmem>>)
      } else {
      }
      %add3A_1002 = arith.constant 6 : i32
      %add3A_1003 = arith.addi %mul3A_699, %add3A_1002 : i32
      %dma_wait3A_1004 = arith.constant 1 : i32
      %dma_wait3A_1005 = arith.constant 6 : i32
      %dma_wait3A_1006 = arith.constant 0 : i32
      %dma_wait3A_1007 = tpu.memref_slice %arg9[%dma_wait3A_1005, %dma_wait3A_1006] : memref<80x128xi32, #tpu.memory_space<vmem>> -> memref<1x128xi32, #tpu.memory_space<vmem>>
      %dma_wait3A_1008 = tpu.memref_squeeze %dma_wait3A_1007 : memref<1x128xi32, #tpu.memory_space<vmem>> -> memref<128xi32, #tpu.memory_space<vmem>>
      %dma_wait3A_1009 = tpu.memref_slice %arg2[%dma_wait3A_1004, %mul3A_2] : memref<2x320000xi32, #tpu.memory_space<hbm>> -> memref<1x128xi32, #tpu.memory_space<hbm>>
      %dma_wait3A_1010 = tpu.memref_squeeze %dma_wait3A_1009 : memref<1x128xi32, #tpu.memory_space<hbm>> -> memref<128xi32, #tpu.memory_space<hbm>>
      %dma_wait3A_1011 = arith.constant 0 : i32
      %dma_wait3A_1012 = tpu.memref_slice %arg9[%dma_wait3A_1005, %dma_wait3A_1011] : memref<80x128xi32, #tpu.memory_space<vmem>> -> memref<1x128xi32, #tpu.memory_space<vmem>>
      %dma_wait3A_1013 = tpu.memref_squeeze %dma_wait3A_1012 : memref<1x128xi32, #tpu.memory_space<vmem>> -> memref<128xi32, #tpu.memory_space<vmem>>
      %dma_wait3A_1014 = tpu.memref_slice %arg2[%dma_wait3A_1004, %mul3A_2] : memref<2x320000xi32, #tpu.memory_space<hbm>> -> memref<1x128xi32, #tpu.memory_space<hbm>>
      %dma_wait3A_1015 = tpu.memref_squeeze %dma_wait3A_1014 : memref<1x128xi32, #tpu.memory_space<hbm>> -> memref<128xi32, #tpu.memory_space<hbm>>
      tpu.wait_dma2 semaphore(%arg21 : memref<!tpu.dma_semaphore, #tpu.memory_space<semaphore_mem>>) src(%dma_wait3A_1015 : memref<128xi32, #tpu.memory_space<hbm>>) dst(%dma_wait3A_1013 : memref<128xi32, #tpu.memory_space<vmem>>)
      %dma_start3A_1016 = arith.constant 0 : i32
      %dma_start3A_1017 = tpu.memref_slice %arg9[%add3A_1003, %dma_start3A_1016] : memref<80x128xi32, #tpu.memory_space<vmem>> -> memref<1x128xi32, #tpu.memory_space<vmem>>
      %dma_start3A_1018 = tpu.memref_squeeze %dma_start3A_1017 : memref<1x128xi32, #tpu.memory_space<vmem>> -> memref<128xi32, #tpu.memory_space<vmem>>
      %dma_start3A_1019 = arith.constant 0 : i32
      %dma_start3A_1020 = arith.constant 0 : i32
      %dma_start3A_1021 = tpu.memref_slice %arg11[%dma_start3A_1019, %dma_start3A_1020] : memref<10112x16xf32, #tpu.memory_space<vmem_shared>> -> memref<10112x16xf32, #tpu.memory_space<vmem_shared>>
      tpu.enqueue_indirect_dma source(%arg10 : memref<128x16xf32, #tpu.memory_space<vmem>>) target(%dma_start3A_1021 : memref<10112x16xf32, #tpu.memory_space<vmem_shared>>) offsets(%dma_start3A_1018 : memref<128xi32, #tpu.memory_space<vmem>>) semaphore(%arg14 : memref<!tpu.dma_semaphore, #tpu.memory_space<semaphore_mem>>) {add = true}
      %ge3A_1022 = arith.constant 8 : i32
      %ge3A_1023 = arith.cmpi sge, %add3A_1003, %ge3A_1022 : i32
      %convert_element_type3A_1024 = arith.extui %ge3A_1023 : i1 to i32
      %cond3A_1025 = arith.constant 0 : i32
      %cond3A_1026 = arith.cmpi ne, %convert_element_type3A_1024, %cond3A_1025 : i32
      scf.if %cond3A_1026 {
        %dma_wait3A_1105 = arith.constant 0 : i32
        %dma_wait3A_1106 = tpu.memref_slice %arg9[%add3A_1003, %dma_wait3A_1105] : memref<80x128xi32, #tpu.memory_space<vmem>> -> memref<1x128xi32, #tpu.memory_space<vmem>>
        %dma_wait3A_1107 = tpu.memref_squeeze %dma_wait3A_1106 : memref<1x128xi32, #tpu.memory_space<vmem>> -> memref<128xi32, #tpu.memory_space<vmem>>
        %dma_wait3A_1108 = arith.constant 0 : i32
        %dma_wait3A_1109 = arith.constant 0 : i32
        %dma_wait3A_1110 = tpu.memref_slice %arg11[%dma_wait3A_1108, %dma_wait3A_1109] : memref<10112x16xf32, #tpu.memory_space<vmem_shared>> -> memref<10112x16xf32, #tpu.memory_space<vmem_shared>>
        tpu.wait_indirect_dma semaphore(%arg14 : memref<!tpu.dma_semaphore, #tpu.memory_space<semaphore_mem>>) src(%arg10 : memref<128x16xf32, #tpu.memory_space<vmem>>) dst(%dma_wait3A_1110 : memref<10112x16xf32, #tpu.memory_space<vmem_shared>>)
      } else {
      }
      %add3A_1027 = arith.constant 8 : i32
      %add3A_1028 = arith.addi %add3A_1003, %add3A_1027 : i32
      %lt3A_1029 = arith.constant 78 : i32
      %lt3A_1030 = arith.cmpi slt, %add3A_1028, %lt3A_1029 : i32
      %convert_element_type3A_1031 = arith.extui %lt3A_1030 : i1 to i32
      %cond3A_1032 = arith.constant 0 : i32
      %cond3A_1033 = arith.cmpi ne, %convert_element_type3A_1031, %cond3A_1032 : i32
      scf.if %cond3A_1033 {
        %add3A_1105 = arith.constant 8 : i32
        %add3A_1106 = arith.addi %add3A_1003, %add3A_1105 : i32
        %mul3A_1107 = arith.constant 128 : i32
        %mul3A_1108 = arith.muli %add3A_1106, %mul3A_1107 : i32
        %add3A_1109 = arith.addi %mul3A_2, %mul3A_1108 : i32
        %add3A_1110 = arith.constant 8 : i32
        %add3A_1111 = arith.addi %add3A_1003, %add3A_1110 : i32
        %dma_start3A_1112 = arith.constant 1 : i32
        %dma_start3A_1113 = arith.constant 0 : i32
        %dma_start3A_1114 = tpu.memref_slice %arg9[%add3A_1111, %dma_start3A_1113] : memref<80x128xi32, #tpu.memory_space<vmem>> -> memref<1x128xi32, #tpu.memory_space<vmem>>
        %dma_start3A_1115 = tpu.memref_squeeze %dma_start3A_1114 : memref<1x128xi32, #tpu.memory_space<vmem>> -> memref<128xi32, #tpu.memory_space<vmem>>
        %dma_start3A_1116 = tpu.memref_slice %arg2[%dma_start3A_1112, %add3A_1109] : memref<2x320000xi32, #tpu.memory_space<hbm>> -> memref<1x128xi32, #tpu.memory_space<hbm>>
        %dma_start3A_1117 = tpu.memref_squeeze %dma_start3A_1116 : memref<1x128xi32, #tpu.memory_space<hbm>> -> memref<128xi32, #tpu.memory_space<hbm>>
        %dma_start3A_1118 = arith.constant 0 : i32
        %dma_start3A_1119 = tpu.memref_slice %arg9[%add3A_1111, %dma_start3A_1118] : memref<80x128xi32, #tpu.memory_space<vmem>> -> memref<1x128xi32, #tpu.memory_space<vmem>>
        %dma_start3A_1120 = tpu.memref_squeeze %dma_start3A_1119 : memref<1x128xi32, #tpu.memory_space<vmem>> -> memref<128xi32, #tpu.memory_space<vmem>>
        %dma_start3A_1121 = tpu.memref_slice %arg2[%dma_start3A_1112, %add3A_1109] : memref<2x320000xi32, #tpu.memory_space<hbm>> -> memref<1x128xi32, #tpu.memory_space<hbm>>
        %dma_start3A_1122 = tpu.memref_squeeze %dma_start3A_1121 : memref<1x128xi32, #tpu.memory_space<hbm>> -> memref<128xi32, #tpu.memory_space<hbm>>
        tpu.enqueue_dma source(%dma_start3A_1122 : memref<128xi32, #tpu.memory_space<hbm>>) target(%dma_start3A_1120 : memref<128xi32, #tpu.memory_space<vmem>>) target_semaphore(%arg21 : memref<!tpu.dma_semaphore, #tpu.memory_space<semaphore_mem>>)
      } else {
      }
      %mul3A_1034 = arith.constant 128 : i32
      %mul3A_1035 = arith.muli %add3A_1003, %mul3A_1034 : i32
      %add3A_1036 = arith.addi %mul3A_2, %mul3A_1035 : i32
      %dma_start3A_1037 = arith.constant 0 : i32
      %dma_start3A_1038 = arith.constant 0 : i32
      %dma_start3A_1039 = tpu.memref_slice %arg8[%add3A_1003, %dma_start3A_1038] : memref<80x128xi32, #tpu.memory_space<vmem>> -> memref<1x128xi32, #tpu.memory_space<vmem>>
      %dma_start3A_1040 = tpu.memref_squeeze %dma_start3A_1039 : memref<1x128xi32, #tpu.memory_space<vmem>> -> memref<128xi32, #tpu.memory_space<vmem>>
      %dma_start3A_1041 = tpu.memref_slice %arg2[%dma_start3A_1037, %add3A_1036] : memref<2x320000xi32, #tpu.memory_space<hbm>> -> memref<1x128xi32, #tpu.memory_space<hbm>>
      %dma_start3A_1042 = tpu.memref_squeeze %dma_start3A_1041 : memref<1x128xi32, #tpu.memory_space<hbm>> -> memref<128xi32, #tpu.memory_space<hbm>>
      %dma_start3A_1043 = arith.constant 0 : i32
      %dma_start3A_1044 = tpu.memref_slice %arg8[%add3A_1003, %dma_start3A_1043] : memref<80x128xi32, #tpu.memory_space<vmem>> -> memref<1x128xi32, #tpu.memory_space<vmem>>
      %dma_start3A_1045 = tpu.memref_squeeze %dma_start3A_1044 : memref<1x128xi32, #tpu.memory_space<vmem>> -> memref<128xi32, #tpu.memory_space<vmem>>
      %dma_start3A_1046 = tpu.memref_slice %arg2[%dma_start3A_1037, %add3A_1036] : memref<2x320000xi32, #tpu.memory_space<hbm>> -> memref<1x128xi32, #tpu.memory_space<hbm>>
      %dma_start3A_1047 = tpu.memref_squeeze %dma_start3A_1046 : memref<1x128xi32, #tpu.memory_space<hbm>> -> memref<128xi32, #tpu.memory_space<hbm>>
      tpu.enqueue_dma source(%dma_start3A_1047 : memref<128xi32, #tpu.memory_space<hbm>>) target(%dma_start3A_1045 : memref<128xi32, #tpu.memory_space<vmem>>) target_semaphore(%arg12 : memref<!tpu.dma_semaphore, #tpu.memory_space<semaphore_mem>>)
      %ge3A_1048 = arith.constant 8 : i32
      %ge3A_1049 = arith.cmpi sge, %add3A_1003, %ge3A_1048 : i32
      %convert_element_type3A_1050 = arith.extui %ge3A_1049 : i1 to i32
      %cond3A_1051 = arith.constant 0 : i32
      %cond3A_1052 = arith.cmpi ne, %convert_element_type3A_1050, %cond3A_1051 : i32
      scf.if %cond3A_1052 {
        %dma_wait3A_1105 = arith.constant 0 : i32
        %dma_wait3A_1106 = arith.constant 0 : i32
        %dma_wait3A_1107 = arith.constant 0 : i32
        %dma_wait3A_1108 = tpu.memref_slice %arg8[%dma_wait3A_1106, %dma_wait3A_1107] : memref<80x128xi32, #tpu.memory_space<vmem>> -> memref<1x128xi32, #tpu.memory_space<vmem>>
        %dma_wait3A_1109 = tpu.memref_squeeze %dma_wait3A_1108 : memref<1x128xi32, #tpu.memory_space<vmem>> -> memref<128xi32, #tpu.memory_space<vmem>>
        %dma_wait3A_1110 = tpu.memref_slice %arg2[%dma_wait3A_1105, %mul3A_2] : memref<2x320000xi32, #tpu.memory_space<hbm>> -> memref<1x128xi32, #tpu.memory_space<hbm>>
        %dma_wait3A_1111 = tpu.memref_squeeze %dma_wait3A_1110 : memref<1x128xi32, #tpu.memory_space<hbm>> -> memref<128xi32, #tpu.memory_space<hbm>>
        %dma_wait3A_1112 = arith.constant 0 : i32
        %dma_wait3A_1113 = tpu.memref_slice %arg8[%dma_wait3A_1106, %dma_wait3A_1112] : memref<80x128xi32, #tpu.memory_space<vmem>> -> memref<1x128xi32, #tpu.memory_space<vmem>>
        %dma_wait3A_1114 = tpu.memref_squeeze %dma_wait3A_1113 : memref<1x128xi32, #tpu.memory_space<vmem>> -> memref<128xi32, #tpu.memory_space<vmem>>
        %dma_wait3A_1115 = tpu.memref_slice %arg2[%dma_wait3A_1105, %mul3A_2] : memref<2x320000xi32, #tpu.memory_space<hbm>> -> memref<1x128xi32, #tpu.memory_space<hbm>>
        %dma_wait3A_1116 = tpu.memref_squeeze %dma_wait3A_1115 : memref<1x128xi32, #tpu.memory_space<hbm>> -> memref<128xi32, #tpu.memory_space<hbm>>
        tpu.wait_dma2 semaphore(%arg12 : memref<!tpu.dma_semaphore, #tpu.memory_space<semaphore_mem>>) src(%dma_wait3A_1116 : memref<128xi32, #tpu.memory_space<hbm>>) dst(%dma_wait3A_1114 : memref<128xi32, #tpu.memory_space<vmem>>)
      } else {
      }
      %add3A_1053 = arith.constant 7 : i32
      %add3A_1054 = arith.addi %mul3A_699, %add3A_1053 : i32
      %dma_wait3A_1055 = arith.constant 1 : i32
      %dma_wait3A_1056 = arith.constant 7 : i32
      %dma_wait3A_1057 = arith.constant 0 : i32
      %dma_wait3A_1058 = tpu.memref_slice %arg9[%dma_wait3A_1056, %dma_wait3A_1057] : memref<80x128xi32, #tpu.memory_space<vmem>> -> memref<1x128xi32, #tpu.memory_space<vmem>>
      %dma_wait3A_1059 = tpu.memref_squeeze %dma_wait3A_1058 : memref<1x128xi32, #tpu.memory_space<vmem>> -> memref<128xi32, #tpu.memory_space<vmem>>
      %dma_wait3A_1060 = tpu.memref_slice %arg2[%dma_wait3A_1055, %mul3A_2] : memref<2x320000xi32, #tpu.memory_space<hbm>> -> memref<1x128xi32, #tpu.memory_space<hbm>>
      %dma_wait3A_1061 = tpu.memref_squeeze %dma_wait3A_1060 : memref<1x128xi32, #tpu.memory_space<hbm>> -> memref<128xi32, #tpu.memory_space<hbm>>
      %dma_wait3A_1062 = arith.constant 0 : i32
      %dma_wait3A_1063 = tpu.memref_slice %arg9[%dma_wait3A_1056, %dma_wait3A_1062] : memref<80x128xi32, #tpu.memory_space<vmem>> -> memref<1x128xi32, #tpu.memory_space<vmem>>
      %dma_wait3A_1064 = tpu.memref_squeeze %dma_wait3A_1063 : memref<1x128xi32, #tpu.memory_space<vmem>> -> memref<128xi32, #tpu.memory_space<vmem>>
      %dma_wait3A_1065 = tpu.memref_slice %arg2[%dma_wait3A_1055, %mul3A_2] : memref<2x320000xi32, #tpu.memory_space<hbm>> -> memref<1x128xi32, #tpu.memory_space<hbm>>
      %dma_wait3A_1066 = tpu.memref_squeeze %dma_wait3A_1065 : memref<1x128xi32, #tpu.memory_space<hbm>> -> memref<128xi32, #tpu.memory_space<hbm>>
      tpu.wait_dma2 semaphore(%arg22 : memref<!tpu.dma_semaphore, #tpu.memory_space<semaphore_mem>>) src(%dma_wait3A_1066 : memref<128xi32, #tpu.memory_space<hbm>>) dst(%dma_wait3A_1064 : memref<128xi32, #tpu.memory_space<vmem>>)
      %dma_start3A_1067 = arith.constant 0 : i32
      %dma_start3A_1068 = tpu.memref_slice %arg9[%add3A_1054, %dma_start3A_1067] : memref<80x128xi32, #tpu.memory_space<vmem>> -> memref<1x128xi32, #tpu.memory_space<vmem>>
      %dma_start3A_1069 = tpu.memref_squeeze %dma_start3A_1068 : memref<1x128xi32, #tpu.memory_space<vmem>> -> memref<128xi32, #tpu.memory_space<vmem>>
      %dma_start3A_1070 = arith.constant 0 : i32
      %dma_start3A_1071 = arith.constant 0 : i32
      %dma_start3A_1072 = tpu.memref_slice %arg11[%dma_start3A_1070, %dma_start3A_1071] : memref<10112x16xf32, #tpu.memory_space<vmem_shared>> -> memref<10112x16xf32, #tpu.memory_space<vmem_shared>>
      tpu.enqueue_indirect_dma source(%arg10 : memref<128x16xf32, #tpu.memory_space<vmem>>) target(%dma_start3A_1072 : memref<10112x16xf32, #tpu.memory_space<vmem_shared>>) offsets(%dma_start3A_1069 : memref<128xi32, #tpu.memory_space<vmem>>) semaphore(%arg14 : memref<!tpu.dma_semaphore, #tpu.memory_space<semaphore_mem>>) {add = true}
      %ge3A_1073 = arith.constant 8 : i32
      %ge3A_1074 = arith.cmpi sge, %add3A_1054, %ge3A_1073 : i32
      %convert_element_type3A_1075 = arith.extui %ge3A_1074 : i1 to i32
      %cond3A_1076 = arith.constant 0 : i32
      %cond3A_1077 = arith.cmpi ne, %convert_element_type3A_1075, %cond3A_1076 : i32
      scf.if %cond3A_1077 {
        %dma_wait3A_1105 = arith.constant 0 : i32
        %dma_wait3A_1106 = tpu.memref_slice %arg9[%add3A_1054, %dma_wait3A_1105] : memref<80x128xi32, #tpu.memory_space<vmem>> -> memref<1x128xi32, #tpu.memory_space<vmem>>
        %dma_wait3A_1107 = tpu.memref_squeeze %dma_wait3A_1106 : memref<1x128xi32, #tpu.memory_space<vmem>> -> memref<128xi32, #tpu.memory_space<vmem>>
        %dma_wait3A_1108 = arith.constant 0 : i32
        %dma_wait3A_1109 = arith.constant 0 : i32
        %dma_wait3A_1110 = tpu.memref_slice %arg11[%dma_wait3A_1108, %dma_wait3A_1109] : memref<10112x16xf32, #tpu.memory_space<vmem_shared>> -> memref<10112x16xf32, #tpu.memory_space<vmem_shared>>
        tpu.wait_indirect_dma semaphore(%arg14 : memref<!tpu.dma_semaphore, #tpu.memory_space<semaphore_mem>>) src(%arg10 : memref<128x16xf32, #tpu.memory_space<vmem>>) dst(%dma_wait3A_1110 : memref<10112x16xf32, #tpu.memory_space<vmem_shared>>)
      } else {
      }
      %add3A_1078 = arith.constant 8 : i32
      %add3A_1079 = arith.addi %add3A_1054, %add3A_1078 : i32
      %lt3A_1080 = arith.constant 78 : i32
      %lt3A_1081 = arith.cmpi slt, %add3A_1079, %lt3A_1080 : i32
      %convert_element_type3A_1082 = arith.extui %lt3A_1081 : i1 to i32
      %cond3A_1083 = arith.constant 0 : i32
      %cond3A_1084 = arith.cmpi ne, %convert_element_type3A_1082, %cond3A_1083 : i32
      scf.if %cond3A_1084 {
        %add3A_1105 = arith.constant 8 : i32
        %add3A_1106 = arith.addi %add3A_1054, %add3A_1105 : i32
        %mul3A_1107 = arith.constant 128 : i32
        %mul3A_1108 = arith.muli %add3A_1106, %mul3A_1107 : i32
        %add3A_1109 = arith.addi %mul3A_2, %mul3A_1108 : i32
        %add3A_1110 = arith.constant 8 : i32
        %add3A_1111 = arith.addi %add3A_1054, %add3A_1110 : i32
        %dma_start3A_1112 = arith.constant 1 : i32
        %dma_start3A_1113 = arith.constant 0 : i32
        %dma_start3A_1114 = tpu.memref_slice %arg9[%add3A_1111, %dma_start3A_1113] : memref<80x128xi32, #tpu.memory_space<vmem>> -> memref<1x128xi32, #tpu.memory_space<vmem>>
        %dma_start3A_1115 = tpu.memref_squeeze %dma_start3A_1114 : memref<1x128xi32, #tpu.memory_space<vmem>> -> memref<128xi32, #tpu.memory_space<vmem>>
        %dma_start3A_1116 = tpu.memref_slice %arg2[%dma_start3A_1112, %add3A_1109] : memref<2x320000xi32, #tpu.memory_space<hbm>> -> memref<1x128xi32, #tpu.memory_space<hbm>>
        %dma_start3A_1117 = tpu.memref_squeeze %dma_start3A_1116 : memref<1x128xi32, #tpu.memory_space<hbm>> -> memref<128xi32, #tpu.memory_space<hbm>>
        %dma_start3A_1118 = arith.constant 0 : i32
        %dma_start3A_1119 = tpu.memref_slice %arg9[%add3A_1111, %dma_start3A_1118] : memref<80x128xi32, #tpu.memory_space<vmem>> -> memref<1x128xi32, #tpu.memory_space<vmem>>
        %dma_start3A_1120 = tpu.memref_squeeze %dma_start3A_1119 : memref<1x128xi32, #tpu.memory_space<vmem>> -> memref<128xi32, #tpu.memory_space<vmem>>
        %dma_start3A_1121 = tpu.memref_slice %arg2[%dma_start3A_1112, %add3A_1109] : memref<2x320000xi32, #tpu.memory_space<hbm>> -> memref<1x128xi32, #tpu.memory_space<hbm>>
        %dma_start3A_1122 = tpu.memref_squeeze %dma_start3A_1121 : memref<1x128xi32, #tpu.memory_space<hbm>> -> memref<128xi32, #tpu.memory_space<hbm>>
        tpu.enqueue_dma source(%dma_start3A_1122 : memref<128xi32, #tpu.memory_space<hbm>>) target(%dma_start3A_1120 : memref<128xi32, #tpu.memory_space<vmem>>) target_semaphore(%arg22 : memref<!tpu.dma_semaphore, #tpu.memory_space<semaphore_mem>>)
      } else {
      }
      %mul3A_1085 = arith.constant 128 : i32
      %mul3A_1086 = arith.muli %add3A_1054, %mul3A_1085 : i32
      %add3A_1087 = arith.addi %mul3A_2, %mul3A_1086 : i32
      %dma_start3A_1088 = arith.constant 0 : i32
      %dma_start3A_1089 = arith.constant 0 : i32
      %dma_start3A_1090 = tpu.memref_slice %arg8[%add3A_1054, %dma_start3A_1089] : memref<80x128xi32, #tpu.memory_space<vmem>> -> memref<1x128xi32, #tpu.memory_space<vmem>>
      %dma_start3A_1091 = tpu.memref_squeeze %dma_start3A_1090 : memref<1x128xi32, #tpu.memory_space<vmem>> -> memref<128xi32, #tpu.memory_space<vmem>>
      %dma_start3A_1092 = tpu.memref_slice %arg2[%dma_start3A_1088, %add3A_1087] : memref<2x320000xi32, #tpu.memory_space<hbm>> -> memref<1x128xi32, #tpu.memory_space<hbm>>
      %dma_start3A_1093 = tpu.memref_squeeze %dma_start3A_1092 : memref<1x128xi32, #tpu.memory_space<hbm>> -> memref<128xi32, #tpu.memory_space<hbm>>
      %dma_start3A_1094 = arith.constant 0 : i32
      %dma_start3A_1095 = tpu.memref_slice %arg8[%add3A_1054, %dma_start3A_1094] : memref<80x128xi32, #tpu.memory_space<vmem>> -> memref<1x128xi32, #tpu.memory_space<vmem>>
      %dma_start3A_1096 = tpu.memref_squeeze %dma_start3A_1095 : memref<1x128xi32, #tpu.memory_space<vmem>> -> memref<128xi32, #tpu.memory_space<vmem>>
      %dma_start3A_1097 = tpu.memref_slice %arg2[%dma_start3A_1088, %add3A_1087] : memref<2x320000xi32, #tpu.memory_space<hbm>> -> memref<1x128xi32, #tpu.memory_space<hbm>>
      %dma_start3A_1098 = tpu.memref_squeeze %dma_start3A_1097 : memref<1x128xi32, #tpu.memory_space<hbm>> -> memref<128xi32, #tpu.memory_space<hbm>>
      tpu.enqueue_dma source(%dma_start3A_1098 : memref<128xi32, #tpu.memory_space<hbm>>) target(%dma_start3A_1096 : memref<128xi32, #tpu.memory_space<vmem>>) target_semaphore(%arg12 : memref<!tpu.dma_semaphore, #tpu.memory_space<semaphore_mem>>)
      %ge3A_1099 = arith.constant 8 : i32
      %ge3A_1100 = arith.cmpi sge, %add3A_1054, %ge3A_1099 : i32
      %convert_element_type3A_1101 = arith.extui %ge3A_1100 : i1 to i32
      %cond3A_1102 = arith.constant 0 : i32
      %cond3A_1103 = arith.cmpi ne, %convert_element_type3A_1101, %cond3A_1102 : i32
      scf.if %cond3A_1103 {
        %dma_wait3A_1105 = arith.constant 0 : i32
        %dma_wait3A_1106 = arith.constant 0 : i32
        %dma_wait3A_1107 = arith.constant 0 : i32
        %dma_wait3A_1108 = tpu.memref_slice %arg8[%dma_wait3A_1106, %dma_wait3A_1107] : memref<80x128xi32, #tpu.memory_space<vmem>> -> memref<1x128xi32, #tpu.memory_space<vmem>>
        %dma_wait3A_1109 = tpu.memref_squeeze %dma_wait3A_1108 : memref<1x128xi32, #tpu.memory_space<vmem>> -> memref<128xi32, #tpu.memory_space<vmem>>
        %dma_wait3A_1110 = tpu.memref_slice %arg2[%dma_wait3A_1105, %mul3A_2] : memref<2x320000xi32, #tpu.memory_space<hbm>> -> memref<1x128xi32, #tpu.memory_space<hbm>>
        %dma_wait3A_1111 = tpu.memref_squeeze %dma_wait3A_1110 : memref<1x128xi32, #tpu.memory_space<hbm>> -> memref<128xi32, #tpu.memory_space<hbm>>
        %dma_wait3A_1112 = arith.constant 0 : i32
        %dma_wait3A_1113 = tpu.memref_slice %arg8[%dma_wait3A_1106, %dma_wait3A_1112] : memref<80x128xi32, #tpu.memory_space<vmem>> -> memref<1x128xi32, #tpu.memory_space<vmem>>
        %dma_wait3A_1114 = tpu.memref_squeeze %dma_wait3A_1113 : memref<1x128xi32, #tpu.memory_space<vmem>> -> memref<128xi32, #tpu.memory_space<vmem>>
        %dma_wait3A_1115 = tpu.memref_slice %arg2[%dma_wait3A_1105, %mul3A_2] : memref<2x320000xi32, #tpu.memory_space<hbm>> -> memref<1x128xi32, #tpu.memory_space<hbm>>
        %dma_wait3A_1116 = tpu.memref_squeeze %dma_wait3A_1115 : memref<1x128xi32, #tpu.memory_space<hbm>> -> memref<128xi32, #tpu.memory_space<hbm>>
        tpu.wait_dma2 semaphore(%arg12 : memref<!tpu.dma_semaphore, #tpu.memory_space<semaphore_mem>>) src(%dma_wait3A_1116 : memref<128xi32, #tpu.memory_space<hbm>>) dst(%dma_wait3A_1114 : memref<128xi32, #tpu.memory_space<vmem>>)
      } else {
      }
      %scan3A_1104 = arith.constant 0 : i32
      scf.yield %scan3A_1104 : i32
    }
    %scan3A_319 = arith.constant 9 : i32
    %dma_wait3A = arith.constant 1 : i32
    %dma_wait3A_320 = arith.constant 0 : i32
    %dma_wait3A_321 = arith.constant 0 : i32
    %dma_wait3A_322 = tpu.memref_slice %arg9[%dma_wait3A_320, %dma_wait3A_321] : memref<80x128xi32, #tpu.memory_space<vmem>> -> memref<1x128xi32, #tpu.memory_space<vmem>>
    %dma_wait3A_323 = tpu.memref_squeeze %dma_wait3A_322 : memref<1x128xi32, #tpu.memory_space<vmem>> -> memref<128xi32, #tpu.memory_space<vmem>>
    %dma_wait3A_324 = tpu.memref_slice %arg2[%dma_wait3A, %mul3A_2] : memref<2x320000xi32, #tpu.memory_space<hbm>> -> memref<1x128xi32, #tpu.memory_space<hbm>>
    %dma_wait3A_325 = tpu.memref_squeeze %dma_wait3A_324 : memref<1x128xi32, #tpu.memory_space<hbm>> -> memref<128xi32, #tpu.memory_space<hbm>>
    %dma_wait3A_326 = arith.constant 0 : i32
    %dma_wait3A_327 = tpu.memref_slice %arg9[%dma_wait3A_320, %dma_wait3A_326] : memref<80x128xi32, #tpu.memory_space<vmem>> -> memref<1x128xi32, #tpu.memory_space<vmem>>
    %dma_wait3A_328 = tpu.memref_squeeze %dma_wait3A_327 : memref<1x128xi32, #tpu.memory_space<vmem>> -> memref<128xi32, #tpu.memory_space<vmem>>
    %dma_wait3A_329 = tpu.memref_slice %arg2[%dma_wait3A, %mul3A_2] : memref<2x320000xi32, #tpu.memory_space<hbm>> -> memref<1x128xi32, #tpu.memory_space<hbm>>
    %dma_wait3A_330 = tpu.memref_squeeze %dma_wait3A_329 : memref<1x128xi32, #tpu.memory_space<hbm>> -> memref<128xi32, #tpu.memory_space<hbm>>
    tpu.wait_dma2 semaphore(%arg15 : memref<!tpu.dma_semaphore, #tpu.memory_space<semaphore_mem>>) src(%dma_wait3A_330 : memref<128xi32, #tpu.memory_space<hbm>>) dst(%dma_wait3A_328 : memref<128xi32, #tpu.memory_space<vmem>>)
    %dma_start3A_331 = arith.constant 72 : i32
    %dma_start3A_332 = arith.constant 0 : i32
    %dma_start3A_333 = tpu.memref_slice %arg9[%dma_start3A_331, %dma_start3A_332] : memref<80x128xi32, #tpu.memory_space<vmem>> -> memref<1x128xi32, #tpu.memory_space<vmem>>
    %dma_start3A_334 = tpu.memref_squeeze %dma_start3A_333 : memref<1x128xi32, #tpu.memory_space<vmem>> -> memref<128xi32, #tpu.memory_space<vmem>>
    %dma_start3A_335 = arith.constant 0 : i32
    %dma_start3A_336 = arith.constant 0 : i32
    %dma_start3A_337 = tpu.memref_slice %arg11[%dma_start3A_335, %dma_start3A_336] : memref<10112x16xf32, #tpu.memory_space<vmem_shared>> -> memref<10112x16xf32, #tpu.memory_space<vmem_shared>>
    tpu.enqueue_indirect_dma source(%arg10 : memref<128x16xf32, #tpu.memory_space<vmem>>) target(%dma_start3A_337 : memref<10112x16xf32, #tpu.memory_space<vmem_shared>>) offsets(%dma_start3A_334 : memref<128xi32, #tpu.memory_space<vmem>>) semaphore(%arg14 : memref<!tpu.dma_semaphore, #tpu.memory_space<semaphore_mem>>) {add = true}
    %dma_wait3A_338 = arith.constant 72 : i32
    %dma_wait3A_339 = arith.constant 0 : i32
    %dma_wait3A_340 = tpu.memref_slice %arg9[%dma_wait3A_338, %dma_wait3A_339] : memref<80x128xi32, #tpu.memory_space<vmem>> -> memref<1x128xi32, #tpu.memory_space<vmem>>
    %dma_wait3A_341 = tpu.memref_squeeze %dma_wait3A_340 : memref<1x128xi32, #tpu.memory_space<vmem>> -> memref<128xi32, #tpu.memory_space<vmem>>
    %dma_wait3A_342 = arith.constant 0 : i32
    %dma_wait3A_343 = arith.constant 0 : i32
    %dma_wait3A_344 = tpu.memref_slice %arg11[%dma_wait3A_342, %dma_wait3A_343] : memref<10112x16xf32, #tpu.memory_space<vmem_shared>> -> memref<10112x16xf32, #tpu.memory_space<vmem_shared>>
    tpu.wait_indirect_dma semaphore(%arg14 : memref<!tpu.dma_semaphore, #tpu.memory_space<semaphore_mem>>) src(%arg10 : memref<128x16xf32, #tpu.memory_space<vmem>>) dst(%dma_wait3A_344 : memref<10112x16xf32, #tpu.memory_space<vmem_shared>>)
    %add3A_345 = arith.constant 9216 : i32
    %add3A_346 = arith.addi %mul3A_2, %add3A_345 : i32
    %dma_start3A_347 = arith.constant 0 : i32
    %dma_start3A_348 = arith.constant 72 : i32
    %dma_start3A_349 = arith.constant 0 : i32
    %dma_start3A_350 = tpu.memref_slice %arg8[%dma_start3A_348, %dma_start3A_349] : memref<80x128xi32, #tpu.memory_space<vmem>> -> memref<1x128xi32, #tpu.memory_space<vmem>>
    %dma_start3A_351 = tpu.memref_squeeze %dma_start3A_350 : memref<1x128xi32, #tpu.memory_space<vmem>> -> memref<128xi32, #tpu.memory_space<vmem>>
    %dma_start3A_352 = tpu.memref_slice %arg2[%dma_start3A_347, %add3A_346] : memref<2x320000xi32, #tpu.memory_space<hbm>> -> memref<1x128xi32, #tpu.memory_space<hbm>>
    %dma_start3A_353 = tpu.memref_squeeze %dma_start3A_352 : memref<1x128xi32, #tpu.memory_space<hbm>> -> memref<128xi32, #tpu.memory_space<hbm>>
    %dma_start3A_354 = arith.constant 0 : i32
    %dma_start3A_355 = tpu.memref_slice %arg8[%dma_start3A_348, %dma_start3A_354] : memref<80x128xi32, #tpu.memory_space<vmem>> -> memref<1x128xi32, #tpu.memory_space<vmem>>
    %dma_start3A_356 = tpu.memref_squeeze %dma_start3A_355 : memref<1x128xi32, #tpu.memory_space<vmem>> -> memref<128xi32, #tpu.memory_space<vmem>>
    %dma_start3A_357 = tpu.memref_slice %arg2[%dma_start3A_347, %add3A_346] : memref<2x320000xi32, #tpu.memory_space<hbm>> -> memref<1x128xi32, #tpu.memory_space<hbm>>
    %dma_start3A_358 = tpu.memref_squeeze %dma_start3A_357 : memref<1x128xi32, #tpu.memory_space<hbm>> -> memref<128xi32, #tpu.memory_space<hbm>>
    tpu.enqueue_dma source(%dma_start3A_358 : memref<128xi32, #tpu.memory_space<hbm>>) target(%dma_start3A_356 : memref<128xi32, #tpu.memory_space<vmem>>) target_semaphore(%arg12 : memref<!tpu.dma_semaphore, #tpu.memory_space<semaphore_mem>>)
    %dma_wait3A_359 = arith.constant 0 : i32
    %dma_wait3A_360 = arith.constant 0 : i32
    %dma_wait3A_361 = arith.constant 0 : i32
    %dma_wait3A_362 = tpu.memref_slice %arg8[%dma_wait3A_360, %dma_wait3A_361] : memref<80x128xi32, #tpu.memory_space<vmem>> -> memref<1x128xi32, #tpu.memory_space<vmem>>
    %dma_wait3A_363 = tpu.memref_squeeze %dma_wait3A_362 : memref<1x128xi32, #tpu.memory_space<vmem>> -> memref<128xi32, #tpu.memory_space<vmem>>
    %dma_wait3A_364 = tpu.memref_slice %arg2[%dma_wait3A_359, %mul3A_2] : memref<2x320000xi32, #tpu.memory_space<hbm>> -> memref<1x128xi32, #tpu.memory_space<hbm>>
    %dma_wait3A_365 = tpu.memref_squeeze %dma_wait3A_364 : memref<1x128xi32, #tpu.memory_space<hbm>> -> memref<128xi32, #tpu.memory_space<hbm>>
    %dma_wait3A_366 = arith.constant 0 : i32
    %dma_wait3A_367 = tpu.memref_slice %arg8[%dma_wait3A_360, %dma_wait3A_366] : memref<80x128xi32, #tpu.memory_space<vmem>> -> memref<1x128xi32, #tpu.memory_space<vmem>>
    %dma_wait3A_368 = tpu.memref_squeeze %dma_wait3A_367 : memref<1x128xi32, #tpu.memory_space<vmem>> -> memref<128xi32, #tpu.memory_space<vmem>>
    %dma_wait3A_369 = tpu.memref_slice %arg2[%dma_wait3A_359, %mul3A_2] : memref<2x320000xi32, #tpu.memory_space<hbm>> -> memref<1x128xi32, #tpu.memory_space<hbm>>
    %dma_wait3A_370 = tpu.memref_squeeze %dma_wait3A_369 : memref<1x128xi32, #tpu.memory_space<hbm>> -> memref<128xi32, #tpu.memory_space<hbm>>
    tpu.wait_dma2 semaphore(%arg12 : memref<!tpu.dma_semaphore, #tpu.memory_space<semaphore_mem>>) src(%dma_wait3A_370 : memref<128xi32, #tpu.memory_space<hbm>>) dst(%dma_wait3A_368 : memref<128xi32, #tpu.memory_space<vmem>>)
    %dma_wait3A_371 = arith.constant 1 : i32
    %dma_wait3A_372 = arith.constant 1 : i32
    %dma_wait3A_373 = arith.constant 0 : i32
    %dma_wait3A_374 = tpu.memref_slice %arg9[%dma_wait3A_372, %dma_wait3A_373] : memref<80x128xi32, #tpu.memory_space<vmem>> -> memref<1x128xi32, #tpu.memory_space<vmem>>
    %dma_wait3A_375 = tpu.memref_squeeze %dma_wait3A_374 : memref<1x128xi32, #tpu.memory_space<vmem>> -> memref<128xi32, #tpu.memory_space<vmem>>
    %dma_wait3A_376 = tpu.memref_slice %arg2[%dma_wait3A_371, %mul3A_2] : memref<2x320000xi32, #tpu.memory_space<hbm>> -> memref<1x128xi32, #tpu.memory_space<hbm>>
    %dma_wait3A_377 = tpu.memref_squeeze %dma_wait3A_376 : memref<1x128xi32, #tpu.memory_space<hbm>> -> memref<128xi32, #tpu.memory_space<hbm>>
    %dma_wait3A_378 = arith.constant 0 : i32
    %dma_wait3A_379 = tpu.memref_slice %arg9[%dma_wait3A_372, %dma_wait3A_378] : memref<80x128xi32, #tpu.memory_space<vmem>> -> memref<1x128xi32, #tpu.memory_space<vmem>>
    %dma_wait3A_380 = tpu.memref_squeeze %dma_wait3A_379 : memref<1x128xi32, #tpu.memory_space<vmem>> -> memref<128xi32, #tpu.memory_space<vmem>>
    %dma_wait3A_381 = tpu.memref_slice %arg2[%dma_wait3A_371, %mul3A_2] : memref<2x320000xi32, #tpu.memory_space<hbm>> -> memref<1x128xi32, #tpu.memory_space<hbm>>
    %dma_wait3A_382 = tpu.memref_squeeze %dma_wait3A_381 : memref<1x128xi32, #tpu.memory_space<hbm>> -> memref<128xi32, #tpu.memory_space<hbm>>
    tpu.wait_dma2 semaphore(%arg16 : memref<!tpu.dma_semaphore, #tpu.memory_space<semaphore_mem>>) src(%dma_wait3A_382 : memref<128xi32, #tpu.memory_space<hbm>>) dst(%dma_wait3A_380 : memref<128xi32, #tpu.memory_space<vmem>>)
    %dma_start3A_383 = arith.constant 73 : i32
    %dma_start3A_384 = arith.constant 0 : i32
    %dma_start3A_385 = tpu.memref_slice %arg9[%dma_start3A_383, %dma_start3A_384] : memref<80x128xi32, #tpu.memory_space<vmem>> -> memref<1x128xi32, #tpu.memory_space<vmem>>
    %dma_start3A_386 = tpu.memref_squeeze %dma_start3A_385 : memref<1x128xi32, #tpu.memory_space<vmem>> -> memref<128xi32, #tpu.memory_space<vmem>>
    %dma_start3A_387 = arith.constant 0 : i32
    %dma_start3A_388 = arith.constant 0 : i32
    %dma_start3A_389 = tpu.memref_slice %arg11[%dma_start3A_387, %dma_start3A_388] : memref<10112x16xf32, #tpu.memory_space<vmem_shared>> -> memref<10112x16xf32, #tpu.memory_space<vmem_shared>>
    tpu.enqueue_indirect_dma source(%arg10 : memref<128x16xf32, #tpu.memory_space<vmem>>) target(%dma_start3A_389 : memref<10112x16xf32, #tpu.memory_space<vmem_shared>>) offsets(%dma_start3A_386 : memref<128xi32, #tpu.memory_space<vmem>>) semaphore(%arg14 : memref<!tpu.dma_semaphore, #tpu.memory_space<semaphore_mem>>) {add = true}
    %dma_wait3A_390 = arith.constant 73 : i32
    %dma_wait3A_391 = arith.constant 0 : i32
    %dma_wait3A_392 = tpu.memref_slice %arg9[%dma_wait3A_390, %dma_wait3A_391] : memref<80x128xi32, #tpu.memory_space<vmem>> -> memref<1x128xi32, #tpu.memory_space<vmem>>
    %dma_wait3A_393 = tpu.memref_squeeze %dma_wait3A_392 : memref<1x128xi32, #tpu.memory_space<vmem>> -> memref<128xi32, #tpu.memory_space<vmem>>
    %dma_wait3A_394 = arith.constant 0 : i32
    %dma_wait3A_395 = arith.constant 0 : i32
    %dma_wait3A_396 = tpu.memref_slice %arg11[%dma_wait3A_394, %dma_wait3A_395] : memref<10112x16xf32, #tpu.memory_space<vmem_shared>> -> memref<10112x16xf32, #tpu.memory_space<vmem_shared>>
    tpu.wait_indirect_dma semaphore(%arg14 : memref<!tpu.dma_semaphore, #tpu.memory_space<semaphore_mem>>) src(%arg10 : memref<128x16xf32, #tpu.memory_space<vmem>>) dst(%dma_wait3A_396 : memref<10112x16xf32, #tpu.memory_space<vmem_shared>>)
    %add3A_397 = arith.constant 9344 : i32
    %add3A_398 = arith.addi %mul3A_2, %add3A_397 : i32
    %dma_start3A_399 = arith.constant 0 : i32
    %dma_start3A_400 = arith.constant 73 : i32
    %dma_start3A_401 = arith.constant 0 : i32
    %dma_start3A_402 = tpu.memref_slice %arg8[%dma_start3A_400, %dma_start3A_401] : memref<80x128xi32, #tpu.memory_space<vmem>> -> memref<1x128xi32, #tpu.memory_space<vmem>>
    %dma_start3A_403 = tpu.memref_squeeze %dma_start3A_402 : memref<1x128xi32, #tpu.memory_space<vmem>> -> memref<128xi32, #tpu.memory_space<vmem>>
    %dma_start3A_404 = tpu.memref_slice %arg2[%dma_start3A_399, %add3A_398] : memref<2x320000xi32, #tpu.memory_space<hbm>> -> memref<1x128xi32, #tpu.memory_space<hbm>>
    %dma_start3A_405 = tpu.memref_squeeze %dma_start3A_404 : memref<1x128xi32, #tpu.memory_space<hbm>> -> memref<128xi32, #tpu.memory_space<hbm>>
    %dma_start3A_406 = arith.constant 0 : i32
    %dma_start3A_407 = tpu.memref_slice %arg8[%dma_start3A_400, %dma_start3A_406] : memref<80x128xi32, #tpu.memory_space<vmem>> -> memref<1x128xi32, #tpu.memory_space<vmem>>
    %dma_start3A_408 = tpu.memref_squeeze %dma_start3A_407 : memref<1x128xi32, #tpu.memory_space<vmem>> -> memref<128xi32, #tpu.memory_space<vmem>>
    %dma_start3A_409 = tpu.memref_slice %arg2[%dma_start3A_399, %add3A_398] : memref<2x320000xi32, #tpu.memory_space<hbm>> -> memref<1x128xi32, #tpu.memory_space<hbm>>
    %dma_start3A_410 = tpu.memref_squeeze %dma_start3A_409 : memref<1x128xi32, #tpu.memory_space<hbm>> -> memref<128xi32, #tpu.memory_space<hbm>>
    tpu.enqueue_dma source(%dma_start3A_410 : memref<128xi32, #tpu.memory_space<hbm>>) target(%dma_start3A_408 : memref<128xi32, #tpu.memory_space<vmem>>) target_semaphore(%arg12 : memref<!tpu.dma_semaphore, #tpu.memory_space<semaphore_mem>>)
    %dma_wait3A_411 = arith.constant 0 : i32
    %dma_wait3A_412 = arith.constant 0 : i32
    %dma_wait3A_413 = arith.constant 0 : i32
    %dma_wait3A_414 = tpu.memref_slice %arg8[%dma_wait3A_412, %dma_wait3A_413] : memref<80x128xi32, #tpu.memory_space<vmem>> -> memref<1x128xi32, #tpu.memory_space<vmem>>
    %dma_wait3A_415 = tpu.memref_squeeze %dma_wait3A_414 : memref<1x128xi32, #tpu.memory_space<vmem>> -> memref<128xi32, #tpu.memory_space<vmem>>
    %dma_wait3A_416 = tpu.memref_slice %arg2[%dma_wait3A_411, %mul3A_2] : memref<2x320000xi32, #tpu.memory_space<hbm>> -> memref<1x128xi32, #tpu.memory_space<hbm>>
    %dma_wait3A_417 = tpu.memref_squeeze %dma_wait3A_416 : memref<1x128xi32, #tpu.memory_space<hbm>> -> memref<128xi32, #tpu.memory_space<hbm>>
    %dma_wait3A_418 = arith.constant 0 : i32
    %dma_wait3A_419 = tpu.memref_slice %arg8[%dma_wait3A_412, %dma_wait3A_418] : memref<80x128xi32, #tpu.memory_space<vmem>> -> memref<1x128xi32, #tpu.memory_space<vmem>>
    %dma_wait3A_420 = tpu.memref_squeeze %dma_wait3A_419 : memref<1x128xi32, #tpu.memory_space<vmem>> -> memref<128xi32, #tpu.memory_space<vmem>>
    %dma_wait3A_421 = tpu.memref_slice %arg2[%dma_wait3A_411, %mul3A_2] : memref<2x320000xi32, #tpu.memory_space<hbm>> -> memref<1x128xi32, #tpu.memory_space<hbm>>
    %dma_wait3A_422 = tpu.memref_squeeze %dma_wait3A_421 : memref<1x128xi32, #tpu.memory_space<hbm>> -> memref<128xi32, #tpu.memory_space<hbm>>
    tpu.wait_dma2 semaphore(%arg12 : memref<!tpu.dma_semaphore, #tpu.memory_space<semaphore_mem>>) src(%dma_wait3A_422 : memref<128xi32, #tpu.memory_space<hbm>>) dst(%dma_wait3A_420 : memref<128xi32, #tpu.memory_space<vmem>>)
    %dma_wait3A_423 = arith.constant 1 : i32
    %dma_wait3A_424 = arith.constant 2 : i32
    %dma_wait3A_425 = arith.constant 0 : i32
    %dma_wait3A_426 = tpu.memref_slice %arg9[%dma_wait3A_424, %dma_wait3A_425] : memref<80x128xi32, #tpu.memory_space<vmem>> -> memref<1x128xi32, #tpu.memory_space<vmem>>
    %dma_wait3A_427 = tpu.memref_squeeze %dma_wait3A_426 : memref<1x128xi32, #tpu.memory_space<vmem>> -> memref<128xi32, #tpu.memory_space<vmem>>
    %dma_wait3A_428 = tpu.memref_slice %arg2[%dma_wait3A_423, %mul3A_2] : memref<2x320000xi32, #tpu.memory_space<hbm>> -> memref<1x128xi32, #tpu.memory_space<hbm>>
    %dma_wait3A_429 = tpu.memref_squeeze %dma_wait3A_428 : memref<1x128xi32, #tpu.memory_space<hbm>> -> memref<128xi32, #tpu.memory_space<hbm>>
    %dma_wait3A_430 = arith.constant 0 : i32
    %dma_wait3A_431 = tpu.memref_slice %arg9[%dma_wait3A_424, %dma_wait3A_430] : memref<80x128xi32, #tpu.memory_space<vmem>> -> memref<1x128xi32, #tpu.memory_space<vmem>>
    %dma_wait3A_432 = tpu.memref_squeeze %dma_wait3A_431 : memref<1x128xi32, #tpu.memory_space<vmem>> -> memref<128xi32, #tpu.memory_space<vmem>>
    %dma_wait3A_433 = tpu.memref_slice %arg2[%dma_wait3A_423, %mul3A_2] : memref<2x320000xi32, #tpu.memory_space<hbm>> -> memref<1x128xi32, #tpu.memory_space<hbm>>
    %dma_wait3A_434 = tpu.memref_squeeze %dma_wait3A_433 : memref<1x128xi32, #tpu.memory_space<hbm>> -> memref<128xi32, #tpu.memory_space<hbm>>
    tpu.wait_dma2 semaphore(%arg17 : memref<!tpu.dma_semaphore, #tpu.memory_space<semaphore_mem>>) src(%dma_wait3A_434 : memref<128xi32, #tpu.memory_space<hbm>>) dst(%dma_wait3A_432 : memref<128xi32, #tpu.memory_space<vmem>>)
    %dma_start3A_435 = arith.constant 74 : i32
    %dma_start3A_436 = arith.constant 0 : i32
    %dma_start3A_437 = tpu.memref_slice %arg9[%dma_start3A_435, %dma_start3A_436] : memref<80x128xi32, #tpu.memory_space<vmem>> -> memref<1x128xi32, #tpu.memory_space<vmem>>
    %dma_start3A_438 = tpu.memref_squeeze %dma_start3A_437 : memref<1x128xi32, #tpu.memory_space<vmem>> -> memref<128xi32, #tpu.memory_space<vmem>>
    %dma_start3A_439 = arith.constant 0 : i32
    %dma_start3A_440 = arith.constant 0 : i32
    %dma_start3A_441 = tpu.memref_slice %arg11[%dma_start3A_439, %dma_start3A_440] : memref<10112x16xf32, #tpu.memory_space<vmem_shared>> -> memref<10112x16xf32, #tpu.memory_space<vmem_shared>>
    tpu.enqueue_indirect_dma source(%arg10 : memref<128x16xf32, #tpu.memory_space<vmem>>) target(%dma_start3A_441 : memref<10112x16xf32, #tpu.memory_space<vmem_shared>>) offsets(%dma_start3A_438 : memref<128xi32, #tpu.memory_space<vmem>>) semaphore(%arg14 : memref<!tpu.dma_semaphore, #tpu.memory_space<semaphore_mem>>) {add = true}
    %dma_wait3A_442 = arith.constant 74 : i32
    %dma_wait3A_443 = arith.constant 0 : i32
    %dma_wait3A_444 = tpu.memref_slice %arg9[%dma_wait3A_442, %dma_wait3A_443] : memref<80x128xi32, #tpu.memory_space<vmem>> -> memref<1x128xi32, #tpu.memory_space<vmem>>
    %dma_wait3A_445 = tpu.memref_squeeze %dma_wait3A_444 : memref<1x128xi32, #tpu.memory_space<vmem>> -> memref<128xi32, #tpu.memory_space<vmem>>
    %dma_wait3A_446 = arith.constant 0 : i32
    %dma_wait3A_447 = arith.constant 0 : i32
    %dma_wait3A_448 = tpu.memref_slice %arg11[%dma_wait3A_446, %dma_wait3A_447] : memref<10112x16xf32, #tpu.memory_space<vmem_shared>> -> memref<10112x16xf32, #tpu.memory_space<vmem_shared>>
    tpu.wait_indirect_dma semaphore(%arg14 : memref<!tpu.dma_semaphore, #tpu.memory_space<semaphore_mem>>) src(%arg10 : memref<128x16xf32, #tpu.memory_space<vmem>>) dst(%dma_wait3A_448 : memref<10112x16xf32, #tpu.memory_space<vmem_shared>>)
    %add3A_449 = arith.constant 9472 : i32
    %add3A_450 = arith.addi %mul3A_2, %add3A_449 : i32
    %dma_start3A_451 = arith.constant 0 : i32
    %dma_start3A_452 = arith.constant 74 : i32
    %dma_start3A_453 = arith.constant 0 : i32
    %dma_start3A_454 = tpu.memref_slice %arg8[%dma_start3A_452, %dma_start3A_453] : memref<80x128xi32, #tpu.memory_space<vmem>> -> memref<1x128xi32, #tpu.memory_space<vmem>>
    %dma_start3A_455 = tpu.memref_squeeze %dma_start3A_454 : memref<1x128xi32, #tpu.memory_space<vmem>> -> memref<128xi32, #tpu.memory_space<vmem>>
    %dma_start3A_456 = tpu.memref_slice %arg2[%dma_start3A_451, %add3A_450] : memref<2x320000xi32, #tpu.memory_space<hbm>> -> memref<1x128xi32, #tpu.memory_space<hbm>>
    %dma_start3A_457 = tpu.memref_squeeze %dma_start3A_456 : memref<1x128xi32, #tpu.memory_space<hbm>> -> memref<128xi32, #tpu.memory_space<hbm>>
    %dma_start3A_458 = arith.constant 0 : i32
    %dma_start3A_459 = tpu.memref_slice %arg8[%dma_start3A_452, %dma_start3A_458] : memref<80x128xi32, #tpu.memory_space<vmem>> -> memref<1x128xi32, #tpu.memory_space<vmem>>
    %dma_start3A_460 = tpu.memref_squeeze %dma_start3A_459 : memref<1x128xi32, #tpu.memory_space<vmem>> -> memref<128xi32, #tpu.memory_space<vmem>>
    %dma_start3A_461 = tpu.memref_slice %arg2[%dma_start3A_451, %add3A_450] : memref<2x320000xi32, #tpu.memory_space<hbm>> -> memref<1x128xi32, #tpu.memory_space<hbm>>
    %dma_start3A_462 = tpu.memref_squeeze %dma_start3A_461 : memref<1x128xi32, #tpu.memory_space<hbm>> -> memref<128xi32, #tpu.memory_space<hbm>>
    tpu.enqueue_dma source(%dma_start3A_462 : memref<128xi32, #tpu.memory_space<hbm>>) target(%dma_start3A_460 : memref<128xi32, #tpu.memory_space<vmem>>) target_semaphore(%arg12 : memref<!tpu.dma_semaphore, #tpu.memory_space<semaphore_mem>>)
    %dma_wait3A_463 = arith.constant 0 : i32
    %dma_wait3A_464 = arith.constant 0 : i32
    %dma_wait3A_465 = arith.constant 0 : i32
    %dma_wait3A_466 = tpu.memref_slice %arg8[%dma_wait3A_464, %dma_wait3A_465] : memref<80x128xi32, #tpu.memory_space<vmem>> -> memref<1x128xi32, #tpu.memory_space<vmem>>
    %dma_wait3A_467 = tpu.memref_squeeze %dma_wait3A_466 : memref<1x128xi32, #tpu.memory_space<vmem>> -> memref<128xi32, #tpu.memory_space<vmem>>
    %dma_wait3A_468 = tpu.memref_slice %arg2[%dma_wait3A_463, %mul3A_2] : memref<2x320000xi32, #tpu.memory_space<hbm>> -> memref<1x128xi32, #tpu.memory_space<hbm>>
    %dma_wait3A_469 = tpu.memref_squeeze %dma_wait3A_468 : memref<1x128xi32, #tpu.memory_space<hbm>> -> memref<128xi32, #tpu.memory_space<hbm>>
    %dma_wait3A_470 = arith.constant 0 : i32
    %dma_wait3A_471 = tpu.memref_slice %arg8[%dma_wait3A_464, %dma_wait3A_470] : memref<80x128xi32, #tpu.memory_space<vmem>> -> memref<1x128xi32, #tpu.memory_space<vmem>>
    %dma_wait3A_472 = tpu.memref_squeeze %dma_wait3A_471 : memref<1x128xi32, #tpu.memory_space<vmem>> -> memref<128xi32, #tpu.memory_space<vmem>>
    %dma_wait3A_473 = tpu.memref_slice %arg2[%dma_wait3A_463, %mul3A_2] : memref<2x320000xi32, #tpu.memory_space<hbm>> -> memref<1x128xi32, #tpu.memory_space<hbm>>
    %dma_wait3A_474 = tpu.memref_squeeze %dma_wait3A_473 : memref<1x128xi32, #tpu.memory_space<hbm>> -> memref<128xi32, #tpu.memory_space<hbm>>
    tpu.wait_dma2 semaphore(%arg12 : memref<!tpu.dma_semaphore, #tpu.memory_space<semaphore_mem>>) src(%dma_wait3A_474 : memref<128xi32, #tpu.memory_space<hbm>>) dst(%dma_wait3A_472 : memref<128xi32, #tpu.memory_space<vmem>>)
    %dma_wait3A_475 = arith.constant 1 : i32
    %dma_wait3A_476 = arith.constant 3 : i32
    %dma_wait3A_477 = arith.constant 0 : i32
    %dma_wait3A_478 = tpu.memref_slice %arg9[%dma_wait3A_476, %dma_wait3A_477] : memref<80x128xi32, #tpu.memory_space<vmem>> -> memref<1x128xi32, #tpu.memory_space<vmem>>
    %dma_wait3A_479 = tpu.memref_squeeze %dma_wait3A_478 : memref<1x128xi32, #tpu.memory_space<vmem>> -> memref<128xi32, #tpu.memory_space<vmem>>
    %dma_wait3A_480 = tpu.memref_slice %arg2[%dma_wait3A_475, %mul3A_2] : memref<2x320000xi32, #tpu.memory_space<hbm>> -> memref<1x128xi32, #tpu.memory_space<hbm>>
    %dma_wait3A_481 = tpu.memref_squeeze %dma_wait3A_480 : memref<1x128xi32, #tpu.memory_space<hbm>> -> memref<128xi32, #tpu.memory_space<hbm>>
    %dma_wait3A_482 = arith.constant 0 : i32
    %dma_wait3A_483 = tpu.memref_slice %arg9[%dma_wait3A_476, %dma_wait3A_482] : memref<80x128xi32, #tpu.memory_space<vmem>> -> memref<1x128xi32, #tpu.memory_space<vmem>>
    %dma_wait3A_484 = tpu.memref_squeeze %dma_wait3A_483 : memref<1x128xi32, #tpu.memory_space<vmem>> -> memref<128xi32, #tpu.memory_space<vmem>>
    %dma_wait3A_485 = tpu.memref_slice %arg2[%dma_wait3A_475, %mul3A_2] : memref<2x320000xi32, #tpu.memory_space<hbm>> -> memref<1x128xi32, #tpu.memory_space<hbm>>
    %dma_wait3A_486 = tpu.memref_squeeze %dma_wait3A_485 : memref<1x128xi32, #tpu.memory_space<hbm>> -> memref<128xi32, #tpu.memory_space<hbm>>
    tpu.wait_dma2 semaphore(%arg18 : memref<!tpu.dma_semaphore, #tpu.memory_space<semaphore_mem>>) src(%dma_wait3A_486 : memref<128xi32, #tpu.memory_space<hbm>>) dst(%dma_wait3A_484 : memref<128xi32, #tpu.memory_space<vmem>>)
    %dma_start3A_487 = arith.constant 75 : i32
    %dma_start3A_488 = arith.constant 0 : i32
    %dma_start3A_489 = tpu.memref_slice %arg9[%dma_start3A_487, %dma_start3A_488] : memref<80x128xi32, #tpu.memory_space<vmem>> -> memref<1x128xi32, #tpu.memory_space<vmem>>
    %dma_start3A_490 = tpu.memref_squeeze %dma_start3A_489 : memref<1x128xi32, #tpu.memory_space<vmem>> -> memref<128xi32, #tpu.memory_space<vmem>>
    %dma_start3A_491 = arith.constant 0 : i32
    %dma_start3A_492 = arith.constant 0 : i32
    %dma_start3A_493 = tpu.memref_slice %arg11[%dma_start3A_491, %dma_start3A_492] : memref<10112x16xf32, #tpu.memory_space<vmem_shared>> -> memref<10112x16xf32, #tpu.memory_space<vmem_shared>>
    tpu.enqueue_indirect_dma source(%arg10 : memref<128x16xf32, #tpu.memory_space<vmem>>) target(%dma_start3A_493 : memref<10112x16xf32, #tpu.memory_space<vmem_shared>>) offsets(%dma_start3A_490 : memref<128xi32, #tpu.memory_space<vmem>>) semaphore(%arg14 : memref<!tpu.dma_semaphore, #tpu.memory_space<semaphore_mem>>) {add = true}
    %dma_wait3A_494 = arith.constant 75 : i32
    %dma_wait3A_495 = arith.constant 0 : i32
    %dma_wait3A_496 = tpu.memref_slice %arg9[%dma_wait3A_494, %dma_wait3A_495] : memref<80x128xi32, #tpu.memory_space<vmem>> -> memref<1x128xi32, #tpu.memory_space<vmem>>
    %dma_wait3A_497 = tpu.memref_squeeze %dma_wait3A_496 : memref<1x128xi32, #tpu.memory_space<vmem>> -> memref<128xi32, #tpu.memory_space<vmem>>
    %dma_wait3A_498 = arith.constant 0 : i32
    %dma_wait3A_499 = arith.constant 0 : i32
    %dma_wait3A_500 = tpu.memref_slice %arg11[%dma_wait3A_498, %dma_wait3A_499] : memref<10112x16xf32, #tpu.memory_space<vmem_shared>> -> memref<10112x16xf32, #tpu.memory_space<vmem_shared>>
    tpu.wait_indirect_dma semaphore(%arg14 : memref<!tpu.dma_semaphore, #tpu.memory_space<semaphore_mem>>) src(%arg10 : memref<128x16xf32, #tpu.memory_space<vmem>>) dst(%dma_wait3A_500 : memref<10112x16xf32, #tpu.memory_space<vmem_shared>>)
    %add3A_501 = arith.constant 9600 : i32
    %add3A_502 = arith.addi %mul3A_2, %add3A_501 : i32
    %dma_start3A_503 = arith.constant 0 : i32
    %dma_start3A_504 = arith.constant 75 : i32
    %dma_start3A_505 = arith.constant 0 : i32
    %dma_start3A_506 = tpu.memref_slice %arg8[%dma_start3A_504, %dma_start3A_505] : memref<80x128xi32, #tpu.memory_space<vmem>> -> memref<1x128xi32, #tpu.memory_space<vmem>>
    %dma_start3A_507 = tpu.memref_squeeze %dma_start3A_506 : memref<1x128xi32, #tpu.memory_space<vmem>> -> memref<128xi32, #tpu.memory_space<vmem>>
    %dma_start3A_508 = tpu.memref_slice %arg2[%dma_start3A_503, %add3A_502] : memref<2x320000xi32, #tpu.memory_space<hbm>> -> memref<1x128xi32, #tpu.memory_space<hbm>>
    %dma_start3A_509 = tpu.memref_squeeze %dma_start3A_508 : memref<1x128xi32, #tpu.memory_space<hbm>> -> memref<128xi32, #tpu.memory_space<hbm>>
    %dma_start3A_510 = arith.constant 0 : i32
    %dma_start3A_511 = tpu.memref_slice %arg8[%dma_start3A_504, %dma_start3A_510] : memref<80x128xi32, #tpu.memory_space<vmem>> -> memref<1x128xi32, #tpu.memory_space<vmem>>
    %dma_start3A_512 = tpu.memref_squeeze %dma_start3A_511 : memref<1x128xi32, #tpu.memory_space<vmem>> -> memref<128xi32, #tpu.memory_space<vmem>>
    %dma_start3A_513 = tpu.memref_slice %arg2[%dma_start3A_503, %add3A_502] : memref<2x320000xi32, #tpu.memory_space<hbm>> -> memref<1x128xi32, #tpu.memory_space<hbm>>
    %dma_start3A_514 = tpu.memref_squeeze %dma_start3A_513 : memref<1x128xi32, #tpu.memory_space<hbm>> -> memref<128xi32, #tpu.memory_space<hbm>>
    tpu.enqueue_dma source(%dma_start3A_514 : memref<128xi32, #tpu.memory_space<hbm>>) target(%dma_start3A_512 : memref<128xi32, #tpu.memory_space<vmem>>) target_semaphore(%arg12 : memref<!tpu.dma_semaphore, #tpu.memory_space<semaphore_mem>>)
    %dma_wait3A_515 = arith.constant 0 : i32
    %dma_wait3A_516 = arith.constant 0 : i32
    %dma_wait3A_517 = arith.constant 0 : i32
    %dma_wait3A_518 = tpu.memref_slice %arg8[%dma_wait3A_516, %dma_wait3A_517] : memref<80x128xi32, #tpu.memory_space<vmem>> -> memref<1x128xi32, #tpu.memory_space<vmem>>
    %dma_wait3A_519 = tpu.memref_squeeze %dma_wait3A_518 : memref<1x128xi32, #tpu.memory_space<vmem>> -> memref<128xi32, #tpu.memory_space<vmem>>
    %dma_wait3A_520 = tpu.memref_slice %arg2[%dma_wait3A_515, %mul3A_2] : memref<2x320000xi32, #tpu.memory_space<hbm>> -> memref<1x128xi32, #tpu.memory_space<hbm>>
    %dma_wait3A_521 = tpu.memref_squeeze %dma_wait3A_520 : memref<1x128xi32, #tpu.memory_space<hbm>> -> memref<128xi32, #tpu.memory_space<hbm>>
    %dma_wait3A_522 = arith.constant 0 : i32
    %dma_wait3A_523 = tpu.memref_slice %arg8[%dma_wait3A_516, %dma_wait3A_522] : memref<80x128xi32, #tpu.memory_space<vmem>> -> memref<1x128xi32, #tpu.memory_space<vmem>>
    %dma_wait3A_524 = tpu.memref_squeeze %dma_wait3A_523 : memref<1x128xi32, #tpu.memory_space<vmem>> -> memref<128xi32, #tpu.memory_space<vmem>>
    %dma_wait3A_525 = tpu.memref_slice %arg2[%dma_wait3A_515, %mul3A_2] : memref<2x320000xi32, #tpu.memory_space<hbm>> -> memref<1x128xi32, #tpu.memory_space<hbm>>
    %dma_wait3A_526 = tpu.memref_squeeze %dma_wait3A_525 : memref<1x128xi32, #tpu.memory_space<hbm>> -> memref<128xi32, #tpu.memory_space<hbm>>
    tpu.wait_dma2 semaphore(%arg12 : memref<!tpu.dma_semaphore, #tpu.memory_space<semaphore_mem>>) src(%dma_wait3A_526 : memref<128xi32, #tpu.memory_space<hbm>>) dst(%dma_wait3A_524 : memref<128xi32, #tpu.memory_space<vmem>>)
    %dma_wait3A_527 = arith.constant 1 : i32
    %dma_wait3A_528 = arith.constant 4 : i32
    %dma_wait3A_529 = arith.constant 0 : i32
    %dma_wait3A_530 = tpu.memref_slice %arg9[%dma_wait3A_528, %dma_wait3A_529] : memref<80x128xi32, #tpu.memory_space<vmem>> -> memref<1x128xi32, #tpu.memory_space<vmem>>
    %dma_wait3A_531 = tpu.memref_squeeze %dma_wait3A_530 : memref<1x128xi32, #tpu.memory_space<vmem>> -> memref<128xi32, #tpu.memory_space<vmem>>
    %dma_wait3A_532 = tpu.memref_slice %arg2[%dma_wait3A_527, %mul3A_2] : memref<2x320000xi32, #tpu.memory_space<hbm>> -> memref<1x128xi32, #tpu.memory_space<hbm>>
    %dma_wait3A_533 = tpu.memref_squeeze %dma_wait3A_532 : memref<1x128xi32, #tpu.memory_space<hbm>> -> memref<128xi32, #tpu.memory_space<hbm>>
    %dma_wait3A_534 = arith.constant 0 : i32
    %dma_wait3A_535 = tpu.memref_slice %arg9[%dma_wait3A_528, %dma_wait3A_534] : memref<80x128xi32, #tpu.memory_space<vmem>> -> memref<1x128xi32, #tpu.memory_space<vmem>>
    %dma_wait3A_536 = tpu.memref_squeeze %dma_wait3A_535 : memref<1x128xi32, #tpu.memory_space<vmem>> -> memref<128xi32, #tpu.memory_space<vmem>>
    %dma_wait3A_537 = tpu.memref_slice %arg2[%dma_wait3A_527, %mul3A_2] : memref<2x320000xi32, #tpu.memory_space<hbm>> -> memref<1x128xi32, #tpu.memory_space<hbm>>
    %dma_wait3A_538 = tpu.memref_squeeze %dma_wait3A_537 : memref<1x128xi32, #tpu.memory_space<hbm>> -> memref<128xi32, #tpu.memory_space<hbm>>
    tpu.wait_dma2 semaphore(%arg19 : memref<!tpu.dma_semaphore, #tpu.memory_space<semaphore_mem>>) src(%dma_wait3A_538 : memref<128xi32, #tpu.memory_space<hbm>>) dst(%dma_wait3A_536 : memref<128xi32, #tpu.memory_space<vmem>>)
    %dma_start3A_539 = arith.constant 76 : i32
    %dma_start3A_540 = arith.constant 0 : i32
    %dma_start3A_541 = tpu.memref_slice %arg9[%dma_start3A_539, %dma_start3A_540] : memref<80x128xi32, #tpu.memory_space<vmem>> -> memref<1x128xi32, #tpu.memory_space<vmem>>
    %dma_start3A_542 = tpu.memref_squeeze %dma_start3A_541 : memref<1x128xi32, #tpu.memory_space<vmem>> -> memref<128xi32, #tpu.memory_space<vmem>>
    %dma_start3A_543 = arith.constant 0 : i32
    %dma_start3A_544 = arith.constant 0 : i32
    %dma_start3A_545 = tpu.memref_slice %arg11[%dma_start3A_543, %dma_start3A_544] : memref<10112x16xf32, #tpu.memory_space<vmem_shared>> -> memref<10112x16xf32, #tpu.memory_space<vmem_shared>>
    tpu.enqueue_indirect_dma source(%arg10 : memref<128x16xf32, #tpu.memory_space<vmem>>) target(%dma_start3A_545 : memref<10112x16xf32, #tpu.memory_space<vmem_shared>>) offsets(%dma_start3A_542 : memref<128xi32, #tpu.memory_space<vmem>>) semaphore(%arg14 : memref<!tpu.dma_semaphore, #tpu.memory_space<semaphore_mem>>) {add = true}
    %dma_wait3A_546 = arith.constant 76 : i32
    %dma_wait3A_547 = arith.constant 0 : i32
    %dma_wait3A_548 = tpu.memref_slice %arg9[%dma_wait3A_546, %dma_wait3A_547] : memref<80x128xi32, #tpu.memory_space<vmem>> -> memref<1x128xi32, #tpu.memory_space<vmem>>
    %dma_wait3A_549 = tpu.memref_squeeze %dma_wait3A_548 : memref<1x128xi32, #tpu.memory_space<vmem>> -> memref<128xi32, #tpu.memory_space<vmem>>
    %dma_wait3A_550 = arith.constant 0 : i32
    %dma_wait3A_551 = arith.constant 0 : i32
    %dma_wait3A_552 = tpu.memref_slice %arg11[%dma_wait3A_550, %dma_wait3A_551] : memref<10112x16xf32, #tpu.memory_space<vmem_shared>> -> memref<10112x16xf32, #tpu.memory_space<vmem_shared>>
    tpu.wait_indirect_dma semaphore(%arg14 : memref<!tpu.dma_semaphore, #tpu.memory_space<semaphore_mem>>) src(%arg10 : memref<128x16xf32, #tpu.memory_space<vmem>>) dst(%dma_wait3A_552 : memref<10112x16xf32, #tpu.memory_space<vmem_shared>>)
    %add3A_553 = arith.constant 9728 : i32
    %add3A_554 = arith.addi %mul3A_2, %add3A_553 : i32
    %dma_start3A_555 = arith.constant 0 : i32
    %dma_start3A_556 = arith.constant 76 : i32
    %dma_start3A_557 = arith.constant 0 : i32
    %dma_start3A_558 = tpu.memref_slice %arg8[%dma_start3A_556, %dma_start3A_557] : memref<80x128xi32, #tpu.memory_space<vmem>> -> memref<1x128xi32, #tpu.memory_space<vmem>>
    %dma_start3A_559 = tpu.memref_squeeze %dma_start3A_558 : memref<1x128xi32, #tpu.memory_space<vmem>> -> memref<128xi32, #tpu.memory_space<vmem>>
    %dma_start3A_560 = tpu.memref_slice %arg2[%dma_start3A_555, %add3A_554] : memref<2x320000xi32, #tpu.memory_space<hbm>> -> memref<1x128xi32, #tpu.memory_space<hbm>>
    %dma_start3A_561 = tpu.memref_squeeze %dma_start3A_560 : memref<1x128xi32, #tpu.memory_space<hbm>> -> memref<128xi32, #tpu.memory_space<hbm>>
    %dma_start3A_562 = arith.constant 0 : i32
    %dma_start3A_563 = tpu.memref_slice %arg8[%dma_start3A_556, %dma_start3A_562] : memref<80x128xi32, #tpu.memory_space<vmem>> -> memref<1x128xi32, #tpu.memory_space<vmem>>
    %dma_start3A_564 = tpu.memref_squeeze %dma_start3A_563 : memref<1x128xi32, #tpu.memory_space<vmem>> -> memref<128xi32, #tpu.memory_space<vmem>>
    %dma_start3A_565 = tpu.memref_slice %arg2[%dma_start3A_555, %add3A_554] : memref<2x320000xi32, #tpu.memory_space<hbm>> -> memref<1x128xi32, #tpu.memory_space<hbm>>
    %dma_start3A_566 = tpu.memref_squeeze %dma_start3A_565 : memref<1x128xi32, #tpu.memory_space<hbm>> -> memref<128xi32, #tpu.memory_space<hbm>>
    tpu.enqueue_dma source(%dma_start3A_566 : memref<128xi32, #tpu.memory_space<hbm>>) target(%dma_start3A_564 : memref<128xi32, #tpu.memory_space<vmem>>) target_semaphore(%arg12 : memref<!tpu.dma_semaphore, #tpu.memory_space<semaphore_mem>>)
    %dma_wait3A_567 = arith.constant 0 : i32
    %dma_wait3A_568 = arith.constant 0 : i32
    %dma_wait3A_569 = arith.constant 0 : i32
    %dma_wait3A_570 = tpu.memref_slice %arg8[%dma_wait3A_568, %dma_wait3A_569] : memref<80x128xi32, #tpu.memory_space<vmem>> -> memref<1x128xi32, #tpu.memory_space<vmem>>
    %dma_wait3A_571 = tpu.memref_squeeze %dma_wait3A_570 : memref<1x128xi32, #tpu.memory_space<vmem>> -> memref<128xi32, #tpu.memory_space<vmem>>
    %dma_wait3A_572 = tpu.memref_slice %arg2[%dma_wait3A_567, %mul3A_2] : memref<2x320000xi32, #tpu.memory_space<hbm>> -> memref<1x128xi32, #tpu.memory_space<hbm>>
    %dma_wait3A_573 = tpu.memref_squeeze %dma_wait3A_572 : memref<1x128xi32, #tpu.memory_space<hbm>> -> memref<128xi32, #tpu.memory_space<hbm>>
    %dma_wait3A_574 = arith.constant 0 : i32
    %dma_wait3A_575 = tpu.memref_slice %arg8[%dma_wait3A_568, %dma_wait3A_574] : memref<80x128xi32, #tpu.memory_space<vmem>> -> memref<1x128xi32, #tpu.memory_space<vmem>>
    %dma_wait3A_576 = tpu.memref_squeeze %dma_wait3A_575 : memref<1x128xi32, #tpu.memory_space<vmem>> -> memref<128xi32, #tpu.memory_space<vmem>>
    %dma_wait3A_577 = tpu.memref_slice %arg2[%dma_wait3A_567, %mul3A_2] : memref<2x320000xi32, #tpu.memory_space<hbm>> -> memref<1x128xi32, #tpu.memory_space<hbm>>
    %dma_wait3A_578 = tpu.memref_squeeze %dma_wait3A_577 : memref<1x128xi32, #tpu.memory_space<hbm>> -> memref<128xi32, #tpu.memory_space<hbm>>
    tpu.wait_dma2 semaphore(%arg12 : memref<!tpu.dma_semaphore, #tpu.memory_space<semaphore_mem>>) src(%dma_wait3A_578 : memref<128xi32, #tpu.memory_space<hbm>>) dst(%dma_wait3A_576 : memref<128xi32, #tpu.memory_space<vmem>>)
    %dma_wait3A_579 = arith.constant 1 : i32
    %dma_wait3A_580 = arith.constant 5 : i32
    %dma_wait3A_581 = arith.constant 0 : i32
    %dma_wait3A_582 = tpu.memref_slice %arg9[%dma_wait3A_580, %dma_wait3A_581] : memref<80x128xi32, #tpu.memory_space<vmem>> -> memref<1x128xi32, #tpu.memory_space<vmem>>
    %dma_wait3A_583 = tpu.memref_squeeze %dma_wait3A_582 : memref<1x128xi32, #tpu.memory_space<vmem>> -> memref<128xi32, #tpu.memory_space<vmem>>
    %dma_wait3A_584 = tpu.memref_slice %arg2[%dma_wait3A_579, %mul3A_2] : memref<2x320000xi32, #tpu.memory_space<hbm>> -> memref<1x128xi32, #tpu.memory_space<hbm>>
    %dma_wait3A_585 = tpu.memref_squeeze %dma_wait3A_584 : memref<1x128xi32, #tpu.memory_space<hbm>> -> memref<128xi32, #tpu.memory_space<hbm>>
    %dma_wait3A_586 = arith.constant 0 : i32
    %dma_wait3A_587 = tpu.memref_slice %arg9[%dma_wait3A_580, %dma_wait3A_586] : memref<80x128xi32, #tpu.memory_space<vmem>> -> memref<1x128xi32, #tpu.memory_space<vmem>>
    %dma_wait3A_588 = tpu.memref_squeeze %dma_wait3A_587 : memref<1x128xi32, #tpu.memory_space<vmem>> -> memref<128xi32, #tpu.memory_space<vmem>>
    %dma_wait3A_589 = tpu.memref_slice %arg2[%dma_wait3A_579, %mul3A_2] : memref<2x320000xi32, #tpu.memory_space<hbm>> -> memref<1x128xi32, #tpu.memory_space<hbm>>
    %dma_wait3A_590 = tpu.memref_squeeze %dma_wait3A_589 : memref<1x128xi32, #tpu.memory_space<hbm>> -> memref<128xi32, #tpu.memory_space<hbm>>
    tpu.wait_dma2 semaphore(%arg20 : memref<!tpu.dma_semaphore, #tpu.memory_space<semaphore_mem>>) src(%dma_wait3A_590 : memref<128xi32, #tpu.memory_space<hbm>>) dst(%dma_wait3A_588 : memref<128xi32, #tpu.memory_space<vmem>>)
    %dma_start3A_591 = arith.constant 77 : i32
    %dma_start3A_592 = arith.constant 0 : i32
    %dma_start3A_593 = tpu.memref_slice %arg9[%dma_start3A_591, %dma_start3A_592] : memref<80x128xi32, #tpu.memory_space<vmem>> -> memref<1x128xi32, #tpu.memory_space<vmem>>
    %dma_start3A_594 = tpu.memref_squeeze %dma_start3A_593 : memref<1x128xi32, #tpu.memory_space<vmem>> -> memref<128xi32, #tpu.memory_space<vmem>>
    %dma_start3A_595 = arith.constant 0 : i32
    %dma_start3A_596 = arith.constant 0 : i32
    %dma_start3A_597 = tpu.memref_slice %arg11[%dma_start3A_595, %dma_start3A_596] : memref<10112x16xf32, #tpu.memory_space<vmem_shared>> -> memref<10112x16xf32, #tpu.memory_space<vmem_shared>>
    tpu.enqueue_indirect_dma source(%arg10 : memref<128x16xf32, #tpu.memory_space<vmem>>) target(%dma_start3A_597 : memref<10112x16xf32, #tpu.memory_space<vmem_shared>>) offsets(%dma_start3A_594 : memref<128xi32, #tpu.memory_space<vmem>>) semaphore(%arg14 : memref<!tpu.dma_semaphore, #tpu.memory_space<semaphore_mem>>) {add = true}
    %dma_wait3A_598 = arith.constant 77 : i32
    %dma_wait3A_599 = arith.constant 0 : i32
    %dma_wait3A_600 = tpu.memref_slice %arg9[%dma_wait3A_598, %dma_wait3A_599] : memref<80x128xi32, #tpu.memory_space<vmem>> -> memref<1x128xi32, #tpu.memory_space<vmem>>
    %dma_wait3A_601 = tpu.memref_squeeze %dma_wait3A_600 : memref<1x128xi32, #tpu.memory_space<vmem>> -> memref<128xi32, #tpu.memory_space<vmem>>
    %dma_wait3A_602 = arith.constant 0 : i32
    %dma_wait3A_603 = arith.constant 0 : i32
    %dma_wait3A_604 = tpu.memref_slice %arg11[%dma_wait3A_602, %dma_wait3A_603] : memref<10112x16xf32, #tpu.memory_space<vmem_shared>> -> memref<10112x16xf32, #tpu.memory_space<vmem_shared>>
    tpu.wait_indirect_dma semaphore(%arg14 : memref<!tpu.dma_semaphore, #tpu.memory_space<semaphore_mem>>) src(%arg10 : memref<128x16xf32, #tpu.memory_space<vmem>>) dst(%dma_wait3A_604 : memref<10112x16xf32, #tpu.memory_space<vmem_shared>>)
    %add3A_605 = arith.constant 9856 : i32
    %add3A_606 = arith.addi %mul3A_2, %add3A_605 : i32
    %dma_start3A_607 = arith.constant 0 : i32
    %dma_start3A_608 = arith.constant 77 : i32
    %dma_start3A_609 = arith.constant 0 : i32
    %dma_start3A_610 = tpu.memref_slice %arg8[%dma_start3A_608, %dma_start3A_609] : memref<80x128xi32, #tpu.memory_space<vmem>> -> memref<1x128xi32, #tpu.memory_space<vmem>>
    %dma_start3A_611 = tpu.memref_squeeze %dma_start3A_610 : memref<1x128xi32, #tpu.memory_space<vmem>> -> memref<128xi32, #tpu.memory_space<vmem>>
    %dma_start3A_612 = tpu.memref_slice %arg2[%dma_start3A_607, %add3A_606] : memref<2x320000xi32, #tpu.memory_space<hbm>> -> memref<1x128xi32, #tpu.memory_space<hbm>>
    %dma_start3A_613 = tpu.memref_squeeze %dma_start3A_612 : memref<1x128xi32, #tpu.memory_space<hbm>> -> memref<128xi32, #tpu.memory_space<hbm>>
    %dma_start3A_614 = arith.constant 0 : i32
    %dma_start3A_615 = tpu.memref_slice %arg8[%dma_start3A_608, %dma_start3A_614] : memref<80x128xi32, #tpu.memory_space<vmem>> -> memref<1x128xi32, #tpu.memory_space<vmem>>
    %dma_start3A_616 = tpu.memref_squeeze %dma_start3A_615 : memref<1x128xi32, #tpu.memory_space<vmem>> -> memref<128xi32, #tpu.memory_space<vmem>>
    %dma_start3A_617 = tpu.memref_slice %arg2[%dma_start3A_607, %add3A_606] : memref<2x320000xi32, #tpu.memory_space<hbm>> -> memref<1x128xi32, #tpu.memory_space<hbm>>
    %dma_start3A_618 = tpu.memref_squeeze %dma_start3A_617 : memref<1x128xi32, #tpu.memory_space<hbm>> -> memref<128xi32, #tpu.memory_space<hbm>>
    tpu.enqueue_dma source(%dma_start3A_618 : memref<128xi32, #tpu.memory_space<hbm>>) target(%dma_start3A_616 : memref<128xi32, #tpu.memory_space<vmem>>) target_semaphore(%arg12 : memref<!tpu.dma_semaphore, #tpu.memory_space<semaphore_mem>>)
    %dma_wait3A_619 = arith.constant 0 : i32
    %dma_wait3A_620 = arith.constant 0 : i32
    %dma_wait3A_621 = arith.constant 0 : i32
    %dma_wait3A_622 = tpu.memref_slice %arg8[%dma_wait3A_620, %dma_wait3A_621] : memref<80x128xi32, #tpu.memory_space<vmem>> -> memref<1x128xi32, #tpu.memory_space<vmem>>
    %dma_wait3A_623 = tpu.memref_squeeze %dma_wait3A_622 : memref<1x128xi32, #tpu.memory_space<vmem>> -> memref<128xi32, #tpu.memory_space<vmem>>
    %dma_wait3A_624 = tpu.memref_slice %arg2[%dma_wait3A_619, %mul3A_2] : memref<2x320000xi32, #tpu.memory_space<hbm>> -> memref<1x128xi32, #tpu.memory_space<hbm>>
    %dma_wait3A_625 = tpu.memref_squeeze %dma_wait3A_624 : memref<1x128xi32, #tpu.memory_space<hbm>> -> memref<128xi32, #tpu.memory_space<hbm>>
    %dma_wait3A_626 = arith.constant 0 : i32
    %dma_wait3A_627 = tpu.memref_slice %arg8[%dma_wait3A_620, %dma_wait3A_626] : memref<80x128xi32, #tpu.memory_space<vmem>> -> memref<1x128xi32, #tpu.memory_space<vmem>>
    %dma_wait3A_628 = tpu.memref_squeeze %dma_wait3A_627 : memref<1x128xi32, #tpu.memory_space<vmem>> -> memref<128xi32, #tpu.memory_space<vmem>>
    %dma_wait3A_629 = tpu.memref_slice %arg2[%dma_wait3A_619, %mul3A_2] : memref<2x320000xi32, #tpu.memory_space<hbm>> -> memref<1x128xi32, #tpu.memory_space<hbm>>
    %dma_wait3A_630 = tpu.memref_squeeze %dma_wait3A_629 : memref<1x128xi32, #tpu.memory_space<hbm>> -> memref<128xi32, #tpu.memory_space<hbm>>
    tpu.wait_dma2 semaphore(%arg12 : memref<!tpu.dma_semaphore, #tpu.memory_space<semaphore_mem>>) src(%dma_wait3A_630 : memref<128xi32, #tpu.memory_space<hbm>>) dst(%dma_wait3A_628 : memref<128xi32, #tpu.memory_space<vmem>>)
    %dma_wait3A_631 = arith.constant 1 : i32
    %dma_wait3A_632 = arith.constant 78 : i32
    %dma_wait3A_633 = arith.constant 0 : i32
    %dma_wait3A_634 = tpu.memref_slice %arg9[%dma_wait3A_632, %dma_wait3A_633] : memref<80x128xi32, #tpu.memory_space<vmem>> -> memref<1x16xi32, #tpu.memory_space<vmem>>
    %dma_wait3A_635 = tpu.memref_squeeze %dma_wait3A_634 : memref<1x16xi32, #tpu.memory_space<vmem>> -> memref<16xi32, #tpu.memory_space<vmem>>
    %dma_wait3A_636 = tpu.memref_slice %arg2[%dma_wait3A_631, %mul3A_2] : memref<2x320000xi32, #tpu.memory_space<hbm>> -> memref<1x16xi32, #tpu.memory_space<hbm>>
    %dma_wait3A_637 = tpu.memref_squeeze %dma_wait3A_636 : memref<1x16xi32, #tpu.memory_space<hbm>> -> memref<16xi32, #tpu.memory_space<hbm>>
    %dma_wait3A_638 = arith.constant 0 : i32
    %dma_wait3A_639 = tpu.memref_slice %arg9[%dma_wait3A_632, %dma_wait3A_638] : memref<80x128xi32, #tpu.memory_space<vmem>> -> memref<1x16xi32, #tpu.memory_space<vmem>>
    %dma_wait3A_640 = tpu.memref_squeeze %dma_wait3A_639 : memref<1x16xi32, #tpu.memory_space<vmem>> -> memref<16xi32, #tpu.memory_space<vmem>>
    %dma_wait3A_641 = tpu.memref_slice %arg2[%dma_wait3A_631, %mul3A_2] : memref<2x320000xi32, #tpu.memory_space<hbm>> -> memref<1x16xi32, #tpu.memory_space<hbm>>
    %dma_wait3A_642 = tpu.memref_squeeze %dma_wait3A_641 : memref<1x16xi32, #tpu.memory_space<hbm>> -> memref<16xi32, #tpu.memory_space<hbm>>
    tpu.wait_dma2 semaphore(%arg13 : memref<!tpu.dma_semaphore, #tpu.memory_space<semaphore_mem>>) src(%dma_wait3A_642 : memref<16xi32, #tpu.memory_space<hbm>>) dst(%dma_wait3A_640 : memref<16xi32, #tpu.memory_space<vmem>>)
    %dma_start3A_643 = arith.constant 78 : i32
    %dma_start3A_644 = arith.constant 0 : i32
    %dma_start3A_645 = tpu.memref_slice %arg9[%dma_start3A_643, %dma_start3A_644] : memref<80x128xi32, #tpu.memory_space<vmem>> -> memref<1x128xi32, #tpu.memory_space<vmem>>
    %dma_start3A_646 = tpu.memref_squeeze %dma_start3A_645 : memref<1x128xi32, #tpu.memory_space<vmem>> -> memref<128xi32, #tpu.memory_space<vmem>>
    %dma_start3A_647 = arith.constant 0 : i32
    %dma_start3A_648 = arith.constant 0 : i32
    %dma_start3A_649 = tpu.memref_slice %arg11[%dma_start3A_647, %dma_start3A_648] : memref<10112x16xf32, #tpu.memory_space<vmem_shared>> -> memref<10112x16xf32, #tpu.memory_space<vmem_shared>>
    tpu.enqueue_indirect_dma source(%arg10 : memref<128x16xf32, #tpu.memory_space<vmem>>) target(%dma_start3A_649 : memref<10112x16xf32, #tpu.memory_space<vmem_shared>>) offsets(%dma_start3A_646 : memref<128xi32, #tpu.memory_space<vmem>>) semaphore(%arg14 : memref<!tpu.dma_semaphore, #tpu.memory_space<semaphore_mem>>) {add = true}
    %dma_wait3A_650 = arith.constant 78 : i32
    %dma_wait3A_651 = arith.constant 0 : i32
    %dma_wait3A_652 = tpu.memref_slice %arg9[%dma_wait3A_650, %dma_wait3A_651] : memref<80x128xi32, #tpu.memory_space<vmem>> -> memref<1x128xi32, #tpu.memory_space<vmem>>
    %dma_wait3A_653 = tpu.memref_squeeze %dma_wait3A_652 : memref<1x128xi32, #tpu.memory_space<vmem>> -> memref<128xi32, #tpu.memory_space<vmem>>
    %dma_wait3A_654 = arith.constant 0 : i32
    %dma_wait3A_655 = arith.constant 0 : i32
    %dma_wait3A_656 = tpu.memref_slice %arg11[%dma_wait3A_654, %dma_wait3A_655] : memref<10112x16xf32, #tpu.memory_space<vmem_shared>> -> memref<10112x16xf32, #tpu.memory_space<vmem_shared>>
    tpu.wait_indirect_dma semaphore(%arg14 : memref<!tpu.dma_semaphore, #tpu.memory_space<semaphore_mem>>) src(%arg10 : memref<128x16xf32, #tpu.memory_space<vmem>>) dst(%dma_wait3A_656 : memref<10112x16xf32, #tpu.memory_space<vmem_shared>>)
    %dma_start3A_657 = arith.constant 79 : i32
    %dma_start3A_658 = arith.constant 0 : i32
    %dma_start3A_659 = tpu.memref_slice %arg9[%dma_start3A_657, %dma_start3A_658] : memref<80x128xi32, #tpu.memory_space<vmem>> -> memref<1x128xi32, #tpu.memory_space<vmem>>
    %dma_start3A_660 = tpu.memref_squeeze %dma_start3A_659 : memref<1x128xi32, #tpu.memory_space<vmem>> -> memref<128xi32, #tpu.memory_space<vmem>>
    %dma_start3A_661 = arith.constant 0 : i32
    %dma_start3A_662 = arith.constant 0 : i32
    %dma_start3A_663 = tpu.memref_slice %arg11[%dma_start3A_661, %dma_start3A_662] : memref<10112x16xf32, #tpu.memory_space<vmem_shared>> -> memref<10112x16xf32, #tpu.memory_space<vmem_shared>>
    tpu.enqueue_indirect_dma source(%arg10 : memref<128x16xf32, #tpu.memory_space<vmem>>) target(%dma_start3A_663 : memref<10112x16xf32, #tpu.memory_space<vmem_shared>>) offsets(%dma_start3A_660 : memref<128xi32, #tpu.memory_space<vmem>>) semaphore(%arg14 : memref<!tpu.dma_semaphore, #tpu.memory_space<semaphore_mem>>) {add = true}
    %dma_wait3A_664 = arith.constant 79 : i32
    %dma_wait3A_665 = arith.constant 0 : i32
    %dma_wait3A_666 = tpu.memref_slice %arg9[%dma_wait3A_664, %dma_wait3A_665] : memref<80x128xi32, #tpu.memory_space<vmem>> -> memref<1x128xi32, #tpu.memory_space<vmem>>
    %dma_wait3A_667 = tpu.memref_squeeze %dma_wait3A_666 : memref<1x128xi32, #tpu.memory_space<vmem>> -> memref<128xi32, #tpu.memory_space<vmem>>
    %dma_wait3A_668 = arith.constant 0 : i32
    %dma_wait3A_669 = arith.constant 0 : i32
    %dma_wait3A_670 = tpu.memref_slice %arg11[%dma_wait3A_668, %dma_wait3A_669] : memref<10112x16xf32, #tpu.memory_space<vmem_shared>> -> memref<10112x16xf32, #tpu.memory_space<vmem_shared>>
    tpu.wait_indirect_dma semaphore(%arg14 : memref<!tpu.dma_semaphore, #tpu.memory_space<semaphore_mem>>) src(%arg10 : memref<128x16xf32, #tpu.memory_space<vmem>>) dst(%dma_wait3A_670 : memref<10112x16xf32, #tpu.memory_space<vmem_shared>>)
    %add3A_671 = arith.constant 9984 : i32
    %add3A_672 = arith.addi %mul3A_2, %add3A_671 : i32
    %run_scoped3A = arith.constant 0 : i32
    %run_scoped3A_673 = arith.constant 78 : i32
    "tpu.region"() ({
      %run_scoped3A_696 = tpu.sem_alloc : memref<!tpu.dma_semaphore, #tpu.memory_space<semaphore_mem>>
      %dma_start3A_697 = arith.constant 0 : i32
      %dma_start3A_698 = tpu.memref_slice %arg8[%run_scoped3A_673, %dma_start3A_697] : memref<80x128xi32, #tpu.memory_space<vmem>> -> memref<1x16xi32, #tpu.memory_space<vmem>>
      %dma_start3A_699 = tpu.memref_squeeze %dma_start3A_698 : memref<1x16xi32, #tpu.memory_space<vmem>> -> memref<16xi32, #tpu.memory_space<vmem>>
      %dma_start3A_700 = tpu.memref_slice %arg2[%run_scoped3A, %add3A_672] : memref<2x320000xi32, #tpu.memory_space<hbm>> -> memref<1x16xi32, #tpu.memory_space<hbm>>
      %dma_start3A_701 = tpu.memref_squeeze %dma_start3A_700 : memref<1x16xi32, #tpu.memory_space<hbm>> -> memref<16xi32, #tpu.memory_space<hbm>>
      %dma_start3A_702 = arith.constant 0 : i32
      %dma_start3A_703 = tpu.memref_slice %arg8[%run_scoped3A_673, %dma_start3A_702] : memref<80x128xi32, #tpu.memory_space<vmem>> -> memref<1x16xi32, #tpu.memory_space<vmem>>
      %dma_start3A_704 = tpu.memref_squeeze %dma_start3A_703 : memref<1x16xi32, #tpu.memory_space<vmem>> -> memref<16xi32, #tpu.memory_space<vmem>>
      %dma_start3A_705 = tpu.memref_slice %arg2[%run_scoped3A, %add3A_672] : memref<2x320000xi32, #tpu.memory_space<hbm>> -> memref<1x16xi32, #tpu.memory_space<hbm>>
      %dma_start3A_706 = tpu.memref_squeeze %dma_start3A_705 : memref<1x16xi32, #tpu.memory_space<hbm>> -> memref<16xi32, #tpu.memory_space<hbm>>
      tpu.enqueue_dma source(%dma_start3A_706 : memref<16xi32, #tpu.memory_space<hbm>>) target(%dma_start3A_704 : memref<16xi32, #tpu.memory_space<vmem>>) target_semaphore(%run_scoped3A_696 : memref<!tpu.dma_semaphore, #tpu.memory_space<semaphore_mem>>)
      %dma_wait3A_707 = arith.constant 0 : i32
      %dma_wait3A_708 = tpu.memref_slice %arg8[%run_scoped3A_673, %dma_wait3A_707] : memref<80x128xi32, #tpu.memory_space<vmem>> -> memref<1x16xi32, #tpu.memory_space<vmem>>
      %dma_wait3A_709 = tpu.memref_squeeze %dma_wait3A_708 : memref<1x16xi32, #tpu.memory_space<vmem>> -> memref<16xi32, #tpu.memory_space<vmem>>
      %dma_wait3A_710 = tpu.memref_slice %arg2[%run_scoped3A, %add3A_672] : memref<2x320000xi32, #tpu.memory_space<hbm>> -> memref<1x16xi32, #tpu.memory_space<hbm>>
      %dma_wait3A_711 = tpu.memref_squeeze %dma_wait3A_710 : memref<1x16xi32, #tpu.memory_space<hbm>> -> memref<16xi32, #tpu.memory_space<hbm>>
      %dma_wait3A_712 = arith.constant 0 : i32
      %dma_wait3A_713 = tpu.memref_slice %arg8[%run_scoped3A_673, %dma_wait3A_712] : memref<80x128xi32, #tpu.memory_space<vmem>> -> memref<1x16xi32, #tpu.memory_space<vmem>>
      %dma_wait3A_714 = tpu.memref_squeeze %dma_wait3A_713 : memref<1x16xi32, #tpu.memory_space<vmem>> -> memref<16xi32, #tpu.memory_space<vmem>>
      %dma_wait3A_715 = tpu.memref_slice %arg2[%run_scoped3A, %add3A_672] : memref<2x320000xi32, #tpu.memory_space<hbm>> -> memref<1x16xi32, #tpu.memory_space<hbm>>
      %dma_wait3A_716 = tpu.memref_squeeze %dma_wait3A_715 : memref<1x16xi32, #tpu.memory_space<hbm>> -> memref<16xi32, #tpu.memory_space<hbm>>
      tpu.wait_dma2 semaphore(%run_scoped3A_696 : memref<!tpu.dma_semaphore, #tpu.memory_space<semaphore_mem>>) src(%dma_wait3A_716 : memref<16xi32, #tpu.memory_space<hbm>>) dst(%dma_wait3A_714 : memref<16xi32, #tpu.memory_space<vmem>>)
      tpu.yield
    }) : () -> ()
    %scan3A_674 = arith.constant 0 : i32
    %scan3A_675 = arith.constant 0 : i32
    %scan3A_676 = arith.constant 8 : i32
    %scan3A_677 = arith.addi %scan3A_675, %scan3A_676 : i32
    %scan3A_678 = arith.constant 1 : i32
    %scan3A_679 = scf.for %scan3A_696 = %scan3A_675 to %scan3A_677 step %scan3A_678 iter_args(%scan3A_697 = %scan3A_674) -> (i32)  : i32 {
      %dma_wait3A_698 = arith.constant 0 : i32
      %dma_wait3A_699 = arith.constant 0 : i32
      %dma_wait3A_700 = arith.constant 0 : i32
      %dma_wait3A_701 = tpu.memref_slice %arg8[%dma_wait3A_699, %dma_wait3A_700] : memref<80x128xi32, #tpu.memory_space<vmem>> -> memref<1x128xi32, #tpu.memory_space<vmem>>
      %dma_wait3A_702 = tpu.memref_squeeze %dma_wait3A_701 : memref<1x128xi32, #tpu.memory_space<vmem>> -> memref<128xi32, #tpu.memory_space<vmem>>
      %dma_wait3A_703 = tpu.memref_slice %arg2[%dma_wait3A_698, %mul3A_2] : memref<2x320000xi32, #tpu.memory_space<hbm>> -> memref<1x128xi32, #tpu.memory_space<hbm>>
      %dma_wait3A_704 = tpu.memref_squeeze %dma_wait3A_703 : memref<1x128xi32, #tpu.memory_space<hbm>> -> memref<128xi32, #tpu.memory_space<hbm>>
      %dma_wait3A_705 = arith.constant 0 : i32
      %dma_wait3A_706 = tpu.memref_slice %arg8[%dma_wait3A_699, %dma_wait3A_705] : memref<80x128xi32, #tpu.memory_space<vmem>> -> memref<1x128xi32, #tpu.memory_space<vmem>>
      %dma_wait3A_707 = tpu.memref_squeeze %dma_wait3A_706 : memref<1x128xi32, #tpu.memory_space<vmem>> -> memref<128xi32, #tpu.memory_space<vmem>>
      %dma_wait3A_708 = tpu.memref_slice %arg2[%dma_wait3A_698, %mul3A_2] : memref<2x320000xi32, #tpu.memory_space<hbm>> -> memref<1x128xi32, #tpu.memory_space<hbm>>
      %dma_wait3A_709 = tpu.memref_squeeze %dma_wait3A_708 : memref<1x128xi32, #tpu.memory_space<hbm>> -> memref<128xi32, #tpu.memory_space<hbm>>
      tpu.wait_dma2 semaphore(%arg12 : memref<!tpu.dma_semaphore, #tpu.memory_space<semaphore_mem>>) src(%dma_wait3A_709 : memref<128xi32, #tpu.memory_space<hbm>>) dst(%dma_wait3A_707 : memref<128xi32, #tpu.memory_space<vmem>>)
      %scan3A_710 = arith.constant 0 : i32
      scf.yield %scan3A_710 : i32
    }
    %scan3A_680 = arith.constant 8 : i32
    %scan3A_681 = arith.constant 0 : i32
    %scan3A_682 = arith.constant 0 : i32
    %scan3A_683 = arith.constant 8 : i32
    %scan3A_684 = arith.addi %scan3A_682, %scan3A_683 : i32
    %scan3A_685 = arith.constant 1 : i32
    %scan3A_686 = scf.for %scan3A_696 = %scan3A_682 to %scan3A_684 step %scan3A_685 iter_args(%scan3A_697 = %scan3A_681) -> (i32)  : i32 {
      %dma_wait3A_698 = arith.constant 0 : i32
      %dma_wait3A_699 = arith.constant 0 : i32
      %dma_wait3A_700 = tpu.memref_slice %arg9[%dma_wait3A_698, %dma_wait3A_699] : memref<80x128xi32, #tpu.memory_space<vmem>> -> memref<1x128xi32, #tpu.memory_space<vmem>>
      %dma_wait3A_701 = tpu.memref_squeeze %dma_wait3A_700 : memref<1x128xi32, #tpu.memory_space<vmem>> -> memref<128xi32, #tpu.memory_space<vmem>>
      %dma_wait3A_702 = arith.constant 0 : i32
      %dma_wait3A_703 = arith.constant 0 : i32
      %dma_wait3A_704 = tpu.memref_slice %arg11[%dma_wait3A_702, %dma_wait3A_703] : memref<10112x16xf32, #tpu.memory_space<vmem_shared>> -> memref<10112x16xf32, #tpu.memory_space<vmem_shared>>
      tpu.wait_indirect_dma semaphore(%arg14 : memref<!tpu.dma_semaphore, #tpu.memory_space<semaphore_mem>>) src(%arg10 : memref<128x16xf32, #tpu.memory_space<vmem>>) dst(%dma_wait3A_704 : memref<10112x16xf32, #tpu.memory_space<vmem_shared>>)
      %scan3A_705 = arith.constant 0 : i32
      scf.yield %scan3A_705 : i32
    }
    %scan3A_687 = arith.constant 8 : i32
    "tpu.region"() ({
      %run_scoped3A_696 = tpu.sem_alloc : memref<!tpu.dma_semaphore, #tpu.memory_space<semaphore_mem>>
      %dma_start3A_697 = arith.constant 0 : i32
      %dma_start3A_698 = arith.constant 0 : i32
      %dma_start3A_699 = tpu.memref_slice %arg6[%add3A, %dma_start3A_697, %dma_start3A_698] : memref<32x80x128xi32, #tpu.memory_space<hbm>> -> memref<1x80x128xi32, #tpu.memory_space<hbm>>
      %dma_start3A_700 = tpu.memref_squeeze %dma_start3A_699 : memref<1x80x128xi32, #tpu.memory_space<hbm>> -> memref<80x128xi32, #tpu.memory_space<hbm>>
      %dma_start3A_701 = arith.constant 0 : i32
      %dma_start3A_702 = arith.constant 0 : i32
      %dma_start3A_703 = tpu.memref_slice %arg6[%add3A, %dma_start3A_701, %dma_start3A_702] : memref<32x80x128xi32, #tpu.memory_space<hbm>> -> memref<1x80x128xi32, #tpu.memory_space<hbm>>
      %dma_start3A_704 = tpu.memref_squeeze %dma_start3A_703 : memref<1x80x128xi32, #tpu.memory_space<hbm>> -> memref<80x128xi32, #tpu.memory_space<hbm>>
      tpu.enqueue_dma source(%arg8 : memref<80x128xi32, #tpu.memory_space<vmem>>) target(%dma_start3A_704 : memref<80x128xi32, #tpu.memory_space<hbm>>) target_semaphore(%run_scoped3A_696 : memref<!tpu.dma_semaphore, #tpu.memory_space<semaphore_mem>>)
      %dma_wait3A_705 = arith.constant 0 : i32
      %dma_wait3A_706 = arith.constant 0 : i32
      %dma_wait3A_707 = tpu.memref_slice %arg6[%add3A, %dma_wait3A_705, %dma_wait3A_706] : memref<32x80x128xi32, #tpu.memory_space<hbm>> -> memref<1x80x128xi32, #tpu.memory_space<hbm>>
      %dma_wait3A_708 = tpu.memref_squeeze %dma_wait3A_707 : memref<1x80x128xi32, #tpu.memory_space<hbm>> -> memref<80x128xi32, #tpu.memory_space<hbm>>
      %dma_wait3A_709 = arith.constant 0 : i32
      %dma_wait3A_710 = arith.constant 0 : i32
      %dma_wait3A_711 = tpu.memref_slice %arg6[%add3A, %dma_wait3A_709, %dma_wait3A_710] : memref<32x80x128xi32, #tpu.memory_space<hbm>> -> memref<1x80x128xi32, #tpu.memory_space<hbm>>
      %dma_wait3A_712 = tpu.memref_squeeze %dma_wait3A_711 : memref<1x80x128xi32, #tpu.memory_space<hbm>> -> memref<80x128xi32, #tpu.memory_space<hbm>>
      tpu.wait_dma2 semaphore(%run_scoped3A_696 : memref<!tpu.dma_semaphore, #tpu.memory_space<semaphore_mem>>) src(%arg8 : memref<80x128xi32, #tpu.memory_space<vmem>>) dst(%dma_wait3A_712 : memref<80x128xi32, #tpu.memory_space<hbm>>)
      tpu.yield
    }) : () -> ()
    "tpu.region"() ({
      %run_scoped3A_696 = tpu.sem_alloc : memref<!tpu.dma_semaphore, #tpu.memory_space<semaphore_mem>>
      %dma_start3A_697 = arith.constant 0 : i32
      %dma_start3A_698 = arith.constant 0 : i32
      %dma_start3A_699 = tpu.memref_slice %arg7[%add3A, %dma_start3A_697, %dma_start3A_698] : memref<32x80x128xi32, #tpu.memory_space<hbm>> -> memref<1x80x128xi32, #tpu.memory_space<hbm>>
      %dma_start3A_700 = tpu.memref_squeeze %dma_start3A_699 : memref<1x80x128xi32, #tpu.memory_space<hbm>> -> memref<80x128xi32, #tpu.memory_space<hbm>>
      %dma_start3A_701 = arith.constant 0 : i32
      %dma_start3A_702 = arith.constant 0 : i32
      %dma_start3A_703 = tpu.memref_slice %arg7[%add3A, %dma_start3A_701, %dma_start3A_702] : memref<32x80x128xi32, #tpu.memory_space<hbm>> -> memref<1x80x128xi32, #tpu.memory_space<hbm>>
      %dma_start3A_704 = tpu.memref_squeeze %dma_start3A_703 : memref<1x80x128xi32, #tpu.memory_space<hbm>> -> memref<80x128xi32, #tpu.memory_space<hbm>>
      tpu.enqueue_dma source(%arg9 : memref<80x128xi32, #tpu.memory_space<vmem>>) target(%dma_start3A_704 : memref<80x128xi32, #tpu.memory_space<hbm>>) target_semaphore(%run_scoped3A_696 : memref<!tpu.dma_semaphore, #tpu.memory_space<semaphore_mem>>)
      %dma_wait3A_705 = arith.constant 0 : i32
      %dma_wait3A_706 = arith.constant 0 : i32
      %dma_wait3A_707 = tpu.memref_slice %arg7[%add3A, %dma_wait3A_705, %dma_wait3A_706] : memref<32x80x128xi32, #tpu.memory_space<hbm>> -> memref<1x80x128xi32, #tpu.memory_space<hbm>>
      %dma_wait3A_708 = tpu.memref_squeeze %dma_wait3A_707 : memref<1x80x128xi32, #tpu.memory_space<hbm>> -> memref<80x128xi32, #tpu.memory_space<hbm>>
      %dma_wait3A_709 = arith.constant 0 : i32
      %dma_wait3A_710 = arith.constant 0 : i32
      %dma_wait3A_711 = tpu.memref_slice %arg7[%add3A, %dma_wait3A_709, %dma_wait3A_710] : memref<32x80x128xi32, #tpu.memory_space<hbm>> -> memref<1x80x128xi32, #tpu.memory_space<hbm>>
      %dma_wait3A_712 = tpu.memref_squeeze %dma_wait3A_711 : memref<1x80x128xi32, #tpu.memory_space<hbm>> -> memref<80x128xi32, #tpu.memory_space<hbm>>
      tpu.wait_dma2 semaphore(%run_scoped3A_696 : memref<!tpu.dma_semaphore, #tpu.memory_space<semaphore_mem>>) src(%arg9 : memref<80x128xi32, #tpu.memory_space<vmem>>) dst(%dma_wait3A_712 : memref<80x128xi32, #tpu.memory_space<hbm>>)
      tpu.yield
    }) : () -> ()
    %barrier3A_688 = arith.constant 0 : index
    tpu.barrier barrier_id(%barrier3A_688)
    %mul3A_689 = arith.constant 632 : i32
    %mul3A_690 = arith.muli %arg1, %mul3A_689 : i32
    %mul3A_691 = arith.constant 10112 : i32
    %mul3A_692 = arith.muli %arg0, %mul3A_691 : i32
    %mul3A_693 = arith.constant 632 : i32
    %mul3A_694 = arith.muli %arg1, %mul3A_693 : i32
    %add3A_695 = arith.addi %mul3A_692, %mul3A_694 : i32
    "tpu.region"() ({
      %run_scoped3A_696 = tpu.sem_alloc : memref<!tpu.dma_semaphore, #tpu.memory_space<semaphore_mem>>
      %dma_start3A_697 = arith.constant 0 : i32
      %dma_start3A_698 = tpu.memref_slice %arg5[%add3A_695, %dma_start3A_697] : memref<20224x16xf32, #tpu.memory_space<hbm>> -> memref<632x16xf32, #tpu.memory_space<hbm>>
      %dma_start3A_699 = arith.constant 0 : i32
      %dma_start3A_700 = tpu.memref_slice %arg11[%mul3A_690, %dma_start3A_699] : memref<10112x16xf32, #tpu.memory_space<vmem_shared>> -> memref<632x16xf32, #tpu.memory_space<vmem_shared>>
      tpu.enqueue_dma source(%dma_start3A_700 : memref<632x16xf32, #tpu.memory_space<vmem_shared>>) target(%dma_start3A_698 : memref<632x16xf32, #tpu.memory_space<hbm>>) target_semaphore(%run_scoped3A_696 : memref<!tpu.dma_semaphore, #tpu.memory_space<semaphore_mem>>)
      %dma_wait3A_701 = arith.constant 0 : i32
      %dma_wait3A_702 = tpu.memref_slice %arg5[%add3A_695, %dma_wait3A_701] : memref<20224x16xf32, #tpu.memory_space<hbm>> -> memref<632x16xf32, #tpu.memory_space<hbm>>
      %dma_wait3A_703 = arith.constant 0 : i32
      %dma_wait3A_704 = tpu.memref_slice %arg11[%mul3A_690, %dma_wait3A_703] : memref<10112x16xf32, #tpu.memory_space<vmem_shared>> -> memref<632x16xf32, #tpu.memory_space<vmem_shared>>
      tpu.wait_dma2 semaphore(%run_scoped3A_696 : memref<!tpu.dma_semaphore, #tpu.memory_space<semaphore_mem>>) src(%dma_wait3A_704 : memref<632x16xf32, #tpu.memory_space<vmem_shared>>) dst(%dma_wait3A_702 : memref<632x16xf32, #tpu.memory_space<hbm>>)
      tpu.yield
    }) : () -> ()
    return
  }
}

#map = affine_map<(d0, d1) -> (0, 0)>
#map1 = affine_map<(d0, d1) -> (0, 0, 0)>
module attributes {stable_mosaic.version = 14 : i64} {
  func.func @_sc_layer(%arg0: i32, %arg1: i32, %arg2: memref<10112x16xf32, #tpu.memory_space<hbm>>, %arg3: memref<32x80x128xi32, #tpu.memory_space<hbm>>, %arg4: memref<32x80x128xi32, #tpu.memory_space<hbm>>, %arg5: memref<10112x16xf32, #tpu.memory_space<hbm>>, %arg6: memref<20224x16xf32, #tpu.memory_space<hbm>>, %arg7: memref<80x128xi32, #tpu.memory_space<vmem>>, %arg8: memref<80x128xi32, #tpu.memory_space<vmem>>, %arg9: memref<128x16xf32, #tpu.memory_space<vmem>>, %arg10: memref<128x16xf32, #tpu.memory_space<vmem>>, %arg11: memref<128x16xf32, #tpu.memory_space<vmem>>, %arg12: memref<128x16xf32, #tpu.memory_space<vmem>>, %arg13: memref<128x16xf32, #tpu.memory_space<vmem>>, %arg14: memref<128x16xf32, #tpu.memory_space<vmem>>, %arg15: memref<128x16xf32, #tpu.memory_space<vmem>>, %arg16: memref<128x16xf32, #tpu.memory_space<vmem>>, %arg17: memref<10112x16xf32, #tpu.memory_space<vmem_shared>>, %arg18: memref<10112x16xf32, #tpu.memory_space<vmem_shared>>, %arg19: memref<!tpu.dma_semaphore, #tpu.memory_space<semaphore_mem>>, %arg20: memref<!tpu.dma_semaphore, #tpu.memory_space<semaphore_mem>>, %arg21: memref<!tpu.dma_semaphore, #tpu.memory_space<semaphore_mem>>, %arg22: memref<!tpu.dma_semaphore, #tpu.memory_space<semaphore_mem>>, %arg23: memref<!tpu.dma_semaphore, #tpu.memory_space<semaphore_mem>>, %arg24: memref<!tpu.dma_semaphore, #tpu.memory_space<semaphore_mem>>, %arg25: memref<!tpu.dma_semaphore, #tpu.memory_space<semaphore_mem>>, %arg26: memref<!tpu.dma_semaphore, #tpu.memory_space<semaphore_mem>>, %arg27: memref<!tpu.dma_semaphore, #tpu.memory_space<semaphore_mem>>, %arg28: memref<!tpu.dma_semaphore, #tpu.memory_space<semaphore_mem>>, %arg29: memref<!tpu.dma_semaphore, #tpu.memory_space<semaphore_mem>>, %arg30: memref<!tpu.dma_semaphore, #tpu.memory_space<semaphore_mem>>, %arg31: memref<!tpu.dma_semaphore, #tpu.memory_space<semaphore_mem>>, %arg32: memref<!tpu.dma_semaphore, #tpu.memory_space<semaphore_mem>>, %arg33: memref<!tpu.dma_semaphore, #tpu.memory_space<semaphore_mem>>, %arg34: memref<!tpu.dma_semaphore, #tpu.memory_space<semaphore_mem>>) attributes {dimension_semantics = [#tpu.dimension_semantics<core_parallel>, #tpu.dimension_semantics<subcore_parallel>], iteration_bounds = array<i64: 2, 16>, scalar_prefetch = 0 : i64, scratch_operands = 28 : i64, tpu.core_type = #tpu.core_type<sc_vector_subcore>, window_params = [{transform_indices = #map}, {transform_indices = #map1}, {transform_indices = #map1}, {transform_indices = #map}, {transform_indices = #map}]} {
    %mul3A = arith.constant 2 : i32
    %mul3A_0 = arith.muli %arg1, %mul3A : i32
    %add3A = arith.addi %mul3A_0, %arg0 : i32
    %mul3A_1 = arith.constant 632 : i32
    %mul3A_2 = arith.muli %arg1, %mul3A_1 : i32
    "tpu.region"() ({
      %run_scoped3A = tpu.sem_alloc : memref<!tpu.dma_semaphore, #tpu.memory_space<semaphore_mem>>
      %dma_start3A_99 = arith.constant 0 : i32
      %dma_start3A_100 = arith.constant 0 : i32
      %dma_start3A_101 = tpu.memref_slice %arg3[%add3A, %dma_start3A_99, %dma_start3A_100] : memref<32x80x128xi32, #tpu.memory_space<hbm>> -> memref<1x80x128xi32, #tpu.memory_space<hbm>>
      %dma_start3A_102 = tpu.memref_squeeze %dma_start3A_101 : memref<1x80x128xi32, #tpu.memory_space<hbm>> -> memref<80x128xi32, #tpu.memory_space<hbm>>
      %dma_start3A_103 = arith.constant 0 : i32
      %dma_start3A_104 = arith.constant 0 : i32
      %dma_start3A_105 = tpu.memref_slice %arg3[%add3A, %dma_start3A_103, %dma_start3A_104] : memref<32x80x128xi32, #tpu.memory_space<hbm>> -> memref<1x80x128xi32, #tpu.memory_space<hbm>>
      %dma_start3A_106 = tpu.memref_squeeze %dma_start3A_105 : memref<1x80x128xi32, #tpu.memory_space<hbm>> -> memref<80x128xi32, #tpu.memory_space<hbm>>
      tpu.enqueue_dma source(%dma_start3A_106 : memref<80x128xi32, #tpu.memory_space<hbm>>) target(%arg7 : memref<80x128xi32, #tpu.memory_space<vmem>>) target_semaphore(%run_scoped3A : memref<!tpu.dma_semaphore, #tpu.memory_space<semaphore_mem>>)
      %dma_wait3A_107 = arith.constant 0 : i32
      %dma_wait3A_108 = arith.constant 0 : i32
      %dma_wait3A_109 = tpu.memref_slice %arg3[%add3A, %dma_wait3A_107, %dma_wait3A_108] : memref<32x80x128xi32, #tpu.memory_space<hbm>> -> memref<1x80x128xi32, #tpu.memory_space<hbm>>
      %dma_wait3A_110 = tpu.memref_squeeze %dma_wait3A_109 : memref<1x80x128xi32, #tpu.memory_space<hbm>> -> memref<80x128xi32, #tpu.memory_space<hbm>>
      %dma_wait3A_111 = arith.constant 0 : i32
      %dma_wait3A_112 = arith.constant 0 : i32
      %dma_wait3A_113 = tpu.memref_slice %arg3[%add3A, %dma_wait3A_111, %dma_wait3A_112] : memref<32x80x128xi32, #tpu.memory_space<hbm>> -> memref<1x80x128xi32, #tpu.memory_space<hbm>>
      %dma_wait3A_114 = tpu.memref_squeeze %dma_wait3A_113 : memref<1x80x128xi32, #tpu.memory_space<hbm>> -> memref<80x128xi32, #tpu.memory_space<hbm>>
      tpu.wait_dma2 semaphore(%run_scoped3A : memref<!tpu.dma_semaphore, #tpu.memory_space<semaphore_mem>>) src(%dma_wait3A_114 : memref<80x128xi32, #tpu.memory_space<hbm>>) dst(%arg7 : memref<80x128xi32, #tpu.memory_space<vmem>>)
      tpu.yield
    }) : () -> ()
    "tpu.region"() ({
      %run_scoped3A = tpu.sem_alloc : memref<!tpu.dma_semaphore, #tpu.memory_space<semaphore_mem>>
      %dma_start3A_99 = arith.constant 0 : i32
      %dma_start3A_100 = arith.constant 0 : i32
      %dma_start3A_101 = tpu.memref_slice %arg4[%add3A, %dma_start3A_99, %dma_start3A_100] : memref<32x80x128xi32, #tpu.memory_space<hbm>> -> memref<1x80x128xi32, #tpu.memory_space<hbm>>
      %dma_start3A_102 = tpu.memref_squeeze %dma_start3A_101 : memref<1x80x128xi32, #tpu.memory_space<hbm>> -> memref<80x128xi32, #tpu.memory_space<hbm>>
      %dma_start3A_103 = arith.constant 0 : i32
      %dma_start3A_104 = arith.constant 0 : i32
      %dma_start3A_105 = tpu.memref_slice %arg4[%add3A, %dma_start3A_103, %dma_start3A_104] : memref<32x80x128xi32, #tpu.memory_space<hbm>> -> memref<1x80x128xi32, #tpu.memory_space<hbm>>
      %dma_start3A_106 = tpu.memref_squeeze %dma_start3A_105 : memref<1x80x128xi32, #tpu.memory_space<hbm>> -> memref<80x128xi32, #tpu.memory_space<hbm>>
      tpu.enqueue_dma source(%dma_start3A_106 : memref<80x128xi32, #tpu.memory_space<hbm>>) target(%arg8 : memref<80x128xi32, #tpu.memory_space<vmem>>) target_semaphore(%run_scoped3A : memref<!tpu.dma_semaphore, #tpu.memory_space<semaphore_mem>>)
      %dma_wait3A_107 = arith.constant 0 : i32
      %dma_wait3A_108 = arith.constant 0 : i32
      %dma_wait3A_109 = tpu.memref_slice %arg4[%add3A, %dma_wait3A_107, %dma_wait3A_108] : memref<32x80x128xi32, #tpu.memory_space<hbm>> -> memref<1x80x128xi32, #tpu.memory_space<hbm>>
      %dma_wait3A_110 = tpu.memref_squeeze %dma_wait3A_109 : memref<1x80x128xi32, #tpu.memory_space<hbm>> -> memref<80x128xi32, #tpu.memory_space<hbm>>
      %dma_wait3A_111 = arith.constant 0 : i32
      %dma_wait3A_112 = arith.constant 0 : i32
      %dma_wait3A_113 = tpu.memref_slice %arg4[%add3A, %dma_wait3A_111, %dma_wait3A_112] : memref<32x80x128xi32, #tpu.memory_space<hbm>> -> memref<1x80x128xi32, #tpu.memory_space<hbm>>
      %dma_wait3A_114 = tpu.memref_squeeze %dma_wait3A_113 : memref<1x80x128xi32, #tpu.memory_space<hbm>> -> memref<80x128xi32, #tpu.memory_space<hbm>>
      tpu.wait_dma2 semaphore(%run_scoped3A : memref<!tpu.dma_semaphore, #tpu.memory_space<semaphore_mem>>) src(%dma_wait3A_114 : memref<80x128xi32, #tpu.memory_space<hbm>>) dst(%arg8 : memref<80x128xi32, #tpu.memory_space<vmem>>)
      tpu.yield
    }) : () -> ()
    "tpu.region"() ({
      %run_scoped3A = tpu.sem_alloc : memref<!tpu.dma_semaphore, #tpu.memory_space<semaphore_mem>>
      %dma_start3A_99 = arith.constant 0 : i32
      %dma_start3A_100 = tpu.memref_slice %arg18[%mul3A_2, %dma_start3A_99] : memref<10112x16xf32, #tpu.memory_space<vmem_shared>> -> memref<632x16xf32, #tpu.memory_space<vmem_shared>>
      %dma_start3A_101 = arith.constant 0 : i32
      %dma_start3A_102 = tpu.memref_slice %arg5[%mul3A_2, %dma_start3A_101] : memref<10112x16xf32, #tpu.memory_space<hbm>> -> memref<632x16xf32, #tpu.memory_space<hbm>>
      tpu.enqueue_dma source(%dma_start3A_102 : memref<632x16xf32, #tpu.memory_space<hbm>>) target(%dma_start3A_100 : memref<632x16xf32, #tpu.memory_space<vmem_shared>>) target_semaphore(%run_scoped3A : memref<!tpu.dma_semaphore, #tpu.memory_space<semaphore_mem>>)
      %dma_wait3A_103 = arith.constant 0 : i32
      %dma_wait3A_104 = tpu.memref_slice %arg18[%mul3A_2, %dma_wait3A_103] : memref<10112x16xf32, #tpu.memory_space<vmem_shared>> -> memref<632x16xf32, #tpu.memory_space<vmem_shared>>
      %dma_wait3A_105 = arith.constant 0 : i32
      %dma_wait3A_106 = tpu.memref_slice %arg5[%mul3A_2, %dma_wait3A_105] : memref<10112x16xf32, #tpu.memory_space<hbm>> -> memref<632x16xf32, #tpu.memory_space<hbm>>
      tpu.wait_dma2 semaphore(%run_scoped3A : memref<!tpu.dma_semaphore, #tpu.memory_space<semaphore_mem>>) src(%dma_wait3A_106 : memref<632x16xf32, #tpu.memory_space<hbm>>) dst(%dma_wait3A_104 : memref<632x16xf32, #tpu.memory_space<vmem_shared>>)
      tpu.yield
    }) : () -> ()
    "tpu.region"() ({
      %run_scoped3A = tpu.sem_alloc : memref<!tpu.dma_semaphore, #tpu.memory_space<semaphore_mem>>
      %dma_start3A_99 = arith.constant 0 : i32
      %dma_start3A_100 = tpu.memref_slice %arg17[%mul3A_2, %dma_start3A_99] : memref<10112x16xf32, #tpu.memory_space<vmem_shared>> -> memref<632x16xf32, #tpu.memory_space<vmem_shared>>
      %dma_start3A_101 = arith.constant 0 : i32
      %dma_start3A_102 = tpu.memref_slice %arg2[%mul3A_2, %dma_start3A_101] : memref<10112x16xf32, #tpu.memory_space<hbm>> -> memref<632x16xf32, #tpu.memory_space<hbm>>
      tpu.enqueue_dma source(%dma_start3A_102 : memref<632x16xf32, #tpu.memory_space<hbm>>) target(%dma_start3A_100 : memref<632x16xf32, #tpu.memory_space<vmem_shared>>) target_semaphore(%run_scoped3A : memref<!tpu.dma_semaphore, #tpu.memory_space<semaphore_mem>>)
      %dma_wait3A_103 = arith.constant 0 : i32
      %dma_wait3A_104 = tpu.memref_slice %arg17[%mul3A_2, %dma_wait3A_103] : memref<10112x16xf32, #tpu.memory_space<vmem_shared>> -> memref<632x16xf32, #tpu.memory_space<vmem_shared>>
      %dma_wait3A_105 = arith.constant 0 : i32
      %dma_wait3A_106 = tpu.memref_slice %arg2[%mul3A_2, %dma_wait3A_105] : memref<10112x16xf32, #tpu.memory_space<hbm>> -> memref<632x16xf32, #tpu.memory_space<hbm>>
      tpu.wait_dma2 semaphore(%run_scoped3A : memref<!tpu.dma_semaphore, #tpu.memory_space<semaphore_mem>>) src(%dma_wait3A_106 : memref<632x16xf32, #tpu.memory_space<hbm>>) dst(%dma_wait3A_104 : memref<632x16xf32, #tpu.memory_space<vmem_shared>>)
      tpu.yield
    }) : () -> ()
    %barrier3A = arith.constant 0 : index
    tpu.barrier barrier_id(%barrier3A)
    %dma_start3A = arith.constant 0 : i32
    %dma_start3A_3 = arith.constant 0 : i32
    %dma_start3A_4 = tpu.memref_slice %arg7[%dma_start3A, %dma_start3A_3] : memref<80x128xi32, #tpu.memory_space<vmem>> -> memref<1x128xi32, #tpu.memory_space<vmem>>
    %dma_start3A_5 = tpu.memref_squeeze %dma_start3A_4 : memref<1x128xi32, #tpu.memory_space<vmem>> -> memref<128xi32, #tpu.memory_space<vmem>>
    %dma_start3A_6 = arith.constant 0 : i32
    %dma_start3A_7 = arith.constant 0 : i32
    %dma_start3A_8 = tpu.memref_slice %arg17[%dma_start3A_6, %dma_start3A_7] : memref<10112x16xf32, #tpu.memory_space<vmem_shared>> -> memref<10112x16xf32, #tpu.memory_space<vmem_shared>>
    tpu.enqueue_indirect_dma source(%dma_start3A_8 : memref<10112x16xf32, #tpu.memory_space<vmem_shared>>) target(%arg9 : memref<128x16xf32, #tpu.memory_space<vmem>>) offsets(%dma_start3A_5 : memref<128xi32, #tpu.memory_space<vmem>>) semaphore(%arg19 : memref<!tpu.dma_semaphore, #tpu.memory_space<semaphore_mem>>)
    %dma_start3A_9 = arith.constant 1 : i32
    %dma_start3A_10 = arith.constant 0 : i32
    %dma_start3A_11 = tpu.memref_slice %arg7[%dma_start3A_9, %dma_start3A_10] : memref<80x128xi32, #tpu.memory_space<vmem>> -> memref<1x128xi32, #tpu.memory_space<vmem>>
    %dma_start3A_12 = tpu.memref_squeeze %dma_start3A_11 : memref<1x128xi32, #tpu.memory_space<vmem>> -> memref<128xi32, #tpu.memory_space<vmem>>
    %dma_start3A_13 = arith.constant 0 : i32
    %dma_start3A_14 = arith.constant 0 : i32
    %dma_start3A_15 = tpu.memref_slice %arg17[%dma_start3A_13, %dma_start3A_14] : memref<10112x16xf32, #tpu.memory_space<vmem_shared>> -> memref<10112x16xf32, #tpu.memory_space<vmem_shared>>
    tpu.enqueue_indirect_dma source(%dma_start3A_15 : memref<10112x16xf32, #tpu.memory_space<vmem_shared>>) target(%arg10 : memref<128x16xf32, #tpu.memory_space<vmem>>) offsets(%dma_start3A_12 : memref<128xi32, #tpu.memory_space<vmem>>) semaphore(%arg20 : memref<!tpu.dma_semaphore, #tpu.memory_space<semaphore_mem>>)
    %dma_start3A_16 = arith.constant 2 : i32
    %dma_start3A_17 = arith.constant 0 : i32
    %dma_start3A_18 = tpu.memref_slice %arg7[%dma_start3A_16, %dma_start3A_17] : memref<80x128xi32, #tpu.memory_space<vmem>> -> memref<1x128xi32, #tpu.memory_space<vmem>>
    %dma_start3A_19 = tpu.memref_squeeze %dma_start3A_18 : memref<1x128xi32, #tpu.memory_space<vmem>> -> memref<128xi32, #tpu.memory_space<vmem>>
    %dma_start3A_20 = arith.constant 0 : i32
    %dma_start3A_21 = arith.constant 0 : i32
    %dma_start3A_22 = tpu.memref_slice %arg17[%dma_start3A_20, %dma_start3A_21] : memref<10112x16xf32, #tpu.memory_space<vmem_shared>> -> memref<10112x16xf32, #tpu.memory_space<vmem_shared>>
    tpu.enqueue_indirect_dma source(%dma_start3A_22 : memref<10112x16xf32, #tpu.memory_space<vmem_shared>>) target(%arg11 : memref<128x16xf32, #tpu.memory_space<vmem>>) offsets(%dma_start3A_19 : memref<128xi32, #tpu.memory_space<vmem>>) semaphore(%arg21 : memref<!tpu.dma_semaphore, #tpu.memory_space<semaphore_mem>>)
    %dma_start3A_23 = arith.constant 3 : i32
    %dma_start3A_24 = arith.constant 0 : i32
    %dma_start3A_25 = tpu.memref_slice %arg7[%dma_start3A_23, %dma_start3A_24] : memref<80x128xi32, #tpu.memory_space<vmem>> -> memref<1x128xi32, #tpu.memory_space<vmem>>
    %dma_start3A_26 = tpu.memref_squeeze %dma_start3A_25 : memref<1x128xi32, #tpu.memory_space<vmem>> -> memref<128xi32, #tpu.memory_space<vmem>>
    %dma_start3A_27 = arith.constant 0 : i32
    %dma_start3A_28 = arith.constant 0 : i32
    %dma_start3A_29 = tpu.memref_slice %arg17[%dma_start3A_27, %dma_start3A_28] : memref<10112x16xf32, #tpu.memory_space<vmem_shared>> -> memref<10112x16xf32, #tpu.memory_space<vmem_shared>>
    tpu.enqueue_indirect_dma source(%dma_start3A_29 : memref<10112x16xf32, #tpu.memory_space<vmem_shared>>) target(%arg12 : memref<128x16xf32, #tpu.memory_space<vmem>>) offsets(%dma_start3A_26 : memref<128xi32, #tpu.memory_space<vmem>>) semaphore(%arg22 : memref<!tpu.dma_semaphore, #tpu.memory_space<semaphore_mem>>)
    %scan3A = arith.constant 0 : i32
    %scan3A_30 = arith.constant 0 : i32
    %scan3A_31 = arith.constant 10 : i32
    %scan3A_32 = arith.addi %scan3A_30, %scan3A_31 : i32
    %scan3A_33 = arith.constant 1 : i32
    %scan3A_34 = scf.for %scan3A_99 = %scan3A_30 to %scan3A_32 step %scan3A_33 iter_args(%scan3A_100 = %scan3A) -> (i32)  : i32 {
      %mul3A_101 = arith.constant 8 : i32
      %mul3A_102 = arith.muli %scan3A_99, %mul3A_101 : i32
      %add3A_103 = arith.constant 0 : i32
      %add3A_104 = arith.addi %mul3A_102, %add3A_103 : i32
      %dma_wait3A_105 = arith.constant 0 : i32
      %dma_wait3A_106 = tpu.memref_slice %arg7[%add3A_104, %dma_wait3A_105] : memref<80x128xi32, #tpu.memory_space<vmem>> -> memref<1x128xi32, #tpu.memory_space<vmem>>
      %dma_wait3A_107 = tpu.memref_squeeze %dma_wait3A_106 : memref<1x128xi32, #tpu.memory_space<vmem>> -> memref<128xi32, #tpu.memory_space<vmem>>
      %dma_wait3A_108 = arith.constant 0 : i32
      %dma_wait3A_109 = arith.constant 0 : i32
      %dma_wait3A_110 = tpu.memref_slice %arg17[%dma_wait3A_108, %dma_wait3A_109] : memref<10112x16xf32, #tpu.memory_space<vmem_shared>> -> memref<10112x16xf32, #tpu.memory_space<vmem_shared>>
      tpu.wait_indirect_dma semaphore(%arg19 : memref<!tpu.dma_semaphore, #tpu.memory_space<semaphore_mem>>) src(%dma_wait3A_110 : memref<10112x16xf32, #tpu.memory_space<vmem_shared>>) dst(%arg9 : memref<128x16xf32, #tpu.memory_space<vmem>>)
      %dma_start3A_111 = arith.constant 0 : i32
      %dma_start3A_112 = tpu.memref_slice %arg8[%add3A_104, %dma_start3A_111] : memref<80x128xi32, #tpu.memory_space<vmem>> -> memref<1x128xi32, #tpu.memory_space<vmem>>
      %dma_start3A_113 = tpu.memref_squeeze %dma_start3A_112 : memref<1x128xi32, #tpu.memory_space<vmem>> -> memref<128xi32, #tpu.memory_space<vmem>>
      %dma_start3A_114 = arith.constant 0 : i32
      %dma_start3A_115 = arith.constant 0 : i32
      %dma_start3A_116 = tpu.memref_slice %arg18[%dma_start3A_114, %dma_start3A_115] : memref<10112x16xf32, #tpu.memory_space<vmem_shared>> -> memref<10112x16xf32, #tpu.memory_space<vmem_shared>>
      tpu.enqueue_indirect_dma source(%arg9 : memref<128x16xf32, #tpu.memory_space<vmem>>) target(%dma_start3A_116 : memref<10112x16xf32, #tpu.memory_space<vmem_shared>>) offsets(%dma_start3A_113 : memref<128xi32, #tpu.memory_space<vmem>>) semaphore(%arg27 : memref<!tpu.dma_semaphore, #tpu.memory_space<semaphore_mem>>) {add = true}
      %add3A_117 = arith.constant 4 : i32
      %add3A_118 = arith.addi %add3A_104, %add3A_117 : i32
      %lt3A = arith.constant 80 : i32
      %lt3A_119 = arith.cmpi slt, %add3A_118, %lt3A : i32
      %convert_element_type3A = arith.extui %lt3A_119 : i1 to i32
      %cond3A = arith.constant 0 : i32
      %cond3A_120 = arith.cmpi ne, %convert_element_type3A, %cond3A : i32
      scf.if %cond3A_120 {
        %ge3A = arith.constant 4 : i32
        %ge3A_269 = arith.cmpi sge, %add3A_104, %ge3A : i32
        %convert_element_type3A_270 = arith.extui %ge3A_269 : i1 to i32
        %cond3A_271 = arith.constant 0 : i32
        %cond3A_272 = arith.cmpi ne, %convert_element_type3A_270, %cond3A_271 : i32
        scf.if %cond3A_272 {
          %dma_wait3A_281 = arith.constant 0 : i32
          %dma_wait3A_282 = tpu.memref_slice %arg8[%add3A_104, %dma_wait3A_281] : memref<80x128xi32, #tpu.memory_space<vmem>> -> memref<1x128xi32, #tpu.memory_space<vmem>>
          %dma_wait3A_283 = tpu.memref_squeeze %dma_wait3A_282 : memref<1x128xi32, #tpu.memory_space<vmem>> -> memref<128xi32, #tpu.memory_space<vmem>>
          %dma_wait3A_284 = arith.constant 0 : i32
          %dma_wait3A_285 = arith.constant 0 : i32
          %dma_wait3A_286 = tpu.memref_slice %arg18[%dma_wait3A_284, %dma_wait3A_285] : memref<10112x16xf32, #tpu.memory_space<vmem_shared>> -> memref<10112x16xf32, #tpu.memory_space<vmem_shared>>
          tpu.wait_indirect_dma semaphore(%arg31 : memref<!tpu.dma_semaphore, #tpu.memory_space<semaphore_mem>>) src(%arg13 : memref<128x16xf32, #tpu.memory_space<vmem>>) dst(%dma_wait3A_286 : memref<10112x16xf32, #tpu.memory_space<vmem_shared>>)
        } else {
        }
        %add3A_273 = arith.constant 4 : i32
        %add3A_274 = arith.addi %add3A_104, %add3A_273 : i32
        %dma_start3A_275 = arith.constant 0 : i32
        %dma_start3A_276 = tpu.memref_slice %arg7[%add3A_274, %dma_start3A_275] : memref<80x128xi32, #tpu.memory_space<vmem>> -> memref<1x128xi32, #tpu.memory_space<vmem>>
        %dma_start3A_277 = tpu.memref_squeeze %dma_start3A_276 : memref<1x128xi32, #tpu.memory_space<vmem>> -> memref<128xi32, #tpu.memory_space<vmem>>
        %dma_start3A_278 = arith.constant 0 : i32
        %dma_start3A_279 = arith.constant 0 : i32
        %dma_start3A_280 = tpu.memref_slice %arg17[%dma_start3A_278, %dma_start3A_279] : memref<10112x16xf32, #tpu.memory_space<vmem_shared>> -> memref<10112x16xf32, #tpu.memory_space<vmem_shared>>
        tpu.enqueue_indirect_dma source(%dma_start3A_280 : memref<10112x16xf32, #tpu.memory_space<vmem_shared>>) target(%arg13 : memref<128x16xf32, #tpu.memory_space<vmem>>) offsets(%dma_start3A_277 : memref<128xi32, #tpu.memory_space<vmem>>) semaphore(%arg23 : memref<!tpu.dma_semaphore, #tpu.memory_space<semaphore_mem>>)
      } else {
      }
      %add3A_121 = arith.constant 1 : i32
      %add3A_122 = arith.addi %mul3A_102, %add3A_121 : i32
      %dma_wait3A_123 = arith.constant 0 : i32
      %dma_wait3A_124 = tpu.memref_slice %arg7[%add3A_122, %dma_wait3A_123] : memref<80x128xi32, #tpu.memory_space<vmem>> -> memref<1x128xi32, #tpu.memory_space<vmem>>
      %dma_wait3A_125 = tpu.memref_squeeze %dma_wait3A_124 : memref<1x128xi32, #tpu.memory_space<vmem>> -> memref<128xi32, #tpu.memory_space<vmem>>
      %dma_wait3A_126 = arith.constant 0 : i32
      %dma_wait3A_127 = arith.constant 0 : i32
      %dma_wait3A_128 = tpu.memref_slice %arg17[%dma_wait3A_126, %dma_wait3A_127] : memref<10112x16xf32, #tpu.memory_space<vmem_shared>> -> memref<10112x16xf32, #tpu.memory_space<vmem_shared>>
      tpu.wait_indirect_dma semaphore(%arg20 : memref<!tpu.dma_semaphore, #tpu.memory_space<semaphore_mem>>) src(%dma_wait3A_128 : memref<10112x16xf32, #tpu.memory_space<vmem_shared>>) dst(%arg10 : memref<128x16xf32, #tpu.memory_space<vmem>>)
      %dma_start3A_129 = arith.constant 0 : i32
      %dma_start3A_130 = tpu.memref_slice %arg8[%add3A_122, %dma_start3A_129] : memref<80x128xi32, #tpu.memory_space<vmem>> -> memref<1x128xi32, #tpu.memory_space<vmem>>
      %dma_start3A_131 = tpu.memref_squeeze %dma_start3A_130 : memref<1x128xi32, #tpu.memory_space<vmem>> -> memref<128xi32, #tpu.memory_space<vmem>>
      %dma_start3A_132 = arith.constant 0 : i32
      %dma_start3A_133 = arith.constant 0 : i32
      %dma_start3A_134 = tpu.memref_slice %arg18[%dma_start3A_132, %dma_start3A_133] : memref<10112x16xf32, #tpu.memory_space<vmem_shared>> -> memref<10112x16xf32, #tpu.memory_space<vmem_shared>>
      tpu.enqueue_indirect_dma source(%arg10 : memref<128x16xf32, #tpu.memory_space<vmem>>) target(%dma_start3A_134 : memref<10112x16xf32, #tpu.memory_space<vmem_shared>>) offsets(%dma_start3A_131 : memref<128xi32, #tpu.memory_space<vmem>>) semaphore(%arg28 : memref<!tpu.dma_semaphore, #tpu.memory_space<semaphore_mem>>) {add = true}
      %add3A_135 = arith.constant 4 : i32
      %add3A_136 = arith.addi %add3A_122, %add3A_135 : i32
      %lt3A_137 = arith.constant 80 : i32
      %lt3A_138 = arith.cmpi slt, %add3A_136, %lt3A_137 : i32
      %convert_element_type3A_139 = arith.extui %lt3A_138 : i1 to i32
      %cond3A_140 = arith.constant 0 : i32
      %cond3A_141 = arith.cmpi ne, %convert_element_type3A_139, %cond3A_140 : i32
      scf.if %cond3A_141 {
        %ge3A = arith.constant 4 : i32
        %ge3A_269 = arith.cmpi sge, %add3A_122, %ge3A : i32
        %convert_element_type3A_270 = arith.extui %ge3A_269 : i1 to i32
        %cond3A_271 = arith.constant 0 : i32
        %cond3A_272 = arith.cmpi ne, %convert_element_type3A_270, %cond3A_271 : i32
        scf.if %cond3A_272 {
          %dma_wait3A_281 = arith.constant 0 : i32
          %dma_wait3A_282 = tpu.memref_slice %arg8[%add3A_122, %dma_wait3A_281] : memref<80x128xi32, #tpu.memory_space<vmem>> -> memref<1x128xi32, #tpu.memory_space<vmem>>
          %dma_wait3A_283 = tpu.memref_squeeze %dma_wait3A_282 : memref<1x128xi32, #tpu.memory_space<vmem>> -> memref<128xi32, #tpu.memory_space<vmem>>
          %dma_wait3A_284 = arith.constant 0 : i32
          %dma_wait3A_285 = arith.constant 0 : i32
          %dma_wait3A_286 = tpu.memref_slice %arg18[%dma_wait3A_284, %dma_wait3A_285] : memref<10112x16xf32, #tpu.memory_space<vmem_shared>> -> memref<10112x16xf32, #tpu.memory_space<vmem_shared>>
          tpu.wait_indirect_dma semaphore(%arg32 : memref<!tpu.dma_semaphore, #tpu.memory_space<semaphore_mem>>) src(%arg14 : memref<128x16xf32, #tpu.memory_space<vmem>>) dst(%dma_wait3A_286 : memref<10112x16xf32, #tpu.memory_space<vmem_shared>>)
        } else {
        }
        %add3A_273 = arith.constant 4 : i32
        %add3A_274 = arith.addi %add3A_122, %add3A_273 : i32
        %dma_start3A_275 = arith.constant 0 : i32
        %dma_start3A_276 = tpu.memref_slice %arg7[%add3A_274, %dma_start3A_275] : memref<80x128xi32, #tpu.memory_space<vmem>> -> memref<1x128xi32, #tpu.memory_space<vmem>>
        %dma_start3A_277 = tpu.memref_squeeze %dma_start3A_276 : memref<1x128xi32, #tpu.memory_space<vmem>> -> memref<128xi32, #tpu.memory_space<vmem>>
        %dma_start3A_278 = arith.constant 0 : i32
        %dma_start3A_279 = arith.constant 0 : i32
        %dma_start3A_280 = tpu.memref_slice %arg17[%dma_start3A_278, %dma_start3A_279] : memref<10112x16xf32, #tpu.memory_space<vmem_shared>> -> memref<10112x16xf32, #tpu.memory_space<vmem_shared>>
        tpu.enqueue_indirect_dma source(%dma_start3A_280 : memref<10112x16xf32, #tpu.memory_space<vmem_shared>>) target(%arg14 : memref<128x16xf32, #tpu.memory_space<vmem>>) offsets(%dma_start3A_277 : memref<128xi32, #tpu.memory_space<vmem>>) semaphore(%arg24 : memref<!tpu.dma_semaphore, #tpu.memory_space<semaphore_mem>>)
      } else {
      }
      %add3A_142 = arith.constant 2 : i32
      %add3A_143 = arith.addi %mul3A_102, %add3A_142 : i32
      %dma_wait3A_144 = arith.constant 0 : i32
      %dma_wait3A_145 = tpu.memref_slice %arg7[%add3A_143, %dma_wait3A_144] : memref<80x128xi32, #tpu.memory_space<vmem>> -> memref<1x128xi32, #tpu.memory_space<vmem>>
      %dma_wait3A_146 = tpu.memref_squeeze %dma_wait3A_145 : memref<1x128xi32, #tpu.memory_space<vmem>> -> memref<128xi32, #tpu.memory_space<vmem>>
      %dma_wait3A_147 = arith.constant 0 : i32
      %dma_wait3A_148 = arith.constant 0 : i32
      %dma_wait3A_149 = tpu.memref_slice %arg17[%dma_wait3A_147, %dma_wait3A_148] : memref<10112x16xf32, #tpu.memory_space<vmem_shared>> -> memref<10112x16xf32, #tpu.memory_space<vmem_shared>>
      tpu.wait_indirect_dma semaphore(%arg21 : memref<!tpu.dma_semaphore, #tpu.memory_space<semaphore_mem>>) src(%dma_wait3A_149 : memref<10112x16xf32, #tpu.memory_space<vmem_shared>>) dst(%arg11 : memref<128x16xf32, #tpu.memory_space<vmem>>)
      %dma_start3A_150 = arith.constant 0 : i32
      %dma_start3A_151 = tpu.memref_slice %arg8[%add3A_143, %dma_start3A_150] : memref<80x128xi32, #tpu.memory_space<vmem>> -> memref<1x128xi32, #tpu.memory_space<vmem>>
      %dma_start3A_152 = tpu.memref_squeeze %dma_start3A_151 : memref<1x128xi32, #tpu.memory_space<vmem>> -> memref<128xi32, #tpu.memory_space<vmem>>
      %dma_start3A_153 = arith.constant 0 : i32
      %dma_start3A_154 = arith.constant 0 : i32
      %dma_start3A_155 = tpu.memref_slice %arg18[%dma_start3A_153, %dma_start3A_154] : memref<10112x16xf32, #tpu.memory_space<vmem_shared>> -> memref<10112x16xf32, #tpu.memory_space<vmem_shared>>
      tpu.enqueue_indirect_dma source(%arg11 : memref<128x16xf32, #tpu.memory_space<vmem>>) target(%dma_start3A_155 : memref<10112x16xf32, #tpu.memory_space<vmem_shared>>) offsets(%dma_start3A_152 : memref<128xi32, #tpu.memory_space<vmem>>) semaphore(%arg29 : memref<!tpu.dma_semaphore, #tpu.memory_space<semaphore_mem>>) {add = true}
      %add3A_156 = arith.constant 4 : i32
      %add3A_157 = arith.addi %add3A_143, %add3A_156 : i32
      %lt3A_158 = arith.constant 80 : i32
      %lt3A_159 = arith.cmpi slt, %add3A_157, %lt3A_158 : i32
      %convert_element_type3A_160 = arith.extui %lt3A_159 : i1 to i32
      %cond3A_161 = arith.constant 0 : i32
      %cond3A_162 = arith.cmpi ne, %convert_element_type3A_160, %cond3A_161 : i32
      scf.if %cond3A_162 {
        %ge3A = arith.constant 4 : i32
        %ge3A_269 = arith.cmpi sge, %add3A_143, %ge3A : i32
        %convert_element_type3A_270 = arith.extui %ge3A_269 : i1 to i32
        %cond3A_271 = arith.constant 0 : i32
        %cond3A_272 = arith.cmpi ne, %convert_element_type3A_270, %cond3A_271 : i32
        scf.if %cond3A_272 {
          %dma_wait3A_281 = arith.constant 0 : i32
          %dma_wait3A_282 = tpu.memref_slice %arg8[%add3A_143, %dma_wait3A_281] : memref<80x128xi32, #tpu.memory_space<vmem>> -> memref<1x128xi32, #tpu.memory_space<vmem>>
          %dma_wait3A_283 = tpu.memref_squeeze %dma_wait3A_282 : memref<1x128xi32, #tpu.memory_space<vmem>> -> memref<128xi32, #tpu.memory_space<vmem>>
          %dma_wait3A_284 = arith.constant 0 : i32
          %dma_wait3A_285 = arith.constant 0 : i32
          %dma_wait3A_286 = tpu.memref_slice %arg18[%dma_wait3A_284, %dma_wait3A_285] : memref<10112x16xf32, #tpu.memory_space<vmem_shared>> -> memref<10112x16xf32, #tpu.memory_space<vmem_shared>>
          tpu.wait_indirect_dma semaphore(%arg33 : memref<!tpu.dma_semaphore, #tpu.memory_space<semaphore_mem>>) src(%arg15 : memref<128x16xf32, #tpu.memory_space<vmem>>) dst(%dma_wait3A_286 : memref<10112x16xf32, #tpu.memory_space<vmem_shared>>)
        } else {
        }
        %add3A_273 = arith.constant 4 : i32
        %add3A_274 = arith.addi %add3A_143, %add3A_273 : i32
        %dma_start3A_275 = arith.constant 0 : i32
        %dma_start3A_276 = tpu.memref_slice %arg7[%add3A_274, %dma_start3A_275] : memref<80x128xi32, #tpu.memory_space<vmem>> -> memref<1x128xi32, #tpu.memory_space<vmem>>
        %dma_start3A_277 = tpu.memref_squeeze %dma_start3A_276 : memref<1x128xi32, #tpu.memory_space<vmem>> -> memref<128xi32, #tpu.memory_space<vmem>>
        %dma_start3A_278 = arith.constant 0 : i32
        %dma_start3A_279 = arith.constant 0 : i32
        %dma_start3A_280 = tpu.memref_slice %arg17[%dma_start3A_278, %dma_start3A_279] : memref<10112x16xf32, #tpu.memory_space<vmem_shared>> -> memref<10112x16xf32, #tpu.memory_space<vmem_shared>>
        tpu.enqueue_indirect_dma source(%dma_start3A_280 : memref<10112x16xf32, #tpu.memory_space<vmem_shared>>) target(%arg15 : memref<128x16xf32, #tpu.memory_space<vmem>>) offsets(%dma_start3A_277 : memref<128xi32, #tpu.memory_space<vmem>>) semaphore(%arg25 : memref<!tpu.dma_semaphore, #tpu.memory_space<semaphore_mem>>)
      } else {
      }
      %add3A_163 = arith.constant 3 : i32
      %add3A_164 = arith.addi %mul3A_102, %add3A_163 : i32
      %dma_wait3A_165 = arith.constant 0 : i32
      %dma_wait3A_166 = tpu.memref_slice %arg7[%add3A_164, %dma_wait3A_165] : memref<80x128xi32, #tpu.memory_space<vmem>> -> memref<1x128xi32, #tpu.memory_space<vmem>>
      %dma_wait3A_167 = tpu.memref_squeeze %dma_wait3A_166 : memref<1x128xi32, #tpu.memory_space<vmem>> -> memref<128xi32, #tpu.memory_space<vmem>>
      %dma_wait3A_168 = arith.constant 0 : i32
      %dma_wait3A_169 = arith.constant 0 : i32
      %dma_wait3A_170 = tpu.memref_slice %arg17[%dma_wait3A_168, %dma_wait3A_169] : memref<10112x16xf32, #tpu.memory_space<vmem_shared>> -> memref<10112x16xf32, #tpu.memory_space<vmem_shared>>
      tpu.wait_indirect_dma semaphore(%arg22 : memref<!tpu.dma_semaphore, #tpu.memory_space<semaphore_mem>>) src(%dma_wait3A_170 : memref<10112x16xf32, #tpu.memory_space<vmem_shared>>) dst(%arg12 : memref<128x16xf32, #tpu.memory_space<vmem>>)
      %dma_start3A_171 = arith.constant 0 : i32
      %dma_start3A_172 = tpu.memref_slice %arg8[%add3A_164, %dma_start3A_171] : memref<80x128xi32, #tpu.memory_space<vmem>> -> memref<1x128xi32, #tpu.memory_space<vmem>>
      %dma_start3A_173 = tpu.memref_squeeze %dma_start3A_172 : memref<1x128xi32, #tpu.memory_space<vmem>> -> memref<128xi32, #tpu.memory_space<vmem>>
      %dma_start3A_174 = arith.constant 0 : i32
      %dma_start3A_175 = arith.constant 0 : i32
      %dma_start3A_176 = tpu.memref_slice %arg18[%dma_start3A_174, %dma_start3A_175] : memref<10112x16xf32, #tpu.memory_space<vmem_shared>> -> memref<10112x16xf32, #tpu.memory_space<vmem_shared>>
      tpu.enqueue_indirect_dma source(%arg12 : memref<128x16xf32, #tpu.memory_space<vmem>>) target(%dma_start3A_176 : memref<10112x16xf32, #tpu.memory_space<vmem_shared>>) offsets(%dma_start3A_173 : memref<128xi32, #tpu.memory_space<vmem>>) semaphore(%arg30 : memref<!tpu.dma_semaphore, #tpu.memory_space<semaphore_mem>>) {add = true}
      %add3A_177 = arith.constant 4 : i32
      %add3A_178 = arith.addi %add3A_164, %add3A_177 : i32
      %lt3A_179 = arith.constant 80 : i32
      %lt3A_180 = arith.cmpi slt, %add3A_178, %lt3A_179 : i32
      %convert_element_type3A_181 = arith.extui %lt3A_180 : i1 to i32
      %cond3A_182 = arith.constant 0 : i32
      %cond3A_183 = arith.cmpi ne, %convert_element_type3A_181, %cond3A_182 : i32
      scf.if %cond3A_183 {
        %ge3A = arith.constant 4 : i32
        %ge3A_269 = arith.cmpi sge, %add3A_164, %ge3A : i32
        %convert_element_type3A_270 = arith.extui %ge3A_269 : i1 to i32
        %cond3A_271 = arith.constant 0 : i32
        %cond3A_272 = arith.cmpi ne, %convert_element_type3A_270, %cond3A_271 : i32
        scf.if %cond3A_272 {
          %dma_wait3A_281 = arith.constant 0 : i32
          %dma_wait3A_282 = tpu.memref_slice %arg8[%add3A_164, %dma_wait3A_281] : memref<80x128xi32, #tpu.memory_space<vmem>> -> memref<1x128xi32, #tpu.memory_space<vmem>>
          %dma_wait3A_283 = tpu.memref_squeeze %dma_wait3A_282 : memref<1x128xi32, #tpu.memory_space<vmem>> -> memref<128xi32, #tpu.memory_space<vmem>>
          %dma_wait3A_284 = arith.constant 0 : i32
          %dma_wait3A_285 = arith.constant 0 : i32
          %dma_wait3A_286 = tpu.memref_slice %arg18[%dma_wait3A_284, %dma_wait3A_285] : memref<10112x16xf32, #tpu.memory_space<vmem_shared>> -> memref<10112x16xf32, #tpu.memory_space<vmem_shared>>
          tpu.wait_indirect_dma semaphore(%arg34 : memref<!tpu.dma_semaphore, #tpu.memory_space<semaphore_mem>>) src(%arg16 : memref<128x16xf32, #tpu.memory_space<vmem>>) dst(%dma_wait3A_286 : memref<10112x16xf32, #tpu.memory_space<vmem_shared>>)
        } else {
        }
        %add3A_273 = arith.constant 4 : i32
        %add3A_274 = arith.addi %add3A_164, %add3A_273 : i32
        %dma_start3A_275 = arith.constant 0 : i32
        %dma_start3A_276 = tpu.memref_slice %arg7[%add3A_274, %dma_start3A_275] : memref<80x128xi32, #tpu.memory_space<vmem>> -> memref<1x128xi32, #tpu.memory_space<vmem>>
        %dma_start3A_277 = tpu.memref_squeeze %dma_start3A_276 : memref<1x128xi32, #tpu.memory_space<vmem>> -> memref<128xi32, #tpu.memory_space<vmem>>
        %dma_start3A_278 = arith.constant 0 : i32
        %dma_start3A_279 = arith.constant 0 : i32
        %dma_start3A_280 = tpu.memref_slice %arg17[%dma_start3A_278, %dma_start3A_279] : memref<10112x16xf32, #tpu.memory_space<vmem_shared>> -> memref<10112x16xf32, #tpu.memory_space<vmem_shared>>
        tpu.enqueue_indirect_dma source(%dma_start3A_280 : memref<10112x16xf32, #tpu.memory_space<vmem_shared>>) target(%arg16 : memref<128x16xf32, #tpu.memory_space<vmem>>) offsets(%dma_start3A_277 : memref<128xi32, #tpu.memory_space<vmem>>) semaphore(%arg26 : memref<!tpu.dma_semaphore, #tpu.memory_space<semaphore_mem>>)
      } else {
      }
      %add3A_184 = arith.constant 4 : i32
      %add3A_185 = arith.addi %mul3A_102, %add3A_184 : i32
      %dma_wait3A_186 = arith.constant 0 : i32
      %dma_wait3A_187 = tpu.memref_slice %arg7[%add3A_185, %dma_wait3A_186] : memref<80x128xi32, #tpu.memory_space<vmem>> -> memref<1x128xi32, #tpu.memory_space<vmem>>
      %dma_wait3A_188 = tpu.memref_squeeze %dma_wait3A_187 : memref<1x128xi32, #tpu.memory_space<vmem>> -> memref<128xi32, #tpu.memory_space<vmem>>
      %dma_wait3A_189 = arith.constant 0 : i32
      %dma_wait3A_190 = arith.constant 0 : i32
      %dma_wait3A_191 = tpu.memref_slice %arg17[%dma_wait3A_189, %dma_wait3A_190] : memref<10112x16xf32, #tpu.memory_space<vmem_shared>> -> memref<10112x16xf32, #tpu.memory_space<vmem_shared>>
      tpu.wait_indirect_dma semaphore(%arg23 : memref<!tpu.dma_semaphore, #tpu.memory_space<semaphore_mem>>) src(%dma_wait3A_191 : memref<10112x16xf32, #tpu.memory_space<vmem_shared>>) dst(%arg13 : memref<128x16xf32, #tpu.memory_space<vmem>>)
      %dma_start3A_192 = arith.constant 0 : i32
      %dma_start3A_193 = tpu.memref_slice %arg8[%add3A_185, %dma_start3A_192] : memref<80x128xi32, #tpu.memory_space<vmem>> -> memref<1x128xi32, #tpu.memory_space<vmem>>
      %dma_start3A_194 = tpu.memref_squeeze %dma_start3A_193 : memref<1x128xi32, #tpu.memory_space<vmem>> -> memref<128xi32, #tpu.memory_space<vmem>>
      %dma_start3A_195 = arith.constant 0 : i32
      %dma_start3A_196 = arith.constant 0 : i32
      %dma_start3A_197 = tpu.memref_slice %arg18[%dma_start3A_195, %dma_start3A_196] : memref<10112x16xf32, #tpu.memory_space<vmem_shared>> -> memref<10112x16xf32, #tpu.memory_space<vmem_shared>>
      tpu.enqueue_indirect_dma source(%arg13 : memref<128x16xf32, #tpu.memory_space<vmem>>) target(%dma_start3A_197 : memref<10112x16xf32, #tpu.memory_space<vmem_shared>>) offsets(%dma_start3A_194 : memref<128xi32, #tpu.memory_space<vmem>>) semaphore(%arg31 : memref<!tpu.dma_semaphore, #tpu.memory_space<semaphore_mem>>) {add = true}
      %add3A_198 = arith.constant 4 : i32
      %add3A_199 = arith.addi %add3A_185, %add3A_198 : i32
      %lt3A_200 = arith.constant 80 : i32
      %lt3A_201 = arith.cmpi slt, %add3A_199, %lt3A_200 : i32
      %convert_element_type3A_202 = arith.extui %lt3A_201 : i1 to i32
      %cond3A_203 = arith.constant 0 : i32
      %cond3A_204 = arith.cmpi ne, %convert_element_type3A_202, %cond3A_203 : i32
      scf.if %cond3A_204 {
        %ge3A = arith.constant 4 : i32
        %ge3A_269 = arith.cmpi sge, %add3A_185, %ge3A : i32
        %convert_element_type3A_270 = arith.extui %ge3A_269 : i1 to i32
        %cond3A_271 = arith.constant 0 : i32
        %cond3A_272 = arith.cmpi ne, %convert_element_type3A_270, %cond3A_271 : i32
        scf.if %cond3A_272 {
          %dma_wait3A_281 = arith.constant 0 : i32
          %dma_wait3A_282 = tpu.memref_slice %arg8[%add3A_185, %dma_wait3A_281] : memref<80x128xi32, #tpu.memory_space<vmem>> -> memref<1x128xi32, #tpu.memory_space<vmem>>
          %dma_wait3A_283 = tpu.memref_squeeze %dma_wait3A_282 : memref<1x128xi32, #tpu.memory_space<vmem>> -> memref<128xi32, #tpu.memory_space<vmem>>
          %dma_wait3A_284 = arith.constant 0 : i32
          %dma_wait3A_285 = arith.constant 0 : i32
          %dma_wait3A_286 = tpu.memref_slice %arg18[%dma_wait3A_284, %dma_wait3A_285] : memref<10112x16xf32, #tpu.memory_space<vmem_shared>> -> memref<10112x16xf32, #tpu.memory_space<vmem_shared>>
          tpu.wait_indirect_dma semaphore(%arg27 : memref<!tpu.dma_semaphore, #tpu.memory_space<semaphore_mem>>) src(%arg9 : memref<128x16xf32, #tpu.memory_space<vmem>>) dst(%dma_wait3A_286 : memref<10112x16xf32, #tpu.memory_space<vmem_shared>>)
        } else {
        }
        %add3A_273 = arith.constant 4 : i32
        %add3A_274 = arith.addi %add3A_185, %add3A_273 : i32
        %dma_start3A_275 = arith.constant 0 : i32
        %dma_start3A_276 = tpu.memref_slice %arg7[%add3A_274, %dma_start3A_275] : memref<80x128xi32, #tpu.memory_space<vmem>> -> memref<1x128xi32, #tpu.memory_space<vmem>>
        %dma_start3A_277 = tpu.memref_squeeze %dma_start3A_276 : memref<1x128xi32, #tpu.memory_space<vmem>> -> memref<128xi32, #tpu.memory_space<vmem>>
        %dma_start3A_278 = arith.constant 0 : i32
        %dma_start3A_279 = arith.constant 0 : i32
        %dma_start3A_280 = tpu.memref_slice %arg17[%dma_start3A_278, %dma_start3A_279] : memref<10112x16xf32, #tpu.memory_space<vmem_shared>> -> memref<10112x16xf32, #tpu.memory_space<vmem_shared>>
        tpu.enqueue_indirect_dma source(%dma_start3A_280 : memref<10112x16xf32, #tpu.memory_space<vmem_shared>>) target(%arg9 : memref<128x16xf32, #tpu.memory_space<vmem>>) offsets(%dma_start3A_277 : memref<128xi32, #tpu.memory_space<vmem>>) semaphore(%arg19 : memref<!tpu.dma_semaphore, #tpu.memory_space<semaphore_mem>>)
      } else {
      }
      %add3A_205 = arith.constant 5 : i32
      %add3A_206 = arith.addi %mul3A_102, %add3A_205 : i32
      %dma_wait3A_207 = arith.constant 0 : i32
      %dma_wait3A_208 = tpu.memref_slice %arg7[%add3A_206, %dma_wait3A_207] : memref<80x128xi32, #tpu.memory_space<vmem>> -> memref<1x128xi32, #tpu.memory_space<vmem>>
      %dma_wait3A_209 = tpu.memref_squeeze %dma_wait3A_208 : memref<1x128xi32, #tpu.memory_space<vmem>> -> memref<128xi32, #tpu.memory_space<vmem>>
      %dma_wait3A_210 = arith.constant 0 : i32
      %dma_wait3A_211 = arith.constant 0 : i32
      %dma_wait3A_212 = tpu.memref_slice %arg17[%dma_wait3A_210, %dma_wait3A_211] : memref<10112x16xf32, #tpu.memory_space<vmem_shared>> -> memref<10112x16xf32, #tpu.memory_space<vmem_shared>>
      tpu.wait_indirect_dma semaphore(%arg24 : memref<!tpu.dma_semaphore, #tpu.memory_space<semaphore_mem>>) src(%dma_wait3A_212 : memref<10112x16xf32, #tpu.memory_space<vmem_shared>>) dst(%arg14 : memref<128x16xf32, #tpu.memory_space<vmem>>)
      %dma_start3A_213 = arith.constant 0 : i32
      %dma_start3A_214 = tpu.memref_slice %arg8[%add3A_206, %dma_start3A_213] : memref<80x128xi32, #tpu.memory_space<vmem>> -> memref<1x128xi32, #tpu.memory_space<vmem>>
      %dma_start3A_215 = tpu.memref_squeeze %dma_start3A_214 : memref<1x128xi32, #tpu.memory_space<vmem>> -> memref<128xi32, #tpu.memory_space<vmem>>
      %dma_start3A_216 = arith.constant 0 : i32
      %dma_start3A_217 = arith.constant 0 : i32
      %dma_start3A_218 = tpu.memref_slice %arg18[%dma_start3A_216, %dma_start3A_217] : memref<10112x16xf32, #tpu.memory_space<vmem_shared>> -> memref<10112x16xf32, #tpu.memory_space<vmem_shared>>
      tpu.enqueue_indirect_dma source(%arg14 : memref<128x16xf32, #tpu.memory_space<vmem>>) target(%dma_start3A_218 : memref<10112x16xf32, #tpu.memory_space<vmem_shared>>) offsets(%dma_start3A_215 : memref<128xi32, #tpu.memory_space<vmem>>) semaphore(%arg32 : memref<!tpu.dma_semaphore, #tpu.memory_space<semaphore_mem>>) {add = true}
      %add3A_219 = arith.constant 4 : i32
      %add3A_220 = arith.addi %add3A_206, %add3A_219 : i32
      %lt3A_221 = arith.constant 80 : i32
      %lt3A_222 = arith.cmpi slt, %add3A_220, %lt3A_221 : i32
      %convert_element_type3A_223 = arith.extui %lt3A_222 : i1 to i32
      %cond3A_224 = arith.constant 0 : i32
      %cond3A_225 = arith.cmpi ne, %convert_element_type3A_223, %cond3A_224 : i32
      scf.if %cond3A_225 {
        %ge3A = arith.constant 4 : i32
        %ge3A_269 = arith.cmpi sge, %add3A_206, %ge3A : i32
        %convert_element_type3A_270 = arith.extui %ge3A_269 : i1 to i32
        %cond3A_271 = arith.constant 0 : i32
        %cond3A_272 = arith.cmpi ne, %convert_element_type3A_270, %cond3A_271 : i32
        scf.if %cond3A_272 {
          %dma_wait3A_281 = arith.constant 0 : i32
          %dma_wait3A_282 = tpu.memref_slice %arg8[%add3A_206, %dma_wait3A_281] : memref<80x128xi32, #tpu.memory_space<vmem>> -> memref<1x128xi32, #tpu.memory_space<vmem>>
          %dma_wait3A_283 = tpu.memref_squeeze %dma_wait3A_282 : memref<1x128xi32, #tpu.memory_space<vmem>> -> memref<128xi32, #tpu.memory_space<vmem>>
          %dma_wait3A_284 = arith.constant 0 : i32
          %dma_wait3A_285 = arith.constant 0 : i32
          %dma_wait3A_286 = tpu.memref_slice %arg18[%dma_wait3A_284, %dma_wait3A_285] : memref<10112x16xf32, #tpu.memory_space<vmem_shared>> -> memref<10112x16xf32, #tpu.memory_space<vmem_shared>>
          tpu.wait_indirect_dma semaphore(%arg28 : memref<!tpu.dma_semaphore, #tpu.memory_space<semaphore_mem>>) src(%arg10 : memref<128x16xf32, #tpu.memory_space<vmem>>) dst(%dma_wait3A_286 : memref<10112x16xf32, #tpu.memory_space<vmem_shared>>)
        } else {
        }
        %add3A_273 = arith.constant 4 : i32
        %add3A_274 = arith.addi %add3A_206, %add3A_273 : i32
        %dma_start3A_275 = arith.constant 0 : i32
        %dma_start3A_276 = tpu.memref_slice %arg7[%add3A_274, %dma_start3A_275] : memref<80x128xi32, #tpu.memory_space<vmem>> -> memref<1x128xi32, #tpu.memory_space<vmem>>
        %dma_start3A_277 = tpu.memref_squeeze %dma_start3A_276 : memref<1x128xi32, #tpu.memory_space<vmem>> -> memref<128xi32, #tpu.memory_space<vmem>>
        %dma_start3A_278 = arith.constant 0 : i32
        %dma_start3A_279 = arith.constant 0 : i32
        %dma_start3A_280 = tpu.memref_slice %arg17[%dma_start3A_278, %dma_start3A_279] : memref<10112x16xf32, #tpu.memory_space<vmem_shared>> -> memref<10112x16xf32, #tpu.memory_space<vmem_shared>>
        tpu.enqueue_indirect_dma source(%dma_start3A_280 : memref<10112x16xf32, #tpu.memory_space<vmem_shared>>) target(%arg10 : memref<128x16xf32, #tpu.memory_space<vmem>>) offsets(%dma_start3A_277 : memref<128xi32, #tpu.memory_space<vmem>>) semaphore(%arg20 : memref<!tpu.dma_semaphore, #tpu.memory_space<semaphore_mem>>)
      } else {
      }
      %add3A_226 = arith.constant 6 : i32
      %add3A_227 = arith.addi %mul3A_102, %add3A_226 : i32
      %dma_wait3A_228 = arith.constant 0 : i32
      %dma_wait3A_229 = tpu.memref_slice %arg7[%add3A_227, %dma_wait3A_228] : memref<80x128xi32, #tpu.memory_space<vmem>> -> memref<1x128xi32, #tpu.memory_space<vmem>>
      %dma_wait3A_230 = tpu.memref_squeeze %dma_wait3A_229 : memref<1x128xi32, #tpu.memory_space<vmem>> -> memref<128xi32, #tpu.memory_space<vmem>>
      %dma_wait3A_231 = arith.constant 0 : i32
      %dma_wait3A_232 = arith.constant 0 : i32
      %dma_wait3A_233 = tpu.memref_slice %arg17[%dma_wait3A_231, %dma_wait3A_232] : memref<10112x16xf32, #tpu.memory_space<vmem_shared>> -> memref<10112x16xf32, #tpu.memory_space<vmem_shared>>
      tpu.wait_indirect_dma semaphore(%arg25 : memref<!tpu.dma_semaphore, #tpu.memory_space<semaphore_mem>>) src(%dma_wait3A_233 : memref<10112x16xf32, #tpu.memory_space<vmem_shared>>) dst(%arg15 : memref<128x16xf32, #tpu.memory_space<vmem>>)
      %dma_start3A_234 = arith.constant 0 : i32
      %dma_start3A_235 = tpu.memref_slice %arg8[%add3A_227, %dma_start3A_234] : memref<80x128xi32, #tpu.memory_space<vmem>> -> memref<1x128xi32, #tpu.memory_space<vmem>>
      %dma_start3A_236 = tpu.memref_squeeze %dma_start3A_235 : memref<1x128xi32, #tpu.memory_space<vmem>> -> memref<128xi32, #tpu.memory_space<vmem>>
      %dma_start3A_237 = arith.constant 0 : i32
      %dma_start3A_238 = arith.constant 0 : i32
      %dma_start3A_239 = tpu.memref_slice %arg18[%dma_start3A_237, %dma_start3A_238] : memref<10112x16xf32, #tpu.memory_space<vmem_shared>> -> memref<10112x16xf32, #tpu.memory_space<vmem_shared>>
      tpu.enqueue_indirect_dma source(%arg15 : memref<128x16xf32, #tpu.memory_space<vmem>>) target(%dma_start3A_239 : memref<10112x16xf32, #tpu.memory_space<vmem_shared>>) offsets(%dma_start3A_236 : memref<128xi32, #tpu.memory_space<vmem>>) semaphore(%arg33 : memref<!tpu.dma_semaphore, #tpu.memory_space<semaphore_mem>>) {add = true}
      %add3A_240 = arith.constant 4 : i32
      %add3A_241 = arith.addi %add3A_227, %add3A_240 : i32
      %lt3A_242 = arith.constant 80 : i32
      %lt3A_243 = arith.cmpi slt, %add3A_241, %lt3A_242 : i32
      %convert_element_type3A_244 = arith.extui %lt3A_243 : i1 to i32
      %cond3A_245 = arith.constant 0 : i32
      %cond3A_246 = arith.cmpi ne, %convert_element_type3A_244, %cond3A_245 : i32
      scf.if %cond3A_246 {
        %ge3A = arith.constant 4 : i32
        %ge3A_269 = arith.cmpi sge, %add3A_227, %ge3A : i32
        %convert_element_type3A_270 = arith.extui %ge3A_269 : i1 to i32
        %cond3A_271 = arith.constant 0 : i32
        %cond3A_272 = arith.cmpi ne, %convert_element_type3A_270, %cond3A_271 : i32
        scf.if %cond3A_272 {
          %dma_wait3A_281 = arith.constant 0 : i32
          %dma_wait3A_282 = tpu.memref_slice %arg8[%add3A_227, %dma_wait3A_281] : memref<80x128xi32, #tpu.memory_space<vmem>> -> memref<1x128xi32, #tpu.memory_space<vmem>>
          %dma_wait3A_283 = tpu.memref_squeeze %dma_wait3A_282 : memref<1x128xi32, #tpu.memory_space<vmem>> -> memref<128xi32, #tpu.memory_space<vmem>>
          %dma_wait3A_284 = arith.constant 0 : i32
          %dma_wait3A_285 = arith.constant 0 : i32
          %dma_wait3A_286 = tpu.memref_slice %arg18[%dma_wait3A_284, %dma_wait3A_285] : memref<10112x16xf32, #tpu.memory_space<vmem_shared>> -> memref<10112x16xf32, #tpu.memory_space<vmem_shared>>
          tpu.wait_indirect_dma semaphore(%arg29 : memref<!tpu.dma_semaphore, #tpu.memory_space<semaphore_mem>>) src(%arg11 : memref<128x16xf32, #tpu.memory_space<vmem>>) dst(%dma_wait3A_286 : memref<10112x16xf32, #tpu.memory_space<vmem_shared>>)
        } else {
        }
        %add3A_273 = arith.constant 4 : i32
        %add3A_274 = arith.addi %add3A_227, %add3A_273 : i32
        %dma_start3A_275 = arith.constant 0 : i32
        %dma_start3A_276 = tpu.memref_slice %arg7[%add3A_274, %dma_start3A_275] : memref<80x128xi32, #tpu.memory_space<vmem>> -> memref<1x128xi32, #tpu.memory_space<vmem>>
        %dma_start3A_277 = tpu.memref_squeeze %dma_start3A_276 : memref<1x128xi32, #tpu.memory_space<vmem>> -> memref<128xi32, #tpu.memory_space<vmem>>
        %dma_start3A_278 = arith.constant 0 : i32
        %dma_start3A_279 = arith.constant 0 : i32
        %dma_start3A_280 = tpu.memref_slice %arg17[%dma_start3A_278, %dma_start3A_279] : memref<10112x16xf32, #tpu.memory_space<vmem_shared>> -> memref<10112x16xf32, #tpu.memory_space<vmem_shared>>
        tpu.enqueue_indirect_dma source(%dma_start3A_280 : memref<10112x16xf32, #tpu.memory_space<vmem_shared>>) target(%arg11 : memref<128x16xf32, #tpu.memory_space<vmem>>) offsets(%dma_start3A_277 : memref<128xi32, #tpu.memory_space<vmem>>) semaphore(%arg21 : memref<!tpu.dma_semaphore, #tpu.memory_space<semaphore_mem>>)
      } else {
      }
      %add3A_247 = arith.constant 7 : i32
      %add3A_248 = arith.addi %mul3A_102, %add3A_247 : i32
      %dma_wait3A_249 = arith.constant 0 : i32
      %dma_wait3A_250 = tpu.memref_slice %arg7[%add3A_248, %dma_wait3A_249] : memref<80x128xi32, #tpu.memory_space<vmem>> -> memref<1x128xi32, #tpu.memory_space<vmem>>
      %dma_wait3A_251 = tpu.memref_squeeze %dma_wait3A_250 : memref<1x128xi32, #tpu.memory_space<vmem>> -> memref<128xi32, #tpu.memory_space<vmem>>
      %dma_wait3A_252 = arith.constant 0 : i32
      %dma_wait3A_253 = arith.constant 0 : i32
      %dma_wait3A_254 = tpu.memref_slice %arg17[%dma_wait3A_252, %dma_wait3A_253] : memref<10112x16xf32, #tpu.memory_space<vmem_shared>> -> memref<10112x16xf32, #tpu.memory_space<vmem_shared>>
      tpu.wait_indirect_dma semaphore(%arg26 : memref<!tpu.dma_semaphore, #tpu.memory_space<semaphore_mem>>) src(%dma_wait3A_254 : memref<10112x16xf32, #tpu.memory_space<vmem_shared>>) dst(%arg16 : memref<128x16xf32, #tpu.memory_space<vmem>>)
      %dma_start3A_255 = arith.constant 0 : i32
      %dma_start3A_256 = tpu.memref_slice %arg8[%add3A_248, %dma_start3A_255] : memref<80x128xi32, #tpu.memory_space<vmem>> -> memref<1x128xi32, #tpu.memory_space<vmem>>
      %dma_start3A_257 = tpu.memref_squeeze %dma_start3A_256 : memref<1x128xi32, #tpu.memory_space<vmem>> -> memref<128xi32, #tpu.memory_space<vmem>>
      %dma_start3A_258 = arith.constant 0 : i32
      %dma_start3A_259 = arith.constant 0 : i32
      %dma_start3A_260 = tpu.memref_slice %arg18[%dma_start3A_258, %dma_start3A_259] : memref<10112x16xf32, #tpu.memory_space<vmem_shared>> -> memref<10112x16xf32, #tpu.memory_space<vmem_shared>>
      tpu.enqueue_indirect_dma source(%arg16 : memref<128x16xf32, #tpu.memory_space<vmem>>) target(%dma_start3A_260 : memref<10112x16xf32, #tpu.memory_space<vmem_shared>>) offsets(%dma_start3A_257 : memref<128xi32, #tpu.memory_space<vmem>>) semaphore(%arg34 : memref<!tpu.dma_semaphore, #tpu.memory_space<semaphore_mem>>) {add = true}
      %add3A_261 = arith.constant 4 : i32
      %add3A_262 = arith.addi %add3A_248, %add3A_261 : i32
      %lt3A_263 = arith.constant 80 : i32
      %lt3A_264 = arith.cmpi slt, %add3A_262, %lt3A_263 : i32
      %convert_element_type3A_265 = arith.extui %lt3A_264 : i1 to i32
      %cond3A_266 = arith.constant 0 : i32
      %cond3A_267 = arith.cmpi ne, %convert_element_type3A_265, %cond3A_266 : i32
      scf.if %cond3A_267 {
        %ge3A = arith.constant 4 : i32
        %ge3A_269 = arith.cmpi sge, %add3A_248, %ge3A : i32
        %convert_element_type3A_270 = arith.extui %ge3A_269 : i1 to i32
        %cond3A_271 = arith.constant 0 : i32
        %cond3A_272 = arith.cmpi ne, %convert_element_type3A_270, %cond3A_271 : i32
        scf.if %cond3A_272 {
          %dma_wait3A_281 = arith.constant 0 : i32
          %dma_wait3A_282 = tpu.memref_slice %arg8[%add3A_248, %dma_wait3A_281] : memref<80x128xi32, #tpu.memory_space<vmem>> -> memref<1x128xi32, #tpu.memory_space<vmem>>
          %dma_wait3A_283 = tpu.memref_squeeze %dma_wait3A_282 : memref<1x128xi32, #tpu.memory_space<vmem>> -> memref<128xi32, #tpu.memory_space<vmem>>
          %dma_wait3A_284 = arith.constant 0 : i32
          %dma_wait3A_285 = arith.constant 0 : i32
          %dma_wait3A_286 = tpu.memref_slice %arg18[%dma_wait3A_284, %dma_wait3A_285] : memref<10112x16xf32, #tpu.memory_space<vmem_shared>> -> memref<10112x16xf32, #tpu.memory_space<vmem_shared>>
          tpu.wait_indirect_dma semaphore(%arg30 : memref<!tpu.dma_semaphore, #tpu.memory_space<semaphore_mem>>) src(%arg12 : memref<128x16xf32, #tpu.memory_space<vmem>>) dst(%dma_wait3A_286 : memref<10112x16xf32, #tpu.memory_space<vmem_shared>>)
        } else {
        }
        %add3A_273 = arith.constant 4 : i32
        %add3A_274 = arith.addi %add3A_248, %add3A_273 : i32
        %dma_start3A_275 = arith.constant 0 : i32
        %dma_start3A_276 = tpu.memref_slice %arg7[%add3A_274, %dma_start3A_275] : memref<80x128xi32, #tpu.memory_space<vmem>> -> memref<1x128xi32, #tpu.memory_space<vmem>>
        %dma_start3A_277 = tpu.memref_squeeze %dma_start3A_276 : memref<1x128xi32, #tpu.memory_space<vmem>> -> memref<128xi32, #tpu.memory_space<vmem>>
        %dma_start3A_278 = arith.constant 0 : i32
        %dma_start3A_279 = arith.constant 0 : i32
        %dma_start3A_280 = tpu.memref_slice %arg17[%dma_start3A_278, %dma_start3A_279] : memref<10112x16xf32, #tpu.memory_space<vmem_shared>> -> memref<10112x16xf32, #tpu.memory_space<vmem_shared>>
        tpu.enqueue_indirect_dma source(%dma_start3A_280 : memref<10112x16xf32, #tpu.memory_space<vmem_shared>>) target(%arg12 : memref<128x16xf32, #tpu.memory_space<vmem>>) offsets(%dma_start3A_277 : memref<128xi32, #tpu.memory_space<vmem>>) semaphore(%arg22 : memref<!tpu.dma_semaphore, #tpu.memory_space<semaphore_mem>>)
      } else {
      }
      %scan3A_268 = arith.constant 0 : i32
      scf.yield %scan3A_268 : i32
    }
    %scan3A_35 = arith.constant 10 : i32
    %dma_wait3A = arith.constant 0 : i32
    %dma_wait3A_36 = arith.constant 0 : i32
    %dma_wait3A_37 = tpu.memref_slice %arg8[%dma_wait3A, %dma_wait3A_36] : memref<80x128xi32, #tpu.memory_space<vmem>> -> memref<1x128xi32, #tpu.memory_space<vmem>>
    %dma_wait3A_38 = tpu.memref_squeeze %dma_wait3A_37 : memref<1x128xi32, #tpu.memory_space<vmem>> -> memref<128xi32, #tpu.memory_space<vmem>>
    %dma_wait3A_39 = arith.constant 0 : i32
    %dma_wait3A_40 = arith.constant 0 : i32
    %dma_wait3A_41 = tpu.memref_slice %arg18[%dma_wait3A_39, %dma_wait3A_40] : memref<10112x16xf32, #tpu.memory_space<vmem_shared>> -> memref<10112x16xf32, #tpu.memory_space<vmem_shared>>
    tpu.wait_indirect_dma semaphore(%arg27 : memref<!tpu.dma_semaphore, #tpu.memory_space<semaphore_mem>>) src(%arg9 : memref<128x16xf32, #tpu.memory_space<vmem>>) dst(%dma_wait3A_41 : memref<10112x16xf32, #tpu.memory_space<vmem_shared>>)
    %dma_wait3A_42 = arith.constant 0 : i32
    %dma_wait3A_43 = arith.constant 0 : i32
    %dma_wait3A_44 = tpu.memref_slice %arg8[%dma_wait3A_42, %dma_wait3A_43] : memref<80x128xi32, #tpu.memory_space<vmem>> -> memref<1x128xi32, #tpu.memory_space<vmem>>
    %dma_wait3A_45 = tpu.memref_squeeze %dma_wait3A_44 : memref<1x128xi32, #tpu.memory_space<vmem>> -> memref<128xi32, #tpu.memory_space<vmem>>
    %dma_wait3A_46 = arith.constant 0 : i32
    %dma_wait3A_47 = arith.constant 0 : i32
    %dma_wait3A_48 = tpu.memref_slice %arg18[%dma_wait3A_46, %dma_wait3A_47] : memref<10112x16xf32, #tpu.memory_space<vmem_shared>> -> memref<10112x16xf32, #tpu.memory_space<vmem_shared>>
    tpu.wait_indirect_dma semaphore(%arg28 : memref<!tpu.dma_semaphore, #tpu.memory_space<semaphore_mem>>) src(%arg10 : memref<128x16xf32, #tpu.memory_space<vmem>>) dst(%dma_wait3A_48 : memref<10112x16xf32, #tpu.memory_space<vmem_shared>>)
    %dma_wait3A_49 = arith.constant 0 : i32
    %dma_wait3A_50 = arith.constant 0 : i32
    %dma_wait3A_51 = tpu.memref_slice %arg8[%dma_wait3A_49, %dma_wait3A_50] : memref<80x128xi32, #tpu.memory_space<vmem>> -> memref<1x128xi32, #tpu.memory_space<vmem>>
    %dma_wait3A_52 = tpu.memref_squeeze %dma_wait3A_51 : memref<1x128xi32, #tpu.memory_space<vmem>> -> memref<128xi32, #tpu.memory_space<vmem>>
    %dma_wait3A_53 = arith.constant 0 : i32
    %dma_wait3A_54 = arith.constant 0 : i32
    %dma_wait3A_55 = tpu.memref_slice %arg18[%dma_wait3A_53, %dma_wait3A_54] : memref<10112x16xf32, #tpu.memory_space<vmem_shared>> -> memref<10112x16xf32, #tpu.memory_space<vmem_shared>>
    tpu.wait_indirect_dma semaphore(%arg29 : memref<!tpu.dma_semaphore, #tpu.memory_space<semaphore_mem>>) src(%arg11 : memref<128x16xf32, #tpu.memory_space<vmem>>) dst(%dma_wait3A_55 : memref<10112x16xf32, #tpu.memory_space<vmem_shared>>)
    %dma_wait3A_56 = arith.constant 0 : i32
    %dma_wait3A_57 = arith.constant 0 : i32
    %dma_wait3A_58 = tpu.memref_slice %arg8[%dma_wait3A_56, %dma_wait3A_57] : memref<80x128xi32, #tpu.memory_space<vmem>> -> memref<1x128xi32, #tpu.memory_space<vmem>>
    %dma_wait3A_59 = tpu.memref_squeeze %dma_wait3A_58 : memref<1x128xi32, #tpu.memory_space<vmem>> -> memref<128xi32, #tpu.memory_space<vmem>>
    %dma_wait3A_60 = arith.constant 0 : i32
    %dma_wait3A_61 = arith.constant 0 : i32
    %dma_wait3A_62 = tpu.memref_slice %arg18[%dma_wait3A_60, %dma_wait3A_61] : memref<10112x16xf32, #tpu.memory_space<vmem_shared>> -> memref<10112x16xf32, #tpu.memory_space<vmem_shared>>
    tpu.wait_indirect_dma semaphore(%arg30 : memref<!tpu.dma_semaphore, #tpu.memory_space<semaphore_mem>>) src(%arg12 : memref<128x16xf32, #tpu.memory_space<vmem>>) dst(%dma_wait3A_62 : memref<10112x16xf32, #tpu.memory_space<vmem_shared>>)
    %dma_wait3A_63 = arith.constant 0 : i32
    %dma_wait3A_64 = arith.constant 0 : i32
    %dma_wait3A_65 = tpu.memref_slice %arg8[%dma_wait3A_63, %dma_wait3A_64] : memref<80x128xi32, #tpu.memory_space<vmem>> -> memref<1x128xi32, #tpu.memory_space<vmem>>
    %dma_wait3A_66 = tpu.memref_squeeze %dma_wait3A_65 : memref<1x128xi32, #tpu.memory_space<vmem>> -> memref<128xi32, #tpu.memory_space<vmem>>
    %dma_wait3A_67 = arith.constant 0 : i32
    %dma_wait3A_68 = arith.constant 0 : i32
    %dma_wait3A_69 = tpu.memref_slice %arg18[%dma_wait3A_67, %dma_wait3A_68] : memref<10112x16xf32, #tpu.memory_space<vmem_shared>> -> memref<10112x16xf32, #tpu.memory_space<vmem_shared>>
    tpu.wait_indirect_dma semaphore(%arg31 : memref<!tpu.dma_semaphore, #tpu.memory_space<semaphore_mem>>) src(%arg13 : memref<128x16xf32, #tpu.memory_space<vmem>>) dst(%dma_wait3A_69 : memref<10112x16xf32, #tpu.memory_space<vmem_shared>>)
    %dma_wait3A_70 = arith.constant 0 : i32
    %dma_wait3A_71 = arith.constant 0 : i32
    %dma_wait3A_72 = tpu.memref_slice %arg8[%dma_wait3A_70, %dma_wait3A_71] : memref<80x128xi32, #tpu.memory_space<vmem>> -> memref<1x128xi32, #tpu.memory_space<vmem>>
    %dma_wait3A_73 = tpu.memref_squeeze %dma_wait3A_72 : memref<1x128xi32, #tpu.memory_space<vmem>> -> memref<128xi32, #tpu.memory_space<vmem>>
    %dma_wait3A_74 = arith.constant 0 : i32
    %dma_wait3A_75 = arith.constant 0 : i32
    %dma_wait3A_76 = tpu.memref_slice %arg18[%dma_wait3A_74, %dma_wait3A_75] : memref<10112x16xf32, #tpu.memory_space<vmem_shared>> -> memref<10112x16xf32, #tpu.memory_space<vmem_shared>>
    tpu.wait_indirect_dma semaphore(%arg32 : memref<!tpu.dma_semaphore, #tpu.memory_space<semaphore_mem>>) src(%arg14 : memref<128x16xf32, #tpu.memory_space<vmem>>) dst(%dma_wait3A_76 : memref<10112x16xf32, #tpu.memory_space<vmem_shared>>)
    %dma_wait3A_77 = arith.constant 0 : i32
    %dma_wait3A_78 = arith.constant 0 : i32
    %dma_wait3A_79 = tpu.memref_slice %arg8[%dma_wait3A_77, %dma_wait3A_78] : memref<80x128xi32, #tpu.memory_space<vmem>> -> memref<1x128xi32, #tpu.memory_space<vmem>>
    %dma_wait3A_80 = tpu.memref_squeeze %dma_wait3A_79 : memref<1x128xi32, #tpu.memory_space<vmem>> -> memref<128xi32, #tpu.memory_space<vmem>>
    %dma_wait3A_81 = arith.constant 0 : i32
    %dma_wait3A_82 = arith.constant 0 : i32
    %dma_wait3A_83 = tpu.memref_slice %arg18[%dma_wait3A_81, %dma_wait3A_82] : memref<10112x16xf32, #tpu.memory_space<vmem_shared>> -> memref<10112x16xf32, #tpu.memory_space<vmem_shared>>
    tpu.wait_indirect_dma semaphore(%arg33 : memref<!tpu.dma_semaphore, #tpu.memory_space<semaphore_mem>>) src(%arg15 : memref<128x16xf32, #tpu.memory_space<vmem>>) dst(%dma_wait3A_83 : memref<10112x16xf32, #tpu.memory_space<vmem_shared>>)
    %dma_wait3A_84 = arith.constant 0 : i32
    %dma_wait3A_85 = arith.constant 0 : i32
    %dma_wait3A_86 = tpu.memref_slice %arg8[%dma_wait3A_84, %dma_wait3A_85] : memref<80x128xi32, #tpu.memory_space<vmem>> -> memref<1x128xi32, #tpu.memory_space<vmem>>
    %dma_wait3A_87 = tpu.memref_squeeze %dma_wait3A_86 : memref<1x128xi32, #tpu.memory_space<vmem>> -> memref<128xi32, #tpu.memory_space<vmem>>
    %dma_wait3A_88 = arith.constant 0 : i32
    %dma_wait3A_89 = arith.constant 0 : i32
    %dma_wait3A_90 = tpu.memref_slice %arg18[%dma_wait3A_88, %dma_wait3A_89] : memref<10112x16xf32, #tpu.memory_space<vmem_shared>> -> memref<10112x16xf32, #tpu.memory_space<vmem_shared>>
    tpu.wait_indirect_dma semaphore(%arg34 : memref<!tpu.dma_semaphore, #tpu.memory_space<semaphore_mem>>) src(%arg16 : memref<128x16xf32, #tpu.memory_space<vmem>>) dst(%dma_wait3A_90 : memref<10112x16xf32, #tpu.memory_space<vmem_shared>>)
    %barrier3A_91 = arith.constant 0 : index
    tpu.barrier barrier_id(%barrier3A_91)
    %mul3A_92 = arith.constant 632 : i32
    %mul3A_93 = arith.muli %arg1, %mul3A_92 : i32
    %mul3A_94 = arith.constant 10112 : i32
    %mul3A_95 = arith.muli %arg0, %mul3A_94 : i32
    %mul3A_96 = arith.constant 632 : i32
    %mul3A_97 = arith.muli %arg1, %mul3A_96 : i32
    %add3A_98 = arith.addi %mul3A_95, %mul3A_97 : i32
    "tpu.region"() ({
      %run_scoped3A = tpu.sem_alloc : memref<!tpu.dma_semaphore, #tpu.memory_space<semaphore_mem>>
      %dma_start3A_99 = arith.constant 0 : i32
      %dma_start3A_100 = tpu.memref_slice %arg6[%add3A_98, %dma_start3A_99] : memref<20224x16xf32, #tpu.memory_space<hbm>> -> memref<632x16xf32, #tpu.memory_space<hbm>>
      %dma_start3A_101 = arith.constant 0 : i32
      %dma_start3A_102 = tpu.memref_slice %arg18[%mul3A_93, %dma_start3A_101] : memref<10112x16xf32, #tpu.memory_space<vmem_shared>> -> memref<632x16xf32, #tpu.memory_space<vmem_shared>>
      tpu.enqueue_dma source(%dma_start3A_102 : memref<632x16xf32, #tpu.memory_space<vmem_shared>>) target(%dma_start3A_100 : memref<632x16xf32, #tpu.memory_space<hbm>>) target_semaphore(%run_scoped3A : memref<!tpu.dma_semaphore, #tpu.memory_space<semaphore_mem>>)
      %dma_wait3A_103 = arith.constant 0 : i32
      %dma_wait3A_104 = tpu.memref_slice %arg6[%add3A_98, %dma_wait3A_103] : memref<20224x16xf32, #tpu.memory_space<hbm>> -> memref<632x16xf32, #tpu.memory_space<hbm>>
      %dma_wait3A_105 = arith.constant 0 : i32
      %dma_wait3A_106 = tpu.memref_slice %arg18[%mul3A_93, %dma_wait3A_105] : memref<10112x16xf32, #tpu.memory_space<vmem_shared>> -> memref<632x16xf32, #tpu.memory_space<vmem_shared>>
      tpu.wait_dma2 semaphore(%run_scoped3A : memref<!tpu.dma_semaphore, #tpu.memory_space<semaphore_mem>>) src(%dma_wait3A_106 : memref<632x16xf32, #tpu.memory_space<vmem_shared>>) dst(%dma_wait3A_104 : memref<632x16xf32, #tpu.memory_space<hbm>>)
      tpu.yield
    }) : () -> ()
    return
  }
}

#map = affine_map<(d0, d1) -> (0)>
#map1 = affine_map<(d0, d1) -> (0, 0, 0)>
module attributes {stable_mosaic.version = 14 : i64} {
  func.func @_sc_edge(%arg0: i32, %arg1: i32, %arg2: memref<20224xf32, #tpu.memory_space<hbm>>, %arg3: memref<32x80x128xi32, #tpu.memory_space<hbm>>, %arg4: memref<32x80x128xi32, #tpu.memory_space<hbm>>, %arg5: memref<320000xf32, #tpu.memory_space<hbm>>, %arg6: memref<20224xf32, #tpu.memory_space<vmem>>, %arg7: memref<80x128xi32, #tpu.memory_space<vmem>>, %arg8: memref<80x128xi32, #tpu.memory_space<vmem>>, %arg9: memref<80x128xf32, #tpu.memory_space<vmem>>, %arg10: memref<!tpu.dma_semaphore, #tpu.memory_space<semaphore_mem>>) attributes {dimension_semantics = [#tpu.dimension_semantics<core_parallel>, #tpu.dimension_semantics<subcore_parallel>], iteration_bounds = array<i64: 2, 16>, scalar_prefetch = 0 : i64, scratch_operands = 5 : i64, tpu.core_type = #tpu.core_type<sc_vector_subcore>, window_params = [{transform_indices = #map}, {transform_indices = #map1}, {transform_indices = #map1}, {transform_indices = #map}]} {
    %mul3A = arith.constant 2 : i32
    %mul3A_0 = arith.muli %arg1, %mul3A : i32
    %add3A = arith.addi %mul3A_0, %arg0 : i32
    %mul3A_1 = arith.constant 10000 : i32
    %mul3A_2 = arith.muli %add3A, %mul3A_1 : i32
    "tpu.region"() ({
      %run_scoped3A = tpu.sem_alloc : memref<!tpu.dma_semaphore, #tpu.memory_space<semaphore_mem>>
      tpu.enqueue_dma source(%arg2 : memref<20224xf32, #tpu.memory_space<hbm>>) target(%arg6 : memref<20224xf32, #tpu.memory_space<vmem>>) target_semaphore(%run_scoped3A : memref<!tpu.dma_semaphore, #tpu.memory_space<semaphore_mem>>)
      tpu.wait_dma2 semaphore(%run_scoped3A : memref<!tpu.dma_semaphore, #tpu.memory_space<semaphore_mem>>) src(%arg2 : memref<20224xf32, #tpu.memory_space<hbm>>) dst(%arg6 : memref<20224xf32, #tpu.memory_space<vmem>>)
      tpu.yield
    }) : () -> ()
    "tpu.region"() ({
      %run_scoped3A = tpu.sem_alloc : memref<!tpu.dma_semaphore, #tpu.memory_space<semaphore_mem>>
      %dma_start3A_55 = arith.constant 0 : i32
      %dma_start3A_56 = arith.constant 0 : i32
      %dma_start3A_57 = tpu.memref_slice %arg3[%add3A, %dma_start3A_55, %dma_start3A_56] : memref<32x80x128xi32, #tpu.memory_space<hbm>> -> memref<1x80x128xi32, #tpu.memory_space<hbm>>
      %dma_start3A_58 = tpu.memref_squeeze %dma_start3A_57 : memref<1x80x128xi32, #tpu.memory_space<hbm>> -> memref<80x128xi32, #tpu.memory_space<hbm>>
      %dma_start3A_59 = arith.constant 0 : i32
      %dma_start3A_60 = arith.constant 0 : i32
      %dma_start3A_61 = tpu.memref_slice %arg3[%add3A, %dma_start3A_59, %dma_start3A_60] : memref<32x80x128xi32, #tpu.memory_space<hbm>> -> memref<1x80x128xi32, #tpu.memory_space<hbm>>
      %dma_start3A_62 = tpu.memref_squeeze %dma_start3A_61 : memref<1x80x128xi32, #tpu.memory_space<hbm>> -> memref<80x128xi32, #tpu.memory_space<hbm>>
      tpu.enqueue_dma source(%dma_start3A_62 : memref<80x128xi32, #tpu.memory_space<hbm>>) target(%arg7 : memref<80x128xi32, #tpu.memory_space<vmem>>) target_semaphore(%run_scoped3A : memref<!tpu.dma_semaphore, #tpu.memory_space<semaphore_mem>>)
      %dma_wait3A_63 = arith.constant 0 : i32
      %dma_wait3A_64 = arith.constant 0 : i32
      %dma_wait3A_65 = tpu.memref_slice %arg3[%add3A, %dma_wait3A_63, %dma_wait3A_64] : memref<32x80x128xi32, #tpu.memory_space<hbm>> -> memref<1x80x128xi32, #tpu.memory_space<hbm>>
      %dma_wait3A_66 = tpu.memref_squeeze %dma_wait3A_65 : memref<1x80x128xi32, #tpu.memory_space<hbm>> -> memref<80x128xi32, #tpu.memory_space<hbm>>
      %dma_wait3A_67 = arith.constant 0 : i32
      %dma_wait3A_68 = arith.constant 0 : i32
      %dma_wait3A_69 = tpu.memref_slice %arg3[%add3A, %dma_wait3A_67, %dma_wait3A_68] : memref<32x80x128xi32, #tpu.memory_space<hbm>> -> memref<1x80x128xi32, #tpu.memory_space<hbm>>
      %dma_wait3A_70 = tpu.memref_squeeze %dma_wait3A_69 : memref<1x80x128xi32, #tpu.memory_space<hbm>> -> memref<80x128xi32, #tpu.memory_space<hbm>>
      tpu.wait_dma2 semaphore(%run_scoped3A : memref<!tpu.dma_semaphore, #tpu.memory_space<semaphore_mem>>) src(%dma_wait3A_70 : memref<80x128xi32, #tpu.memory_space<hbm>>) dst(%arg7 : memref<80x128xi32, #tpu.memory_space<vmem>>)
      tpu.yield
    }) : () -> ()
    "tpu.region"() ({
      %run_scoped3A = tpu.sem_alloc : memref<!tpu.dma_semaphore, #tpu.memory_space<semaphore_mem>>
      %dma_start3A_55 = arith.constant 0 : i32
      %dma_start3A_56 = arith.constant 0 : i32
      %dma_start3A_57 = tpu.memref_slice %arg4[%add3A, %dma_start3A_55, %dma_start3A_56] : memref<32x80x128xi32, #tpu.memory_space<hbm>> -> memref<1x80x128xi32, #tpu.memory_space<hbm>>
      %dma_start3A_58 = tpu.memref_squeeze %dma_start3A_57 : memref<1x80x128xi32, #tpu.memory_space<hbm>> -> memref<80x128xi32, #tpu.memory_space<hbm>>
      %dma_start3A_59 = arith.constant 0 : i32
      %dma_start3A_60 = arith.constant 0 : i32
      %dma_start3A_61 = tpu.memref_slice %arg4[%add3A, %dma_start3A_59, %dma_start3A_60] : memref<32x80x128xi32, #tpu.memory_space<hbm>> -> memref<1x80x128xi32, #tpu.memory_space<hbm>>
      %dma_start3A_62 = tpu.memref_squeeze %dma_start3A_61 : memref<1x80x128xi32, #tpu.memory_space<hbm>> -> memref<80x128xi32, #tpu.memory_space<hbm>>
      tpu.enqueue_dma source(%dma_start3A_62 : memref<80x128xi32, #tpu.memory_space<hbm>>) target(%arg8 : memref<80x128xi32, #tpu.memory_space<vmem>>) target_semaphore(%run_scoped3A : memref<!tpu.dma_semaphore, #tpu.memory_space<semaphore_mem>>)
      %dma_wait3A_63 = arith.constant 0 : i32
      %dma_wait3A_64 = arith.constant 0 : i32
      %dma_wait3A_65 = tpu.memref_slice %arg4[%add3A, %dma_wait3A_63, %dma_wait3A_64] : memref<32x80x128xi32, #tpu.memory_space<hbm>> -> memref<1x80x128xi32, #tpu.memory_space<hbm>>
      %dma_wait3A_66 = tpu.memref_squeeze %dma_wait3A_65 : memref<1x80x128xi32, #tpu.memory_space<hbm>> -> memref<80x128xi32, #tpu.memory_space<hbm>>
      %dma_wait3A_67 = arith.constant 0 : i32
      %dma_wait3A_68 = arith.constant 0 : i32
      %dma_wait3A_69 = tpu.memref_slice %arg4[%add3A, %dma_wait3A_67, %dma_wait3A_68] : memref<32x80x128xi32, #tpu.memory_space<hbm>> -> memref<1x80x128xi32, #tpu.memory_space<hbm>>
      %dma_wait3A_70 = tpu.memref_squeeze %dma_wait3A_69 : memref<1x80x128xi32, #tpu.memory_space<hbm>> -> memref<80x128xi32, #tpu.memory_space<hbm>>
      tpu.wait_dma2 semaphore(%run_scoped3A : memref<!tpu.dma_semaphore, #tpu.memory_space<semaphore_mem>>) src(%dma_wait3A_70 : memref<80x128xi32, #tpu.memory_space<hbm>>) dst(%arg8 : memref<80x128xi32, #tpu.memory_space<vmem>>)
      tpu.yield
    }) : () -> ()
    %scan3A = arith.constant 0 : i32
    %scan3A_3 = arith.constant 0 : i32
    %scan3A_4 = arith.constant 39 : i32
    %scan3A_5 = arith.addi %scan3A_3, %scan3A_4 : i32
    %scan3A_6 = arith.constant 1 : i32
    %scan3A_7 = scf.for %scan3A_55 = %scan3A_3 to %scan3A_5 step %scan3A_6 iter_args(%scan3A_56 = %scan3A) -> (i32)  : i32 {
      %mul3A_57 = arith.constant 2 : i32
      %mul3A_58 = arith.muli %scan3A_55, %mul3A_57 : i32
      %add3A_59 = arith.constant 0 : i32
      %add3A_60 = arith.addi %mul3A_58, %add3A_59 : i32
      %get3A_61 = arith.index_cast %add3A_60 : i32 to index
      %get3A_62 = arith.constant 0 : index
      %get3A_63 = tpu.vector_load %arg7[%get3A_61, %get3A_62] {strides = array<i32>} : memref<80x128xi32, #tpu.memory_space<vmem>>, vector<16xi32>,
      %get3A_64 = arith.index_cast %add3A_60 : i32 to index
      %get3A_65 = arith.constant 0 : index
      %get3A_66 = tpu.vector_load %arg8[%get3A_64, %get3A_65] {strides = array<i32>} : memref<80x128xi32, #tpu.memory_space<vmem>>, vector<16xi32>,
      %mul3A_67 = arith.constant 2 : i32
      %mul3A_68 = vector.broadcast %mul3A_67 : i32 to vector<16xi32>
      %mul3A_69 = arith.muli %get3A_63, %mul3A_68 : vector<16xi32>
      %gather3A_70 = tpu.vector_load_idx %arg6[%mul3A_69] : memref<20224xf32, #tpu.memory_space<vmem>>[vector<16xi32>], vector<16xf32>,
      %mul3A_71 = arith.constant 2 : i32
      %mul3A_72 = vector.broadcast %mul3A_71 : i32 to vector<16xi32>
      %mul3A_73 = arith.muli %get3A_66, %mul3A_72 : vector<16xi32>
      %add3A_74 = arith.constant 1 : i32
      %add3A_75 = vector.broadcast %add3A_74 : i32 to vector<16xi32>
      %add3A_76 = arith.addi %mul3A_73, %add3A_75 : vector<16xi32>
      %gather3A_77 = tpu.vector_load_idx %arg6[%add3A_76] : memref<20224xf32, #tpu.memory_space<vmem>>[vector<16xi32>], vector<16xf32>,
      %add3A_78 = arith.addf %gather3A_70, %gather3A_77 : vector<16xf32>
      %swap3A_79 = arith.index_cast %add3A_60 : i32 to index
      %swap3A_80 = arith.constant 0 : index
      %swap3A_81 = tpu.vector_load %arg9[%swap3A_79, %swap3A_80] {strides = array<i32>} : memref<80x128xf32, #tpu.memory_space<vmem>>, vector<16xf32>,
      tpu.vector_store %arg9[%swap3A_79, %swap3A_80], %add3A_78 {strides = array<i32>} : memref<80x128xf32, #tpu.memory_space<vmem>>, vector<16xf32>,
      %get3A_82 = arith.index_cast %add3A_60 : i32 to index
      %get3A_83 = arith.constant 16 : index
      %get3A_84 = tpu.vector_load %arg7[%get3A_82, %get3A_83] {strides = array<i32>} : memref<80x128xi32, #tpu.memory_space<vmem>>, vector<16xi32>,
      %get3A_85 = arith.index_cast %add3A_60 : i32 to index
      %get3A_86 = arith.constant 16 : index
      %get3A_87 = tpu.vector_load %arg8[%get3A_85, %get3A_86] {strides = array<i32>} : memref<80x128xi32, #tpu.memory_space<vmem>>, vector<16xi32>,
      %mul3A_88 = arith.constant 2 : i32
      %mul3A_89 = vector.broadcast %mul3A_88 : i32 to vector<16xi32>
      %mul3A_90 = arith.muli %get3A_84, %mul3A_89 : vector<16xi32>
      %gather3A_91 = tpu.vector_load_idx %arg6[%mul3A_90] : memref<20224xf32, #tpu.memory_space<vmem>>[vector<16xi32>], vector<16xf32>,
      %mul3A_92 = arith.constant 2 : i32
      %mul3A_93 = vector.broadcast %mul3A_92 : i32 to vector<16xi32>
      %mul3A_94 = arith.muli %get3A_87, %mul3A_93 : vector<16xi32>
      %add3A_95 = arith.constant 1 : i32
      %add3A_96 = vector.broadcast %add3A_95 : i32 to vector<16xi32>
      %add3A_97 = arith.addi %mul3A_94, %add3A_96 : vector<16xi32>
      %gather3A_98 = tpu.vector_load_idx %arg6[%add3A_97] : memref<20224xf32, #tpu.memory_space<vmem>>[vector<16xi32>], vector<16xf32>,
      %add3A_99 = arith.addf %gather3A_91, %gather3A_98 : vector<16xf32>
      %swap3A_100 = arith.index_cast %add3A_60 : i32 to index
      %swap3A_101 = arith.constant 16 : index
      %swap3A_102 = tpu.vector_load %arg9[%swap3A_100, %swap3A_101] {strides = array<i32>} : memref<80x128xf32, #tpu.memory_space<vmem>>, vector<16xf32>,
      tpu.vector_store %arg9[%swap3A_100, %swap3A_101], %add3A_99 {strides = array<i32>} : memref<80x128xf32, #tpu.memory_space<vmem>>, vector<16xf32>,
      %get3A_103 = arith.index_cast %add3A_60 : i32 to index
      %get3A_104 = arith.constant 32 : index
      %get3A_105 = tpu.vector_load %arg7[%get3A_103, %get3A_104] {strides = array<i32>} : memref<80x128xi32, #tpu.memory_space<vmem>>, vector<16xi32>,
      %get3A_106 = arith.index_cast %add3A_60 : i32 to index
      %get3A_107 = arith.constant 32 : index
      %get3A_108 = tpu.vector_load %arg8[%get3A_106, %get3A_107] {strides = array<i32>} : memref<80x128xi32, #tpu.memory_space<vmem>>, vector<16xi32>,
      %mul3A_109 = arith.constant 2 : i32
      %mul3A_110 = vector.broadcast %mul3A_109 : i32 to vector<16xi32>
      %mul3A_111 = arith.muli %get3A_105, %mul3A_110 : vector<16xi32>
      %gather3A_112 = tpu.vector_load_idx %arg6[%mul3A_111] : memref<20224xf32, #tpu.memory_space<vmem>>[vector<16xi32>], vector<16xf32>,
      %mul3A_113 = arith.constant 2 : i32
      %mul3A_114 = vector.broadcast %mul3A_113 : i32 to vector<16xi32>
      %mul3A_115 = arith.muli %get3A_108, %mul3A_114 : vector<16xi32>
      %add3A_116 = arith.constant 1 : i32
      %add3A_117 = vector.broadcast %add3A_116 : i32 to vector<16xi32>
      %add3A_118 = arith.addi %mul3A_115, %add3A_117 : vector<16xi32>
      %gather3A_119 = tpu.vector_load_idx %arg6[%add3A_118] : memref<20224xf32, #tpu.memory_space<vmem>>[vector<16xi32>], vector<16xf32>,
      %add3A_120 = arith.addf %gather3A_112, %gather3A_119 : vector<16xf32>
      %swap3A_121 = arith.index_cast %add3A_60 : i32 to index
      %swap3A_122 = arith.constant 32 : index
      %swap3A_123 = tpu.vector_load %arg9[%swap3A_121, %swap3A_122] {strides = array<i32>} : memref<80x128xf32, #tpu.memory_space<vmem>>, vector<16xf32>,
      tpu.vector_store %arg9[%swap3A_121, %swap3A_122], %add3A_120 {strides = array<i32>} : memref<80x128xf32, #tpu.memory_space<vmem>>, vector<16xf32>,
      %get3A_124 = arith.index_cast %add3A_60 : i32 to index
      %get3A_125 = arith.constant 48 : index
      %get3A_126 = tpu.vector_load %arg7[%get3A_124, %get3A_125] {strides = array<i32>} : memref<80x128xi32, #tpu.memory_space<vmem>>, vector<16xi32>,
      %get3A_127 = arith.index_cast %add3A_60 : i32 to index
      %get3A_128 = arith.constant 48 : index
      %get3A_129 = tpu.vector_load %arg8[%get3A_127, %get3A_128] {strides = array<i32>} : memref<80x128xi32, #tpu.memory_space<vmem>>, vector<16xi32>,
      %mul3A_130 = arith.constant 2 : i32
      %mul3A_131 = vector.broadcast %mul3A_130 : i32 to vector<16xi32>
      %mul3A_132 = arith.muli %get3A_126, %mul3A_131 : vector<16xi32>
      %gather3A_133 = tpu.vector_load_idx %arg6[%mul3A_132] : memref<20224xf32, #tpu.memory_space<vmem>>[vector<16xi32>], vector<16xf32>,
      %mul3A_134 = arith.constant 2 : i32
      %mul3A_135 = vector.broadcast %mul3A_134 : i32 to vector<16xi32>
      %mul3A_136 = arith.muli %get3A_129, %mul3A_135 : vector<16xi32>
      %add3A_137 = arith.constant 1 : i32
      %add3A_138 = vector.broadcast %add3A_137 : i32 to vector<16xi32>
      %add3A_139 = arith.addi %mul3A_136, %add3A_138 : vector<16xi32>
      %gather3A_140 = tpu.vector_load_idx %arg6[%add3A_139] : memref<20224xf32, #tpu.memory_space<vmem>>[vector<16xi32>], vector<16xf32>,
      %add3A_141 = arith.addf %gather3A_133, %gather3A_140 : vector<16xf32>
      %swap3A_142 = arith.index_cast %add3A_60 : i32 to index
      %swap3A_143 = arith.constant 48 : index
      %swap3A_144 = tpu.vector_load %arg9[%swap3A_142, %swap3A_143] {strides = array<i32>} : memref<80x128xf32, #tpu.memory_space<vmem>>, vector<16xf32>,
      tpu.vector_store %arg9[%swap3A_142, %swap3A_143], %add3A_141 {strides = array<i32>} : memref<80x128xf32, #tpu.memory_space<vmem>>, vector<16xf32>,
      %get3A_145 = arith.index_cast %add3A_60 : i32 to index
      %get3A_146 = arith.constant 64 : index
      %get3A_147 = tpu.vector_load %arg7[%get3A_145, %get3A_146] {strides = array<i32>} : memref<80x128xi32, #tpu.memory_space<vmem>>, vector<16xi32>,
      %get3A_148 = arith.index_cast %add3A_60 : i32 to index
      %get3A_149 = arith.constant 64 : index
      %get3A_150 = tpu.vector_load %arg8[%get3A_148, %get3A_149] {strides = array<i32>} : memref<80x128xi32, #tpu.memory_space<vmem>>, vector<16xi32>,
      %mul3A_151 = arith.constant 2 : i32
      %mul3A_152 = vector.broadcast %mul3A_151 : i32 to vector<16xi32>
      %mul3A_153 = arith.muli %get3A_147, %mul3A_152 : vector<16xi32>
      %gather3A_154 = tpu.vector_load_idx %arg6[%mul3A_153] : memref<20224xf32, #tpu.memory_space<vmem>>[vector<16xi32>], vector<16xf32>,
      %mul3A_155 = arith.constant 2 : i32
      %mul3A_156 = vector.broadcast %mul3A_155 : i32 to vector<16xi32>
      %mul3A_157 = arith.muli %get3A_150, %mul3A_156 : vector<16xi32>
      %add3A_158 = arith.constant 1 : i32
      %add3A_159 = vector.broadcast %add3A_158 : i32 to vector<16xi32>
      %add3A_160 = arith.addi %mul3A_157, %add3A_159 : vector<16xi32>
      %gather3A_161 = tpu.vector_load_idx %arg6[%add3A_160] : memref<20224xf32, #tpu.memory_space<vmem>>[vector<16xi32>], vector<16xf32>,
      %add3A_162 = arith.addf %gather3A_154, %gather3A_161 : vector<16xf32>
      %swap3A_163 = arith.index_cast %add3A_60 : i32 to index
      %swap3A_164 = arith.constant 64 : index
      %swap3A_165 = tpu.vector_load %arg9[%swap3A_163, %swap3A_164] {strides = array<i32>} : memref<80x128xf32, #tpu.memory_space<vmem>>, vector<16xf32>,
      tpu.vector_store %arg9[%swap3A_163, %swap3A_164], %add3A_162 {strides = array<i32>} : memref<80x128xf32, #tpu.memory_space<vmem>>, vector<16xf32>,
      %get3A_166 = arith.index_cast %add3A_60 : i32 to index
      %get3A_167 = arith.constant 80 : index
      %get3A_168 = tpu.vector_load %arg7[%get3A_166, %get3A_167] {strides = array<i32>} : memref<80x128xi32, #tpu.memory_space<vmem>>, vector<16xi32>,
      %get3A_169 = arith.index_cast %add3A_60 : i32 to index
      %get3A_170 = arith.constant 80 : index
      %get3A_171 = tpu.vector_load %arg8[%get3A_169, %get3A_170] {strides = array<i32>} : memref<80x128xi32, #tpu.memory_space<vmem>>, vector<16xi32>,
      %mul3A_172 = arith.constant 2 : i32
      %mul3A_173 = vector.broadcast %mul3A_172 : i32 to vector<16xi32>
      %mul3A_174 = arith.muli %get3A_168, %mul3A_173 : vector<16xi32>
      %gather3A_175 = tpu.vector_load_idx %arg6[%mul3A_174] : memref<20224xf32, #tpu.memory_space<vmem>>[vector<16xi32>], vector<16xf32>,
      %mul3A_176 = arith.constant 2 : i32
      %mul3A_177 = vector.broadcast %mul3A_176 : i32 to vector<16xi32>
      %mul3A_178 = arith.muli %get3A_171, %mul3A_177 : vector<16xi32>
      %add3A_179 = arith.constant 1 : i32
      %add3A_180 = vector.broadcast %add3A_179 : i32 to vector<16xi32>
      %add3A_181 = arith.addi %mul3A_178, %add3A_180 : vector<16xi32>
      %gather3A_182 = tpu.vector_load_idx %arg6[%add3A_181] : memref<20224xf32, #tpu.memory_space<vmem>>[vector<16xi32>], vector<16xf32>,
      %add3A_183 = arith.addf %gather3A_175, %gather3A_182 : vector<16xf32>
      %swap3A_184 = arith.index_cast %add3A_60 : i32 to index
      %swap3A_185 = arith.constant 80 : index
      %swap3A_186 = tpu.vector_load %arg9[%swap3A_184, %swap3A_185] {strides = array<i32>} : memref<80x128xf32, #tpu.memory_space<vmem>>, vector<16xf32>,
      tpu.vector_store %arg9[%swap3A_184, %swap3A_185], %add3A_183 {strides = array<i32>} : memref<80x128xf32, #tpu.memory_space<vmem>>, vector<16xf32>,
      %get3A_187 = arith.index_cast %add3A_60 : i32 to index
      %get3A_188 = arith.constant 96 : index
      %get3A_189 = tpu.vector_load %arg7[%get3A_187, %get3A_188] {strides = array<i32>} : memref<80x128xi32, #tpu.memory_space<vmem>>, vector<16xi32>,
      %get3A_190 = arith.index_cast %add3A_60 : i32 to index
      %get3A_191 = arith.constant 96 : index
      %get3A_192 = tpu.vector_load %arg8[%get3A_190, %get3A_191] {strides = array<i32>} : memref<80x128xi32, #tpu.memory_space<vmem>>, vector<16xi32>,
      %mul3A_193 = arith.constant 2 : i32
      %mul3A_194 = vector.broadcast %mul3A_193 : i32 to vector<16xi32>
      %mul3A_195 = arith.muli %get3A_189, %mul3A_194 : vector<16xi32>
      %gather3A_196 = tpu.vector_load_idx %arg6[%mul3A_195] : memref<20224xf32, #tpu.memory_space<vmem>>[vector<16xi32>], vector<16xf32>,
      %mul3A_197 = arith.constant 2 : i32
      %mul3A_198 = vector.broadcast %mul3A_197 : i32 to vector<16xi32>
      %mul3A_199 = arith.muli %get3A_192, %mul3A_198 : vector<16xi32>
      %add3A_200 = arith.constant 1 : i32
      %add3A_201 = vector.broadcast %add3A_200 : i32 to vector<16xi32>
      %add3A_202 = arith.addi %mul3A_199, %add3A_201 : vector<16xi32>
      %gather3A_203 = tpu.vector_load_idx %arg6[%add3A_202] : memref<20224xf32, #tpu.memory_space<vmem>>[vector<16xi32>], vector<16xf32>,
      %add3A_204 = arith.addf %gather3A_196, %gather3A_203 : vector<16xf32>
      %swap3A_205 = arith.index_cast %add3A_60 : i32 to index
      %swap3A_206 = arith.constant 96 : index
      %swap3A_207 = tpu.vector_load %arg9[%swap3A_205, %swap3A_206] {strides = array<i32>} : memref<80x128xf32, #tpu.memory_space<vmem>>, vector<16xf32>,
      tpu.vector_store %arg9[%swap3A_205, %swap3A_206], %add3A_204 {strides = array<i32>} : memref<80x128xf32, #tpu.memory_space<vmem>>, vector<16xf32>,
      %get3A_208 = arith.index_cast %add3A_60 : i32 to index
      %get3A_209 = arith.constant 112 : index
      %get3A_210 = tpu.vector_load %arg7[%get3A_208, %get3A_209] {strides = array<i32>} : memref<80x128xi32, #tpu.memory_space<vmem>>, vector<16xi32>,
      %get3A_211 = arith.index_cast %add3A_60 : i32 to index
      %get3A_212 = arith.constant 112 : index
      %get3A_213 = tpu.vector_load %arg8[%get3A_211, %get3A_212] {strides = array<i32>} : memref<80x128xi32, #tpu.memory_space<vmem>>, vector<16xi32>,
      %mul3A_214 = arith.constant 2 : i32
      %mul3A_215 = vector.broadcast %mul3A_214 : i32 to vector<16xi32>
      %mul3A_216 = arith.muli %get3A_210, %mul3A_215 : vector<16xi32>
      %gather3A_217 = tpu.vector_load_idx %arg6[%mul3A_216] : memref<20224xf32, #tpu.memory_space<vmem>>[vector<16xi32>], vector<16xf32>,
      %mul3A_218 = arith.constant 2 : i32
      %mul3A_219 = vector.broadcast %mul3A_218 : i32 to vector<16xi32>
      %mul3A_220 = arith.muli %get3A_213, %mul3A_219 : vector<16xi32>
      %add3A_221 = arith.constant 1 : i32
      %add3A_222 = vector.broadcast %add3A_221 : i32 to vector<16xi32>
      %add3A_223 = arith.addi %mul3A_220, %add3A_222 : vector<16xi32>
      %gather3A_224 = tpu.vector_load_idx %arg6[%add3A_223] : memref<20224xf32, #tpu.memory_space<vmem>>[vector<16xi32>], vector<16xf32>,
      %add3A_225 = arith.addf %gather3A_217, %gather3A_224 : vector<16xf32>
      %swap3A_226 = arith.index_cast %add3A_60 : i32 to index
      %swap3A_227 = arith.constant 112 : index
      %swap3A_228 = tpu.vector_load %arg9[%swap3A_226, %swap3A_227] {strides = array<i32>} : memref<80x128xf32, #tpu.memory_space<vmem>>, vector<16xf32>,
      tpu.vector_store %arg9[%swap3A_226, %swap3A_227], %add3A_225 {strides = array<i32>} : memref<80x128xf32, #tpu.memory_space<vmem>>, vector<16xf32>,
      %mul3A_229 = arith.constant 128 : i32
      %mul3A_230 = arith.muli %add3A_60, %mul3A_229 : i32
      %add3A_231 = arith.addi %mul3A_2, %mul3A_230 : i32
      %dma_start3A_232 = arith.constant 0 : i32
      %dma_start3A_233 = tpu.memref_slice %arg9[%add3A_60, %dma_start3A_232] : memref<80x128xf32, #tpu.memory_space<vmem>> -> memref<1x128xf32, #tpu.memory_space<vmem>>
      %dma_start3A_234 = tpu.memref_squeeze %dma_start3A_233 : memref<1x128xf32, #tpu.memory_space<vmem>> -> memref<128xf32, #tpu.memory_space<vmem>>
      %dma_start3A_235 = tpu.memref_slice %arg5[%add3A_231] : memref<320000xf32, #tpu.memory_space<hbm>> -> memref<128xf32, #tpu.memory_space<hbm>>
      %dma_start3A_236 = tpu.memref_slice %arg5[%add3A_231] : memref<320000xf32, #tpu.memory_space<hbm>> -> memref<128xf32, #tpu.memory_space<hbm>>
      %dma_start3A_237 = arith.constant 0 : i32
      %dma_start3A_238 = tpu.memref_slice %arg9[%add3A_60, %dma_start3A_237] : memref<80x128xf32, #tpu.memory_space<vmem>> -> memref<1x128xf32, #tpu.memory_space<vmem>>
      %dma_start3A_239 = tpu.memref_squeeze %dma_start3A_238 : memref<1x128xf32, #tpu.memory_space<vmem>> -> memref<128xf32, #tpu.memory_space<vmem>>
      tpu.enqueue_dma source(%dma_start3A_239 : memref<128xf32, #tpu.memory_space<vmem>>) target(%dma_start3A_236 : memref<128xf32, #tpu.memory_space<hbm>>) target_semaphore(%arg10 : memref<!tpu.dma_semaphore, #tpu.memory_space<semaphore_mem>>)
      %ge3A = arith.constant 8 : i32
      %ge3A_240 = arith.cmpi sge, %add3A_60, %ge3A : i32
      %convert_element_type3A = arith.extui %ge3A_240 : i1 to i32
      %cond3A = arith.constant 0 : i32
      %cond3A_241 = arith.cmpi ne, %convert_element_type3A, %cond3A : i32
      scf.if %cond3A_241 {
        %dma_wait3A_431 = arith.constant 0 : i32
        %dma_wait3A_432 = arith.constant 0 : i32
        %dma_wait3A_433 = tpu.memref_slice %arg9[%dma_wait3A_431, %dma_wait3A_432] : memref<80x128xf32, #tpu.memory_space<vmem>> -> memref<1x128xf32, #tpu.memory_space<vmem>>
        %dma_wait3A_434 = tpu.memref_squeeze %dma_wait3A_433 : memref<1x128xf32, #tpu.memory_space<vmem>> -> memref<128xf32, #tpu.memory_space<vmem>>
        %dma_wait3A_435 = tpu.memref_slice %arg5[%mul3A_2] : memref<320000xf32, #tpu.memory_space<hbm>> -> memref<128xf32, #tpu.memory_space<hbm>>
        %dma_wait3A_436 = tpu.memref_slice %arg5[%mul3A_2] : memref<320000xf32, #tpu.memory_space<hbm>> -> memref<128xf32, #tpu.memory_space<hbm>>
        %dma_wait3A_437 = arith.constant 0 : i32
        %dma_wait3A_438 = tpu.memref_slice %arg9[%dma_wait3A_431, %dma_wait3A_437] : memref<80x128xf32, #tpu.memory_space<vmem>> -> memref<1x128xf32, #tpu.memory_space<vmem>>
        %dma_wait3A_439 = tpu.memref_squeeze %dma_wait3A_438 : memref<1x128xf32, #tpu.memory_space<vmem>> -> memref<128xf32, #tpu.memory_space<vmem>>
        tpu.wait_dma2 semaphore(%arg10 : memref<!tpu.dma_semaphore, #tpu.memory_space<semaphore_mem>>) src(%dma_wait3A_439 : memref<128xf32, #tpu.memory_space<vmem>>) dst(%dma_wait3A_436 : memref<128xf32, #tpu.memory_space<hbm>>)
      } else {
      }
      %mul3A_242 = arith.constant 2 : i32
      %mul3A_243 = arith.muli %scan3A_55, %mul3A_242 : i32
      %add3A_244 = arith.constant 1 : i32
      %add3A_245 = arith.addi %mul3A_243, %add3A_244 : i32
      %get3A_246 = arith.index_cast %add3A_245 : i32 to index
      %get3A_247 = arith.constant 0 : index
      %get3A_248 = tpu.vector_load %arg7[%get3A_246, %get3A_247] {strides = array<i32>} : memref<80x128xi32, #tpu.memory_space<vmem>>, vector<16xi32>,
      %get3A_249 = arith.index_cast %add3A_245 : i32 to index
      %get3A_250 = arith.constant 0 : index
      %get3A_251 = tpu.vector_load %arg8[%get3A_249, %get3A_250] {strides = array<i32>} : memref<80x128xi32, #tpu.memory_space<vmem>>, vector<16xi32>,
      %mul3A_252 = arith.constant 2 : i32
      %mul3A_253 = vector.broadcast %mul3A_252 : i32 to vector<16xi32>
      %mul3A_254 = arith.muli %get3A_248, %mul3A_253 : vector<16xi32>
      %gather3A_255 = tpu.vector_load_idx %arg6[%mul3A_254] : memref<20224xf32, #tpu.memory_space<vmem>>[vector<16xi32>], vector<16xf32>,
      %mul3A_256 = arith.constant 2 : i32
      %mul3A_257 = vector.broadcast %mul3A_256 : i32 to vector<16xi32>
      %mul3A_258 = arith.muli %get3A_251, %mul3A_257 : vector<16xi32>
      %add3A_259 = arith.constant 1 : i32
      %add3A_260 = vector.broadcast %add3A_259 : i32 to vector<16xi32>
      %add3A_261 = arith.addi %mul3A_258, %add3A_260 : vector<16xi32>
      %gather3A_262 = tpu.vector_load_idx %arg6[%add3A_261] : memref<20224xf32, #tpu.memory_space<vmem>>[vector<16xi32>], vector<16xf32>,
      %add3A_263 = arith.addf %gather3A_255, %gather3A_262 : vector<16xf32>
      %swap3A_264 = arith.index_cast %add3A_245 : i32 to index
      %swap3A_265 = arith.constant 0 : index
      %swap3A_266 = tpu.vector_load %arg9[%swap3A_264, %swap3A_265] {strides = array<i32>} : memref<80x128xf32, #tpu.memory_space<vmem>>, vector<16xf32>,
      tpu.vector_store %arg9[%swap3A_264, %swap3A_265], %add3A_263 {strides = array<i32>} : memref<80x128xf32, #tpu.memory_space<vmem>>, vector<16xf32>,
      %get3A_267 = arith.index_cast %add3A_245 : i32 to index
      %get3A_268 = arith.constant 16 : index
      %get3A_269 = tpu.vector_load %arg7[%get3A_267, %get3A_268] {strides = array<i32>} : memref<80x128xi32, #tpu.memory_space<vmem>>, vector<16xi32>,
      %get3A_270 = arith.index_cast %add3A_245 : i32 to index
      %get3A_271 = arith.constant 16 : index
      %get3A_272 = tpu.vector_load %arg8[%get3A_270, %get3A_271] {strides = array<i32>} : memref<80x128xi32, #tpu.memory_space<vmem>>, vector<16xi32>,
      %mul3A_273 = arith.constant 2 : i32
      %mul3A_274 = vector.broadcast %mul3A_273 : i32 to vector<16xi32>
      %mul3A_275 = arith.muli %get3A_269, %mul3A_274 : vector<16xi32>
      %gather3A_276 = tpu.vector_load_idx %arg6[%mul3A_275] : memref<20224xf32, #tpu.memory_space<vmem>>[vector<16xi32>], vector<16xf32>,
      %mul3A_277 = arith.constant 2 : i32
      %mul3A_278 = vector.broadcast %mul3A_277 : i32 to vector<16xi32>
      %mul3A_279 = arith.muli %get3A_272, %mul3A_278 : vector<16xi32>
      %add3A_280 = arith.constant 1 : i32
      %add3A_281 = vector.broadcast %add3A_280 : i32 to vector<16xi32>
      %add3A_282 = arith.addi %mul3A_279, %add3A_281 : vector<16xi32>
      %gather3A_283 = tpu.vector_load_idx %arg6[%add3A_282] : memref<20224xf32, #tpu.memory_space<vmem>>[vector<16xi32>], vector<16xf32>,
      %add3A_284 = arith.addf %gather3A_276, %gather3A_283 : vector<16xf32>
      %swap3A_285 = arith.index_cast %add3A_245 : i32 to index
      %swap3A_286 = arith.constant 16 : index
      %swap3A_287 = tpu.vector_load %arg9[%swap3A_285, %swap3A_286] {strides = array<i32>} : memref<80x128xf32, #tpu.memory_space<vmem>>, vector<16xf32>,
      tpu.vector_store %arg9[%swap3A_285, %swap3A_286], %add3A_284 {strides = array<i32>} : memref<80x128xf32, #tpu.memory_space<vmem>>, vector<16xf32>,
      %get3A_288 = arith.index_cast %add3A_245 : i32 to index
      %get3A_289 = arith.constant 32 : index
      %get3A_290 = tpu.vector_load %arg7[%get3A_288, %get3A_289] {strides = array<i32>} : memref<80x128xi32, #tpu.memory_space<vmem>>, vector<16xi32>,
      %get3A_291 = arith.index_cast %add3A_245 : i32 to index
      %get3A_292 = arith.constant 32 : index
      %get3A_293 = tpu.vector_load %arg8[%get3A_291, %get3A_292] {strides = array<i32>} : memref<80x128xi32, #tpu.memory_space<vmem>>, vector<16xi32>,
      %mul3A_294 = arith.constant 2 : i32
      %mul3A_295 = vector.broadcast %mul3A_294 : i32 to vector<16xi32>
      %mul3A_296 = arith.muli %get3A_290, %mul3A_295 : vector<16xi32>
      %gather3A_297 = tpu.vector_load_idx %arg6[%mul3A_296] : memref<20224xf32, #tpu.memory_space<vmem>>[vector<16xi32>], vector<16xf32>,
      %mul3A_298 = arith.constant 2 : i32
      %mul3A_299 = vector.broadcast %mul3A_298 : i32 to vector<16xi32>
      %mul3A_300 = arith.muli %get3A_293, %mul3A_299 : vector<16xi32>
      %add3A_301 = arith.constant 1 : i32
      %add3A_302 = vector.broadcast %add3A_301 : i32 to vector<16xi32>
      %add3A_303 = arith.addi %mul3A_300, %add3A_302 : vector<16xi32>
      %gather3A_304 = tpu.vector_load_idx %arg6[%add3A_303] : memref<20224xf32, #tpu.memory_space<vmem>>[vector<16xi32>], vector<16xf32>,
      %add3A_305 = arith.addf %gather3A_297, %gather3A_304 : vector<16xf32>
      %swap3A_306 = arith.index_cast %add3A_245 : i32 to index
      %swap3A_307 = arith.constant 32 : index
      %swap3A_308 = tpu.vector_load %arg9[%swap3A_306, %swap3A_307] {strides = array<i32>} : memref<80x128xf32, #tpu.memory_space<vmem>>, vector<16xf32>,
      tpu.vector_store %arg9[%swap3A_306, %swap3A_307], %add3A_305 {strides = array<i32>} : memref<80x128xf32, #tpu.memory_space<vmem>>, vector<16xf32>,
      %get3A_309 = arith.index_cast %add3A_245 : i32 to index
      %get3A_310 = arith.constant 48 : index
      %get3A_311 = tpu.vector_load %arg7[%get3A_309, %get3A_310] {strides = array<i32>} : memref<80x128xi32, #tpu.memory_space<vmem>>, vector<16xi32>,
      %get3A_312 = arith.index_cast %add3A_245 : i32 to index
      %get3A_313 = arith.constant 48 : index
      %get3A_314 = tpu.vector_load %arg8[%get3A_312, %get3A_313] {strides = array<i32>} : memref<80x128xi32, #tpu.memory_space<vmem>>, vector<16xi32>,
      %mul3A_315 = arith.constant 2 : i32
      %mul3A_316 = vector.broadcast %mul3A_315 : i32 to vector<16xi32>
      %mul3A_317 = arith.muli %get3A_311, %mul3A_316 : vector<16xi32>
      %gather3A_318 = tpu.vector_load_idx %arg6[%mul3A_317] : memref<20224xf32, #tpu.memory_space<vmem>>[vector<16xi32>], vector<16xf32>,
      %mul3A_319 = arith.constant 2 : i32
      %mul3A_320 = vector.broadcast %mul3A_319 : i32 to vector<16xi32>
      %mul3A_321 = arith.muli %get3A_314, %mul3A_320 : vector<16xi32>
      %add3A_322 = arith.constant 1 : i32
      %add3A_323 = vector.broadcast %add3A_322 : i32 to vector<16xi32>
      %add3A_324 = arith.addi %mul3A_321, %add3A_323 : vector<16xi32>
      %gather3A_325 = tpu.vector_load_idx %arg6[%add3A_324] : memref<20224xf32, #tpu.memory_space<vmem>>[vector<16xi32>], vector<16xf32>,
      %add3A_326 = arith.addf %gather3A_318, %gather3A_325 : vector<16xf32>
      %swap3A_327 = arith.index_cast %add3A_245 : i32 to index
      %swap3A_328 = arith.constant 48 : index
      %swap3A_329 = tpu.vector_load %arg9[%swap3A_327, %swap3A_328] {strides = array<i32>} : memref<80x128xf32, #tpu.memory_space<vmem>>, vector<16xf32>,
      tpu.vector_store %arg9[%swap3A_327, %swap3A_328], %add3A_326 {strides = array<i32>} : memref<80x128xf32, #tpu.memory_space<vmem>>, vector<16xf32>,
      %get3A_330 = arith.index_cast %add3A_245 : i32 to index
      %get3A_331 = arith.constant 64 : index
      %get3A_332 = tpu.vector_load %arg7[%get3A_330, %get3A_331] {strides = array<i32>} : memref<80x128xi32, #tpu.memory_space<vmem>>, vector<16xi32>,
      %get3A_333 = arith.index_cast %add3A_245 : i32 to index
      %get3A_334 = arith.constant 64 : index
      %get3A_335 = tpu.vector_load %arg8[%get3A_333, %get3A_334] {strides = array<i32>} : memref<80x128xi32, #tpu.memory_space<vmem>>, vector<16xi32>,
      %mul3A_336 = arith.constant 2 : i32
      %mul3A_337 = vector.broadcast %mul3A_336 : i32 to vector<16xi32>
      %mul3A_338 = arith.muli %get3A_332, %mul3A_337 : vector<16xi32>
      %gather3A_339 = tpu.vector_load_idx %arg6[%mul3A_338] : memref<20224xf32, #tpu.memory_space<vmem>>[vector<16xi32>], vector<16xf32>,
      %mul3A_340 = arith.constant 2 : i32
      %mul3A_341 = vector.broadcast %mul3A_340 : i32 to vector<16xi32>
      %mul3A_342 = arith.muli %get3A_335, %mul3A_341 : vector<16xi32>
      %add3A_343 = arith.constant 1 : i32
      %add3A_344 = vector.broadcast %add3A_343 : i32 to vector<16xi32>
      %add3A_345 = arith.addi %mul3A_342, %add3A_344 : vector<16xi32>
      %gather3A_346 = tpu.vector_load_idx %arg6[%add3A_345] : memref<20224xf32, #tpu.memory_space<vmem>>[vector<16xi32>], vector<16xf32>,
      %add3A_347 = arith.addf %gather3A_339, %gather3A_346 : vector<16xf32>
      %swap3A_348 = arith.index_cast %add3A_245 : i32 to index
      %swap3A_349 = arith.constant 64 : index
      %swap3A_350 = tpu.vector_load %arg9[%swap3A_348, %swap3A_349] {strides = array<i32>} : memref<80x128xf32, #tpu.memory_space<vmem>>, vector<16xf32>,
      tpu.vector_store %arg9[%swap3A_348, %swap3A_349], %add3A_347 {strides = array<i32>} : memref<80x128xf32, #tpu.memory_space<vmem>>, vector<16xf32>,
      %get3A_351 = arith.index_cast %add3A_245 : i32 to index
      %get3A_352 = arith.constant 80 : index
      %get3A_353 = tpu.vector_load %arg7[%get3A_351, %get3A_352] {strides = array<i32>} : memref<80x128xi32, #tpu.memory_space<vmem>>, vector<16xi32>,
      %get3A_354 = arith.index_cast %add3A_245 : i32 to index
      %get3A_355 = arith.constant 80 : index
      %get3A_356 = tpu.vector_load %arg8[%get3A_354, %get3A_355] {strides = array<i32>} : memref<80x128xi32, #tpu.memory_space<vmem>>, vector<16xi32>,
      %mul3A_357 = arith.constant 2 : i32
      %mul3A_358 = vector.broadcast %mul3A_357 : i32 to vector<16xi32>
      %mul3A_359 = arith.muli %get3A_353, %mul3A_358 : vector<16xi32>
      %gather3A_360 = tpu.vector_load_idx %arg6[%mul3A_359] : memref<20224xf32, #tpu.memory_space<vmem>>[vector<16xi32>], vector<16xf32>,
      %mul3A_361 = arith.constant 2 : i32
      %mul3A_362 = vector.broadcast %mul3A_361 : i32 to vector<16xi32>
      %mul3A_363 = arith.muli %get3A_356, %mul3A_362 : vector<16xi32>
      %add3A_364 = arith.constant 1 : i32
      %add3A_365 = vector.broadcast %add3A_364 : i32 to vector<16xi32>
      %add3A_366 = arith.addi %mul3A_363, %add3A_365 : vector<16xi32>
      %gather3A_367 = tpu.vector_load_idx %arg6[%add3A_366] : memref<20224xf32, #tpu.memory_space<vmem>>[vector<16xi32>], vector<16xf32>,
      %add3A_368 = arith.addf %gather3A_360, %gather3A_367 : vector<16xf32>
      %swap3A_369 = arith.index_cast %add3A_245 : i32 to index
      %swap3A_370 = arith.constant 80 : index
      %swap3A_371 = tpu.vector_load %arg9[%swap3A_369, %swap3A_370] {strides = array<i32>} : memref<80x128xf32, #tpu.memory_space<vmem>>, vector<16xf32>,
      tpu.vector_store %arg9[%swap3A_369, %swap3A_370], %add3A_368 {strides = array<i32>} : memref<80x128xf32, #tpu.memory_space<vmem>>, vector<16xf32>,
      %get3A_372 = arith.index_cast %add3A_245 : i32 to index
      %get3A_373 = arith.constant 96 : index
      %get3A_374 = tpu.vector_load %arg7[%get3A_372, %get3A_373] {strides = array<i32>} : memref<80x128xi32, #tpu.memory_space<vmem>>, vector<16xi32>,
      %get3A_375 = arith.index_cast %add3A_245 : i32 to index
      %get3A_376 = arith.constant 96 : index
      %get3A_377 = tpu.vector_load %arg8[%get3A_375, %get3A_376] {strides = array<i32>} : memref<80x128xi32, #tpu.memory_space<vmem>>, vector<16xi32>,
      %mul3A_378 = arith.constant 2 : i32
      %mul3A_379 = vector.broadcast %mul3A_378 : i32 to vector<16xi32>
      %mul3A_380 = arith.muli %get3A_374, %mul3A_379 : vector<16xi32>
      %gather3A_381 = tpu.vector_load_idx %arg6[%mul3A_380] : memref<20224xf32, #tpu.memory_space<vmem>>[vector<16xi32>], vector<16xf32>,
      %mul3A_382 = arith.constant 2 : i32
      %mul3A_383 = vector.broadcast %mul3A_382 : i32 to vector<16xi32>
      %mul3A_384 = arith.muli %get3A_377, %mul3A_383 : vector<16xi32>
      %add3A_385 = arith.constant 1 : i32
      %add3A_386 = vector.broadcast %add3A_385 : i32 to vector<16xi32>
      %add3A_387 = arith.addi %mul3A_384, %add3A_386 : vector<16xi32>
      %gather3A_388 = tpu.vector_load_idx %arg6[%add3A_387] : memref<20224xf32, #tpu.memory_space<vmem>>[vector<16xi32>], vector<16xf32>,
      %add3A_389 = arith.addf %gather3A_381, %gather3A_388 : vector<16xf32>
      %swap3A_390 = arith.index_cast %add3A_245 : i32 to index
      %swap3A_391 = arith.constant 96 : index
      %swap3A_392 = tpu.vector_load %arg9[%swap3A_390, %swap3A_391] {strides = array<i32>} : memref<80x128xf32, #tpu.memory_space<vmem>>, vector<16xf32>,
      tpu.vector_store %arg9[%swap3A_390, %swap3A_391], %add3A_389 {strides = array<i32>} : memref<80x128xf32, #tpu.memory_space<vmem>>, vector<16xf32>,
      %get3A_393 = arith.index_cast %add3A_245 : i32 to index
      %get3A_394 = arith.constant 112 : index
      %get3A_395 = tpu.vector_load %arg7[%get3A_393, %get3A_394] {strides = array<i32>} : memref<80x128xi32, #tpu.memory_space<vmem>>, vector<16xi32>,
      %get3A_396 = arith.index_cast %add3A_245 : i32 to index
      %get3A_397 = arith.constant 112 : index
      %get3A_398 = tpu.vector_load %arg8[%get3A_396, %get3A_397] {strides = array<i32>} : memref<80x128xi32, #tpu.memory_space<vmem>>, vector<16xi32>,
      %mul3A_399 = arith.constant 2 : i32
      %mul3A_400 = vector.broadcast %mul3A_399 : i32 to vector<16xi32>
      %mul3A_401 = arith.muli %get3A_395, %mul3A_400 : vector<16xi32>
      %gather3A_402 = tpu.vector_load_idx %arg6[%mul3A_401] : memref<20224xf32, #tpu.memory_space<vmem>>[vector<16xi32>], vector<16xf32>,
      %mul3A_403 = arith.constant 2 : i32
      %mul3A_404 = vector.broadcast %mul3A_403 : i32 to vector<16xi32>
      %mul3A_405 = arith.muli %get3A_398, %mul3A_404 : vector<16xi32>
      %add3A_406 = arith.constant 1 : i32
      %add3A_407 = vector.broadcast %add3A_406 : i32 to vector<16xi32>
      %add3A_408 = arith.addi %mul3A_405, %add3A_407 : vector<16xi32>
      %gather3A_409 = tpu.vector_load_idx %arg6[%add3A_408] : memref<20224xf32, #tpu.memory_space<vmem>>[vector<16xi32>], vector<16xf32>,
      %add3A_410 = arith.addf %gather3A_402, %gather3A_409 : vector<16xf32>
      %swap3A_411 = arith.index_cast %add3A_245 : i32 to index
      %swap3A_412 = arith.constant 112 : index
      %swap3A_413 = tpu.vector_load %arg9[%swap3A_411, %swap3A_412] {strides = array<i32>} : memref<80x128xf32, #tpu.memory_space<vmem>>, vector<16xf32>,
      tpu.vector_store %arg9[%swap3A_411, %swap3A_412], %add3A_410 {strides = array<i32>} : memref<80x128xf32, #tpu.memory_space<vmem>>, vector<16xf32>,
      %mul3A_414 = arith.constant 128 : i32
      %mul3A_415 = arith.muli %add3A_245, %mul3A_414 : i32
      %add3A_416 = arith.addi %mul3A_2, %mul3A_415 : i32
      %dma_start3A_417 = arith.constant 0 : i32
      %dma_start3A_418 = tpu.memref_slice %arg9[%add3A_245, %dma_start3A_417] : memref<80x128xf32, #tpu.memory_space<vmem>> -> memref<1x128xf32, #tpu.memory_space<vmem>>
      %dma_start3A_419 = tpu.memref_squeeze %dma_start3A_418 : memref<1x128xf32, #tpu.memory_space<vmem>> -> memref<128xf32, #tpu.memory_space<vmem>>
      %dma_start3A_420 = tpu.memref_slice %arg5[%add3A_416] : memref<320000xf32, #tpu.memory_space<hbm>> -> memref<128xf32, #tpu.memory_space<hbm>>
      %dma_start3A_421 = tpu.memref_slice %arg5[%add3A_416] : memref<320000xf32, #tpu.memory_space<hbm>> -> memref<128xf32, #tpu.memory_space<hbm>>
      %dma_start3A_422 = arith.constant 0 : i32
      %dma_start3A_423 = tpu.memref_slice %arg9[%add3A_245, %dma_start3A_422] : memref<80x128xf32, #tpu.memory_space<vmem>> -> memref<1x128xf32, #tpu.memory_space<vmem>>
      %dma_start3A_424 = tpu.memref_squeeze %dma_start3A_423 : memref<1x128xf32, #tpu.memory_space<vmem>> -> memref<128xf32, #tpu.memory_space<vmem>>
      tpu.enqueue_dma source(%dma_start3A_424 : memref<128xf32, #tpu.memory_space<vmem>>) target(%dma_start3A_421 : memref<128xf32, #tpu.memory_space<hbm>>) target_semaphore(%arg10 : memref<!tpu.dma_semaphore, #tpu.memory_space<semaphore_mem>>)
      %ge3A_425 = arith.constant 8 : i32
      %ge3A_426 = arith.cmpi sge, %add3A_245, %ge3A_425 : i32
      %convert_element_type3A_427 = arith.extui %ge3A_426 : i1 to i32
      %cond3A_428 = arith.constant 0 : i32
      %cond3A_429 = arith.cmpi ne, %convert_element_type3A_427, %cond3A_428 : i32
      scf.if %cond3A_429 {
        %dma_wait3A_431 = arith.constant 0 : i32
        %dma_wait3A_432 = arith.constant 0 : i32
        %dma_wait3A_433 = tpu.memref_slice %arg9[%dma_wait3A_431, %dma_wait3A_432] : memref<80x128xf32, #tpu.memory_space<vmem>> -> memref<1x128xf32, #tpu.memory_space<vmem>>
        %dma_wait3A_434 = tpu.memref_squeeze %dma_wait3A_433 : memref<1x128xf32, #tpu.memory_space<vmem>> -> memref<128xf32, #tpu.memory_space<vmem>>
        %dma_wait3A_435 = tpu.memref_slice %arg5[%mul3A_2] : memref<320000xf32, #tpu.memory_space<hbm>> -> memref<128xf32, #tpu.memory_space<hbm>>
        %dma_wait3A_436 = tpu.memref_slice %arg5[%mul3A_2] : memref<320000xf32, #tpu.memory_space<hbm>> -> memref<128xf32, #tpu.memory_space<hbm>>
        %dma_wait3A_437 = arith.constant 0 : i32
        %dma_wait3A_438 = tpu.memref_slice %arg9[%dma_wait3A_431, %dma_wait3A_437] : memref<80x128xf32, #tpu.memory_space<vmem>> -> memref<1x128xf32, #tpu.memory_space<vmem>>
        %dma_wait3A_439 = tpu.memref_squeeze %dma_wait3A_438 : memref<1x128xf32, #tpu.memory_space<vmem>> -> memref<128xf32, #tpu.memory_space<vmem>>
        tpu.wait_dma2 semaphore(%arg10 : memref<!tpu.dma_semaphore, #tpu.memory_space<semaphore_mem>>) src(%dma_wait3A_439 : memref<128xf32, #tpu.memory_space<vmem>>) dst(%dma_wait3A_436 : memref<128xf32, #tpu.memory_space<hbm>>)
      } else {
      }
      %scan3A_430 = arith.constant 0 : i32
      scf.yield %scan3A_430 : i32
    }
    %scan3A_8 = arith.constant 39 : i32
    %get3A = arith.constant 78 : i32
    %get3A_9 = arith.index_cast %get3A : i32 to index
    %get3A_10 = arith.constant 0 : index
    %get3A_11 = tpu.vector_load %arg7[%get3A_9, %get3A_10] {strides = array<i32>} : memref<80x128xi32, #tpu.memory_space<vmem>>, vector<16xi32>,
    %get3A_12 = arith.constant 78 : i32
    %get3A_13 = arith.index_cast %get3A_12 : i32 to index
    %get3A_14 = arith.constant 0 : index
    %get3A_15 = tpu.vector_load %arg8[%get3A_13, %get3A_14] {strides = array<i32>} : memref<80x128xi32, #tpu.memory_space<vmem>>, vector<16xi32>,
    %mul3A_16 = arith.constant 2 : i32
    %mul3A_17 = vector.broadcast %mul3A_16 : i32 to vector<16xi32>
    %mul3A_18 = arith.muli %get3A_11, %mul3A_17 : vector<16xi32>
    %gather3A = tpu.vector_load_idx %arg6[%mul3A_18] : memref<20224xf32, #tpu.memory_space<vmem>>[vector<16xi32>], vector<16xf32>,
    %mul3A_19 = arith.constant 2 : i32
    %mul3A_20 = vector.broadcast %mul3A_19 : i32 to vector<16xi32>
    %mul3A_21 = arith.muli %get3A_15, %mul3A_20 : vector<16xi32>
    %add3A_22 = arith.constant 1 : i32
    %add3A_23 = vector.broadcast %add3A_22 : i32 to vector<16xi32>
    %add3A_24 = arith.addi %mul3A_21, %add3A_23 : vector<16xi32>
    %gather3A_25 = tpu.vector_load_idx %arg6[%add3A_24] : memref<20224xf32, #tpu.memory_space<vmem>>[vector<16xi32>], vector<16xf32>,
    %add3A_26 = arith.addf %gather3A, %gather3A_25 : vector<16xf32>
    %swap3A = arith.constant 78 : i32
    %swap3A_27 = arith.index_cast %swap3A : i32 to index
    %swap3A_28 = arith.constant 0 : index
    %swap3A_29 = tpu.vector_load %arg9[%swap3A_27, %swap3A_28] {strides = array<i32>} : memref<80x128xf32, #tpu.memory_space<vmem>>, vector<16xf32>,
    tpu.vector_store %arg9[%swap3A_27, %swap3A_28], %add3A_26 {strides = array<i32>} : memref<80x128xf32, #tpu.memory_space<vmem>>, vector<16xf32>,
    %add3A_30 = arith.constant 9984 : i32
    %add3A_31 = arith.addi %mul3A_2, %add3A_30 : i32
    %dma_start3A = arith.constant 78 : i32
    %dma_start3A_32 = arith.constant 0 : i32
    %dma_start3A_33 = tpu.memref_slice %arg9[%dma_start3A, %dma_start3A_32] : memref<80x128xf32, #tpu.memory_space<vmem>> -> memref<1x16xf32, #tpu.memory_space<vmem>>
    %dma_start3A_34 = tpu.memref_squeeze %dma_start3A_33 : memref<1x16xf32, #tpu.memory_space<vmem>> -> memref<16xf32, #tpu.memory_space<vmem>>
    %dma_start3A_35 = tpu.memref_slice %arg5[%add3A_31] : memref<320000xf32, #tpu.memory_space<hbm>> -> memref<16xf32, #tpu.memory_space<hbm>>
    %dma_start3A_36 = tpu.memref_slice %arg5[%add3A_31] : memref<320000xf32, #tpu.memory_space<hbm>> -> memref<16xf32, #tpu.memory_space<hbm>>
    %dma_start3A_37 = arith.constant 0 : i32
    %dma_start3A_38 = tpu.memref_slice %arg9[%dma_start3A, %dma_start3A_37] : memref<80x128xf32, #tpu.memory_space<vmem>> -> memref<1x16xf32, #tpu.memory_space<vmem>>
    %dma_start3A_39 = tpu.memref_squeeze %dma_start3A_38 : memref<1x16xf32, #tpu.memory_space<vmem>> -> memref<16xf32, #tpu.memory_space<vmem>>
    tpu.enqueue_dma source(%dma_start3A_39 : memref<16xf32, #tpu.memory_space<vmem>>) target(%dma_start3A_36 : memref<16xf32, #tpu.memory_space<hbm>>) target_semaphore(%arg10 : memref<!tpu.dma_semaphore, #tpu.memory_space<semaphore_mem>>)
    %scan3A_40 = arith.constant 0 : i32
    %scan3A_41 = arith.constant 0 : i32
    %scan3A_42 = arith.constant 8 : i32
    %scan3A_43 = arith.addi %scan3A_41, %scan3A_42 : i32
    %scan3A_44 = arith.constant 1 : i32
    %scan3A_45 = scf.for %scan3A_55 = %scan3A_41 to %scan3A_43 step %scan3A_44 iter_args(%scan3A_56 = %scan3A_40) -> (i32)  : i32 {
      %dma_wait3A_57 = arith.constant 0 : i32
      %dma_wait3A_58 = arith.constant 0 : i32
      %dma_wait3A_59 = tpu.memref_slice %arg9[%dma_wait3A_57, %dma_wait3A_58] : memref<80x128xf32, #tpu.memory_space<vmem>> -> memref<1x128xf32, #tpu.memory_space<vmem>>
      %dma_wait3A_60 = tpu.memref_squeeze %dma_wait3A_59 : memref<1x128xf32, #tpu.memory_space<vmem>> -> memref<128xf32, #tpu.memory_space<vmem>>
      %dma_wait3A_61 = tpu.memref_slice %arg5[%mul3A_2] : memref<320000xf32, #tpu.memory_space<hbm>> -> memref<128xf32, #tpu.memory_space<hbm>>
      %dma_wait3A_62 = tpu.memref_slice %arg5[%mul3A_2] : memref<320000xf32, #tpu.memory_space<hbm>> -> memref<128xf32, #tpu.memory_space<hbm>>
      %dma_wait3A_63 = arith.constant 0 : i32
      %dma_wait3A_64 = tpu.memref_slice %arg9[%dma_wait3A_57, %dma_wait3A_63] : memref<80x128xf32, #tpu.memory_space<vmem>> -> memref<1x128xf32, #tpu.memory_space<vmem>>
      %dma_wait3A_65 = tpu.memref_squeeze %dma_wait3A_64 : memref<1x128xf32, #tpu.memory_space<vmem>> -> memref<128xf32, #tpu.memory_space<vmem>>
      tpu.wait_dma2 semaphore(%arg10 : memref<!tpu.dma_semaphore, #tpu.memory_space<semaphore_mem>>) src(%dma_wait3A_65 : memref<128xf32, #tpu.memory_space<vmem>>) dst(%dma_wait3A_62 : memref<128xf32, #tpu.memory_space<hbm>>)
      %scan3A_66 = arith.constant 0 : i32
      scf.yield %scan3A_66 : i32
    }
    %scan3A_46 = arith.constant 8 : i32
    %dma_wait3A = arith.constant 0 : i32
    %dma_wait3A_47 = arith.constant 0 : i32
    %dma_wait3A_48 = tpu.memref_slice %arg9[%dma_wait3A, %dma_wait3A_47] : memref<80x128xf32, #tpu.memory_space<vmem>> -> memref<1x16xf32, #tpu.memory_space<vmem>>
    %dma_wait3A_49 = tpu.memref_squeeze %dma_wait3A_48 : memref<1x16xf32, #tpu.memory_space<vmem>> -> memref<16xf32, #tpu.memory_space<vmem>>
    %dma_wait3A_50 = tpu.memref_slice %arg5[%mul3A_2] : memref<320000xf32, #tpu.memory_space<hbm>> -> memref<16xf32, #tpu.memory_space<hbm>>
    %dma_wait3A_51 = tpu.memref_slice %arg5[%mul3A_2] : memref<320000xf32, #tpu.memory_space<hbm>> -> memref<16xf32, #tpu.memory_space<hbm>>
    %dma_wait3A_52 = arith.constant 0 : i32
    %dma_wait3A_53 = tpu.memref_slice %arg9[%dma_wait3A, %dma_wait3A_52] : memref<80x128xf32, #tpu.memory_space<vmem>> -> memref<1x16xf32, #tpu.memory_space<vmem>>
    %dma_wait3A_54 = tpu.memref_squeeze %dma_wait3A_53 : memref<1x16xf32, #tpu.memory_space<vmem>> -> memref<16xf32, #tpu.memory_space<vmem>>
    tpu.wait_dma2 semaphore(%arg10 : memref<!tpu.dma_semaphore, #tpu.memory_space<semaphore_mem>>) src(%dma_wait3A_54 : memref<16xf32, #tpu.memory_space<vmem>>) dst(%dma_wait3A_51 : memref<16xf32, #tpu.memory_space<hbm>>)
    return
  }
}

#map = affine_map<(d0, d1) -> (0, 0)>
#map1 = affine_map<(d0, d1) -> (0, 0, 0)>
module attributes {stable_mosaic.version = 14 : i64} {
  func.func @_sc_layer(%arg0: i32, %arg1: i32, %arg2: memref<10112x16xf32, #tpu.memory_space<hbm>>, %arg3: memref<32x80x128xi32, #tpu.memory_space<hbm>>, %arg4: memref<32x80x128xi32, #tpu.memory_space<hbm>>, %arg5: memref<10112x16xf32, #tpu.memory_space<hbm>>, %arg6: memref<20224x16xf32, #tpu.memory_space<hbm>>, %arg7: memref<80x128xi32, #tpu.memory_space<vmem>>, %arg8: memref<80x128xi32, #tpu.memory_space<vmem>>, %arg9: memref<128x16xf32, #tpu.memory_space<vmem>>, %arg10: memref<128x16xf32, #tpu.memory_space<vmem>>, %arg11: memref<128x16xf32, #tpu.memory_space<vmem>>, %arg12: memref<128x16xf32, #tpu.memory_space<vmem>>, %arg13: memref<128x16xf32, #tpu.memory_space<vmem>>, %arg14: memref<128x16xf32, #tpu.memory_space<vmem>>, %arg15: memref<128x16xf32, #tpu.memory_space<vmem>>, %arg16: memref<128x16xf32, #tpu.memory_space<vmem>>, %arg17: memref<10112x16xf32, #tpu.memory_space<vmem_shared>>, %arg18: memref<10112x16xf32, #tpu.memory_space<vmem_shared>>, %arg19: memref<!tpu.dma_semaphore, #tpu.memory_space<semaphore_mem>>, %arg20: memref<!tpu.dma_semaphore, #tpu.memory_space<semaphore_mem>>, %arg21: memref<!tpu.dma_semaphore, #tpu.memory_space<semaphore_mem>>, %arg22: memref<!tpu.dma_semaphore, #tpu.memory_space<semaphore_mem>>, %arg23: memref<!tpu.dma_semaphore, #tpu.memory_space<semaphore_mem>>, %arg24: memref<!tpu.dma_semaphore, #tpu.memory_space<semaphore_mem>>, %arg25: memref<!tpu.dma_semaphore, #tpu.memory_space<semaphore_mem>>, %arg26: memref<!tpu.dma_semaphore, #tpu.memory_space<semaphore_mem>>, %arg27: memref<!tpu.dma_semaphore, #tpu.memory_space<semaphore_mem>>, %arg28: memref<!tpu.dma_semaphore, #tpu.memory_space<semaphore_mem>>, %arg29: memref<!tpu.dma_semaphore, #tpu.memory_space<semaphore_mem>>, %arg30: memref<!tpu.dma_semaphore, #tpu.memory_space<semaphore_mem>>, %arg31: memref<!tpu.dma_semaphore, #tpu.memory_space<semaphore_mem>>, %arg32: memref<!tpu.dma_semaphore, #tpu.memory_space<semaphore_mem>>, %arg33: memref<!tpu.dma_semaphore, #tpu.memory_space<semaphore_mem>>, %arg34: memref<!tpu.dma_semaphore, #tpu.memory_space<semaphore_mem>>) attributes {dimension_semantics = [#tpu.dimension_semantics<core_parallel>, #tpu.dimension_semantics<subcore_parallel>], iteration_bounds = array<i64: 2, 16>, scalar_prefetch = 0 : i64, scratch_operands = 28 : i64, tpu.core_type = #tpu.core_type<sc_vector_subcore>, window_params = [{transform_indices = #map}, {transform_indices = #map1}, {transform_indices = #map1}, {transform_indices = #map}, {transform_indices = #map}]} {
    %mul3A = arith.constant 2 : i32
    %mul3A_0 = arith.muli %arg1, %mul3A : i32
    %add3A = arith.addi %mul3A_0, %arg0 : i32
    %mul3A_1 = arith.constant 632 : i32
    %mul3A_2 = arith.muli %arg1, %mul3A_1 : i32
    "tpu.region"() ({
      %run_scoped3A = tpu.sem_alloc : memref<!tpu.dma_semaphore, #tpu.memory_space<semaphore_mem>>
      %dma_start3A_99 = arith.constant 0 : i32
      %dma_start3A_100 = arith.constant 0 : i32
      %dma_start3A_101 = tpu.memref_slice %arg3[%add3A, %dma_start3A_99, %dma_start3A_100] : memref<32x80x128xi32, #tpu.memory_space<hbm>> -> memref<1x80x128xi32, #tpu.memory_space<hbm>>
      %dma_start3A_102 = tpu.memref_squeeze %dma_start3A_101 : memref<1x80x128xi32, #tpu.memory_space<hbm>> -> memref<80x128xi32, #tpu.memory_space<hbm>>
      %dma_start3A_103 = arith.constant 0 : i32
      %dma_start3A_104 = arith.constant 0 : i32
      %dma_start3A_105 = tpu.memref_slice %arg3[%add3A, %dma_start3A_103, %dma_start3A_104] : memref<32x80x128xi32, #tpu.memory_space<hbm>> -> memref<1x80x128xi32, #tpu.memory_space<hbm>>
      %dma_start3A_106 = tpu.memref_squeeze %dma_start3A_105 : memref<1x80x128xi32, #tpu.memory_space<hbm>> -> memref<80x128xi32, #tpu.memory_space<hbm>>
      tpu.enqueue_dma source(%dma_start3A_106 : memref<80x128xi32, #tpu.memory_space<hbm>>) target(%arg7 : memref<80x128xi32, #tpu.memory_space<vmem>>) target_semaphore(%run_scoped3A : memref<!tpu.dma_semaphore, #tpu.memory_space<semaphore_mem>>)
      %dma_wait3A_107 = arith.constant 0 : i32
      %dma_wait3A_108 = arith.constant 0 : i32
      %dma_wait3A_109 = tpu.memref_slice %arg3[%add3A, %dma_wait3A_107, %dma_wait3A_108] : memref<32x80x128xi32, #tpu.memory_space<hbm>> -> memref<1x80x128xi32, #tpu.memory_space<hbm>>
      %dma_wait3A_110 = tpu.memref_squeeze %dma_wait3A_109 : memref<1x80x128xi32, #tpu.memory_space<hbm>> -> memref<80x128xi32, #tpu.memory_space<hbm>>
      %dma_wait3A_111 = arith.constant 0 : i32
      %dma_wait3A_112 = arith.constant 0 : i32
      %dma_wait3A_113 = tpu.memref_slice %arg3[%add3A, %dma_wait3A_111, %dma_wait3A_112] : memref<32x80x128xi32, #tpu.memory_space<hbm>> -> memref<1x80x128xi32, #tpu.memory_space<hbm>>
      %dma_wait3A_114 = tpu.memref_squeeze %dma_wait3A_113 : memref<1x80x128xi32, #tpu.memory_space<hbm>> -> memref<80x128xi32, #tpu.memory_space<hbm>>
      tpu.wait_dma2 semaphore(%run_scoped3A : memref<!tpu.dma_semaphore, #tpu.memory_space<semaphore_mem>>) src(%dma_wait3A_114 : memref<80x128xi32, #tpu.memory_space<hbm>>) dst(%arg7 : memref<80x128xi32, #tpu.memory_space<vmem>>)
      tpu.yield
    }) : () -> ()
    "tpu.region"() ({
      %run_scoped3A = tpu.sem_alloc : memref<!tpu.dma_semaphore, #tpu.memory_space<semaphore_mem>>
      %dma_start3A_99 = arith.constant 0 : i32
      %dma_start3A_100 = arith.constant 0 : i32
      %dma_start3A_101 = tpu.memref_slice %arg4[%add3A, %dma_start3A_99, %dma_start3A_100] : memref<32x80x128xi32, #tpu.memory_space<hbm>> -> memref<1x80x128xi32, #tpu.memory_space<hbm>>
      %dma_start3A_102 = tpu.memref_squeeze %dma_start3A_101 : memref<1x80x128xi32, #tpu.memory_space<hbm>> -> memref<80x128xi32, #tpu.memory_space<hbm>>
      %dma_start3A_103 = arith.constant 0 : i32
      %dma_start3A_104 = arith.constant 0 : i32
      %dma_start3A_105 = tpu.memref_slice %arg4[%add3A, %dma_start3A_103, %dma_start3A_104] : memref<32x80x128xi32, #tpu.memory_space<hbm>> -> memref<1x80x128xi32, #tpu.memory_space<hbm>>
      %dma_start3A_106 = tpu.memref_squeeze %dma_start3A_105 : memref<1x80x128xi32, #tpu.memory_space<hbm>> -> memref<80x128xi32, #tpu.memory_space<hbm>>
      tpu.enqueue_dma source(%dma_start3A_106 : memref<80x128xi32, #tpu.memory_space<hbm>>) target(%arg8 : memref<80x128xi32, #tpu.memory_space<vmem>>) target_semaphore(%run_scoped3A : memref<!tpu.dma_semaphore, #tpu.memory_space<semaphore_mem>>)
      %dma_wait3A_107 = arith.constant 0 : i32
      %dma_wait3A_108 = arith.constant 0 : i32
      %dma_wait3A_109 = tpu.memref_slice %arg4[%add3A, %dma_wait3A_107, %dma_wait3A_108] : memref<32x80x128xi32, #tpu.memory_space<hbm>> -> memref<1x80x128xi32, #tpu.memory_space<hbm>>
      %dma_wait3A_110 = tpu.memref_squeeze %dma_wait3A_109 : memref<1x80x128xi32, #tpu.memory_space<hbm>> -> memref<80x128xi32, #tpu.memory_space<hbm>>
      %dma_wait3A_111 = arith.constant 0 : i32
      %dma_wait3A_112 = arith.constant 0 : i32
      %dma_wait3A_113 = tpu.memref_slice %arg4[%add3A, %dma_wait3A_111, %dma_wait3A_112] : memref<32x80x128xi32, #tpu.memory_space<hbm>> -> memref<1x80x128xi32, #tpu.memory_space<hbm>>
      %dma_wait3A_114 = tpu.memref_squeeze %dma_wait3A_113 : memref<1x80x128xi32, #tpu.memory_space<hbm>> -> memref<80x128xi32, #tpu.memory_space<hbm>>
      tpu.wait_dma2 semaphore(%run_scoped3A : memref<!tpu.dma_semaphore, #tpu.memory_space<semaphore_mem>>) src(%dma_wait3A_114 : memref<80x128xi32, #tpu.memory_space<hbm>>) dst(%arg8 : memref<80x128xi32, #tpu.memory_space<vmem>>)
      tpu.yield
    }) : () -> ()
    "tpu.region"() ({
      %run_scoped3A = tpu.sem_alloc : memref<!tpu.dma_semaphore, #tpu.memory_space<semaphore_mem>>
      %dma_start3A_99 = arith.constant 0 : i32
      %dma_start3A_100 = tpu.memref_slice %arg18[%mul3A_2, %dma_start3A_99] : memref<10112x16xf32, #tpu.memory_space<vmem_shared>> -> memref<632x16xf32, #tpu.memory_space<vmem_shared>>
      %dma_start3A_101 = arith.constant 0 : i32
      %dma_start3A_102 = tpu.memref_slice %arg5[%mul3A_2, %dma_start3A_101] : memref<10112x16xf32, #tpu.memory_space<hbm>> -> memref<632x16xf32, #tpu.memory_space<hbm>>
      tpu.enqueue_dma source(%dma_start3A_102 : memref<632x16xf32, #tpu.memory_space<hbm>>) target(%dma_start3A_100 : memref<632x16xf32, #tpu.memory_space<vmem_shared>>) target_semaphore(%run_scoped3A : memref<!tpu.dma_semaphore, #tpu.memory_space<semaphore_mem>>)
      %dma_wait3A_103 = arith.constant 0 : i32
      %dma_wait3A_104 = tpu.memref_slice %arg18[%mul3A_2, %dma_wait3A_103] : memref<10112x16xf32, #tpu.memory_space<vmem_shared>> -> memref<632x16xf32, #tpu.memory_space<vmem_shared>>
      %dma_wait3A_105 = arith.constant 0 : i32
      %dma_wait3A_106 = tpu.memref_slice %arg5[%mul3A_2, %dma_wait3A_105] : memref<10112x16xf32, #tpu.memory_space<hbm>> -> memref<632x16xf32, #tpu.memory_space<hbm>>
      tpu.wait_dma2 semaphore(%run_scoped3A : memref<!tpu.dma_semaphore, #tpu.memory_space<semaphore_mem>>) src(%dma_wait3A_106 : memref<632x16xf32, #tpu.memory_space<hbm>>) dst(%dma_wait3A_104 : memref<632x16xf32, #tpu.memory_space<vmem_shared>>)
      tpu.yield
    }) : () -> ()
    "tpu.region"() ({
      %run_scoped3A = tpu.sem_alloc : memref<!tpu.dma_semaphore, #tpu.memory_space<semaphore_mem>>
      %dma_start3A_99 = arith.constant 0 : i32
      %dma_start3A_100 = tpu.memref_slice %arg17[%mul3A_2, %dma_start3A_99] : memref<10112x16xf32, #tpu.memory_space<vmem_shared>> -> memref<632x16xf32, #tpu.memory_space<vmem_shared>>
      %dma_start3A_101 = arith.constant 0 : i32
      %dma_start3A_102 = tpu.memref_slice %arg2[%mul3A_2, %dma_start3A_101] : memref<10112x16xf32, #tpu.memory_space<hbm>> -> memref<632x16xf32, #tpu.memory_space<hbm>>
      tpu.enqueue_dma source(%dma_start3A_102 : memref<632x16xf32, #tpu.memory_space<hbm>>) target(%dma_start3A_100 : memref<632x16xf32, #tpu.memory_space<vmem_shared>>) target_semaphore(%run_scoped3A : memref<!tpu.dma_semaphore, #tpu.memory_space<semaphore_mem>>)
      %dma_wait3A_103 = arith.constant 0 : i32
      %dma_wait3A_104 = tpu.memref_slice %arg17[%mul3A_2, %dma_wait3A_103] : memref<10112x16xf32, #tpu.memory_space<vmem_shared>> -> memref<632x16xf32, #tpu.memory_space<vmem_shared>>
      %dma_wait3A_105 = arith.constant 0 : i32
      %dma_wait3A_106 = tpu.memref_slice %arg2[%mul3A_2, %dma_wait3A_105] : memref<10112x16xf32, #tpu.memory_space<hbm>> -> memref<632x16xf32, #tpu.memory_space<hbm>>
      tpu.wait_dma2 semaphore(%run_scoped3A : memref<!tpu.dma_semaphore, #tpu.memory_space<semaphore_mem>>) src(%dma_wait3A_106 : memref<632x16xf32, #tpu.memory_space<hbm>>) dst(%dma_wait3A_104 : memref<632x16xf32, #tpu.memory_space<vmem_shared>>)
      tpu.yield
    }) : () -> ()
    %barrier3A = arith.constant 0 : index
    tpu.barrier barrier_id(%barrier3A)
    %dma_start3A = arith.constant 0 : i32
    %dma_start3A_3 = arith.constant 0 : i32
    %dma_start3A_4 = tpu.memref_slice %arg7[%dma_start3A, %dma_start3A_3] : memref<80x128xi32, #tpu.memory_space<vmem>> -> memref<1x128xi32, #tpu.memory_space<vmem>>
    %dma_start3A_5 = tpu.memref_squeeze %dma_start3A_4 : memref<1x128xi32, #tpu.memory_space<vmem>> -> memref<128xi32, #tpu.memory_space<vmem>>
    %dma_start3A_6 = arith.constant 0 : i32
    %dma_start3A_7 = arith.constant 0 : i32
    %dma_start3A_8 = tpu.memref_slice %arg17[%dma_start3A_6, %dma_start3A_7] : memref<10112x16xf32, #tpu.memory_space<vmem_shared>> -> memref<10112x16xf32, #tpu.memory_space<vmem_shared>>
    tpu.enqueue_indirect_dma source(%dma_start3A_8 : memref<10112x16xf32, #tpu.memory_space<vmem_shared>>) target(%arg9 : memref<128x16xf32, #tpu.memory_space<vmem>>) offsets(%dma_start3A_5 : memref<128xi32, #tpu.memory_space<vmem>>) semaphore(%arg19 : memref<!tpu.dma_semaphore, #tpu.memory_space<semaphore_mem>>)
    %dma_start3A_9 = arith.constant 1 : i32
    %dma_start3A_10 = arith.constant 0 : i32
    %dma_start3A_11 = tpu.memref_slice %arg7[%dma_start3A_9, %dma_start3A_10] : memref<80x128xi32, #tpu.memory_space<vmem>> -> memref<1x128xi32, #tpu.memory_space<vmem>>
    %dma_start3A_12 = tpu.memref_squeeze %dma_start3A_11 : memref<1x128xi32, #tpu.memory_space<vmem>> -> memref<128xi32, #tpu.memory_space<vmem>>
    %dma_start3A_13 = arith.constant 0 : i32
    %dma_start3A_14 = arith.constant 0 : i32
    %dma_start3A_15 = tpu.memref_slice %arg17[%dma_start3A_13, %dma_start3A_14] : memref<10112x16xf32, #tpu.memory_space<vmem_shared>> -> memref<10112x16xf32, #tpu.memory_space<vmem_shared>>
    tpu.enqueue_indirect_dma source(%dma_start3A_15 : memref<10112x16xf32, #tpu.memory_space<vmem_shared>>) target(%arg10 : memref<128x16xf32, #tpu.memory_space<vmem>>) offsets(%dma_start3A_12 : memref<128xi32, #tpu.memory_space<vmem>>) semaphore(%arg20 : memref<!tpu.dma_semaphore, #tpu.memory_space<semaphore_mem>>)
    %dma_start3A_16 = arith.constant 2 : i32
    %dma_start3A_17 = arith.constant 0 : i32
    %dma_start3A_18 = tpu.memref_slice %arg7[%dma_start3A_16, %dma_start3A_17] : memref<80x128xi32, #tpu.memory_space<vmem>> -> memref<1x128xi32, #tpu.memory_space<vmem>>
    %dma_start3A_19 = tpu.memref_squeeze %dma_start3A_18 : memref<1x128xi32, #tpu.memory_space<vmem>> -> memref<128xi32, #tpu.memory_space<vmem>>
    %dma_start3A_20 = arith.constant 0 : i32
    %dma_start3A_21 = arith.constant 0 : i32
    %dma_start3A_22 = tpu.memref_slice %arg17[%dma_start3A_20, %dma_start3A_21] : memref<10112x16xf32, #tpu.memory_space<vmem_shared>> -> memref<10112x16xf32, #tpu.memory_space<vmem_shared>>
    tpu.enqueue_indirect_dma source(%dma_start3A_22 : memref<10112x16xf32, #tpu.memory_space<vmem_shared>>) target(%arg11 : memref<128x16xf32, #tpu.memory_space<vmem>>) offsets(%dma_start3A_19 : memref<128xi32, #tpu.memory_space<vmem>>) semaphore(%arg21 : memref<!tpu.dma_semaphore, #tpu.memory_space<semaphore_mem>>)
    %dma_start3A_23 = arith.constant 3 : i32
    %dma_start3A_24 = arith.constant 0 : i32
    %dma_start3A_25 = tpu.memref_slice %arg7[%dma_start3A_23, %dma_start3A_24] : memref<80x128xi32, #tpu.memory_space<vmem>> -> memref<1x128xi32, #tpu.memory_space<vmem>>
    %dma_start3A_26 = tpu.memref_squeeze %dma_start3A_25 : memref<1x128xi32, #tpu.memory_space<vmem>> -> memref<128xi32, #tpu.memory_space<vmem>>
    %dma_start3A_27 = arith.constant 0 : i32
    %dma_start3A_28 = arith.constant 0 : i32
    %dma_start3A_29 = tpu.memref_slice %arg17[%dma_start3A_27, %dma_start3A_28] : memref<10112x16xf32, #tpu.memory_space<vmem_shared>> -> memref<10112x16xf32, #tpu.memory_space<vmem_shared>>
    tpu.enqueue_indirect_dma source(%dma_start3A_29 : memref<10112x16xf32, #tpu.memory_space<vmem_shared>>) target(%arg12 : memref<128x16xf32, #tpu.memory_space<vmem>>) offsets(%dma_start3A_26 : memref<128xi32, #tpu.memory_space<vmem>>) semaphore(%arg22 : memref<!tpu.dma_semaphore, #tpu.memory_space<semaphore_mem>>)
    %scan3A = arith.constant 0 : i32
    %scan3A_30 = arith.constant 0 : i32
    %scan3A_31 = arith.constant 10 : i32
    %scan3A_32 = arith.addi %scan3A_30, %scan3A_31 : i32
    %scan3A_33 = arith.constant 1 : i32
    %scan3A_34 = scf.for %scan3A_99 = %scan3A_30 to %scan3A_32 step %scan3A_33 iter_args(%scan3A_100 = %scan3A) -> (i32)  : i32 {
      %mul3A_101 = arith.constant 8 : i32
      %mul3A_102 = arith.muli %scan3A_99, %mul3A_101 : i32
      %add3A_103 = arith.constant 0 : i32
      %add3A_104 = arith.addi %mul3A_102, %add3A_103 : i32
      %dma_wait3A_105 = arith.constant 0 : i32
      %dma_wait3A_106 = tpu.memref_slice %arg7[%add3A_104, %dma_wait3A_105] : memref<80x128xi32, #tpu.memory_space<vmem>> -> memref<1x128xi32, #tpu.memory_space<vmem>>
      %dma_wait3A_107 = tpu.memref_squeeze %dma_wait3A_106 : memref<1x128xi32, #tpu.memory_space<vmem>> -> memref<128xi32, #tpu.memory_space<vmem>>
      %dma_wait3A_108 = arith.constant 0 : i32
      %dma_wait3A_109 = arith.constant 0 : i32
      %dma_wait3A_110 = tpu.memref_slice %arg17[%dma_wait3A_108, %dma_wait3A_109] : memref<10112x16xf32, #tpu.memory_space<vmem_shared>> -> memref<10112x16xf32, #tpu.memory_space<vmem_shared>>
      tpu.wait_indirect_dma semaphore(%arg19 : memref<!tpu.dma_semaphore, #tpu.memory_space<semaphore_mem>>) src(%dma_wait3A_110 : memref<10112x16xf32, #tpu.memory_space<vmem_shared>>) dst(%arg9 : memref<128x16xf32, #tpu.memory_space<vmem>>)
      %dma_start3A_111 = arith.constant 0 : i32
      %dma_start3A_112 = tpu.memref_slice %arg8[%add3A_104, %dma_start3A_111] : memref<80x128xi32, #tpu.memory_space<vmem>> -> memref<1x128xi32, #tpu.memory_space<vmem>>
      %dma_start3A_113 = tpu.memref_squeeze %dma_start3A_112 : memref<1x128xi32, #tpu.memory_space<vmem>> -> memref<128xi32, #tpu.memory_space<vmem>>
      %dma_start3A_114 = arith.constant 0 : i32
      %dma_start3A_115 = arith.constant 0 : i32
      %dma_start3A_116 = tpu.memref_slice %arg18[%dma_start3A_114, %dma_start3A_115] : memref<10112x16xf32, #tpu.memory_space<vmem_shared>> -> memref<10112x16xf32, #tpu.memory_space<vmem_shared>>
      tpu.enqueue_indirect_dma source(%arg9 : memref<128x16xf32, #tpu.memory_space<vmem>>) target(%dma_start3A_116 : memref<10112x16xf32, #tpu.memory_space<vmem_shared>>) offsets(%dma_start3A_113 : memref<128xi32, #tpu.memory_space<vmem>>) semaphore(%arg27 : memref<!tpu.dma_semaphore, #tpu.memory_space<semaphore_mem>>) {add = true}
      %add3A_117 = arith.constant 4 : i32
      %add3A_118 = arith.addi %add3A_104, %add3A_117 : i32
      %lt3A = arith.constant 80 : i32
      %lt3A_119 = arith.cmpi slt, %add3A_118, %lt3A : i32
      %convert_element_type3A = arith.extui %lt3A_119 : i1 to i32
      %cond3A = arith.constant 0 : i32
      %cond3A_120 = arith.cmpi ne, %convert_element_type3A, %cond3A : i32
      scf.if %cond3A_120 {
        %ge3A = arith.constant 4 : i32
        %ge3A_269 = arith.cmpi sge, %add3A_104, %ge3A : i32
        %convert_element_type3A_270 = arith.extui %ge3A_269 : i1 to i32
        %cond3A_271 = arith.constant 0 : i32
        %cond3A_272 = arith.cmpi ne, %convert_element_type3A_270, %cond3A_271 : i32
        scf.if %cond3A_272 {
          %dma_wait3A_281 = arith.constant 0 : i32
          %dma_wait3A_282 = tpu.memref_slice %arg8[%add3A_104, %dma_wait3A_281] : memref<80x128xi32, #tpu.memory_space<vmem>> -> memref<1x128xi32, #tpu.memory_space<vmem>>
          %dma_wait3A_283 = tpu.memref_squeeze %dma_wait3A_282 : memref<1x128xi32, #tpu.memory_space<vmem>> -> memref<128xi32, #tpu.memory_space<vmem>>
          %dma_wait3A_284 = arith.constant 0 : i32
          %dma_wait3A_285 = arith.constant 0 : i32
          %dma_wait3A_286 = tpu.memref_slice %arg18[%dma_wait3A_284, %dma_wait3A_285] : memref<10112x16xf32, #tpu.memory_space<vmem_shared>> -> memref<10112x16xf32, #tpu.memory_space<vmem_shared>>
          tpu.wait_indirect_dma semaphore(%arg31 : memref<!tpu.dma_semaphore, #tpu.memory_space<semaphore_mem>>) src(%arg13 : memref<128x16xf32, #tpu.memory_space<vmem>>) dst(%dma_wait3A_286 : memref<10112x16xf32, #tpu.memory_space<vmem_shared>>)
        } else {
        }
        %add3A_273 = arith.constant 4 : i32
        %add3A_274 = arith.addi %add3A_104, %add3A_273 : i32
        %dma_start3A_275 = arith.constant 0 : i32
        %dma_start3A_276 = tpu.memref_slice %arg7[%add3A_274, %dma_start3A_275] : memref<80x128xi32, #tpu.memory_space<vmem>> -> memref<1x128xi32, #tpu.memory_space<vmem>>
        %dma_start3A_277 = tpu.memref_squeeze %dma_start3A_276 : memref<1x128xi32, #tpu.memory_space<vmem>> -> memref<128xi32, #tpu.memory_space<vmem>>
        %dma_start3A_278 = arith.constant 0 : i32
        %dma_start3A_279 = arith.constant 0 : i32
        %dma_start3A_280 = tpu.memref_slice %arg17[%dma_start3A_278, %dma_start3A_279] : memref<10112x16xf32, #tpu.memory_space<vmem_shared>> -> memref<10112x16xf32, #tpu.memory_space<vmem_shared>>
        tpu.enqueue_indirect_dma source(%dma_start3A_280 : memref<10112x16xf32, #tpu.memory_space<vmem_shared>>) target(%arg13 : memref<128x16xf32, #tpu.memory_space<vmem>>) offsets(%dma_start3A_277 : memref<128xi32, #tpu.memory_space<vmem>>) semaphore(%arg23 : memref<!tpu.dma_semaphore, #tpu.memory_space<semaphore_mem>>)
      } else {
      }
      %add3A_121 = arith.constant 1 : i32
      %add3A_122 = arith.addi %mul3A_102, %add3A_121 : i32
      %dma_wait3A_123 = arith.constant 0 : i32
      %dma_wait3A_124 = tpu.memref_slice %arg7[%add3A_122, %dma_wait3A_123] : memref<80x128xi32, #tpu.memory_space<vmem>> -> memref<1x128xi32, #tpu.memory_space<vmem>>
      %dma_wait3A_125 = tpu.memref_squeeze %dma_wait3A_124 : memref<1x128xi32, #tpu.memory_space<vmem>> -> memref<128xi32, #tpu.memory_space<vmem>>
      %dma_wait3A_126 = arith.constant 0 : i32
      %dma_wait3A_127 = arith.constant 0 : i32
      %dma_wait3A_128 = tpu.memref_slice %arg17[%dma_wait3A_126, %dma_wait3A_127] : memref<10112x16xf32, #tpu.memory_space<vmem_shared>> -> memref<10112x16xf32, #tpu.memory_space<vmem_shared>>
      tpu.wait_indirect_dma semaphore(%arg20 : memref<!tpu.dma_semaphore, #tpu.memory_space<semaphore_mem>>) src(%dma_wait3A_128 : memref<10112x16xf32, #tpu.memory_space<vmem_shared>>) dst(%arg10 : memref<128x16xf32, #tpu.memory_space<vmem>>)
      %dma_start3A_129 = arith.constant 0 : i32
      %dma_start3A_130 = tpu.memref_slice %arg8[%add3A_122, %dma_start3A_129] : memref<80x128xi32, #tpu.memory_space<vmem>> -> memref<1x128xi32, #tpu.memory_space<vmem>>
      %dma_start3A_131 = tpu.memref_squeeze %dma_start3A_130 : memref<1x128xi32, #tpu.memory_space<vmem>> -> memref<128xi32, #tpu.memory_space<vmem>>
      %dma_start3A_132 = arith.constant 0 : i32
      %dma_start3A_133 = arith.constant 0 : i32
      %dma_start3A_134 = tpu.memref_slice %arg18[%dma_start3A_132, %dma_start3A_133] : memref<10112x16xf32, #tpu.memory_space<vmem_shared>> -> memref<10112x16xf32, #tpu.memory_space<vmem_shared>>
      tpu.enqueue_indirect_dma source(%arg10 : memref<128x16xf32, #tpu.memory_space<vmem>>) target(%dma_start3A_134 : memref<10112x16xf32, #tpu.memory_space<vmem_shared>>) offsets(%dma_start3A_131 : memref<128xi32, #tpu.memory_space<vmem>>) semaphore(%arg28 : memref<!tpu.dma_semaphore, #tpu.memory_space<semaphore_mem>>) {add = true}
      %add3A_135 = arith.constant 4 : i32
      %add3A_136 = arith.addi %add3A_122, %add3A_135 : i32
      %lt3A_137 = arith.constant 80 : i32
      %lt3A_138 = arith.cmpi slt, %add3A_136, %lt3A_137 : i32
      %convert_element_type3A_139 = arith.extui %lt3A_138 : i1 to i32
      %cond3A_140 = arith.constant 0 : i32
      %cond3A_141 = arith.cmpi ne, %convert_element_type3A_139, %cond3A_140 : i32
      scf.if %cond3A_141 {
        %ge3A = arith.constant 4 : i32
        %ge3A_269 = arith.cmpi sge, %add3A_122, %ge3A : i32
        %convert_element_type3A_270 = arith.extui %ge3A_269 : i1 to i32
        %cond3A_271 = arith.constant 0 : i32
        %cond3A_272 = arith.cmpi ne, %convert_element_type3A_270, %cond3A_271 : i32
        scf.if %cond3A_272 {
          %dma_wait3A_281 = arith.constant 0 : i32
          %dma_wait3A_282 = tpu.memref_slice %arg8[%add3A_122, %dma_wait3A_281] : memref<80x128xi32, #tpu.memory_space<vmem>> -> memref<1x128xi32, #tpu.memory_space<vmem>>
          %dma_wait3A_283 = tpu.memref_squeeze %dma_wait3A_282 : memref<1x128xi32, #tpu.memory_space<vmem>> -> memref<128xi32, #tpu.memory_space<vmem>>
          %dma_wait3A_284 = arith.constant 0 : i32
          %dma_wait3A_285 = arith.constant 0 : i32
          %dma_wait3A_286 = tpu.memref_slice %arg18[%dma_wait3A_284, %dma_wait3A_285] : memref<10112x16xf32, #tpu.memory_space<vmem_shared>> -> memref<10112x16xf32, #tpu.memory_space<vmem_shared>>
          tpu.wait_indirect_dma semaphore(%arg32 : memref<!tpu.dma_semaphore, #tpu.memory_space<semaphore_mem>>) src(%arg14 : memref<128x16xf32, #tpu.memory_space<vmem>>) dst(%dma_wait3A_286 : memref<10112x16xf32, #tpu.memory_space<vmem_shared>>)
        } else {
        }
        %add3A_273 = arith.constant 4 : i32
        %add3A_274 = arith.addi %add3A_122, %add3A_273 : i32
        %dma_start3A_275 = arith.constant 0 : i32
        %dma_start3A_276 = tpu.memref_slice %arg7[%add3A_274, %dma_start3A_275] : memref<80x128xi32, #tpu.memory_space<vmem>> -> memref<1x128xi32, #tpu.memory_space<vmem>>
        %dma_start3A_277 = tpu.memref_squeeze %dma_start3A_276 : memref<1x128xi32, #tpu.memory_space<vmem>> -> memref<128xi32, #tpu.memory_space<vmem>>
        %dma_start3A_278 = arith.constant 0 : i32
        %dma_start3A_279 = arith.constant 0 : i32
        %dma_start3A_280 = tpu.memref_slice %arg17[%dma_start3A_278, %dma_start3A_279] : memref<10112x16xf32, #tpu.memory_space<vmem_shared>> -> memref<10112x16xf32, #tpu.memory_space<vmem_shared>>
        tpu.enqueue_indirect_dma source(%dma_start3A_280 : memref<10112x16xf32, #tpu.memory_space<vmem_shared>>) target(%arg14 : memref<128x16xf32, #tpu.memory_space<vmem>>) offsets(%dma_start3A_277 : memref<128xi32, #tpu.memory_space<vmem>>) semaphore(%arg24 : memref<!tpu.dma_semaphore, #tpu.memory_space<semaphore_mem>>)
      } else {
      }
      %add3A_142 = arith.constant 2 : i32
      %add3A_143 = arith.addi %mul3A_102, %add3A_142 : i32
      %dma_wait3A_144 = arith.constant 0 : i32
      %dma_wait3A_145 = tpu.memref_slice %arg7[%add3A_143, %dma_wait3A_144] : memref<80x128xi32, #tpu.memory_space<vmem>> -> memref<1x128xi32, #tpu.memory_space<vmem>>
      %dma_wait3A_146 = tpu.memref_squeeze %dma_wait3A_145 : memref<1x128xi32, #tpu.memory_space<vmem>> -> memref<128xi32, #tpu.memory_space<vmem>>
      %dma_wait3A_147 = arith.constant 0 : i32
      %dma_wait3A_148 = arith.constant 0 : i32
      %dma_wait3A_149 = tpu.memref_slice %arg17[%dma_wait3A_147, %dma_wait3A_148] : memref<10112x16xf32, #tpu.memory_space<vmem_shared>> -> memref<10112x16xf32, #tpu.memory_space<vmem_shared>>
      tpu.wait_indirect_dma semaphore(%arg21 : memref<!tpu.dma_semaphore, #tpu.memory_space<semaphore_mem>>) src(%dma_wait3A_149 : memref<10112x16xf32, #tpu.memory_space<vmem_shared>>) dst(%arg11 : memref<128x16xf32, #tpu.memory_space<vmem>>)
      %dma_start3A_150 = arith.constant 0 : i32
      %dma_start3A_151 = tpu.memref_slice %arg8[%add3A_143, %dma_start3A_150] : memref<80x128xi32, #tpu.memory_space<vmem>> -> memref<1x128xi32, #tpu.memory_space<vmem>>
      %dma_start3A_152 = tpu.memref_squeeze %dma_start3A_151 : memref<1x128xi32, #tpu.memory_space<vmem>> -> memref<128xi32, #tpu.memory_space<vmem>>
      %dma_start3A_153 = arith.constant 0 : i32
      %dma_start3A_154 = arith.constant 0 : i32
      %dma_start3A_155 = tpu.memref_slice %arg18[%dma_start3A_153, %dma_start3A_154] : memref<10112x16xf32, #tpu.memory_space<vmem_shared>> -> memref<10112x16xf32, #tpu.memory_space<vmem_shared>>
      tpu.enqueue_indirect_dma source(%arg11 : memref<128x16xf32, #tpu.memory_space<vmem>>) target(%dma_start3A_155 : memref<10112x16xf32, #tpu.memory_space<vmem_shared>>) offsets(%dma_start3A_152 : memref<128xi32, #tpu.memory_space<vmem>>) semaphore(%arg29 : memref<!tpu.dma_semaphore, #tpu.memory_space<semaphore_mem>>) {add = true}
      %add3A_156 = arith.constant 4 : i32
      %add3A_157 = arith.addi %add3A_143, %add3A_156 : i32
      %lt3A_158 = arith.constant 80 : i32
      %lt3A_159 = arith.cmpi slt, %add3A_157, %lt3A_158 : i32
      %convert_element_type3A_160 = arith.extui %lt3A_159 : i1 to i32
      %cond3A_161 = arith.constant 0 : i32
      %cond3A_162 = arith.cmpi ne, %convert_element_type3A_160, %cond3A_161 : i32
      scf.if %cond3A_162 {
        %ge3A = arith.constant 4 : i32
        %ge3A_269 = arith.cmpi sge, %add3A_143, %ge3A : i32
        %convert_element_type3A_270 = arith.extui %ge3A_269 : i1 to i32
        %cond3A_271 = arith.constant 0 : i32
        %cond3A_272 = arith.cmpi ne, %convert_element_type3A_270, %cond3A_271 : i32
        scf.if %cond3A_272 {
          %dma_wait3A_281 = arith.constant 0 : i32
          %dma_wait3A_282 = tpu.memref_slice %arg8[%add3A_143, %dma_wait3A_281] : memref<80x128xi32, #tpu.memory_space<vmem>> -> memref<1x128xi32, #tpu.memory_space<vmem>>
          %dma_wait3A_283 = tpu.memref_squeeze %dma_wait3A_282 : memref<1x128xi32, #tpu.memory_space<vmem>> -> memref<128xi32, #tpu.memory_space<vmem>>
          %dma_wait3A_284 = arith.constant 0 : i32
          %dma_wait3A_285 = arith.constant 0 : i32
          %dma_wait3A_286 = tpu.memref_slice %arg18[%dma_wait3A_284, %dma_wait3A_285] : memref<10112x16xf32, #tpu.memory_space<vmem_shared>> -> memref<10112x16xf32, #tpu.memory_space<vmem_shared>>
          tpu.wait_indirect_dma semaphore(%arg33 : memref<!tpu.dma_semaphore, #tpu.memory_space<semaphore_mem>>) src(%arg15 : memref<128x16xf32, #tpu.memory_space<vmem>>) dst(%dma_wait3A_286 : memref<10112x16xf32, #tpu.memory_space<vmem_shared>>)
        } else {
        }
        %add3A_273 = arith.constant 4 : i32
        %add3A_274 = arith.addi %add3A_143, %add3A_273 : i32
        %dma_start3A_275 = arith.constant 0 : i32
        %dma_start3A_276 = tpu.memref_slice %arg7[%add3A_274, %dma_start3A_275] : memref<80x128xi32, #tpu.memory_space<vmem>> -> memref<1x128xi32, #tpu.memory_space<vmem>>
        %dma_start3A_277 = tpu.memref_squeeze %dma_start3A_276 : memref<1x128xi32, #tpu.memory_space<vmem>> -> memref<128xi32, #tpu.memory_space<vmem>>
        %dma_start3A_278 = arith.constant 0 : i32
        %dma_start3A_279 = arith.constant 0 : i32
        %dma_start3A_280 = tpu.memref_slice %arg17[%dma_start3A_278, %dma_start3A_279] : memref<10112x16xf32, #tpu.memory_space<vmem_shared>> -> memref<10112x16xf32, #tpu.memory_space<vmem_shared>>
        tpu.enqueue_indirect_dma source(%dma_start3A_280 : memref<10112x16xf32, #tpu.memory_space<vmem_shared>>) target(%arg15 : memref<128x16xf32, #tpu.memory_space<vmem>>) offsets(%dma_start3A_277 : memref<128xi32, #tpu.memory_space<vmem>>) semaphore(%arg25 : memref<!tpu.dma_semaphore, #tpu.memory_space<semaphore_mem>>)
      } else {
      }
      %add3A_163 = arith.constant 3 : i32
      %add3A_164 = arith.addi %mul3A_102, %add3A_163 : i32
      %dma_wait3A_165 = arith.constant 0 : i32
      %dma_wait3A_166 = tpu.memref_slice %arg7[%add3A_164, %dma_wait3A_165] : memref<80x128xi32, #tpu.memory_space<vmem>> -> memref<1x128xi32, #tpu.memory_space<vmem>>
      %dma_wait3A_167 = tpu.memref_squeeze %dma_wait3A_166 : memref<1x128xi32, #tpu.memory_space<vmem>> -> memref<128xi32, #tpu.memory_space<vmem>>
      %dma_wait3A_168 = arith.constant 0 : i32
      %dma_wait3A_169 = arith.constant 0 : i32
      %dma_wait3A_170 = tpu.memref_slice %arg17[%dma_wait3A_168, %dma_wait3A_169] : memref<10112x16xf32, #tpu.memory_space<vmem_shared>> -> memref<10112x16xf32, #tpu.memory_space<vmem_shared>>
      tpu.wait_indirect_dma semaphore(%arg22 : memref<!tpu.dma_semaphore, #tpu.memory_space<semaphore_mem>>) src(%dma_wait3A_170 : memref<10112x16xf32, #tpu.memory_space<vmem_shared>>) dst(%arg12 : memref<128x16xf32, #tpu.memory_space<vmem>>)
      %dma_start3A_171 = arith.constant 0 : i32
      %dma_start3A_172 = tpu.memref_slice %arg8[%add3A_164, %dma_start3A_171] : memref<80x128xi32, #tpu.memory_space<vmem>> -> memref<1x128xi32, #tpu.memory_space<vmem>>
      %dma_start3A_173 = tpu.memref_squeeze %dma_start3A_172 : memref<1x128xi32, #tpu.memory_space<vmem>> -> memref<128xi32, #tpu.memory_space<vmem>>
      %dma_start3A_174 = arith.constant 0 : i32
      %dma_start3A_175 = arith.constant 0 : i32
      %dma_start3A_176 = tpu.memref_slice %arg18[%dma_start3A_174, %dma_start3A_175] : memref<10112x16xf32, #tpu.memory_space<vmem_shared>> -> memref<10112x16xf32, #tpu.memory_space<vmem_shared>>
      tpu.enqueue_indirect_dma source(%arg12 : memref<128x16xf32, #tpu.memory_space<vmem>>) target(%dma_start3A_176 : memref<10112x16xf32, #tpu.memory_space<vmem_shared>>) offsets(%dma_start3A_173 : memref<128xi32, #tpu.memory_space<vmem>>) semaphore(%arg30 : memref<!tpu.dma_semaphore, #tpu.memory_space<semaphore_mem>>) {add = true}
      %add3A_177 = arith.constant 4 : i32
      %add3A_178 = arith.addi %add3A_164, %add3A_177 : i32
      %lt3A_179 = arith.constant 80 : i32
      %lt3A_180 = arith.cmpi slt, %add3A_178, %lt3A_179 : i32
      %convert_element_type3A_181 = arith.extui %lt3A_180 : i1 to i32
      %cond3A_182 = arith.constant 0 : i32
      %cond3A_183 = arith.cmpi ne, %convert_element_type3A_181, %cond3A_182 : i32
      scf.if %cond3A_183 {
        %ge3A = arith.constant 4 : i32
        %ge3A_269 = arith.cmpi sge, %add3A_164, %ge3A : i32
        %convert_element_type3A_270 = arith.extui %ge3A_269 : i1 to i32
        %cond3A_271 = arith.constant 0 : i32
        %cond3A_272 = arith.cmpi ne, %convert_element_type3A_270, %cond3A_271 : i32
        scf.if %cond3A_272 {
          %dma_wait3A_281 = arith.constant 0 : i32
          %dma_wait3A_282 = tpu.memref_slice %arg8[%add3A_164, %dma_wait3A_281] : memref<80x128xi32, #tpu.memory_space<vmem>> -> memref<1x128xi32, #tpu.memory_space<vmem>>
          %dma_wait3A_283 = tpu.memref_squeeze %dma_wait3A_282 : memref<1x128xi32, #tpu.memory_space<vmem>> -> memref<128xi32, #tpu.memory_space<vmem>>
          %dma_wait3A_284 = arith.constant 0 : i32
          %dma_wait3A_285 = arith.constant 0 : i32
          %dma_wait3A_286 = tpu.memref_slice %arg18[%dma_wait3A_284, %dma_wait3A_285] : memref<10112x16xf32, #tpu.memory_space<vmem_shared>> -> memref<10112x16xf32, #tpu.memory_space<vmem_shared>>
          tpu.wait_indirect_dma semaphore(%arg34 : memref<!tpu.dma_semaphore, #tpu.memory_space<semaphore_mem>>) src(%arg16 : memref<128x16xf32, #tpu.memory_space<vmem>>) dst(%dma_wait3A_286 : memref<10112x16xf32, #tpu.memory_space<vmem_shared>>)
        } else {
        }
        %add3A_273 = arith.constant 4 : i32
        %add3A_274 = arith.addi %add3A_164, %add3A_273 : i32
        %dma_start3A_275 = arith.constant 0 : i32
        %dma_start3A_276 = tpu.memref_slice %arg7[%add3A_274, %dma_start3A_275] : memref<80x128xi32, #tpu.memory_space<vmem>> -> memref<1x128xi32, #tpu.memory_space<vmem>>
        %dma_start3A_277 = tpu.memref_squeeze %dma_start3A_276 : memref<1x128xi32, #tpu.memory_space<vmem>> -> memref<128xi32, #tpu.memory_space<vmem>>
        %dma_start3A_278 = arith.constant 0 : i32
        %dma_start3A_279 = arith.constant 0 : i32
        %dma_start3A_280 = tpu.memref_slice %arg17[%dma_start3A_278, %dma_start3A_279] : memref<10112x16xf32, #tpu.memory_space<vmem_shared>> -> memref<10112x16xf32, #tpu.memory_space<vmem_shared>>
        tpu.enqueue_indirect_dma source(%dma_start3A_280 : memref<10112x16xf32, #tpu.memory_space<vmem_shared>>) target(%arg16 : memref<128x16xf32, #tpu.memory_space<vmem>>) offsets(%dma_start3A_277 : memref<128xi32, #tpu.memory_space<vmem>>) semaphore(%arg26 : memref<!tpu.dma_semaphore, #tpu.memory_space<semaphore_mem>>)
      } else {
      }
      %add3A_184 = arith.constant 4 : i32
      %add3A_185 = arith.addi %mul3A_102, %add3A_184 : i32
      %dma_wait3A_186 = arith.constant 0 : i32
      %dma_wait3A_187 = tpu.memref_slice %arg7[%add3A_185, %dma_wait3A_186] : memref<80x128xi32, #tpu.memory_space<vmem>> -> memref<1x128xi32, #tpu.memory_space<vmem>>
      %dma_wait3A_188 = tpu.memref_squeeze %dma_wait3A_187 : memref<1x128xi32, #tpu.memory_space<vmem>> -> memref<128xi32, #tpu.memory_space<vmem>>
      %dma_wait3A_189 = arith.constant 0 : i32
      %dma_wait3A_190 = arith.constant 0 : i32
      %dma_wait3A_191 = tpu.memref_slice %arg17[%dma_wait3A_189, %dma_wait3A_190] : memref<10112x16xf32, #tpu.memory_space<vmem_shared>> -> memref<10112x16xf32, #tpu.memory_space<vmem_shared>>
      tpu.wait_indirect_dma semaphore(%arg23 : memref<!tpu.dma_semaphore, #tpu.memory_space<semaphore_mem>>) src(%dma_wait3A_191 : memref<10112x16xf32, #tpu.memory_space<vmem_shared>>) dst(%arg13 : memref<128x16xf32, #tpu.memory_space<vmem>>)
      %dma_start3A_192 = arith.constant 0 : i32
      %dma_start3A_193 = tpu.memref_slice %arg8[%add3A_185, %dma_start3A_192] : memref<80x128xi32, #tpu.memory_space<vmem>> -> memref<1x128xi32, #tpu.memory_space<vmem>>
      %dma_start3A_194 = tpu.memref_squeeze %dma_start3A_193 : memref<1x128xi32, #tpu.memory_space<vmem>> -> memref<128xi32, #tpu.memory_space<vmem>>
      %dma_start3A_195 = arith.constant 0 : i32
      %dma_start3A_196 = arith.constant 0 : i32
      %dma_start3A_197 = tpu.memref_slice %arg18[%dma_start3A_195, %dma_start3A_196] : memref<10112x16xf32, #tpu.memory_space<vmem_shared>> -> memref<10112x16xf32, #tpu.memory_space<vmem_shared>>
      tpu.enqueue_indirect_dma source(%arg13 : memref<128x16xf32, #tpu.memory_space<vmem>>) target(%dma_start3A_197 : memref<10112x16xf32, #tpu.memory_space<vmem_shared>>) offsets(%dma_start3A_194 : memref<128xi32, #tpu.memory_space<vmem>>) semaphore(%arg31 : memref<!tpu.dma_semaphore, #tpu.memory_space<semaphore_mem>>) {add = true}
      %add3A_198 = arith.constant 4 : i32
      %add3A_199 = arith.addi %add3A_185, %add3A_198 : i32
      %lt3A_200 = arith.constant 80 : i32
      %lt3A_201 = arith.cmpi slt, %add3A_199, %lt3A_200 : i32
      %convert_element_type3A_202 = arith.extui %lt3A_201 : i1 to i32
      %cond3A_203 = arith.constant 0 : i32
      %cond3A_204 = arith.cmpi ne, %convert_element_type3A_202, %cond3A_203 : i32
      scf.if %cond3A_204 {
        %ge3A = arith.constant 4 : i32
        %ge3A_269 = arith.cmpi sge, %add3A_185, %ge3A : i32
        %convert_element_type3A_270 = arith.extui %ge3A_269 : i1 to i32
        %cond3A_271 = arith.constant 0 : i32
        %cond3A_272 = arith.cmpi ne, %convert_element_type3A_270, %cond3A_271 : i32
        scf.if %cond3A_272 {
          %dma_wait3A_281 = arith.constant 0 : i32
          %dma_wait3A_282 = tpu.memref_slice %arg8[%add3A_185, %dma_wait3A_281] : memref<80x128xi32, #tpu.memory_space<vmem>> -> memref<1x128xi32, #tpu.memory_space<vmem>>
          %dma_wait3A_283 = tpu.memref_squeeze %dma_wait3A_282 : memref<1x128xi32, #tpu.memory_space<vmem>> -> memref<128xi32, #tpu.memory_space<vmem>>
          %dma_wait3A_284 = arith.constant 0 : i32
          %dma_wait3A_285 = arith.constant 0 : i32
          %dma_wait3A_286 = tpu.memref_slice %arg18[%dma_wait3A_284, %dma_wait3A_285] : memref<10112x16xf32, #tpu.memory_space<vmem_shared>> -> memref<10112x16xf32, #tpu.memory_space<vmem_shared>>
          tpu.wait_indirect_dma semaphore(%arg27 : memref<!tpu.dma_semaphore, #tpu.memory_space<semaphore_mem>>) src(%arg9 : memref<128x16xf32, #tpu.memory_space<vmem>>) dst(%dma_wait3A_286 : memref<10112x16xf32, #tpu.memory_space<vmem_shared>>)
        } else {
        }
        %add3A_273 = arith.constant 4 : i32
        %add3A_274 = arith.addi %add3A_185, %add3A_273 : i32
        %dma_start3A_275 = arith.constant 0 : i32
        %dma_start3A_276 = tpu.memref_slice %arg7[%add3A_274, %dma_start3A_275] : memref<80x128xi32, #tpu.memory_space<vmem>> -> memref<1x128xi32, #tpu.memory_space<vmem>>
        %dma_start3A_277 = tpu.memref_squeeze %dma_start3A_276 : memref<1x128xi32, #tpu.memory_space<vmem>> -> memref<128xi32, #tpu.memory_space<vmem>>
        %dma_start3A_278 = arith.constant 0 : i32
        %dma_start3A_279 = arith.constant 0 : i32
        %dma_start3A_280 = tpu.memref_slice %arg17[%dma_start3A_278, %dma_start3A_279] : memref<10112x16xf32, #tpu.memory_space<vmem_shared>> -> memref<10112x16xf32, #tpu.memory_space<vmem_shared>>
        tpu.enqueue_indirect_dma source(%dma_start3A_280 : memref<10112x16xf32, #tpu.memory_space<vmem_shared>>) target(%arg9 : memref<128x16xf32, #tpu.memory_space<vmem>>) offsets(%dma_start3A_277 : memref<128xi32, #tpu.memory_space<vmem>>) semaphore(%arg19 : memref<!tpu.dma_semaphore, #tpu.memory_space<semaphore_mem>>)
      } else {
      }
      %add3A_205 = arith.constant 5 : i32
      %add3A_206 = arith.addi %mul3A_102, %add3A_205 : i32
      %dma_wait3A_207 = arith.constant 0 : i32
      %dma_wait3A_208 = tpu.memref_slice %arg7[%add3A_206, %dma_wait3A_207] : memref<80x128xi32, #tpu.memory_space<vmem>> -> memref<1x128xi32, #tpu.memory_space<vmem>>
      %dma_wait3A_209 = tpu.memref_squeeze %dma_wait3A_208 : memref<1x128xi32, #tpu.memory_space<vmem>> -> memref<128xi32, #tpu.memory_space<vmem>>
      %dma_wait3A_210 = arith.constant 0 : i32
      %dma_wait3A_211 = arith.constant 0 : i32
      %dma_wait3A_212 = tpu.memref_slice %arg17[%dma_wait3A_210, %dma_wait3A_211] : memref<10112x16xf32, #tpu.memory_space<vmem_shared>> -> memref<10112x16xf32, #tpu.memory_space<vmem_shared>>
      tpu.wait_indirect_dma semaphore(%arg24 : memref<!tpu.dma_semaphore, #tpu.memory_space<semaphore_mem>>) src(%dma_wait3A_212 : memref<10112x16xf32, #tpu.memory_space<vmem_shared>>) dst(%arg14 : memref<128x16xf32, #tpu.memory_space<vmem>>)
      %dma_start3A_213 = arith.constant 0 : i32
      %dma_start3A_214 = tpu.memref_slice %arg8[%add3A_206, %dma_start3A_213] : memref<80x128xi32, #tpu.memory_space<vmem>> -> memref<1x128xi32, #tpu.memory_space<vmem>>
      %dma_start3A_215 = tpu.memref_squeeze %dma_start3A_214 : memref<1x128xi32, #tpu.memory_space<vmem>> -> memref<128xi32, #tpu.memory_space<vmem>>
      %dma_start3A_216 = arith.constant 0 : i32
      %dma_start3A_217 = arith.constant 0 : i32
      %dma_start3A_218 = tpu.memref_slice %arg18[%dma_start3A_216, %dma_start3A_217] : memref<10112x16xf32, #tpu.memory_space<vmem_shared>> -> memref<10112x16xf32, #tpu.memory_space<vmem_shared>>
      tpu.enqueue_indirect_dma source(%arg14 : memref<128x16xf32, #tpu.memory_space<vmem>>) target(%dma_start3A_218 : memref<10112x16xf32, #tpu.memory_space<vmem_shared>>) offsets(%dma_start3A_215 : memref<128xi32, #tpu.memory_space<vmem>>) semaphore(%arg32 : memref<!tpu.dma_semaphore, #tpu.memory_space<semaphore_mem>>) {add = true}
      %add3A_219 = arith.constant 4 : i32
      %add3A_220 = arith.addi %add3A_206, %add3A_219 : i32
      %lt3A_221 = arith.constant 80 : i32
      %lt3A_222 = arith.cmpi slt, %add3A_220, %lt3A_221 : i32
      %convert_element_type3A_223 = arith.extui %lt3A_222 : i1 to i32
      %cond3A_224 = arith.constant 0 : i32
      %cond3A_225 = arith.cmpi ne, %convert_element_type3A_223, %cond3A_224 : i32
      scf.if %cond3A_225 {
        %ge3A = arith.constant 4 : i32
        %ge3A_269 = arith.cmpi sge, %add3A_206, %ge3A : i32
        %convert_element_type3A_270 = arith.extui %ge3A_269 : i1 to i32
        %cond3A_271 = arith.constant 0 : i32
        %cond3A_272 = arith.cmpi ne, %convert_element_type3A_270, %cond3A_271 : i32
        scf.if %cond3A_272 {
          %dma_wait3A_281 = arith.constant 0 : i32
          %dma_wait3A_282 = tpu.memref_slice %arg8[%add3A_206, %dma_wait3A_281] : memref<80x128xi32, #tpu.memory_space<vmem>> -> memref<1x128xi32, #tpu.memory_space<vmem>>
          %dma_wait3A_283 = tpu.memref_squeeze %dma_wait3A_282 : memref<1x128xi32, #tpu.memory_space<vmem>> -> memref<128xi32, #tpu.memory_space<vmem>>
          %dma_wait3A_284 = arith.constant 0 : i32
          %dma_wait3A_285 = arith.constant 0 : i32
          %dma_wait3A_286 = tpu.memref_slice %arg18[%dma_wait3A_284, %dma_wait3A_285] : memref<10112x16xf32, #tpu.memory_space<vmem_shared>> -> memref<10112x16xf32, #tpu.memory_space<vmem_shared>>
          tpu.wait_indirect_dma semaphore(%arg28 : memref<!tpu.dma_semaphore, #tpu.memory_space<semaphore_mem>>) src(%arg10 : memref<128x16xf32, #tpu.memory_space<vmem>>) dst(%dma_wait3A_286 : memref<10112x16xf32, #tpu.memory_space<vmem_shared>>)
        } else {
        }
        %add3A_273 = arith.constant 4 : i32
        %add3A_274 = arith.addi %add3A_206, %add3A_273 : i32
        %dma_start3A_275 = arith.constant 0 : i32
        %dma_start3A_276 = tpu.memref_slice %arg7[%add3A_274, %dma_start3A_275] : memref<80x128xi32, #tpu.memory_space<vmem>> -> memref<1x128xi32, #tpu.memory_space<vmem>>
        %dma_start3A_277 = tpu.memref_squeeze %dma_start3A_276 : memref<1x128xi32, #tpu.memory_space<vmem>> -> memref<128xi32, #tpu.memory_space<vmem>>
        %dma_start3A_278 = arith.constant 0 : i32
        %dma_start3A_279 = arith.constant 0 : i32
        %dma_start3A_280 = tpu.memref_slice %arg17[%dma_start3A_278, %dma_start3A_279] : memref<10112x16xf32, #tpu.memory_space<vmem_shared>> -> memref<10112x16xf32, #tpu.memory_space<vmem_shared>>
        tpu.enqueue_indirect_dma source(%dma_start3A_280 : memref<10112x16xf32, #tpu.memory_space<vmem_shared>>) target(%arg10 : memref<128x16xf32, #tpu.memory_space<vmem>>) offsets(%dma_start3A_277 : memref<128xi32, #tpu.memory_space<vmem>>) semaphore(%arg20 : memref<!tpu.dma_semaphore, #tpu.memory_space<semaphore_mem>>)
      } else {
      }
      %add3A_226 = arith.constant 6 : i32
      %add3A_227 = arith.addi %mul3A_102, %add3A_226 : i32
      %dma_wait3A_228 = arith.constant 0 : i32
      %dma_wait3A_229 = tpu.memref_slice %arg7[%add3A_227, %dma_wait3A_228] : memref<80x128xi32, #tpu.memory_space<vmem>> -> memref<1x128xi32, #tpu.memory_space<vmem>>
      %dma_wait3A_230 = tpu.memref_squeeze %dma_wait3A_229 : memref<1x128xi32, #tpu.memory_space<vmem>> -> memref<128xi32, #tpu.memory_space<vmem>>
      %dma_wait3A_231 = arith.constant 0 : i32
      %dma_wait3A_232 = arith.constant 0 : i32
      %dma_wait3A_233 = tpu.memref_slice %arg17[%dma_wait3A_231, %dma_wait3A_232] : memref<10112x16xf32, #tpu.memory_space<vmem_shared>> -> memref<10112x16xf32, #tpu.memory_space<vmem_shared>>
      tpu.wait_indirect_dma semaphore(%arg25 : memref<!tpu.dma_semaphore, #tpu.memory_space<semaphore_mem>>) src(%dma_wait3A_233 : memref<10112x16xf32, #tpu.memory_space<vmem_shared>>) dst(%arg15 : memref<128x16xf32, #tpu.memory_space<vmem>>)
      %dma_start3A_234 = arith.constant 0 : i32
      %dma_start3A_235 = tpu.memref_slice %arg8[%add3A_227, %dma_start3A_234] : memref<80x128xi32, #tpu.memory_space<vmem>> -> memref<1x128xi32, #tpu.memory_space<vmem>>
      %dma_start3A_236 = tpu.memref_squeeze %dma_start3A_235 : memref<1x128xi32, #tpu.memory_space<vmem>> -> memref<128xi32, #tpu.memory_space<vmem>>
      %dma_start3A_237 = arith.constant 0 : i32
      %dma_start3A_238 = arith.constant 0 : i32
      %dma_start3A_239 = tpu.memref_slice %arg18[%dma_start3A_237, %dma_start3A_238] : memref<10112x16xf32, #tpu.memory_space<vmem_shared>> -> memref<10112x16xf32, #tpu.memory_space<vmem_shared>>
      tpu.enqueue_indirect_dma source(%arg15 : memref<128x16xf32, #tpu.memory_space<vmem>>) target(%dma_start3A_239 : memref<10112x16xf32, #tpu.memory_space<vmem_shared>>) offsets(%dma_start3A_236 : memref<128xi32, #tpu.memory_space<vmem>>) semaphore(%arg33 : memref<!tpu.dma_semaphore, #tpu.memory_space<semaphore_mem>>) {add = true}
      %add3A_240 = arith.constant 4 : i32
      %add3A_241 = arith.addi %add3A_227, %add3A_240 : i32
      %lt3A_242 = arith.constant 80 : i32
      %lt3A_243 = arith.cmpi slt, %add3A_241, %lt3A_242 : i32
      %convert_element_type3A_244 = arith.extui %lt3A_243 : i1 to i32
      %cond3A_245 = arith.constant 0 : i32
      %cond3A_246 = arith.cmpi ne, %convert_element_type3A_244, %cond3A_245 : i32
      scf.if %cond3A_246 {
        %ge3A = arith.constant 4 : i32
        %ge3A_269 = arith.cmpi sge, %add3A_227, %ge3A : i32
        %convert_element_type3A_270 = arith.extui %ge3A_269 : i1 to i32
        %cond3A_271 = arith.constant 0 : i32
        %cond3A_272 = arith.cmpi ne, %convert_element_type3A_270, %cond3A_271 : i32
        scf.if %cond3A_272 {
          %dma_wait3A_281 = arith.constant 0 : i32
          %dma_wait3A_282 = tpu.memref_slice %arg8[%add3A_227, %dma_wait3A_281] : memref<80x128xi32, #tpu.memory_space<vmem>> -> memref<1x128xi32, #tpu.memory_space<vmem>>
          %dma_wait3A_283 = tpu.memref_squeeze %dma_wait3A_282 : memref<1x128xi32, #tpu.memory_space<vmem>> -> memref<128xi32, #tpu.memory_space<vmem>>
          %dma_wait3A_284 = arith.constant 0 : i32
          %dma_wait3A_285 = arith.constant 0 : i32
          %dma_wait3A_286 = tpu.memref_slice %arg18[%dma_wait3A_284, %dma_wait3A_285] : memref<10112x16xf32, #tpu.memory_space<vmem_shared>> -> memref<10112x16xf32, #tpu.memory_space<vmem_shared>>
          tpu.wait_indirect_dma semaphore(%arg29 : memref<!tpu.dma_semaphore, #tpu.memory_space<semaphore_mem>>) src(%arg11 : memref<128x16xf32, #tpu.memory_space<vmem>>) dst(%dma_wait3A_286 : memref<10112x16xf32, #tpu.memory_space<vmem_shared>>)
        } else {
        }
        %add3A_273 = arith.constant 4 : i32
        %add3A_274 = arith.addi %add3A_227, %add3A_273 : i32
        %dma_start3A_275 = arith.constant 0 : i32
        %dma_start3A_276 = tpu.memref_slice %arg7[%add3A_274, %dma_start3A_275] : memref<80x128xi32, #tpu.memory_space<vmem>> -> memref<1x128xi32, #tpu.memory_space<vmem>>
        %dma_start3A_277 = tpu.memref_squeeze %dma_start3A_276 : memref<1x128xi32, #tpu.memory_space<vmem>> -> memref<128xi32, #tpu.memory_space<vmem>>
        %dma_start3A_278 = arith.constant 0 : i32
        %dma_start3A_279 = arith.constant 0 : i32
        %dma_start3A_280 = tpu.memref_slice %arg17[%dma_start3A_278, %dma_start3A_279] : memref<10112x16xf32, #tpu.memory_space<vmem_shared>> -> memref<10112x16xf32, #tpu.memory_space<vmem_shared>>
        tpu.enqueue_indirect_dma source(%dma_start3A_280 : memref<10112x16xf32, #tpu.memory_space<vmem_shared>>) target(%arg11 : memref<128x16xf32, #tpu.memory_space<vmem>>) offsets(%dma_start3A_277 : memref<128xi32, #tpu.memory_space<vmem>>) semaphore(%arg21 : memref<!tpu.dma_semaphore, #tpu.memory_space<semaphore_mem>>)
      } else {
      }
      %add3A_247 = arith.constant 7 : i32
      %add3A_248 = arith.addi %mul3A_102, %add3A_247 : i32
      %dma_wait3A_249 = arith.constant 0 : i32
      %dma_wait3A_250 = tpu.memref_slice %arg7[%add3A_248, %dma_wait3A_249] : memref<80x128xi32, #tpu.memory_space<vmem>> -> memref<1x128xi32, #tpu.memory_space<vmem>>
      %dma_wait3A_251 = tpu.memref_squeeze %dma_wait3A_250 : memref<1x128xi32, #tpu.memory_space<vmem>> -> memref<128xi32, #tpu.memory_space<vmem>>
      %dma_wait3A_252 = arith.constant 0 : i32
      %dma_wait3A_253 = arith.constant 0 : i32
      %dma_wait3A_254 = tpu.memref_slice %arg17[%dma_wait3A_252, %dma_wait3A_253] : memref<10112x16xf32, #tpu.memory_space<vmem_shared>> -> memref<10112x16xf32, #tpu.memory_space<vmem_shared>>
      tpu.wait_indirect_dma semaphore(%arg26 : memref<!tpu.dma_semaphore, #tpu.memory_space<semaphore_mem>>) src(%dma_wait3A_254 : memref<10112x16xf32, #tpu.memory_space<vmem_shared>>) dst(%arg16 : memref<128x16xf32, #tpu.memory_space<vmem>>)
      %dma_start3A_255 = arith.constant 0 : i32
      %dma_start3A_256 = tpu.memref_slice %arg8[%add3A_248, %dma_start3A_255] : memref<80x128xi32, #tpu.memory_space<vmem>> -> memref<1x128xi32, #tpu.memory_space<vmem>>
      %dma_start3A_257 = tpu.memref_squeeze %dma_start3A_256 : memref<1x128xi32, #tpu.memory_space<vmem>> -> memref<128xi32, #tpu.memory_space<vmem>>
      %dma_start3A_258 = arith.constant 0 : i32
      %dma_start3A_259 = arith.constant 0 : i32
      %dma_start3A_260 = tpu.memref_slice %arg18[%dma_start3A_258, %dma_start3A_259] : memref<10112x16xf32, #tpu.memory_space<vmem_shared>> -> memref<10112x16xf32, #tpu.memory_space<vmem_shared>>
      tpu.enqueue_indirect_dma source(%arg16 : memref<128x16xf32, #tpu.memory_space<vmem>>) target(%dma_start3A_260 : memref<10112x16xf32, #tpu.memory_space<vmem_shared>>) offsets(%dma_start3A_257 : memref<128xi32, #tpu.memory_space<vmem>>) semaphore(%arg34 : memref<!tpu.dma_semaphore, #tpu.memory_space<semaphore_mem>>) {add = true}
      %add3A_261 = arith.constant 4 : i32
      %add3A_262 = arith.addi %add3A_248, %add3A_261 : i32
      %lt3A_263 = arith.constant 80 : i32
      %lt3A_264 = arith.cmpi slt, %add3A_262, %lt3A_263 : i32
      %convert_element_type3A_265 = arith.extui %lt3A_264 : i1 to i32
      %cond3A_266 = arith.constant 0 : i32
      %cond3A_267 = arith.cmpi ne, %convert_element_type3A_265, %cond3A_266 : i32
      scf.if %cond3A_267 {
        %ge3A = arith.constant 4 : i32
        %ge3A_269 = arith.cmpi sge, %add3A_248, %ge3A : i32
        %convert_element_type3A_270 = arith.extui %ge3A_269 : i1 to i32
        %cond3A_271 = arith.constant 0 : i32
        %cond3A_272 = arith.cmpi ne, %convert_element_type3A_270, %cond3A_271 : i32
        scf.if %cond3A_272 {
          %dma_wait3A_281 = arith.constant 0 : i32
          %dma_wait3A_282 = tpu.memref_slice %arg8[%add3A_248, %dma_wait3A_281] : memref<80x128xi32, #tpu.memory_space<vmem>> -> memref<1x128xi32, #tpu.memory_space<vmem>>
          %dma_wait3A_283 = tpu.memref_squeeze %dma_wait3A_282 : memref<1x128xi32, #tpu.memory_space<vmem>> -> memref<128xi32, #tpu.memory_space<vmem>>
          %dma_wait3A_284 = arith.constant 0 : i32
          %dma_wait3A_285 = arith.constant 0 : i32
          %dma_wait3A_286 = tpu.memref_slice %arg18[%dma_wait3A_284, %dma_wait3A_285] : memref<10112x16xf32, #tpu.memory_space<vmem_shared>> -> memref<10112x16xf32, #tpu.memory_space<vmem_shared>>
          tpu.wait_indirect_dma semaphore(%arg30 : memref<!tpu.dma_semaphore, #tpu.memory_space<semaphore_mem>>) src(%arg12 : memref<128x16xf32, #tpu.memory_space<vmem>>) dst(%dma_wait3A_286 : memref<10112x16xf32, #tpu.memory_space<vmem_shared>>)
        } else {
        }
        %add3A_273 = arith.constant 4 : i32
        %add3A_274 = arith.addi %add3A_248, %add3A_273 : i32
        %dma_start3A_275 = arith.constant 0 : i32
        %dma_start3A_276 = tpu.memref_slice %arg7[%add3A_274, %dma_start3A_275] : memref<80x128xi32, #tpu.memory_space<vmem>> -> memref<1x128xi32, #tpu.memory_space<vmem>>
        %dma_start3A_277 = tpu.memref_squeeze %dma_start3A_276 : memref<1x128xi32, #tpu.memory_space<vmem>> -> memref<128xi32, #tpu.memory_space<vmem>>
        %dma_start3A_278 = arith.constant 0 : i32
        %dma_start3A_279 = arith.constant 0 : i32
        %dma_start3A_280 = tpu.memref_slice %arg17[%dma_start3A_278, %dma_start3A_279] : memref<10112x16xf32, #tpu.memory_space<vmem_shared>> -> memref<10112x16xf32, #tpu.memory_space<vmem_shared>>
        tpu.enqueue_indirect_dma source(%dma_start3A_280 : memref<10112x16xf32, #tpu.memory_space<vmem_shared>>) target(%arg12 : memref<128x16xf32, #tpu.memory_space<vmem>>) offsets(%dma_start3A_277 : memref<128xi32, #tpu.memory_space<vmem>>) semaphore(%arg22 : memref<!tpu.dma_semaphore, #tpu.memory_space<semaphore_mem>>)
      } else {
      }
      %scan3A_268 = arith.constant 0 : i32
      scf.yield %scan3A_268 : i32
    }
    %scan3A_35 = arith.constant 10 : i32
    %dma_wait3A = arith.constant 0 : i32
    %dma_wait3A_36 = arith.constant 0 : i32
    %dma_wait3A_37 = tpu.memref_slice %arg8[%dma_wait3A, %dma_wait3A_36] : memref<80x128xi32, #tpu.memory_space<vmem>> -> memref<1x128xi32, #tpu.memory_space<vmem>>
    %dma_wait3A_38 = tpu.memref_squeeze %dma_wait3A_37 : memref<1x128xi32, #tpu.memory_space<vmem>> -> memref<128xi32, #tpu.memory_space<vmem>>
    %dma_wait3A_39 = arith.constant 0 : i32
    %dma_wait3A_40 = arith.constant 0 : i32
    %dma_wait3A_41 = tpu.memref_slice %arg18[%dma_wait3A_39, %dma_wait3A_40] : memref<10112x16xf32, #tpu.memory_space<vmem_shared>> -> memref<10112x16xf32, #tpu.memory_space<vmem_shared>>
    tpu.wait_indirect_dma semaphore(%arg27 : memref<!tpu.dma_semaphore, #tpu.memory_space<semaphore_mem>>) src(%arg9 : memref<128x16xf32, #tpu.memory_space<vmem>>) dst(%dma_wait3A_41 : memref<10112x16xf32, #tpu.memory_space<vmem_shared>>)
    %dma_wait3A_42 = arith.constant 0 : i32
    %dma_wait3A_43 = arith.constant 0 : i32
    %dma_wait3A_44 = tpu.memref_slice %arg8[%dma_wait3A_42, %dma_wait3A_43] : memref<80x128xi32, #tpu.memory_space<vmem>> -> memref<1x128xi32, #tpu.memory_space<vmem>>
    %dma_wait3A_45 = tpu.memref_squeeze %dma_wait3A_44 : memref<1x128xi32, #tpu.memory_space<vmem>> -> memref<128xi32, #tpu.memory_space<vmem>>
    %dma_wait3A_46 = arith.constant 0 : i32
    %dma_wait3A_47 = arith.constant 0 : i32
    %dma_wait3A_48 = tpu.memref_slice %arg18[%dma_wait3A_46, %dma_wait3A_47] : memref<10112x16xf32, #tpu.memory_space<vmem_shared>> -> memref<10112x16xf32, #tpu.memory_space<vmem_shared>>
    tpu.wait_indirect_dma semaphore(%arg28 : memref<!tpu.dma_semaphore, #tpu.memory_space<semaphore_mem>>) src(%arg10 : memref<128x16xf32, #tpu.memory_space<vmem>>) dst(%dma_wait3A_48 : memref<10112x16xf32, #tpu.memory_space<vmem_shared>>)
    %dma_wait3A_49 = arith.constant 0 : i32
    %dma_wait3A_50 = arith.constant 0 : i32
    %dma_wait3A_51 = tpu.memref_slice %arg8[%dma_wait3A_49, %dma_wait3A_50] : memref<80x128xi32, #tpu.memory_space<vmem>> -> memref<1x128xi32, #tpu.memory_space<vmem>>
    %dma_wait3A_52 = tpu.memref_squeeze %dma_wait3A_51 : memref<1x128xi32, #tpu.memory_space<vmem>> -> memref<128xi32, #tpu.memory_space<vmem>>
    %dma_wait3A_53 = arith.constant 0 : i32
    %dma_wait3A_54 = arith.constant 0 : i32
    %dma_wait3A_55 = tpu.memref_slice %arg18[%dma_wait3A_53, %dma_wait3A_54] : memref<10112x16xf32, #tpu.memory_space<vmem_shared>> -> memref<10112x16xf32, #tpu.memory_space<vmem_shared>>
    tpu.wait_indirect_dma semaphore(%arg29 : memref<!tpu.dma_semaphore, #tpu.memory_space<semaphore_mem>>) src(%arg11 : memref<128x16xf32, #tpu.memory_space<vmem>>) dst(%dma_wait3A_55 : memref<10112x16xf32, #tpu.memory_space<vmem_shared>>)
    %dma_wait3A_56 = arith.constant 0 : i32
    %dma_wait3A_57 = arith.constant 0 : i32
    %dma_wait3A_58 = tpu.memref_slice %arg8[%dma_wait3A_56, %dma_wait3A_57] : memref<80x128xi32, #tpu.memory_space<vmem>> -> memref<1x128xi32, #tpu.memory_space<vmem>>
    %dma_wait3A_59 = tpu.memref_squeeze %dma_wait3A_58 : memref<1x128xi32, #tpu.memory_space<vmem>> -> memref<128xi32, #tpu.memory_space<vmem>>
    %dma_wait3A_60 = arith.constant 0 : i32
    %dma_wait3A_61 = arith.constant 0 : i32
    %dma_wait3A_62 = tpu.memref_slice %arg18[%dma_wait3A_60, %dma_wait3A_61] : memref<10112x16xf32, #tpu.memory_space<vmem_shared>> -> memref<10112x16xf32, #tpu.memory_space<vmem_shared>>
    tpu.wait_indirect_dma semaphore(%arg30 : memref<!tpu.dma_semaphore, #tpu.memory_space<semaphore_mem>>) src(%arg12 : memref<128x16xf32, #tpu.memory_space<vmem>>) dst(%dma_wait3A_62 : memref<10112x16xf32, #tpu.memory_space<vmem_shared>>)
    %dma_wait3A_63 = arith.constant 0 : i32
    %dma_wait3A_64 = arith.constant 0 : i32
    %dma_wait3A_65 = tpu.memref_slice %arg8[%dma_wait3A_63, %dma_wait3A_64] : memref<80x128xi32, #tpu.memory_space<vmem>> -> memref<1x128xi32, #tpu.memory_space<vmem>>
    %dma_wait3A_66 = tpu.memref_squeeze %dma_wait3A_65 : memref<1x128xi32, #tpu.memory_space<vmem>> -> memref<128xi32, #tpu.memory_space<vmem>>
    %dma_wait3A_67 = arith.constant 0 : i32
    %dma_wait3A_68 = arith.constant 0 : i32
    %dma_wait3A_69 = tpu.memref_slice %arg18[%dma_wait3A_67, %dma_wait3A_68] : memref<10112x16xf32, #tpu.memory_space<vmem_shared>> -> memref<10112x16xf32, #tpu.memory_space<vmem_shared>>
    tpu.wait_indirect_dma semaphore(%arg31 : memref<!tpu.dma_semaphore, #tpu.memory_space<semaphore_mem>>) src(%arg13 : memref<128x16xf32, #tpu.memory_space<vmem>>) dst(%dma_wait3A_69 : memref<10112x16xf32, #tpu.memory_space<vmem_shared>>)
    %dma_wait3A_70 = arith.constant 0 : i32
    %dma_wait3A_71 = arith.constant 0 : i32
    %dma_wait3A_72 = tpu.memref_slice %arg8[%dma_wait3A_70, %dma_wait3A_71] : memref<80x128xi32, #tpu.memory_space<vmem>> -> memref<1x128xi32, #tpu.memory_space<vmem>>
    %dma_wait3A_73 = tpu.memref_squeeze %dma_wait3A_72 : memref<1x128xi32, #tpu.memory_space<vmem>> -> memref<128xi32, #tpu.memory_space<vmem>>
    %dma_wait3A_74 = arith.constant 0 : i32
    %dma_wait3A_75 = arith.constant 0 : i32
    %dma_wait3A_76 = tpu.memref_slice %arg18[%dma_wait3A_74, %dma_wait3A_75] : memref<10112x16xf32, #tpu.memory_space<vmem_shared>> -> memref<10112x16xf32, #tpu.memory_space<vmem_shared>>
    tpu.wait_indirect_dma semaphore(%arg32 : memref<!tpu.dma_semaphore, #tpu.memory_space<semaphore_mem>>) src(%arg14 : memref<128x16xf32, #tpu.memory_space<vmem>>) dst(%dma_wait3A_76 : memref<10112x16xf32, #tpu.memory_space<vmem_shared>>)
    %dma_wait3A_77 = arith.constant 0 : i32
    %dma_wait3A_78 = arith.constant 0 : i32
    %dma_wait3A_79 = tpu.memref_slice %arg8[%dma_wait3A_77, %dma_wait3A_78] : memref<80x128xi32, #tpu.memory_space<vmem>> -> memref<1x128xi32, #tpu.memory_space<vmem>>
    %dma_wait3A_80 = tpu.memref_squeeze %dma_wait3A_79 : memref<1x128xi32, #tpu.memory_space<vmem>> -> memref<128xi32, #tpu.memory_space<vmem>>
    %dma_wait3A_81 = arith.constant 0 : i32
    %dma_wait3A_82 = arith.constant 0 : i32
    %dma_wait3A_83 = tpu.memref_slice %arg18[%dma_wait3A_81, %dma_wait3A_82] : memref<10112x16xf32, #tpu.memory_space<vmem_shared>> -> memref<10112x16xf32, #tpu.memory_space<vmem_shared>>
    tpu.wait_indirect_dma semaphore(%arg33 : memref<!tpu.dma_semaphore, #tpu.memory_space<semaphore_mem>>) src(%arg15 : memref<128x16xf32, #tpu.memory_space<vmem>>) dst(%dma_wait3A_83 : memref<10112x16xf32, #tpu.memory_space<vmem_shared>>)
    %dma_wait3A_84 = arith.constant 0 : i32
    %dma_wait3A_85 = arith.constant 0 : i32
    %dma_wait3A_86 = tpu.memref_slice %arg8[%dma_wait3A_84, %dma_wait3A_85] : memref<80x128xi32, #tpu.memory_space<vmem>> -> memref<1x128xi32, #tpu.memory_space<vmem>>
    %dma_wait3A_87 = tpu.memref_squeeze %dma_wait3A_86 : memref<1x128xi32, #tpu.memory_space<vmem>> -> memref<128xi32, #tpu.memory_space<vmem>>
    %dma_wait3A_88 = arith.constant 0 : i32
    %dma_wait3A_89 = arith.constant 0 : i32
    %dma_wait3A_90 = tpu.memref_slice %arg18[%dma_wait3A_88, %dma_wait3A_89] : memref<10112x16xf32, #tpu.memory_space<vmem_shared>> -> memref<10112x16xf32, #tpu.memory_space<vmem_shared>>
    tpu.wait_indirect_dma semaphore(%arg34 : memref<!tpu.dma_semaphore, #tpu.memory_space<semaphore_mem>>) src(%arg16 : memref<128x16xf32, #tpu.memory_space<vmem>>) dst(%dma_wait3A_90 : memref<10112x16xf32, #tpu.memory_space<vmem_shared>>)
    %barrier3A_91 = arith.constant 0 : index
    tpu.barrier barrier_id(%barrier3A_91)
    %mul3A_92 = arith.constant 632 : i32
    %mul3A_93 = arith.muli %arg1, %mul3A_92 : i32
    %mul3A_94 = arith.constant 10112 : i32
    %mul3A_95 = arith.muli %arg0, %mul3A_94 : i32
    %mul3A_96 = arith.constant 632 : i32
    %mul3A_97 = arith.muli %arg1, %mul3A_96 : i32
    %add3A_98 = arith.addi %mul3A_95, %mul3A_97 : i32
    "tpu.region"() ({
      %run_scoped3A = tpu.sem_alloc : memref<!tpu.dma_semaphore, #tpu.memory_space<semaphore_mem>>
      %dma_start3A_99 = arith.constant 0 : i32
      %dma_start3A_100 = tpu.memref_slice %arg6[%add3A_98, %dma_start3A_99] : memref<20224x16xf32, #tpu.memory_space<hbm>> -> memref<632x16xf32, #tpu.memory_space<hbm>>
      %dma_start3A_101 = arith.constant 0 : i32
      %dma_start3A_102 = tpu.memref_slice %arg18[%mul3A_93, %dma_start3A_101] : memref<10112x16xf32, #tpu.memory_space<vmem_shared>> -> memref<632x16xf32, #tpu.memory_space<vmem_shared>>
      tpu.enqueue_dma source(%dma_start3A_102 : memref<632x16xf32, #tpu.memory_space<vmem_shared>>) target(%dma_start3A_100 : memref<632x16xf32, #tpu.memory_space<hbm>>) target_semaphore(%run_scoped3A : memref<!tpu.dma_semaphore, #tpu.memory_space<semaphore_mem>>)
      %dma_wait3A_103 = arith.constant 0 : i32
      %dma_wait3A_104 = tpu.memref_slice %arg6[%add3A_98, %dma_wait3A_103] : memref<20224x16xf32, #tpu.memory_space<hbm>> -> memref<632x16xf32, #tpu.memory_space<hbm>>
      %dma_wait3A_105 = arith.constant 0 : i32
      %dma_wait3A_106 = tpu.memref_slice %arg18[%mul3A_93, %dma_wait3A_105] : memref<10112x16xf32, #tpu.memory_space<vmem_shared>> -> memref<632x16xf32, #tpu.memory_space<vmem_shared>>
      tpu.wait_dma2 semaphore(%run_scoped3A : memref<!tpu.dma_semaphore, #tpu.memory_space<semaphore_mem>>) src(%dma_wait3A_106 : memref<632x16xf32, #tpu.memory_space<vmem_shared>>) dst(%dma_wait3A_104 : memref<632x16xf32, #tpu.memory_space<hbm>>)
      tpu.yield
    }) : () -> ()
    return
  }
}

module attributes {stable_mosaic.version = 14 : i64} {
  func.func @_mm1_body(%arg0: memref<1264x1024xf32, #tpu.memory_space<vmem>>, %arg1: memref<1024x128xf32, #tpu.memory_space<vmem>>, %arg2: memref<1264x128xf32, #tpu.memory_space<vmem>>) attributes {dimension_semantics = [], scalar_prefetch = 0 : i64, scratch_operands = 0 : i64, tpu.core_type = #tpu.core_type<tc>} {
    %get3A = arith.constant 0 : index
    %get3A_0 = arith.constant 0 : index
    %get3A_1 = vector.load %arg0[%get3A, %get3A_0] : memref<1264x1024xf32, #tpu.memory_space<vmem>>, vector<1264x1024xf32>
    %get3A_2 = arith.constant 0 : index
    %get3A_3 = arith.constant 0 : index
    %get3A_4 = vector.load %arg1[%get3A_2, %get3A_3] : memref<1024x128xf32, #tpu.memory_space<vmem>>, vector<1024x128xf32>
    %dot_general3A = arith.constant dense<0.000000e+00> : vector<1264x128xf32>
    %dot_general3A_5 = tpu.matmul %get3A_1, %get3A_4, %dot_general3A {dimension_numbers = #tpu.dot_dimension_numbers<[1], [0], [0], [1], [0, 0, 1, 1], [], []>, transpose_lhs_hint = false} : vector<1264x1024xf32>, vector<1024x128xf32>, vector<1264x128xf32> -> vector<1264x128xf32>
    %swap3A = arith.constant 0 : index
    %swap3A_6 = arith.constant 0 : index
    %swap3A_7 = vector.load %arg2[%swap3A, %swap3A_6] : memref<1264x128xf32, #tpu.memory_space<vmem>>, vector<1264x128xf32>
    tpu.vector_store %arg2[%swap3A, %swap3A_6], %dot_general3A_5 {strides = array<i32>} : memref<1264x128xf32, #tpu.memory_space<vmem>>, vector<1264x128xf32>,
    return
  }
}

module attributes {stable_mosaic.version = 14 : i64} {
  func.func @_prep_body(%arg0: memref<2528x128xf32, #tpu.memory_space<vmem>>, %arg1: memref<1264x128xf32, #tpu.memory_space<vmem>>, %arg2: memref<1264x128xf32, #tpu.memory_space<vmem>>, %arg3: memref<1264x128xf32, #tpu.memory_space<vmem>>) attributes {dimension_semantics = [], scalar_prefetch = 0 : i64, scratch_operands = 0 : i64, tpu.core_type = #tpu.core_type<tc>} {
    %get3A = arith.constant 0 : index
    %get3A_0 = arith.constant 0 : index
    %get3A_1 = vector.load %arg0[%get3A, %get3A_0] : memref<2528x128xf32, #tpu.memory_space<vmem>>, vector<1264x128xf32>
    %get3A_2 = arith.constant 1264 : index
    %get3A_3 = arith.constant 0 : index
    %get3A_4 = vector.load %arg0[%get3A_2, %get3A_3] : memref<2528x128xf32, #tpu.memory_space<vmem>>, vector<1264x128xf32>
    %add3A = arith.addf %get3A_1, %get3A_4 : vector<1264x128xf32>
    %add3A_5 = arith.constant 1.000000e+00 : f32
    %add3A_6 = vector.broadcast %add3A_5 : f32 to vector<1264x128xf32>
    %add3A_7 = arith.addf %add3A, %add3A_6 : vector<1264x128xf32>
    %rsqrt3A = math.rsqrt %add3A_7 : vector<1264x128xf32>
    %swap3A = arith.constant 0 : index
    %swap3A_8 = arith.constant 0 : index
    %swap3A_9 = vector.load %arg3[%swap3A, %swap3A_8] : memref<1264x128xf32, #tpu.memory_space<vmem>>, vector<1264x128xf32>
    tpu.vector_store %arg3[%swap3A, %swap3A_8], %rsqrt3A {strides = array<i32>} : memref<1264x128xf32, #tpu.memory_space<vmem>>, vector<1264x128xf32>,
    %get3A_10 = arith.constant 0 : index
    %get3A_11 = arith.constant 0 : index
    %get3A_12 = vector.load %arg1[%get3A_10, %get3A_11] : memref<1264x128xf32, #tpu.memory_space<vmem>>, vector<1264x128xf32>
    %mul3A = arith.mulf %get3A_12, %rsqrt3A : vector<1264x128xf32>
    %swap3A_13 = arith.constant 0 : index
    %swap3A_14 = arith.constant 0 : index
    %swap3A_15 = vector.load %arg2[%swap3A_13, %swap3A_14] : memref<1264x128xf32, #tpu.memory_space<vmem>>, vector<1264x128xf32>
    tpu.vector_store %arg2[%swap3A_13, %swap3A_14], %mul3A {strides = array<i32>} : memref<1264x128xf32, #tpu.memory_space<vmem>>, vector<1264x128xf32>,
    return
  }
}

module attributes {stable_mosaic.version = 14 : i64} {
  func.func @_mid_body(%arg0: memref<2528x128xf32, #tpu.memory_space<vmem>>, %arg1: memref<1264x128xf32, #tpu.memory_space<vmem>>, %arg2: memref<1264x128xf32, #tpu.memory_space<vmem>>, %arg3: memref<1x128xf32, #tpu.memory_space<vmem>>, %arg4: memref<128x128xf32, #tpu.memory_space<vmem>>, %arg5: memref<1264x128xf32, #tpu.memory_space<vmem>>) attributes {dimension_semantics = [], scalar_prefetch = 0 : i64, scratch_operands = 0 : i64, tpu.core_type = #tpu.core_type<tc>} {
    %get3A = arith.constant 0 : index
    %get3A_0 = arith.constant 0 : index
    %get3A_1 = vector.load %arg2[%get3A, %get3A_0] : memref<1264x128xf32, #tpu.memory_space<vmem>>, vector<1264x128xf32>
    %get3A_2 = arith.constant 0 : index
    %get3A_3 = arith.constant 0 : index
    %get3A_4 = vector.load %arg0[%get3A_2, %get3A_3] : memref<2528x128xf32, #tpu.memory_space<vmem>>, vector<1264x128xf32>
    %get3A_5 = arith.constant 1264 : index
    %get3A_6 = arith.constant 0 : index
    %get3A_7 = vector.load %arg0[%get3A_5, %get3A_6] : memref<2528x128xf32, #tpu.memory_space<vmem>>, vector<1264x128xf32>
    %add3A = arith.addf %get3A_4, %get3A_7 : vector<1264x128xf32>
    %get3A_8 = arith.constant 0 : index
    %get3A_9 = arith.constant 0 : index
    %get3A_10 = vector.load %arg1[%get3A_8, %get3A_9] : memref<1264x128xf32, #tpu.memory_space<vmem>>, vector<1264x128xf32>
    %add3A_11 = arith.addf %add3A, %get3A_10 : vector<1264x128xf32>
    %mul3A = arith.mulf %get3A_1, %add3A_11 : vector<1264x128xf32>
    %get3A_12 = arith.constant 0 : index
    %get3A_13 = arith.constant 0 : index
    %get3A_14 = vector.load %arg3[%get3A_12, %get3A_13] : memref<1x128xf32, #tpu.memory_space<vmem>>, vector<1x128xf32>
    %add3A_15 = vector.broadcast %get3A_14 : vector<1x128xf32> to vector<1264x128xf32>
    %add3A_16 = arith.addf %mul3A, %add3A_15 : vector<1264x128xf32>
    %max3A = arith.constant 0.000000e+00 : f32
    %max3A_17 = vector.broadcast %max3A : f32 to vector<1264x128xf32>
    %max3A_18 = arith.maximumf %add3A_16, %max3A_17 : vector<1264x128xf32>
    %get3A_19 = arith.constant 0 : index
    %get3A_20 = arith.constant 0 : index
    %get3A_21 = vector.load %arg4[%get3A_19, %get3A_20] : memref<128x128xf32, #tpu.memory_space<vmem>>, vector<128x128xf32>
    %dot_general3A = arith.constant dense<0.000000e+00> : vector<1264x128xf32>
    %dot_general3A_22 = tpu.matmul %max3A_18, %get3A_21, %dot_general3A {dimension_numbers = #tpu.dot_dimension_numbers<[1], [0], [0], [1], [0, 0, 1, 1], [], []>, transpose_lhs_hint = false} : vector<1264x128xf32>, vector<128x128xf32>, vector<1264x128xf32> -> vector<1264x128xf32>
    %mul3A_23 = arith.mulf %dot_general3A_22, %get3A_1 : vector<1264x128xf32>
    %swap3A = arith.constant 0 : index
    %swap3A_24 = arith.constant 0 : index
    %swap3A_25 = vector.load %arg5[%swap3A, %swap3A_24] : memref<1264x128xf32, #tpu.memory_space<vmem>>, vector<1264x128xf32>
    tpu.vector_store %arg5[%swap3A, %swap3A_24], %mul3A_23 {strides = array<i32>} : memref<1264x128xf32, #tpu.memory_space<vmem>>, vector<1264x128xf32>,
    return
  }
}

module attributes {stable_mosaic.version = 14 : i64} {
  func.func @_post_body(%arg0: memref<2528x128xf32, #tpu.memory_space<vmem>>, %arg1: memref<1264x128xf32, #tpu.memory_space<vmem>>, %arg2: memref<1264x128xf32, #tpu.memory_space<vmem>>, %arg3: memref<1x128xf32, #tpu.memory_space<vmem>>, %arg4: memref<128x16xf32, #tpu.memory_space<vmem>>, %arg5: memref<1x16xf32, #tpu.memory_space<vmem>>, %arg6: memref<1264x16xf32, #tpu.memory_space<vmem>>) attributes {dimension_semantics = [], scalar_prefetch = 0 : i64, scratch_operands = 0 : i64, tpu.core_type = #tpu.core_type<tc>} {
    %get3A = arith.constant 0 : index
    %get3A_0 = arith.constant 0 : index
    %get3A_1 = vector.load %arg2[%get3A, %get3A_0] : memref<1264x128xf32, #tpu.memory_space<vmem>>, vector<1264x128xf32>
    %get3A_2 = arith.constant 0 : index
    %get3A_3 = arith.constant 0 : index
    %get3A_4 = vector.load %arg0[%get3A_2, %get3A_3] : memref<2528x128xf32, #tpu.memory_space<vmem>>, vector<1264x128xf32>
    %get3A_5 = arith.constant 1264 : index
    %get3A_6 = arith.constant 0 : index
    %get3A_7 = vector.load %arg0[%get3A_5, %get3A_6] : memref<2528x128xf32, #tpu.memory_space<vmem>>, vector<1264x128xf32>
    %add3A = arith.addf %get3A_4, %get3A_7 : vector<1264x128xf32>
    %get3A_8 = arith.constant 0 : index
    %get3A_9 = arith.constant 0 : index
    %get3A_10 = vector.load %arg1[%get3A_8, %get3A_9] : memref<1264x128xf32, #tpu.memory_space<vmem>>, vector<1264x128xf32>
    %add3A_11 = arith.addf %add3A, %get3A_10 : vector<1264x128xf32>
    %mul3A = arith.mulf %get3A_1, %add3A_11 : vector<1264x128xf32>
    %get3A_12 = arith.constant 0 : index
    %get3A_13 = arith.constant 0 : index
    %get3A_14 = vector.load %arg3[%get3A_12, %get3A_13] : memref<1x128xf32, #tpu.memory_space<vmem>>, vector<1x128xf32>
    %add3A_15 = vector.broadcast %get3A_14 : vector<1x128xf32> to vector<1264x128xf32>
    %add3A_16 = arith.addf %mul3A, %add3A_15 : vector<1264x128xf32>
    %get3A_17 = arith.constant 0 : index
    %get3A_18 = arith.constant 0 : index
    %get3A_19 = vector.load %arg4[%get3A_17, %get3A_18] : memref<128x16xf32, #tpu.memory_space<vmem>>, vector<128x16xf32>
    %dot_general3A = arith.constant dense<0.000000e+00> : vector<1264x16xf32>
    %dot_general3A_20 = tpu.matmul %add3A_16, %get3A_19, %dot_general3A {dimension_numbers = #tpu.dot_dimension_numbers<[1], [0], [0], [1], [0, 0, 1, 1], [], []>, transpose_lhs_hint = false} : vector<1264x128xf32>, vector<128x16xf32>, vector<1264x16xf32> -> vector<1264x16xf32>
    %get3A_21 = arith.constant 0 : index
    %get3A_22 = arith.constant 0 : index
    %get3A_23 = vector.load %arg5[%get3A_21, %get3A_22] : memref<1x16xf32, #tpu.memory_space<vmem>>, vector<1x16xf32>
    %add3A_24 = vector.broadcast %get3A_23 : vector<1x16xf32> to vector<1264x16xf32>
    %add3A_25 = arith.addf %dot_general3A_20, %add3A_24 : vector<1264x16xf32>
    %swap3A = arith.constant 0 : index
    %swap3A_26 = arith.constant 0 : index
    %swap3A_27 = vector.load %arg6[%swap3A, %swap3A_26] : memref<1264x16xf32, #tpu.memory_space<vmem>>, vector<1264x16xf32>
    tpu.vector_store %arg6[%swap3A, %swap3A_26], %add3A_25 {strides = array<i32>} : memref<1264x16xf32, #tpu.memory_space<vmem>>, vector<1264x16xf32>,
    return
  }
}

</mosaic_0001>

<sc_bundles>
// kernel: kernel.10.cloned.1.call-start
scs
__scs_entry_jumppad:
0x0: {  	(pc) =	sbr.rel $0x88, $3  }
0x1: {  	(tag) =	ssettag $0x0;
	lr =	simm.s32 $0x1  }
0x2: {  	[smem:$0x3F99] =	sst lr;
	_ =	strace $0xD0000000  }
0x3: {  	_ = 	snop  }
0x4: {  	_ = 	snop  }
0x5: {  	_ = 	snop  }
0x6: {  	_ = 	snop  }
0x7: {  	_ = 	snop  }
__scs_overlays_trampoline_lowered:
0x8: {  	[smem:$0x3FA8] =	sst s0  }
0x9: {  	[smem:$0x3FA9] =	sst s1  }
0xa: {  	[smem:$0x3FAA] =	sst s2  }
0xb: {  	[smem:$0x3FAB] =	sst s3  }
0xc: {  	[smem:$0x3FAC] =	sst s4  }
0xd: {  	[smem:$0x3FAD] =	sst s5  }
0xe: {  	[smem:$0x3FAE] =	sst s6  }
0xf: {  	[smem:$0x3FAF] =	sst s7  }
0x10: {  	[smem:$0x3FB0] =	sst s8  }
0x11: {  	[smem:$0x3FB1] =	sst s9;
	s0 =	simm.s32 @!p0 $0x0  }
0x12: {  	s1 =	sld [smem:$0x3F97];
	s0 =	simm.s32 @p0 $0x1  }
0x13: {  	[smem:$0x3FB2] =	sst s0;
	s0 =	simm.s32 @!p1 $0x0  }
0x14: {  	s2 =	sld [smem:$0x3F96];
	s0 =	simm.s32 @p1 $0x1  }
0x15: {  	[smem:$0x3FB3] =	sst s0;
	s0 =	simm.s32 @!p2 $0x0  }
0x16: {  	s3 =	sld [smem:$0x3FDB];
	s0 =	simm.s32 @p2 $0x1  }
0x17: {  	s4 =	simm.s32 $0x1BF5;
	[smem:$0x3FB5] =	sst s0  }
0x18: {  	s0 =	sld [smem:$0x3F98];
	_ =	swait.ge [sflag:s4], $0x0  }
0x19: {  	s7 =	sld [smem:$0x3F99]  }
0x1a: {  	s8 =	sadd.s32 $0xFFFFE003, lr  }
0x1b: {  	s9 =	sadd.s32 $0xFFFFFEF7, lr;
	s5 =	simm.s32 $0xFFFFFFFF;
	p2 =	slt.u32 s8, $0xFFFFF086  }
0x1c: {  	p1 =	slt.u32 s9, $0xF7A;
	s5 =	simm.s32 @!p2 $0x0  }
0x1d: {  	s5 =	simm.s32 @p1 $0x1;
	p0 =	seq.s32 s7, s2  }
0x1e: {  	s7 =	smul.u32 @!p0 $0xF7A, s2;
	p2 =	seq.s32 @!p0 s5, $0x0  }
0x1f: {  	s9 =	smul.u32 $0xF7A, s1;
	s8 =	simm.s32 @!p0 $0x1BF5;
	p2 =	por !p2, p0  }
0x20: {  	[sflag:s8] =	ssyncset.s32 @!p0 $0xFFFFF086;
	s6 =	sadd.s32 @!p0 s3, s7;
	s7 =	simm.s32 @!p0 $0x108  }
0x21: {  	s3 =	sadd.s32 s3, s9;
	s6 =	sadd.s32 @!p0 $0x88, s6;
	s7 =	simm.s32 @p2 $0x1082  }
0x22: {  	[simem:s7], [sflag:s8] =	dma.local @!p0 [hbm:s6], $0xF7A  }
0x23: {  	s9 =	sor.u32 $0xD0000000, s2;
	s6 =	simm.s32 $0x108;
	_ =	swait.ge @!p0 [sflag:s8], $0x0  }
0x24: {  	s3 =	sadd.s32 $0x88, s3;
	s6 =	simm.s32 @!p1 $0x1082;
	[sflag:s4] =	ssyncset.s32 $0xFFFFF086  }
0x25: {  	[simem:s6], [sflag:s4] =	dma.local [hbm:s3], $0xF7A  }
0x26: {  	[smem:$0x3F99] =	sst s1;
	(tag) =	ssettag s2;
	_ =	strace s9  }
0x27: {  	s1 =	sld [smem:$0x3FA9]  }
0x28: {  	s2 =	sld [smem:$0x3FAA]  }
0x29: {  	s4 =	sld [smem:$0x3FAC]  }
0x2a: {  	p0 =	seq.s32 s5, $0x0;
	s5 =	sld [smem:$0x3FAD]  }
0x2b: {  	s6 =	sld [smem:$0x3FAE]  }
0x2c: {  	s7 =	sld [smem:$0x3FAF]  }
0x2d: {  	s3 =	simm.s32 $0x108;
	s8 =	sld [smem:$0x3FB0]  }
0x2e: {  	s3 =	simm.s32 @!p0 $0x1082;
	s9 =	sld [smem:$0x3FB1]  }
0x2f: {  	lr =	sadd.s32 s0, s3;
	s0 =	sld [smem:$0x3FA8]  }
0x30: {  	s3 =	sld [smem:$0x3FAB]  }
0x31: {  	[smem:$0x3FB4] =	sst s10  }
0x32: {  	s10 =	sld [smem:$0x3FB2];
	_ =	sdelay $0x3  }
0x33: {  	p0 =	seq.s32 s10, $0x1;
	s10 =	sld [smem:$0x3FB4];
	_ =	sdelay $0x3  }
0x34: {  	[smem:$0x3FB4] =	sst s10  }
0x35: {  	s10 =	sld [smem:$0x3FB3];
	_ =	sdelay $0x3  }
0x36: {  	p1 =	seq.s32 s10, $0x1;
	s10 =	sld [smem:$0x3FB4];
	_ =	sdelay $0x3  }
0x37: {  	[smem:$0x3FB4] =	sst s10  }
0x38: {  	s10 =	sld [smem:$0x3FB5]  }
0x39: {  	_ = 	snop;
	(pc) =	sbr.ind lr, $3  }
0x3a: {  	_ = 	snop  }
0x3b: {  	_ = 	snop  }
0x3c: {  	p2 =	seq.s32 s10, $0x1;
	s10 =	sld [smem:$0x3FB4]  }
0x3d: {  	_ =	shalt  }
0x3e: {  	_ =	shalt  }
0x3f: {  	_ =	shalt  }
0x40: {  	_ =	shalt  }
0x41: {  	_ =	shalt  }
0x42: {  	_ =	shalt  }
0x43: {  	_ =	shalt  }
0x44: {  	_ =	shalt  }
0x45: {  	_ =	shalt  }
0x46: {  	_ =	shalt  }
0x47: {  	_ =	shalt  }
0x48: {  	_ =	shalt  }
0x49: {  	_ =	shalt  }
0x4a: {  	_ =	shalt  }
0x4b: {  	_ =	shalt  }
0x4c: {  	_ =	shalt  }
0x4d: {  	_ =	shalt  }
0x4e: {  	_ =	shalt  }
0x4f: {  	_ =	shalt  }
0x50: {  	_ =	shalt  }
0x51: {  	_ =	shalt  }
0x52: {  	_ =	shalt  }
0x53: {  	_ =	shalt  }
0x54: {  	_ =	shalt  }
0x55: {  	_ =	shalt  }
0x56: {  	_ =	shalt  }
0x57: {  	_ =	shalt  }
0x58: {  	_ =	shalt  }
0x59: {  	_ =	shalt  }
0x5a: {  	_ =	shalt  }
0x5b: {  	_ =	shalt  }
0x5c: {  	_ =	shalt  }
0x5d: {  	_ =	shalt  }
0x5e: {  	_ =	shalt  }
0x5f: {  	_ =	shalt  }
0x60: {  	_ =	shalt  }
0x61: {  	_ =	shalt  }
0x62: {  	_ =	shalt  }
0x63: {  	_ =	shalt  }
0x64: {  	_ =	shalt  }
0x65: {  	_ =	shalt  }
0x66: {  	_ =	shalt  }
0x67: {  	_ =	shalt  }
0x68: {  	_ =	shalt  }
0x69: {  	_ =	shalt  }
0x6a: {  	_ =	shalt  }
0x6b: {  	_ =	shalt  }
0x6c: {  	_ =	shalt  }
0x6d: {  	_ =	shalt  }
0x6e: {  	_ =	shalt  }
0x6f: {  	_ =	shalt  }
0x70: {  	_ =	shalt  }
0x71: {  	_ =	shalt  }
0x72: {  	_ =	shalt  }
0x73: {  	_ =	shalt  }
0x74: {  	_ =	shalt  }
0x75: {  	_ =	shalt  }
0x76: {  	_ =	shalt  }
0x77: {  	_ =	shalt  }
0x78: {  	_ =	shalt  }
0x79: {  	_ =	shalt  }
0x7a: {  	_ =	shalt  }
0x7b: {  	_ =	shalt  }
0x7c: {  	_ =	shalt  }
0x7d: {  	_ =	shalt  }
0x7e: {  	_ =	shalt  }
0x7f: {  	_ =	shalt  }
0x80: {  	_ =	shalt  }
0x81: {  	_ =	shalt  }
0x82: {  	_ =	shalt  }
0x83: {  	_ =	shalt  }
0x84: {  	_ =	shalt  }
0x85: {  	_ =	shalt  }
0x86: {  	_ =	shalt  }
0x87: {  	_ =	shalt  }
.Lfunc_end0:
.L_simem_size_0:
called_computation_lowered:
.L_overlay_start_0:
0x88: {  	s2 =	sld [smem:$0x3FD9]  }
0x89: {  	s3 =	sld [smem:$0x3FFE];
	_ =	sdelay $0x1  }
0x8a: {  	s1 =	srdreg.scid  }
0x8b: {  	s0 =	sand.u32 $0x1, s1  }
0x8c: {  	s17 =	sshll.u32 s0, $0xA;
	s2 =	sadd.s32 s3, s2  }
0x8d: {  	s2 =	sadd.s32 s2, s17  }
0x8e: {  	[smem:$0x3FC0] =	sst s2  }
0x8f: {  	_ = 	snop  }
0x90: {  	s2 =	sld [smem:$0x3FD0];
	(tm) =	ssettm $0x1  }
0x91: {  	s18 =	sld [smem:$0x3FFB];
	_ =	sdelay $0x3  }
0x92: {  	_ =	strace s18  }
0x93: {  	s3 =	sld [smem:$0x3FFC];
	_ =	sdelay $0x3  }
0x94: {  	_ =	strace s3  }
0x95: {  	s3 =	sld [smem:$0x3FFD];
	_ =	sdelay $0x3  }
0x96: {  	_ =	strace s3  }
0x97: {  	_ =	strace $0x8FFFFFFF  }
0x98: {  	s19 =	sld [smem:$0x3FDB];
	_ =	sdelay $0x1  }
0x99: {  	s4 =	simm.s32 $_scs_section_size  }
0x9a: {  	s5 =	simm.s32 $_size__tile_overlayer_lowered;
	s6 =	simm.s32 $_tile_overlayer_lowered  }
0x9b: {  	s22 =	simm.s32 $0x1BFF;
	s21 =	sshll.u32 s6, $0x1;
	s3 =	sadd.s32 s4, s19  }
0x9c: {  	s7 =	simm.s32 $0x0;
	s20 =	sshll.u32 s5, $0x1;
	s5 =	sadd.s32 s21, s3  }
0x9d: {  	[timem:s7], [sflag:s22] =	dma.local [hbm:s5], s20  }
0x9e: {  	_ =	swait.ge [sflag:s22], s20  }
0x9f: {  	s4 =	ssub.s32 $0x0, s20;
	[sflag:s22] =	ssyncset.done $0x0  }
0xa0: {  	[sflag:s22] =	ssyncadd.s32 s4;
	_ =	sdelay $0x1  }
0xa1: {  	s23 =	simm.s32 $0x1B8B  }
0xa2: {  	_ =	swait.ge [sflag:s23], $0x1  }
0xa3: {  	[sflag:s23] =	ssyncset.done $0x0  }
0xa4: {  	s25 =	simm.s32 $0x1B8E;
	s24 =	sld [smem:$0x3FFE];
	[sflag:s23] =	ssyncadd.s32 $0xFFFFFFFF  }
0xa5: {  	s26 =	simm.s32 $execute0_lowered;
	[smem:$0x3FD2] =	sst s25  }
0xa6: {  	s5 =	sshll.u32 s26, $0x1;
	_ =	strace $0x80000046;
	[dreg:$0x1] =	wrdreg $0xFFFFFFFF  }
0xa7: {  	s28 =	simm.s32 $_size_execute0_lowered;
	s3 =	sadd.s32 s3, s5;
	[dreg:$0x0] =	wrdreg $0x0  }
0xa8: {  	s5 =	sshll.u32 s28, $0x1;
	[dreg:$0x2] =	wrdreg s3  }
0xa9: {  	[dreg:$0x3] =	wrdreg s5  }
0xaa: {  	[dreg:$0x4] =	wrdreg $0xC0  }
0xab: {  	_ =	task [dreg:s7], $0x5FFFF  }
0xac: {  	[dreg:$0x1] =	wrdreg $0xFFFFFFFF  }
0xad: {  	[dreg:$0x0] =	wrdreg $0x60  }
0xae: {  	[dreg:$0x2] =	wrdreg s24  }
0xaf: {  	[dreg:$0x3] =	wrdreg s2  }
0xb0: {  	[dreg:$0x4] =	wrdreg $0x58000  }
0xb1: {  	[dreg:$0x5] =	wrdreg $0x9  }
0xb2: {  	_ =	task.clear_ibuf [dreg:s7], $0x6FFFF;
	_ =	strace $0x90000046  }
0xb3: {  	s29 =	simm.s32 $0x9;
	_ =	strace $0x80000048  }
0xb4: {  	_ =	swait.ge [sflag:s29], $0x1  }
0xb5: {  	[sflag:s29] =	ssyncadd.s32 $0xFFFFFFFF  }
0xb6: {  	_ =	strace $0x90000048  }
0xb7: {  	_ =	sfence  }
0xb8: {  	s30 =	sld [smem:$0x0];
	_ =	sdelay $0x2  }
0xb9: {  	s31 =	sshll.u32 s1, $0xD;
	s1 =	sshrl.u32 s1, $0x2  }
0xba: {  	s3 =	sand.u32 $0x4000, s31;
	s1 =	sadd.s32 s1, s30  }
0xbb: {  	s0 =	sor.u32 s3, s0;
	s1 =	sshll.u32 s1, $0x11  }
0xbc: {  	s0 =	sor.u32 s1, s0  }
0xbd: {  	s0 =	sadd.s32 $0x8F2B, s0  }
0xbe: {  	[sflag:s0] =	ssyncadd.remote.s32 $0x1  }
0xbf: {  	_ =	sfence.sel $0xFFFF  }
0xc0: {  	[dreg:$0x0] =	wrdreg $0xFFFFFFFF;
	(pc) =	sbr.abs _section_cstart, $3  }
0xc1: {  	[dreg:$0x1] =	wrdreg $0xFFFFFFFF  }
0xc2: {  	_ =	task.clear_ibuf [dreg:s7], $0x2FFFF;
	_ =	strace $0x9FFFFFFF  }
0xc3: {  	(tm) =	ssettm $0x7FFFFFFF  }
tec
execute0_lowered:
.L_overlay_start_1:
0x0: {  	(tag) =	ssettag $0x1  }
0x1: {  	s0 =	rddreg [dreg:$0x0]  }
0x2: {  	s2 =	rddreg [dreg:$0x1]  }
0x3: {  	s1 =	rddreg [dreg:$0x2];
	s3 =	simm.s32 $0x0;
	s4 =	srdreg.scid  }
0x4: {  	s11 =	stileid.u32;
	[smem:$0x7FF] =	sst s3;
	s4 =	sand.u32 $0x1, s4  }
0x5: {  	s5 =	smul.u32 $0x4F0, s11;
	s6 =	sshll.u32 s11, $0x1;
	s12 =	sadd.s32 $0x3800, s0  }
0x6: {  	s8 =	sadd.s32 $0x17200, s0;
	s10 =	smul.u32 $0x2780, s11;
	_ =	strace $0x80000047  }
0x7: {  	s7 =	smul.u32 $0x4F00, s4;
	s6 =	sor.u32 s4, s6;
	[dreg:$0x5] =	wrdreg s8  }
0x8: {  	s13 =	ssub.s32 $0x2, s4;
	[dreg:$0x4] =	wrdreg s12;
	s31 =	smul.u32 $0x500, s6  }
0x9: {  	s6 =	smul.u32 $0x2710, s6;
	s9 =	sshrl.u32 s13, $0x1;
	s14 =	sadd.s32 s10, s1  }
0xa: {  	s15 =	sshrl.u32 s10, $0x3;
	s5 =	sadd.s32 s5, s7;
	s7 =	ssub.s32 s13, s9  }
0xb: {  	[dreg:$0x6] =	wrdreg s14;
	s2 =	sadd.s32 s2, s15;
	s5 =	sadd.s32 s5, s0  }
0xc: {  	s0 =	sadd.s32 s31, s0;
	[dreg:$0x7] =	wrdreg s2;
	s15 =	smax.u32 s7, $0x1  }
0xd: {  	s23 =	smul.u32 $0x4E20, s11;
	s11 =	sadd.s32 $0x21200, s0;
	[dreg:$0x1b] =	wrdreg s15  }
0xe: {  	s6 =	sshrl.u32 s6, $0x3;
	s0 =	sadd.s32 $0x2B200, s0;
	[dreg:$0x18] =	wrdreg s11  }
0xf: {  	s6 =	sadd.s32 s12, s6;
	s12 =	sadd.s32 $0x17400, s5;
	[dreg:$0x19] =	wrdreg s0  }
0x10: {  	s16 =	sadd.s32 $0x9C40, s6;
	[dreg:$0x1a] =	wrdreg s12  }
0x11: {  	s17 =	sadd.s32 $0x9C50, s6;
	[dreg:$0x8] =	wrdreg s16  }
0x12: {  	s18 =	sadd.s32 $0x9C60, s6;
	[dreg:$0x9] =	wrdreg s17  }
0x13: {  	s19 =	sadd.s32 $0x9C70, s6;
	[dreg:$0xa] =	wrdreg s18  }
0x14: {  	s20 =	sadd.s32 $0x9C80, s6;
	[dreg:$0xb] =	wrdreg s19  }
0x15: {  	s21 =	sadd.s32 $0x9C90, s6;
	[dreg:$0xc] =	wrdreg s20  }
0x16: {  	s22 =	sadd.s32 $0x9CA0, s6;
	[dreg:$0xd] =	wrdreg s21  }
0x17: {  	s24 =	sadd.s32 $0x9CB0, s6;
	[dreg:$0xe] =	wrdreg s22  }
0x18: {  	s25 =	sadd.s32 $0xA120, s6;
	[dreg:$0xf] =	wrdreg s24  }
0x19: {  	s29 =	simm.s32 $0x4F00;
	s26 =	sadd.s32 $0x480, s6;
	[dreg:$0x10] =	wrdreg s25  }
0x1a: {  	s4 =	smul.u32 $0x2710, s4;
	s30 =	sadd.s32 $0x490, s6;
	[dreg:$0x11] =	wrdreg s26  }
0x1b: {  	s28 =	simm.s32 $0xB;
	s31 =	sadd.s32 $0x4A0, s6;
	[dreg:$0x12] =	wrdreg s30  }
0x1c: {  	s14 =	sadd.s32 s4, s23;
	s4 =	sadd.s32 $0x4B0, s6;
	[dreg:$0x13] =	wrdreg s31  }
0x1d: {  	s13 =	sadd.s32 $0x4E900, s14;
	s8 =	sadd.s32 $0x4C0, s6;
	[dreg:$0x14] =	wrdreg s4  }
0x1e: {  	s23 =	sadd.s32 $0x180, s14;
	s9 =	sadd.s32 $0x4D0, s6;
	[dreg:$0x15] =	wrdreg s8  }
0x1f: {  	s15 =	simm.s32 $0x5000;
	s10 =	sadd.s32 $0x4E0, s6;
	[dreg:$0x16] =	wrdreg s9  }
0x20: {  	s0 =	sshrl.u32 s13, $0x3;
	s13 =	sshrl.u32 s14, $0x3;
	[dreg:$0x17] =	wrdreg s10  }
0x21: {  	[dreg:$0x1c] =	wrdreg s0;
	s16 =	sadd.s32 $0x380, s14;
	s17 =	sadd.s32 $0x300, s14  }
0x22: {  	s18 =	sadd.s32 $0x4E880, s14;
	s20 =	sadd.s32 $0x280, s14;
	s4 =	sadd.s32 $0x4E800, s14  }
0x23: {  	s21 =	sadd.s32 $0x200, s14;
	s22 =	sadd.s32 $0x4E780, s14;
	s24 =	sadd.s32 $0x4E700, s14  }
0x24: {  	s8 =	sshrl.u32 s23, $0x3;
	s25 =	sadd.s32 $0x100, s14;
	s26 =	sadd.s32 $0x4E680, s14  }
0x25: {  	s30 =	sadd.s32 $0x80, s14;
	s31 =	sadd.s32 $0x4E600, s14;
	s14 =	sadd.s32 $0x4E980, s14  }
0x26: {  	s23 =	simm.s32 $0x7;
	s0 =	sshrl.u32 s16, $0x3;
	s19 =	sshrl.u32 s18, $0x3  }
0x27: {  	s2 =	sshrl.u32 s20, $0x3;
	s5 =	sshrl.u32 s4, $0x3;
	s6 =	sshrl.u32 s21, $0x3  }
0x28: {  	s7 =	sshrl.u32 s22, $0x3;
	s9 =	sshrl.u32 s24, $0x3;
	s10 =	sshrl.u32 s25, $0x3  }
0x29: {  	s11 =	sshrl.u32 s26, $0x3;
	s4 =	sshrl.u32 s30, $0x3;
	s12 =	sshrl.u32 s31, $0x3  }
0x2a: {  	s14 =	sshrl.u32 s14, $0x3;
	s18 =	simm.s32 $0x2800;
	s20 =	simm.s32 $0x80  }
0x2b: {  	s21 =	simm.s32 $0x5;
	s22 =	simm.s32 $0x6;
	s24 =	simm.s32 $0x8  }
0x2c: {  	s25 =	simm.s32 $0x9;
	s26 =	simm.s32 $0xA;
	[dreg:$0x1d] =	wrdreg s0  }
0x2d: {  	s16 =	simm.s32 $0x0;
	s0 =	sshrl.u32 s17, $0x3;
	[dreg:$0x1f] =	wrdreg s19  }
0x2e: {  	v0 =	vimm.s32 $0x0;
	v1 =	vimm.s32 $0x2710;
	s17 =	simm.s32 $0xC;
	s19 =	simm.s32 $0x4;
	[dreg:$0x1e] =	wrdreg s0  }
.LBB2_1:
0x2f: {  	[smem:$0x7FB] =	sst s16  }
0x30: {  	s0 =	rddreg [dreg:$0x5]  }
0x31: {  	[tilespmem:s15], [sflag:$0xC] =	stream.linear.gather [hbm4b:s0+s3], $0x800, $0x38;
	[tilespmem:$0x7F80] =	vst v63  }
0x32: {  	s31 =	stileid.u32;
	_ =	swait.ge [sflag:s17], $0x800  }
0x33: {  	s0 =	sshll.u32 s31, $0x6;
	s30 =	rddreg [dreg:$0x6]  }
0x34: {  	s16 =	sor.u32 $0x1C0C, s0;
	s31 =	rddreg [dreg:$0x7]  }
0x35: {  	[sflag:s17] =	ssyncset.done $0x0;
	[smem:$0x7FC] =	sst s16;
	s30 =	sshrl.u32 s30, $0x3  }
0x36: {  	[sflag:s17] =	ssyncadd.s32 $0xFFFFF800;
	[smem:$0x7FD] =	sst s30  }
0x37: {  	[spmem:s30], [sflag:s16] =	dma.local [hbm:s31], $0x4F0  }
0x38: {  	_ =	swait.ge [sflag:s17], $0x4F0  }
0x39: {  	[sflag:s17] =	ssyncset.done $0x0  }
0x3a: {  	[sflag:s17] =	ssyncadd.s32 $0xFFFFFB10  }
0x3b: {  	[tilespmem:$0x2710] =	vst v0  }
0x3c: {  	[tilespmem:$0x4F10] =	vst v1  }
0x3d: {  	[tilespmem:$0x2720] =	vst v0  }
0x3e: {  	[tilespmem:$0x4F20] =	vst v1  }
0x3f: {  	[tilespmem:$0x2730] =	vst v0  }
0x40: {  	[tilespmem:$0x4F30] =	vst v1  }
0x41: {  	[tilespmem:$0x2740] =	vst v0  }
0x42: {  	[tilespmem:$0x4F40] =	vst v1  }
0x43: {  	[tilespmem:$0x2750] =	vst v0  }
0x44: {  	[tilespmem:$0x4F50] =	vst v1  }
0x45: {  	[tilespmem:$0x2760] =	vst v0  }
0x46: {  	[tilespmem:$0x4F60] =	vst v1  }
0x47: {  	[tilespmem:$0x2770] =	vst v0  }
0x48: {  	[tilespmem:$0x4F70] =	vst v1  }
0x49: {  	[tilespmem:$0x2780] =	vst v0  }
0x4a: {  	[tilespmem:$0x4F80] =	vst v1  }
0x4b: {  	[tilespmem:$0x2790] =	vst v0  }
0x4c: {  	[tilespmem:$0x4F90] =	vst v1  }
0x4d: {  	[tilespmem:$0x27A0] =	vst v0  }
0x4e: {  	[tilespmem:$0x4FA0] =	vst v1  }
0x4f: {  	[tilespmem:$0x27B0] =	vst v0  }
0x50: {  	[tilespmem:$0x4FB0] =	vst v1  }
0x51: {  	[tilespmem:$0x27C0] =	vst v0  }
0x52: {  	[tilespmem:$0x4FC0] =	vst v1  }
0x53: {  	[tilespmem:$0x27D0] =	vst v0  }
0x54: {  	[tilespmem:$0x4FD0] =	vst v1  }
0x55: {  	[tilespmem:$0x27E0] =	vst v0  }
0x56: {  	[tilespmem:$0x4FE0] =	vst v1  }
0x57: {  	[tilespmem:$0x27F0] =	vst v0  }
0x58: {  	s17 =	rddreg [dreg:$0x8];
	[tilespmem:$0x4FF0] =	vst v1  }
0x59: {  	[tilespmem:s18], [sflag:$0x4] =	stream.linear.gather [hbm4b:s17+s3], $0x80, $0x38;
	[tilespmem:$0x7F80] =	vst v63  }
0x5a: {  	s31 =	simm.s32 $0x2880;
	s30 =	rddreg [dreg:$0x9]  }
0x5b: {  	[tilespmem:s31], [sflag:$0x5] =	stream.linear.gather [hbm4b:s30+s3], $0x80, $0x38;
	[tilespmem:$0x7F80] =	vst v63  }
0x5c: {  	s17 =	rddreg [dreg:$0xa];
	s18 =	simm.s32 $0x2900  }
0x5d: {  	[tilespmem:s18], [sflag:$0x6] =	stream.linear.gather [hbm4b:s17+s3], $0x80, $0x38;
	[tilespmem:$0x7F80] =	vst v63  }
0x5e: {  	s30 =	rddreg [dreg:$0xb];
	s31 =	simm.s32 $0x2980  }
0x5f: {  	[tilespmem:s31], [sflag:$0x7] =	stream.linear.gather [hbm4b:s30+s3], $0x80, $0x38;
	[tilespmem:$0x7F80] =	vst v63  }
0x60: {  	s17 =	rddreg [dreg:$0xc];
	s18 =	simm.s32 $0x2A00  }
0x61: {  	[tilespmem:s18], [sflag:$0x8] =	stream.linear.gather [hbm4b:s17+s3], $0x80, $0x38;
	[tilespmem:$0x7F80] =	vst v63  }
0x62: {  	s30 =	rddreg [dreg:$0xd];
	s31 =	simm.s32 $0x2A80  }
0x63: {  	[tilespmem:s31], [sflag:$0x9] =	stream.linear.gather [hbm4b:s30+s3], $0x80, $0x38;
	[tilespmem:$0x7F80] =	vst v63  }
0x64: {  	s16 =	rddreg [dreg:$0xe];
	s17 =	simm.s32 $0x2B00  }
0x65: {  	[tilespmem:s17], [sflag:$0xA] =	stream.linear.gather [hbm4b:s16+s3], $0x80, $0x38;
	[tilespmem:$0x7F80] =	vst v63  }
0x66: {  	s18 =	rddreg [dreg:$0xf];
	s30 =	simm.s32 $0x2B80  }
0x67: {  	[tilespmem:s30], [sflag:$0xB] =	stream.linear.gather [hbm4b:s18+s3], $0x80, $0x38;
	[tilespmem:$0x7F80] =	vst v63  }
0x68: {  	s31 =	rddreg [dreg:$0x10]  }
0x69: {  	[tilespmem:s29], [sflag:$0x2] =	stream.linear.gather [hbm4b:s31+s3], $0x10, $0x38;
	[tilespmem:$0x7F80] =	vst v63  }
0x6a: {  	[bflag:$0x0] =	sbarrier.arrive $0xFFFF  }
0x6b: {  	s29 =	simm.s32 $0x0;
	s16 =	rddreg [dreg:$0x4]  }
.LBB2_2:
0x6c: {  	_ =	swait.ge [sflag:s19], $0x80  }
0x6d: {  	s18 =	sshra.s32 s29, $0x2;
	p0 =	seq.s32 s29, $0x0;
	[sflag:s19] =	ssyncset.done $0x0  }
0x6e: {  	s17 =	sadd.s32 $0x2800, s18;
	s30 =	simm.s32 @!p0 $0x3;
	[sflag:s19] =	ssyncadd.s32 $0xFFFFFF80  }
0x6f: {  	[spmem:s1] =	stream.indirect.scatter.add.f32 [tilespmem:s15], [sflag:$0x3], $0x10, s17, s20, $0xb8;
	[tilespmem:$0x7F80] =	vst v63  }
0x70: {  	_ =	swait.ge @!p0 [sflag:s30], $0x800  }
0x71: {  	[sflag:s30] =	ssyncset.done @!p0 $0x0  }
0x72: {  	s31 =	sadd.s32 s16, s12;
	s0 =	sadd.s32 $0x2C00, s18;
	[sflag:s30] =	ssyncadd.s32 @!p0 $0xFFFFF800  }
0x73: {  	[tilespmem:s0], [sflag:$0x4] =	stream.linear.gather [hbm4b:s31+s3], $0x80, $0x38;
	[tilespmem:$0x7F80] =	vst v63  }
0x74: {  	s17 =	simm.s32 @!p0 $0x1;
	s31 =	sadd.s32 s16, s13  }
0x75: {  	[tilespmem:s18], [sflag:$0x1] =	stream.linear.gather [hbm4b:s31+s3], $0x80, $0x38;
	[tilespmem:$0x7F80] =	vst v63  }
0x76: {  	_ =	swait.ge @!p0 [sflag:s17], $0x80  }
0x77: {  	[sflag:s17] =	ssyncset.done @!p0 $0x0  }
0x78: {  	[sflag:s17] =	ssyncadd.s32 @!p0 $0xFFFFFF80  }
0x79: {  	_ =	swait.ge [sflag:s21], $0x80  }
0x7a: {  	[sflag:s21] =	ssyncset.done $0x0  }
0x7b: {  	s0 =	sadd.s32 $0x2880, s18;
	[sflag:s21] =	ssyncadd.s32 $0xFFFFFF80  }
0x7c: {  	[spmem:s1] =	stream.indirect.scatter.add.f32 [tilespmem:s15], [sflag:$0x3], $0x10, s0, s20, $0xb8;
	[tilespmem:$0x7F80] =	vst v63  }
0x7d: {  	_ =	swait.ge @!p0 [sflag:s30], $0x800  }
0x7e: {  	[sflag:s30] =	ssyncset.done @!p0 $0x0  }
0x7f: {  	s31 =	sadd.s32 $0x2C80, s18;
	s0 =	sadd.s32 s16, s11;
	[sflag:s30] =	ssyncadd.s32 @!p0 $0xFFFFF800  }
0x80: {  	[tilespmem:s31], [sflag:$0x5] =	stream.linear.gather [hbm4b:s0+s3], $0x80, $0x38;
	[tilespmem:$0x7F80] =	vst v63  }
0x81: {  	s0 =	sadd.s32 $0x80, s18;
	s31 =	sadd.s32 s16, s4  }
0x82: {  	[tilespmem:s0], [sflag:$0x1] =	stream.linear.gather [hbm4b:s31+s3], $0x80, $0x38;
	[tilespmem:$0x7F80] =	vst v63  }
0x83: {  	_ =	swait.ge @!p0 [sflag:s17], $0x80  }
0x84: {  	[sflag:s17] =	ssyncset.done @!p0 $0x0  }
0x85: {  	[sflag:s17] =	ssyncadd.s32 @!p0 $0xFFFFFF80  }
0x86: {  	_ =	swait.ge [sflag:s22], $0x80  }
0x87: {  	[sflag:s22] =	ssyncset.done $0x0  }
0x88: {  	s31 =	sadd.s32 $0x2900, s18;
	[sflag:s22] =	ssyncadd.s32 $0xFFFFFF80  }
0x89: {  	[spmem:s1] =	stream.indirect.scatter.add.f32 [tilespmem:s15], [sflag:$0x3], $0x10, s31, s20, $0xb8;
	[tilespmem:$0x7F80] =	vst v63  }
0x8a: {  	_ =	swait.ge @!p0 [sflag:s30], $0x800  }
0x8b: {  	[sflag:s30] =	ssyncset.done @!p0 $0x0  }
0x8c: {  	s0 =	sadd.s32 $0x2D00, s18;
	s31 =	sadd.s32 s16, s9;
	[sflag:s30] =	ssyncadd.s32 @!p0 $0xFFFFF800  }
0x8d: {  	[tilespmem:s0], [sflag:$0x6] =	stream.linear.gather [hbm4b:s31+s3], $0x80, $0x38;
	[tilespmem:$0x7F80] =	vst v63  }
0x8e: {  	s0 =	sadd.s32 $0x100, s18;
	s31 =	sadd.s32 s16, s10  }
0x8f: {  	[tilespmem:s0], [sflag:$0x1] =	stream.linear.gather [hbm4b:s31+s3], $0x80, $0x38;
	[tilespmem:$0x7F80] =	vst v63  }
0x90: {  	_ =	swait.ge @!p0 [sflag:s17], $0x80  }
0x91: {  	[sflag:s17] =	ssyncset.done @!p0 $0x0  }
0x92: {  	[sflag:s17] =	ssyncadd.s32 @!p0 $0xFFFFFF80  }
0x93: {  	_ =	swait.ge [sflag:s23], $0x80  }
0x94: {  	[sflag:s23] =	ssyncset.done $0x0  }
0x95: {  	s31 =	sadd.s32 $0x2980, s18;
	[sflag:s23] =	ssyncadd.s32 $0xFFFFFF80  }
0x96: {  	[spmem:s1] =	stream.indirect.scatter.add.f32 [tilespmem:s15], [sflag:$0x3], $0x10, s31, s20, $0xb8;
	[tilespmem:$0x7F80] =	vst v63  }
0x97: {  	_ =	swait.ge @!p0 [sflag:s30], $0x800  }
0x98: {  	[sflag:s30] =	ssyncset.done @!p0 $0x0  }
0x99: {  	s0 =	sadd.s32 $0x2D80, s18;
	s31 =	sadd.s32 s16, s7;
	[sflag:s30] =	ssyncadd.s32 @!p0 $0xFFFFF800  }
0x9a: {  	[tilespmem:s0], [sflag:$0x7] =	stream.linear.gather [hbm4b:s31+s3], $0x80, $0x38;
	[tilespmem:$0x7F80] =	vst v63  }
0x9b: {  	s0 =	sadd.s32 $0x180, s18;
	s31 =	sadd.s32 s16, s8  }
0x9c: {  	[tilespmem:s0], [sflag:$0x1] =	stream.linear.gather [hbm4b:s31+s3], $0x80, $0x38;
	[tilespmem:$0x7F80] =	vst v63  }
0x9d: {  	_ =	swait.ge @!p0 [sflag:s17], $0x80  }
0x9e: {  	[sflag:s17] =	ssyncset.done @!p0 $0x0  }
0x9f: {  	[sflag:s17] =	ssyncadd.s32 @!p0 $0xFFFFFF80  }
0xa0: {  	_ =	swait.ge [sflag:s24], $0x80  }
0xa1: {  	[sflag:s24] =	ssyncset.done $0x0  }
0xa2: {  	s31 =	sadd.s32 $0x2A00, s18;
	[sflag:s24] =	ssyncadd.s32 $0xFFFFFF80  }
0xa3: {  	[spmem:s1] =	stream.indirect.scatter.add.f32 [tilespmem:s15], [sflag:$0x3], $0x10, s31, s20, $0xb8;
	[tilespmem:$0x7F80] =	vst v63  }
0xa4: {  	_ =	swait.ge @!p0 [sflag:s30], $0x800  }
0xa5: {  	[sflag:s30] =	ssyncset.done @!p0 $0x0  }
0xa6: {  	s0 =	sadd.s32 $0x2E00, s18;
	s31 =	sadd.s32 s16, s5;
	[sflag:s30] =	ssyncadd.s32 @!p0 $0xFFFFF800  }
0xa7: {  	[tilespmem:s0], [sflag:$0x8] =	stream.linear.gather [hbm4b:s31+s3], $0x80, $0x38;
	[tilespmem:$0x7F80] =	vst v63  }
0xa8: {  	s0 =	sadd.s32 $0x200, s18;
	s31 =	sadd.s32 s16, s6  }
0xa9: {  	[tilespmem:s0], [sflag:$0x1] =	stream.linear.gather [hbm4b:s31+s3], $0x80, $0x38;
	[tilespmem:$0x7F80] =	vst v63  }
0xaa: {  	_ =	swait.ge @!p0 [sflag:s17], $0x80  }
0xab: {  	[sflag:s17] =	ssyncset.done @!p0 $0x0  }
0xac: {  	[sflag:s17] =	ssyncadd.s32 @!p0 $0xFFFFFF80  }
0xad: {  	_ =	swait.ge [sflag:s25], $0x80  }
0xae: {  	[sflag:s25] =	ssyncset.done $0x0  }
0xaf: {  	s31 =	sadd.s32 $0x2A80, s18;
	[sflag:s25] =	ssyncadd.s32 $0xFFFFFF80  }
0xb0: {  	[spmem:s1] =	stream.indirect.scatter.add.f32 [tilespmem:s15], [sflag:$0x3], $0x10, s31, s20, $0xb8;
	[tilespmem:$0x7F80] =	vst v63  }
0xb1: {  	_ =	swait.ge @!p0 [sflag:s30], $0x800  }
0xb2: {  	[sflag:s30] =	ssyncset.done @!p0 $0x0;
	s31 =	rddreg [dreg:$0x1f]  }
0xb3: {  	s0 =	sadd.s32 $0x2E80, s18;
	[sflag:s30] =	ssyncadd.s32 @!p0 $0xFFFFF800;
	s31 =	sadd.s32 s16, s31  }
0xb4: {  	[tilespmem:s0], [sflag:$0x9] =	stream.linear.gather [hbm4b:s31+s3], $0x80, $0x38;
	[tilespmem:$0x7F80] =	vst v63  }
0xb5: {  	s0 =	sadd.s32 $0x280, s18;
	s31 =	sadd.s32 s16, s2  }
0xb6: {  	[tilespmem:s0], [sflag:$0x1] =	stream.linear.gather [hbm4b:s31+s3], $0x80, $0x38;
	[tilespmem:$0x7F80] =	vst v63  }
0xb7: {  	_ =	swait.ge @!p0 [sflag:s17], $0x80  }
0xb8: {  	[sflag:s17] =	ssyncset.done @!p0 $0x0  }
0xb9: {  	[sflag:s17] =	ssyncadd.s32 @!p0 $0xFFFFFF80  }
0xba: {  	_ =	swait.ge [sflag:s26], $0x80  }
0xbb: {  	[sflag:s26] =	ssyncset.done $0x0  }
0xbc: {  	p1 =	seq.s32 @!p0 s29, $0x8000;
	s31 =	sadd.s32 $0x2B00, s18;
	[sflag:s26] =	ssyncadd.s32 $0xFFFFFF80  }
0xbd: {  	[spmem:s1] =	stream.indirect.scatter.add.f32 [tilespmem:s15], [sflag:$0x3], $0x10, s31, s20, $0xb8;
	[tilespmem:$0x7F80] =	vst v63  }
0xbe: {  	p2 =	por p0, !p1;
	_ =	swait.ge @!p0 [sflag:s30], $0x800  }
0xbf: {  	[sflag:s30] =	ssyncset.done @!p0 $0x0;
	s31 =	rddreg @p2 [dreg:$0x1c]  }
0xc0: {  	s0 =	sadd.s32 @p2 $0x2F00, s18;
	[sflag:s30] =	ssyncadd.s32 @!p0 $0xFFFFF800;
	s31 =	sadd.s32 @p2 s16, s31  }
0xc1: {  	[tilespmem:s0], [sflag:$0xA] =	stream.linear.gather @p2 [hbm4b:s31+s3], $0x80, $0x38;
	[tilespmem:$0x7F80] =	vst v63  }
0xc2: {  	s31 =	rddreg [dreg:$0x1e]  }
0xc3: {  	s0 =	sadd.s32 $0x300, s18;
	s31 =	sadd.s32 s16, s31  }
0xc4: {  	[tilespmem:s0], [sflag:$0x1] =	stream.linear.gather [hbm4b:s31+s3], $0x80, $0x38;
	[tilespmem:$0x7F80] =	vst v63  }
0xc5: {  	_ =	swait.ge @!p0 [sflag:s17], $0x80  }
0xc6: {  	[sflag:s17] =	ssyncset.done @!p0 $0x0  }
0xc7: {  	[sflag:s17] =	ssyncadd.s32 @!p0 $0xFFFFFF80  }
0xc8: {  	_ =	swait.ge [sflag:s28], $0x80  }
0xc9: {  	p1 =	por @!p0 $0x1, $0x1;
	[sflag:s28] =	ssyncset.done $0x0  }
0xca: {  	p1 =	por @p2 $0x0, $0x0;
	s31 =	sadd.s32 $0x2B80, s18;
	[sflag:s28] =	ssyncadd.s32 $0xFFFFFF80  }
0xcb: {  	[spmem:s1] =	stream.indirect.scatter.add.f32 [tilespmem:s15], [sflag:$0x3], $0x10, s31, s20, $0xb8;
	[tilespmem:$0x7F80] =	vst v63  }
0xcc: {  	s0 =	sshra.s32 @!p1 s29, $0x2;
	_ =	swait.ge @!p0 [sflag:s30], $0x800  }
0xcd: {  	s29 =	sadd.s32 $0x1000, s29;
	s0 =	sadd.s32 @!p1 $0x2F80, s0;
	[sflag:s30] =	ssyncset.done @!p0 $0x0  }
0xce: {  	s31 =	simm.s32 @!p1 $0x0;
	[sflag:s30] =	ssyncadd.s32 @!p0 $0xFFFFF800;
	s30 =	sadd.s32 @!p1 s16, s14  }
0xcf: {  	[tilespmem:s0], [sflag:$0xB] =	stream.linear.gather @!p1 [hbm4b:s30+s31], $0x80, $0x38;
	[tilespmem:$0x7F80] =	vst v63  }
0xd0: {  	s31 =	rddreg [dreg:$0x1d];
	p1 =	sne.s32 s29, $0x9000  }
.Ltmp0:
0xd1: {  	s30 =	sadd.s32 $0x380, s18;
	s18 =	sadd.s32 s16, s31;
	(pc) =	sbr.rel @p1 .LBB2_2-.Ltmp0, $4  }
0xd2: {  	[tilespmem:s30], [sflag:$0x1] =	stream.linear.gather [hbm4b:s18+s3], $0x80, $0x38;
	[tilespmem:$0x7F80] =	vst v63  }
0xd3: {  	_ =	swait.ge @!p0 [sflag:s17], $0x80  }
0xd4: {  	[sflag:s17] =	ssyncset.done @!p0 $0x0  }
0xd5: {  	s16 =	sadd.s32 $0x80, s16;
	[sflag:s17] =	ssyncadd.s32 @!p0 $0xFFFFFF80  }
0xd6: {  	_ =	swait.ge [sflag:s19], $0x80  }
0xd7: {  	[sflag:s19] =	ssyncset.done $0x0  }
0xd8: {  	s0 =	simm.s32 $0x4C00;
	s16 =	simm.s32 $0x3;
	[sflag:s19] =	ssyncadd.s32 $0xFFFFFF80  }
0xd9: {  	[spmem:s1] =	stream.indirect.scatter.add.f32 [tilespmem:s15], [sflag:$0x3], $0x10, s0, s20, $0xb8;
	[tilespmem:$0x7F80] =	vst v63  }
0xda: {  	_ =	swait.ge [sflag:s16], $0x800  }
0xdb: {  	s17 =	simm.s32 $0x2400;
	[sflag:s16] =	ssyncset.done $0x0  }
0xdc: {  	s18 =	simm.s32 $0x1;
	s30 =	rddreg [dreg:$0x11];
	[sflag:s16] =	ssyncadd.s32 $0xFFFFF800  }
0xdd: {  	[tilespmem:s17], [sflag:$0x1] =	stream.linear.gather [hbm4b:s30+s3], $0x80, $0x38;
	[tilespmem:$0x7F80] =	vst v63  }
0xde: {  	_ =	swait.ge [sflag:s18], $0x80  }
0xdf: {  	[sflag:s18] =	ssyncset.done $0x0  }
0xe0: {  	[sflag:s18] =	ssyncadd.s32 $0xFFFFFF80  }
0xe1: {  	_ =	swait.ge [sflag:s21], $0x80  }
0xe2: {  	[sflag:s21] =	ssyncset.done $0x0  }
0xe3: {  	s31 =	simm.s32 $0x4C80;
	[sflag:s21] =	ssyncadd.s32 $0xFFFFFF80  }
0xe4: {  	[spmem:s1] =	stream.indirect.scatter.add.f32 [tilespmem:s15], [sflag:$0x3], $0x10, s31, s20, $0xb8;
	[tilespmem:$0x7F80] =	vst v63  }
0xe5: {  	_ =	swait.ge [sflag:s16], $0x800  }
0xe6: {  	[sflag:s16] =	ssyncset.done $0x0  }
0xe7: {  	s30 =	simm.s32 $0x2480;
	s17 =	rddreg [dreg:$0x12];
	[sflag:s16] =	ssyncadd.s32 $0xFFFFF800  }
0xe8: {  	[tilespmem:s30], [sflag:$0x1] =	stream.linear.gather [hbm4b:s17+s3], $0x80, $0x38;
	[tilespmem:$0x7F80] =	vst v63  }
0xe9: {  	_ =	swait.ge [sflag:s18], $0x80  }
0xea: {  	[sflag:s18] =	ssyncset.done $0x0  }
0xeb: {  	[sflag:s18] =	ssyncadd.s32 $0xFFFFFF80  }
0xec: {  	_ =	swait.ge [sflag:s22], $0x80  }
0xed: {  	[sflag:s22] =	ssyncset.done $0x0  }
0xee: {  	s31 =	simm.s32 $0x4D00;
	[sflag:s22] =	ssyncadd.s32 $0xFFFFFF80  }
0xef: {  	[spmem:s1] =	stream.indirect.scatter.add.f32 [tilespmem:s15], [sflag:$0x3], $0x10, s31, s20, $0xb8;
	[tilespmem:$0x7F80] =	vst v63  }
0xf0: {  	_ =	swait.ge [sflag:s16], $0x800  }
0xf1: {  	[sflag:s16] =	ssyncset.done $0x0  }
0xf2: {  	s30 =	simm.s32 $0x2500;
	s17 =	rddreg [dreg:$0x13];
	[sflag:s16] =	ssyncadd.s32 $0xFFFFF800  }
0xf3: {  	[tilespmem:s30], [sflag:$0x1] =	stream.linear.gather [hbm4b:s17+s3], $0x80, $0x38;
	[tilespmem:$0x7F80] =	vst v63  }
0xf4: {  	_ =	swait.ge [sflag:s18], $0x80  }
0xf5: {  	[sflag:s18] =	ssyncset.done $0x0  }
0xf6: {  	[sflag:s18] =	ssyncadd.s32 $0xFFFFFF80  }
0xf7: {  	_ =	swait.ge [sflag:s23], $0x80  }
0xf8: {  	[sflag:s23] =	ssyncset.done $0x0  }
0xf9: {  	s31 =	simm.s32 $0x4D80;
	[sflag:s23] =	ssyncadd.s32 $0xFFFFFF80  }
0xfa: {  	[spmem:s1] =	stream.indirect.scatter.add.f32 [tilespmem:s15], [sflag:$0x3], $0x10, s31, s20, $0xb8;
	[tilespmem:$0x7F80] =	vst v63  }
0xfb: {  	_ =	swait.ge [sflag:s16], $0x800  }
0xfc: {  	[sflag:s16] =	ssyncset.done $0x0  }
0xfd: {  	s30 =	simm.s32 $0x2580;
	s17 =	rddreg [dreg:$0x14];
	[sflag:s16] =	ssyncadd.s32 $0xFFFFF800  }
0xfe: {  	[tilespmem:s30], [sflag:$0x1] =	stream.linear.gather [hbm4b:s17+s3], $0x80, $0x38;
	[tilespmem:$0x7F80] =	vst v63  }
0xff: {  	_ =	swait.ge [sflag:s18], $0x80  }
0x100: {  	[sflag:s18] =	ssyncset.done $0x0  }
0x101: {  	[sflag:s18] =	ssyncadd.s32 $0xFFFFFF80  }
0x102: {  	_ =	swait.ge [sflag:s24], $0x80  }
0x103: {  	[sflag:s24] =	ssyncset.done $0x0  }
0x104: {  	s31 =	simm.s32 $0x4E00;
	[sflag:s24] =	ssyncadd.s32 $0xFFFFFF80  }
0x105: {  	[spmem:s1] =	stream.indirect.scatter.add.f32 [tilespmem:s15], [sflag:$0x3], $0x10, s31, s20, $0xb8;
	[tilespmem:$0x7F80] =	vst v63  }
0x106: {  	_ =	swait.ge [sflag:s16], $0x800  }
0x107: {  	[sflag:s16] =	ssyncset.done $0x0  }
0x108: {  	s30 =	simm.s32 $0x2600;
	s17 =	rddreg [dreg:$0x15];
	[sflag:s16] =	ssyncadd.s32 $0xFFFFF800  }
0x109: {  	[tilespmem:s30], [sflag:$0x1] =	stream.linear.gather [hbm4b:s17+s3], $0x80, $0x38;
	[tilespmem:$0x7F80] =	vst v63  }
0x10a: {  	_ =	swait.ge [sflag:s18], $0x80  }
0x10b: {  	[sflag:s18] =	ssyncset.done $0x0  }
0x10c: {  	[sflag:s18] =	ssyncadd.s32 $0xFFFFFF80  }
0x10d: {  	_ =	swait.ge [sflag:s25], $0x80  }
0x10e: {  	[sflag:s25] =	ssyncset.done $0x0  }
0x10f: {  	s31 =	simm.s32 $0x4E80;
	[sflag:s25] =	ssyncadd.s32 $0xFFFFFF80  }
0x110: {  	[spmem:s1] =	stream.indirect.scatter.add.f32 [tilespmem:s15], [sflag:$0x3], $0x10, s31, s20, $0xb8;
	[tilespmem:$0x7F80] =	vst v63  }
0x111: {  	_ =	swait.ge [sflag:s16], $0x800  }
0x112: {  	[sflag:s16] =	ssyncset.done $0x0  }
0x113: {  	s30 =	simm.s32 $0x2680;
	s17 =	rddreg [dreg:$0x16];
	[sflag:s16] =	ssyncadd.s32 $0xFFFFF800  }
0x114: {  	[tilespmem:s30], [sflag:$0x1] =	stream.linear.gather [hbm4b:s17+s3], $0x80, $0x38;
	[tilespmem:$0x7F80] =	vst v63  }
0x115: {  	_ =	swait.ge [sflag:s18], $0x80  }
0x116: {  	[sflag:s18] =	ssyncset.done $0x0  }
0x117: {  	s31 =	simm.s32 $0x2;
	[sflag:s18] =	ssyncadd.s32 $0xFFFFFF80  }
0x118: {  	_ =	swait.ge [sflag:s31], $0x10  }
0x119: {  	[sflag:s31] =	ssyncset.done $0x0  }
0x11a: {  	s29 =	simm.s32 $0x4F00;
	[sflag:s31] =	ssyncadd.s32 $0xFFFFFFF0  }
0x11b: {  	[spmem:s1] =	stream.indirect.scatter.add.f32 [tilespmem:s15], [sflag:$0x3], $0x10, s29, s20, $0xb8;
	[tilespmem:$0x7F80] =	vst v63  }
0x11c: {  	_ =	swait.ge [sflag:s16], $0x800  }
0x11d: {  	[sflag:s16] =	ssyncset.done $0x0  }
0x11e: {  	s17 =	simm.s32 $0x4F80;
	[sflag:s16] =	ssyncadd.s32 $0xFFFFF800  }
0x11f: {  	[spmem:s1] =	stream.indirect.scatter.add.f32 [tilespmem:s15], [sflag:$0x3], $0x10, s17, s20, $0xb8;
	[tilespmem:$0x7F80] =	vst v63  }
0x120: {  	_ =	swait.ge [sflag:s16], $0x800  }
0x121: {  	s31 =	simm.s32 $0x2700;
	[sflag:s16] =	ssyncset.done $0x0  }
0x122: {  	s17 =	simm.s32 $0xC;
	s30 =	rddreg [dreg:$0x17];
	[sflag:s16] =	ssyncadd.s32 $0xFFFFF800  }
0x123: {  	[tilespmem:s31], [sflag:$0xC] =	stream.linear.gather [hbm4b:s30+s3], $0x10, $0x38;
	[tilespmem:$0x7F80] =	vst v63  }
0x124: {  	_ =	swait.ge [sflag:s17], $0x10  }
0x125: {  	[sflag:s17] =	ssyncset.done $0x0  }
0x126: {  	[sflag:s17] =	ssyncadd.s32 $0xFFFFFFF0  }
0x127: {  	_ =	swait.ge [sflag:s18], $0x80  }
0x128: {  	[sflag:s18] =	ssyncset.done $0x0  }
0x129: {  	[sflag:s18] =	ssyncadd.s32 $0xFFFFFF80  }
0x12a: {  	_ =	swait.ge [sflag:s18], $0x80  }
0x12b: {  	[sflag:s18] =	ssyncset.done $0x0  }
0x12c: {  	[sflag:s18] =	ssyncadd.s32 $0xFFFFFF80  }
0x12d: {  	_ =	swait.ge [sflag:s18], $0x80  }
0x12e: {  	[sflag:s18] =	ssyncset.done $0x0  }
0x12f: {  	[sflag:s18] =	ssyncadd.s32 $0xFFFFFF80  }
0x130: {  	_ =	swait.ge [sflag:s18], $0x80  }
0x131: {  	[sflag:s18] =	ssyncset.done $0x0  }
0x132: {  	[sflag:s18] =	ssyncadd.s32 $0xFFFFFF80  }
0x133: {  	_ =	swait.ge [sflag:s18], $0x80  }
0x134: {  	[sflag:s18] =	ssyncset.done $0x0  }
0x135: {  	[sflag:s18] =	ssyncadd.s32 $0xFFFFFF80  }
0x136: {  	_ =	swait.ge [sflag:s18], $0x80  }
0x137: {  	[sflag:s18] =	ssyncset.done $0x0  }
0x138: {  	[sflag:s18] =	ssyncadd.s32 $0xFFFFFF80  }
0x139: {  	_ =	swait.ge [sflag:s18], $0x80  }
0x13a: {  	[sflag:s18] =	ssyncset.done $0x0  }
0x13b: {  	[sflag:s18] =	ssyncadd.s32 $0xFFFFFF80  }
0x13c: {  	_ =	swait.ge [sflag:s18], $0x80  }
0x13d: {  	[sflag:s18] =	ssyncset.done $0x0  }
0x13e: {  	[sflag:s18] =	ssyncadd.s32 $0xFFFFFF80  }
0x13f: {  	_ =	swait.ge [sflag:s16], $0x800  }
0x140: {  	[sflag:s16] =	ssyncset.done $0x0  }
0x141: {  	[sflag:s16] =	ssyncadd.s32 $0xFFFFF800  }
0x142: {  	_ =	swait.ge [sflag:s16], $0x800  }
0x143: {  	[sflag:s16] =	ssyncset.done $0x0  }
0x144: {  	[sflag:s16] =	ssyncadd.s32 $0xFFFFF800  }
0x145: {  	_ =	swait.ge [sflag:s16], $0x800  }
0x146: {  	[sflag:s16] =	ssyncset.done $0x0  }
0x147: {  	[sflag:s16] =	ssyncadd.s32 $0xFFFFF800  }
0x148: {  	_ =	swait.ge [sflag:s16], $0x800  }
0x149: {  	[sflag:s16] =	ssyncset.done $0x0  }
0x14a: {  	[sflag:s16] =	ssyncadd.s32 $0xFFFFF800  }
0x14b: {  	_ =	swait.ge [sflag:s16], $0x800  }
0x14c: {  	[sflag:s16] =	ssyncset.done $0x0  }
0x14d: {  	[sflag:s16] =	ssyncadd.s32 $0xFFFFF800  }
0x14e: {  	_ =	swait.ge [sflag:s16], $0x800  }
0x14f: {  	[sflag:s16] =	ssyncset.done $0x0  }
0x150: {  	[sflag:s16] =	ssyncadd.s32 $0xFFFFF800  }
0x151: {  	_ =	swait.ge [sflag:s16], $0x800  }
0x152: {  	[sflag:s16] =	ssyncset.done $0x0  }
0x153: {  	[sflag:s16] =	ssyncadd.s32 $0xFFFFF800  }
0x154: {  	_ =	swait.ge [sflag:s16], $0x800  }
0x155: {  	[sflag:s16] =	ssyncset.done $0x0  }
0x156: {  	s30 =	rddreg [dreg:$0x18];
	[sflag:s16] =	ssyncadd.s32 $0xFFFFF800  }
0x157: {  	[hbm4b:s30+s3] =	stream.linear.scatter [tilespmem:s3], [sflag:$0xC], $0x2800, $0x38;
	[tilespmem:$0x7F80] =	vst v63  }
0x158: {  	_ =	swait.ge [sflag:s17], $0x2800  }
0x159: {  	[sflag:s17] =	ssyncset.done $0x0  }
0x15a: {  	s18 =	simm.s32 $0x2800;
	s31 =	rddreg [dreg:$0x19];
	[sflag:s17] =	ssyncadd.s32 $0xFFFFD800  }
0x15b: {  	[hbm4b:s31+s3] =	stream.linear.scatter [tilespmem:s18], [sflag:$0xC], $0x2800, $0x38;
	[tilespmem:$0x7F80] =	vst v63  }
0x15c: {  	_ =	swait.ge [sflag:s17], $0x2800  }
0x15d: {  	[sflag:s17] =	ssyncset.done $0x0  }
0x15e: {  	[sflag:s17] =	ssyncadd.s32 $0xFFFFD800  }
0x15f: {  	[bflag:$0x0] =	sbarrier.arrive $0xFFFF  }
0x160: {  	s31 =	sld [smem:$0x7FC]  }
0x161: {  	s30 =	sld [smem:$0x7FD];
	_ =	sdelay $0x1  }
0x162: {  	s16 =	rddreg [dreg:$0x1a]  }
0x163: {  	[hbm:s16], [sflag:s31] =	dma.local [spmem:s30], $0x4F0  }
0x164: {  	_ =	swait.ge [sflag:s17], $0x4F0  }
0x165: {  	s30 =	sld [smem:$0x7FB];
	_ =	sdelay $0x2  }
0x166: {  	s31 =	rddreg [dreg:$0x1b];
	s16 =	sadd.s32 $0x1, s30  }
0x167: {  	p0 =	sne.s32 s16, s31  }
.Ltmp1:
0x168: {  	_ = 	snop;
	(pc) =	sbr.rel @p0 .LBB2_1-.Ltmp1, $3  }
0x169: {  	_ =	sdelay $0x1  }
0x16a: {  	[sflag:s17] =	ssyncset.done $0x0  }
0x16b: {  	[sflag:s17] =	ssyncadd.s32 $0xFFFFFB10  }
0x16c: {  	_ =	sfence.sel $0x180000  }
0x16d: {  	[bflag:$0x0] =	sbarrier.arrive $0xFFFF  }
0x16e: {  	_ =	strace $0x90000047  }
0x16f: {  	s0 =	stileid.u32;
	[bflag:$0x2] =	sbarrier.arrive $0xFFFF  }
0x170: {  	p0 =	sne.s32 s0, $0x0;
	s0 =	rddreg [dreg:$0x3]  }
0x171: {  	s0 =	sadd.s32 @!p0 $0x100000, s0  }
0x172: {  	[sflag:s0] =	ssyncadd.tile.s32 @!p0 $0x1;
	_ =	shalt  }
.Lfunc_end2:
_tile_overlayer_lowered:
.L_overlay_start_2:
0x173: {  	(tag) =	ssettag $0x2  }
0x174: {  	s0 =	rddreg [dreg:$0x0];
	s2 =	stileid.u32  }
0x175: {  	s1 =	rddreg [dreg:$0x1];
	p0 =	sne.s32 s2, $0x0  }
0x176: {  	s3 =	rddreg [dreg:$0x2];
	[bflag:$0x3] =	sbarrier.arrive $0xFFFF;
	s2 =	simm.s32 @!p0 $0x1C0C  }
0x177: {  	[timem:s3], [sflag:s2] =	dma.local @!p0 [hbm:s0], s1  }
0x178: {  	s0 =	simm.s32 @!p0 $0xC  }
0x179: {  	_ =	swait.ge @!p0 [sflag:s0], s1  }
0x17a: {  	s1 =	ssub.s32 @!p0 $0x0, s1;
	[sflag:s0] =	ssyncset.done @!p0 $0x0  }
0x17b: {  	[sflag:s0] =	ssyncadd.s32 @!p0 s1  }
0x17c: {  	[bflag:$0x3] =	sbarrier.arrive $0xFFFF  }
0x17d: {  	_ =	shalt  }

// kernel: kernel.13.cloned.1.call-start
scs
__scs_entry_jumppad:
0x0: {  	(pc) =	sbr.rel $0x88, $3  }
0x1: {  	(tag) =	ssettag $0x0;
	lr =	simm.s32 $0x1  }
0x2: {  	[smem:$0x3F99] =	sst lr;
	_ =	strace $0xD0000000  }
0x3: {  	_ = 	snop  }
0x4: {  	_ = 	snop  }
0x5: {  	_ = 	snop  }
0x6: {  	_ = 	snop  }
0x7: {  	_ = 	snop  }
__scs_overlays_trampoline_lowered:
0x8: {  	[smem:$0x3FA8] =	sst s0  }
0x9: {  	[smem:$0x3FA9] =	sst s1  }
0xa: {  	[smem:$0x3FAA] =	sst s2  }
0xb: {  	[smem:$0x3FAB] =	sst s3  }
0xc: {  	[smem:$0x3FAC] =	sst s4  }
0xd: {  	[smem:$0x3FAD] =	sst s5  }
0xe: {  	[smem:$0x3FAE] =	sst s6  }
0xf: {  	[smem:$0x3FAF] =	sst s7  }
0x10: {  	[smem:$0x3FB0] =	sst s8  }
0x11: {  	[smem:$0x3FB1] =	sst s9;
	s0 =	simm.s32 @!p0 $0x0  }
0x12: {  	s1 =	sld [smem:$0x3F97];
	s0 =	simm.s32 @p0 $0x1  }
0x13: {  	[smem:$0x3FB2] =	sst s0;
	s0 =	simm.s32 @!p1 $0x0  }
0x14: {  	s2 =	sld [smem:$0x3F96];
	s0 =	simm.s32 @p1 $0x1  }
0x15: {  	[smem:$0x3FB3] =	sst s0;
	s0 =	simm.s32 @!p2 $0x0  }
0x16: {  	s3 =	sld [smem:$0x3FDB];
	s0 =	simm.s32 @p2 $0x1  }
0x17: {  	s4 =	simm.s32 $0x1BF5;
	[smem:$0x3FB5] =	sst s0  }
0x18: {  	s0 =	sld [smem:$0x3F98];
	_ =	swait.ge [sflag:s4], $0x0  }
0x19: {  	s7 =	sld [smem:$0x3F99]  }
0x1a: {  	s8 =	sadd.s32 $0xFFFFE003, lr  }
0x1b: {  	s9 =	sadd.s32 $0xFFFFFEF7, lr;
	s5 =	simm.s32 $0xFFFFFFFF;
	p2 =	slt.u32 s8, $0xFFFFF086  }
0x1c: {  	p1 =	slt.u32 s9, $0xF7A;
	s5 =	simm.s32 @!p2 $0x0  }
0x1d: {  	s5 =	simm.s32 @p1 $0x1;
	p0 =	seq.s32 s7, s2  }
0x1e: {  	s7 =	smul.u32 @!p0 $0xF7A, s2;
	p2 =	seq.s32 @!p0 s5, $0x0  }
0x1f: {  	s9 =	smul.u32 $0xF7A, s1;
	s8 =	simm.s32 @!p0 $0x1BF5;
	p2 =	por !p2, p0  }
0x20: {  	[sflag:s8] =	ssyncset.s32 @!p0 $0xFFFFF086;
	s6 =	sadd.s32 @!p0 s3, s7;
	s7 =	simm.s32 @!p0 $0x108  }
0x21: {  	s3 =	sadd.s32 s3, s9;
	s6 =	sadd.s32 @!p0 $0x88, s6;
	s7 =	simm.s32 @p2 $0x1082  }
0x22: {  	[simem:s7], [sflag:s8] =	dma.local @!p0 [hbm:s6], $0xF7A  }
0x23: {  	s9 =	sor.u32 $0xD0000000, s2;
	s6 =	simm.s32 $0x108;
	_ =	swait.ge @!p0 [sflag:s8], $0x0  }
0x24: {  	s3 =	sadd.s32 $0x88, s3;
	s6 =	simm.s32 @!p1 $0x1082;
	[sflag:s4] =	ssyncset.s32 $0xFFFFF086  }
0x25: {  	[simem:s6], [sflag:s4] =	dma.local [hbm:s3], $0xF7A  }
0x26: {  	[smem:$0x3F99] =	sst s1;
	(tag) =	ssettag s2;
	_ =	strace s9  }
0x27: {  	s1 =	sld [smem:$0x3FA9]  }
0x28: {  	s2 =	sld [smem:$0x3FAA]  }
0x29: {  	s4 =	sld [smem:$0x3FAC]  }
0x2a: {  	p0 =	seq.s32 s5, $0x0;
	s5 =	sld [smem:$0x3FAD]  }
0x2b: {  	s6 =	sld [smem:$0x3FAE]  }
0x2c: {  	s7 =	sld [smem:$0x3FAF]  }
0x2d: {  	s3 =	simm.s32 $0x108;
	s8 =	sld [smem:$0x3FB0]  }
0x2e: {  	s3 =	simm.s32 @!p0 $0x1082;
	s9 =	sld [smem:$0x3FB1]  }
0x2f: {  	lr =	sadd.s32 s0, s3;
	s0 =	sld [smem:$0x3FA8]  }
0x30: {  	s3 =	sld [smem:$0x3FAB]  }
0x31: {  	[smem:$0x3FB4] =	sst s10  }
0x32: {  	s10 =	sld [smem:$0x3FB2];
	_ =	sdelay $0x3  }
0x33: {  	p0 =	seq.s32 s10, $0x1;
	s10 =	sld [smem:$0x3FB4];
	_ =	sdelay $0x3  }
0x34: {  	[smem:$0x3FB4] =	sst s10  }
0x35: {  	s10 =	sld [smem:$0x3FB3];
	_ =	sdelay $0x3  }
0x36: {  	p1 =	seq.s32 s10, $0x1;
	s10 =	sld [smem:$0x3FB4];
	_ =	sdelay $0x3  }
0x37: {  	[smem:$0x3FB4] =	sst s10  }
0x38: {  	s10 =	sld [smem:$0x3FB5]  }
0x39: {  	_ = 	snop;
	(pc) =	sbr.ind lr, $3  }
0x3a: {  	_ = 	snop  }
0x3b: {  	_ = 	snop  }
0x3c: {  	p2 =	seq.s32 s10, $0x1;
	s10 =	sld [smem:$0x3FB4]  }
0x3d: {  	_ =	shalt  }
0x3e: {  	_ =	shalt  }
0x3f: {  	_ =	shalt  }
0x40: {  	_ =	shalt  }
0x41: {  	_ =	shalt  }
0x42: {  	_ =	shalt  }
0x43: {  	_ =	shalt  }
0x44: {  	_ =	shalt  }
0x45: {  	_ =	shalt  }
0x46: {  	_ =	shalt  }
0x47: {  	_ =	shalt  }
0x48: {  	_ =	shalt  }
0x49: {  	_ =	shalt  }
0x4a: {  	_ =	shalt  }
0x4b: {  	_ =	shalt  }
0x4c: {  	_ =	shalt  }
0x4d: {  	_ =	shalt  }
0x4e: {  	_ =	shalt  }
0x4f: {  	_ =	shalt  }
0x50: {  	_ =	shalt  }
0x51: {  	_ =	shalt  }
0x52: {  	_ =	shalt  }
0x53: {  	_ =	shalt  }
0x54: {  	_ =	shalt  }
0x55: {  	_ =	shalt  }
0x56: {  	_ =	shalt  }
0x57: {  	_ =	shalt  }
0x58: {  	_ =	shalt  }
0x59: {  	_ =	shalt  }
0x5a: {  	_ =	shalt  }
0x5b: {  	_ =	shalt  }
0x5c: {  	_ =	shalt  }
0x5d: {  	_ =	shalt  }
0x5e: {  	_ =	shalt  }
0x5f: {  	_ =	shalt  }
0x60: {  	_ =	shalt  }
0x61: {  	_ =	shalt  }
0x62: {  	_ =	shalt  }
0x63: {  	_ =	shalt  }
0x64: {  	_ =	shalt  }
0x65: {  	_ =	shalt  }
0x66: {  	_ =	shalt  }
0x67: {  	_ =	shalt  }
0x68: {  	_ =	shalt  }
0x69: {  	_ =	shalt  }
0x6a: {  	_ =	shalt  }
0x6b: {  	_ =	shalt  }
0x6c: {  	_ =	shalt  }
0x6d: {  	_ =	shalt  }
0x6e: {  	_ =	shalt  }
0x6f: {  	_ =	shalt  }
0x70: {  	_ =	shalt  }
0x71: {  	_ =	shalt  }
0x72: {  	_ =	shalt  }
0x73: {  	_ =	shalt  }
0x74: {  	_ =	shalt  }
0x75: {  	_ =	shalt  }
0x76: {  	_ =	shalt  }
0x77: {  	_ =	shalt  }
0x78: {  	_ =	shalt  }
0x79: {  	_ =	shalt  }
0x7a: {  	_ =	shalt  }
0x7b: {  	_ =	shalt  }
0x7c: {  	_ =	shalt  }
0x7d: {  	_ =	shalt  }
0x7e: {  	_ =	shalt  }
0x7f: {  	_ =	shalt  }
0x80: {  	_ =	shalt  }
0x81: {  	_ =	shalt  }
0x82: {  	_ =	shalt  }
0x83: {  	_ =	shalt  }
0x84: {  	_ =	shalt  }
0x85: {  	_ =	shalt  }
0x86: {  	_ =	shalt  }
0x87: {  	_ =	shalt  }
.Lfunc_end0:
.L_simem_size_0:
called_computation.1_lowered:
.L_overlay_start_0:
0x88: {  	s2 =	sld [smem:$0x3FD9]  }
0x89: {  	s3 =	sld [smem:$0x3FFE];
	_ =	sdelay $0x1  }
0x8a: {  	s1 =	srdreg.scid  }
0x8b: {  	s0 =	sand.u32 $0x1, s1  }
0x8c: {  	s17 =	sshll.u32 s0, $0xA;
	s2 =	sadd.s32 s3, s2  }
0x8d: {  	s2 =	sadd.s32 s2, s17  }
0x8e: {  	[smem:$0x3FC0] =	sst s2  }
0x8f: {  	_ = 	snop  }
0x90: {  	s2 =	sld [smem:$0x3FD0];
	(tm) =	ssettm $0x1  }
0x91: {  	s18 =	sld [smem:$0x3FFB];
	_ =	sdelay $0x3  }
0x92: {  	_ =	strace s18  }
0x93: {  	s3 =	sld [smem:$0x3FFC];
	_ =	sdelay $0x3  }
0x94: {  	_ =	strace s3  }
0x95: {  	s3 =	sld [smem:$0x3FFD];
	_ =	sdelay $0x3  }
0x96: {  	_ =	strace s3  }
0x97: {  	_ =	strace $0x8FFFFFFF  }
0x98: {  	s19 =	sld [smem:$0x3FDB];
	_ =	sdelay $0x1  }
0x99: {  	s4 =	simm.s32 $_scs_section_size  }
0x9a: {  	s5 =	simm.s32 $_size__tile_overlayer_lowered;
	s6 =	simm.s32 $_tile_overlayer_lowered  }
0x9b: {  	s22 =	simm.s32 $0x1BFF;
	s21 =	sshll.u32 s6, $0x1;
	s3 =	sadd.s32 s4, s19  }
0x9c: {  	s7 =	simm.s32 $0x0;
	s20 =	sshll.u32 s5, $0x1;
	s5 =	sadd.s32 s21, s3  }
0x9d: {  	[timem:s7], [sflag:s22] =	dma.local [hbm:s5], s20  }
0x9e: {  	_ =	swait.ge [sflag:s22], s20  }
0x9f: {  	s4 =	ssub.s32 $0x0, s20;
	[sflag:s22] =	ssyncset.done $0x0  }
0xa0: {  	[sflag:s22] =	ssyncadd.s32 s4;
	_ =	sdelay $0x1  }
0xa1: {  	s23 =	simm.s32 $0x1B8B  }
0xa2: {  	_ =	swait.ge [sflag:s23], $0x1  }
0xa3: {  	[sflag:s23] =	ssyncset.done $0x0  }
0xa4: {  	s25 =	simm.s32 $0x1B8E;
	s24 =	sld [smem:$0x3FFE];
	[sflag:s23] =	ssyncadd.s32 $0xFFFFFFFF  }
0xa5: {  	s26 =	simm.s32 $execute0_lowered;
	[smem:$0x3FD2] =	sst s25  }
0xa6: {  	s5 =	sshll.u32 s26, $0x1;
	_ =	strace $0x80000049;
	[dreg:$0x1] =	wrdreg $0xFFFFFFFF  }
0xa7: {  	s28 =	simm.s32 $_size_execute0_lowered;
	s3 =	sadd.s32 s3, s5;
	[dreg:$0x0] =	wrdreg $0x0  }
0xa8: {  	s5 =	sshll.u32 s28, $0x1;
	[dreg:$0x2] =	wrdreg s3  }
0xa9: {  	[dreg:$0x3] =	wrdreg s5  }
0xaa: {  	[dreg:$0x4] =	wrdreg $0xC0  }
0xab: {  	_ =	task [dreg:s7], $0x5FFFF  }
0xac: {  	[dreg:$0x1] =	wrdreg $0xFFFFFFFF  }
0xad: {  	[dreg:$0x0] =	wrdreg $0x60  }
0xae: {  	[dreg:$0x2] =	wrdreg s24  }
0xaf: {  	[dreg:$0x3] =	wrdreg s2  }
0xb0: {  	[dreg:$0x4] =	wrdreg $0xB7800  }
0xb1: {  	[dreg:$0x5] =	wrdreg $0x90000  }
0xb2: {  	[dreg:$0x6] =	wrdreg $0x9  }
0xb3: {  	_ =	task.clear_ibuf [dreg:s7], $0x7FFFF;
	_ =	strace $0x90000049  }
0xb4: {  	s29 =	simm.s32 $0x9;
	_ =	strace $0x8000004B  }
0xb5: {  	_ =	swait.ge [sflag:s29], $0x1  }
0xb6: {  	[sflag:s29] =	ssyncadd.s32 $0xFFFFFFFF  }
0xb7: {  	_ =	strace $0x9000004B  }
0xb8: {  	_ =	sfence  }
0xb9: {  	s30 =	sld [smem:$0x0];
	_ =	sdelay $0x2  }
0xba: {  	s31 =	sshll.u32 s1, $0xD;
	s1 =	sshrl.u32 s1, $0x2  }
0xbb: {  	s3 =	sand.u32 $0x4000, s31;
	s1 =	sadd.s32 s1, s30  }
0xbc: {  	s0 =	sor.u32 s3, s0;
	s1 =	sshll.u32 s1, $0x11  }
0xbd: {  	s0 =	sor.u32 s1, s0  }
0xbe: {  	s0 =	sadd.s32 $0x8F2B, s0  }
0xbf: {  	[sflag:s0] =	ssyncadd.remote.s32 $0x1  }
0xc0: {  	_ =	sfence.sel $0xFFFF  }
0xc1: {  	[dreg:$0x0] =	wrdreg $0xFFFFFFFF;
	(pc) =	sbr.abs _section_cstart, $3  }
0xc2: {  	[dreg:$0x1] =	wrdreg $0xFFFFFFFF  }
0xc3: {  	_ =	task.clear_ibuf [dreg:s7], $0x2FFFF;
	_ =	strace $0x9FFFFFFF  }
0xc4: {  	(tm) =	ssettm $0x7FFFFFFF  }
0xc5: {  	_ =	shalt  }
tec
execute0_lowered:
.L_overlay_start_1:
0x0: {  	(tag) =	ssettag $0x1  }
0x1: {  	s0 =	rddreg [dreg:$0x0]  }
0x2: {  	s1 =	rddreg [dreg:$0x1]  }
0x3: {  	s2 =	rddreg [dreg:$0x2]  }
0x4: {  	s3 =	rddreg [dreg:$0x3];
	s12 =	stileid.u32  }
0x5: {  	s8 =	simm.s32 $0x0;
	s5 =	srdreg.scid;
	s11 =	simm.s32 $0x11  }
0x6: {  	s16 =	simm.s32 $0x80;
	s17 =	simm.s32 $0x5000;
	s28 =	simm.s32 $0x3  }
0x7: {  	s29 =	simm.s32 $0x8000;
	s30 =	simm.s32 $0x4;
	s31 =	simm.s32 $0x8800  }
0x8: {  	s15 =	simm.s32 $0x0;
	s4 =	smul.u32 $0x2780, s12;
	s5 =	sand.u32 $0x1, s5  }
0x9: {  	s6 =	sshll.u32 s12, $0x1;
	s7 =	smul.u32 $0x4F0, s12;
	[smem:$0x7FF] =	sst s8  }
0xa: {  	s25 =	sshll.u32 s12, $0x6;
	s12 =	simm.s32 $0x8;
	s6 =	sor.u32 s5, s6  }
0xb: {  	s18 =	smul.u32 $0x4F00, s5;
	_ =	strace $0x8000004A;
	s5 =	ssub.s32 $0x2, s5  }
0xc: {  	s13 =	sor.u32 $0x1C11, s25;
	s25 =	simm.s32 $0x2;
	s9 =	sshrl.u32 s4, $0x3  }
0xd: {  	s6 =	smul.u32 $0x500, s6;
	s19 =	sshrl.u32 s5, $0x1;
	s21 =	sadd.s32 s4, s2  }
0xe: {  	s22 =	sadd.s32 s4, s3;
	s10 =	sadd.s32 s9, s0;
	s7 =	sadd.s32 s7, s18  }
0xf: {  	s5 =	ssub.s32 s5, s19;
	s1 =	sadd.s32 s1, s9;
	s14 =	sshrl.u32 s21, $0x3  }
0x10: {  	s26 =	sshrl.u32 s22, $0x3;
	s18 =	simm.s32 $0x5800;
	s22 =	simm.s32 $0x6800  }
0x11: {  	s6 =	sadd.s32 s6, s0;
	s0 =	sadd.s32 s7, s0;
	[dreg:$0x7] =	wrdreg s1  }
0x12: {  	s23 =	sadd.s32 $0x3800, s10;
	s24 =	smax.u32 s5, $0x1;
	[dreg:$0xb] =	wrdreg s26  }
0x13: {  	s26 =	simm.s32 $0x7800;
	s1 =	simm.s32 $0x7;
	[dreg:$0x8] =	wrdreg s23  }
.Ltmp0:
0x14: {  	s20 =	sadd.s32 $0x21200, s6;
	[dreg:$0xa] =	wrdreg s24;
	(pc) =	sbr.rel .LBB2_1-.Ltmp0, $4  }
0x15: {  	s5 =	simm.s32 $0xB;
	s6 =	sadd.s32 $0x2B200, s6;
	[dreg:$0x5] =	wrdreg s20  }
0x16: {  	s10 =	simm.s32 $0x10;
	s0 =	sadd.s32 $0x8800, s0;
	[dreg:$0x6] =	wrdreg s6  }
0x17: {  	s23 =	simm.s32 $0x1;
	s24 =	simm.s32 $0x7000;
	[dreg:$0x9] =	wrdreg s0  }
0x18: {  	s20 =	simm.s32 $0x6000;
	s0 =	simm.s32 $0x5;
	s6 =	simm.s32 $0xC  }
.LBB2_4:
0x19: {  	_ =	swait.ge [sflag:s12], $0x800  }
0x1a: {  	[sflag:s12] =	ssyncset.done $0x0  }
0x1b: {  	s4 =	simm.s32 $0x9;
	[sflag:s12] =	ssyncadd.s32 $0xFFFFF800  }
0x1c: {  	[spmem:s2] =	stream.indirect.scatter.add.f32 [tilespmem:s31], [sflag:$0x10], $0x10, s21, s16, $0xb8;
	[tilespmem:$0xDF00] =	vst v63  }
0x1d: {  	_ =	swait.ge [sflag:s4], $0x800  }
0x1e: {  	[sflag:s4] =	ssyncset.done $0x0  }
0x1f: {  	s21 =	simm.s32 $0xA;
	[sflag:s4] =	ssyncadd.s32 $0xFFFFF800  }
0x20: {  	_ =	swait.ge [sflag:s21], $0x800  }
0x21: {  	[sflag:s21] =	ssyncset.done $0x0  }
0x22: {  	[sflag:s21] =	ssyncadd.s32 $0xFFFFF800  }
0x23: {  	_ =	swait.ge [sflag:s5], $0x800  }
0x24: {  	[sflag:s5] =	ssyncset.done $0x0  }
0x25: {  	[sflag:s5] =	ssyncadd.s32 $0xFFFFF800  }
0x26: {  	_ =	swait.ge [sflag:s6], $0x800  }
0x27: {  	[sflag:s6] =	ssyncset.done $0x0  }
0x28: {  	s7 =	simm.s32 $0xD;
	[sflag:s6] =	ssyncadd.s32 $0xFFFFF800  }
0x29: {  	_ =	swait.ge [sflag:s7], $0x800  }
0x2a: {  	[sflag:s7] =	ssyncset.done $0x0  }
0x2b: {  	s8 =	simm.s32 $0xE;
	[sflag:s7] =	ssyncadd.s32 $0xFFFFF800  }
0x2c: {  	_ =	swait.ge [sflag:s8], $0x800  }
0x2d: {  	[sflag:s8] =	ssyncset.done $0x0  }
0x2e: {  	s9 =	simm.s32 $0xF;
	[sflag:s8] =	ssyncadd.s32 $0xFFFFF800  }
0x2f: {  	_ =	swait.ge [sflag:s9], $0x800  }
0x30: {  	[sflag:s9] =	ssyncset.done $0x0  }
0x31: {  	[sflag:s9] =	ssyncadd.s32 $0xFFFFF800  }
0x32: {  	_ =	swait.ge [sflag:s10], $0x800  }
0x33: {  	[sflag:s10] =	ssyncset.done $0x0  }
0x34: {  	[sflag:s10] =	ssyncadd.s32 $0xFFFFF800  }
0x35: {  	[bflag:$0x0] =	sbarrier.arrive $0xFFFF  }
0x36: {  	s19 =	rddreg [dreg:$0x9]  }
0x37: {  	[hbm:s19], [sflag:s13] =	dma.local [spmem:s14], $0x4F0  }
0x38: {  	_ =	swait.ge [sflag:s11], $0x4F0  }
0x39: {  	s15 =	sadd.s32 $0x1, s15;
	s21 =	rddreg [dreg:$0xa]  }
0x3a: {  	p0 =	sne.s32 s15, s21  }
.Ltmp1:
0x3b: {  	_ = 	snop;
	(pc) =	sbr.rel @!p0 .LBB2_5-.Ltmp1, $3  }
0x3c: {  	_ =	sdelay $0x1  }
0x3d: {  	[sflag:s11] =	ssyncset.done $0x0  }
0x3e: {  	[sflag:s11] =	ssyncadd.s32 $0xFFFFFB10  }
.LBB2_1:
0x3f: {  	s4 =	simm.s32 $0x0;
	s7 =	rddreg [dreg:$0x5]  }
0x40: {  	[tilespmem:s4], [sflag:$0x11] =	stream.linear.gather [hbm4b:s7+s4], $0x2800, $0x38;
	[tilespmem:$0xDF00] =	vst v63  }
0x41: {  	_ =	swait.ge [sflag:s11], $0x2800  }
0x42: {  	[sflag:s11] =	ssyncset.done $0x0  }
0x43: {  	s8 =	simm.s32 $0x2800;
	s19 =	rddreg [dreg:$0x6];
	[sflag:s11] =	ssyncadd.s32 $0xFFFFD800  }
0x44: {  	[tilespmem:s8], [sflag:$0x11] =	stream.linear.gather [hbm4b:s19+s4], $0x2800, $0x38;
	[tilespmem:$0xDF00] =	vst v63  }
0x45: {  	_ =	swait.ge [sflag:s11], $0x2800  }
0x46: {  	[sflag:s11] =	ssyncset.done $0x0  }
0x47: {  	s21 =	rddreg [dreg:$0x7];
	[sflag:s11] =	ssyncadd.s32 $0xFFFFD800  }
0x48: {  	[spmem:s14], [sflag:s13] =	dma.local [hbm:s21], $0x4F0  }
0x49: {  	_ =	swait.ge [sflag:s11], $0x4F0  }
0x4a: {  	[sflag:s11] =	ssyncset.done $0x0;
	s8 =	rddreg [dreg:$0x8]  }
0x4b: {  	s9 =	rddreg [dreg:$0xb];
	[sflag:s11] =	ssyncadd.s32 $0xFFFFFB10  }
0x4c: {  	[spmem:s9], [sflag:s13] =	dma.local [hbm:s8], $0x4F0  }
0x4d: {  	_ =	swait.ge [sflag:s11], $0x4F0  }
0x4e: {  	[sflag:s11] =	ssyncset.done $0x0  }
0x4f: {  	[sflag:s11] =	ssyncadd.s32 $0xFFFFFB10  }
0x50: {  	[bflag:$0x0] =	sbarrier.arrive $0xFFFF  }
0x51: {  	[tilespmem:s17], [sflag:$0x1] =	stream.indirect.gather [spmem:s3], $0x10, s4, s16, $0xb8;
	[tilespmem:$0xDF00] =	vst v63  }
0x52: {  	_ = 	snop  }
0x53: {  	[tilespmem:s18], [sflag:$0x2] =	stream.indirect.gather [spmem:s3], $0x10, s16, s16, $0xb8;
	[tilespmem:$0xDF00] =	vst v63  }
0x54: {  	s19 =	simm.s32 $0x100  }
0x55: {  	[tilespmem:s20], [sflag:$0x3] =	stream.indirect.gather [spmem:s3], $0x10, s19, s16, $0xb8;
	[tilespmem:$0xDF00] =	vst v63  }
0x56: {  	s21 =	simm.s32 $0x180;
	s4 =	simm.s32 $0x0  }
0x57: {  	[tilespmem:s22], [sflag:$0x4] =	stream.indirect.gather [spmem:s3], $0x10, s21, s16, $0xb8;
	[tilespmem:$0xDF00] =	vst v63  }
.LBB2_2:
0x58: {  	_ =	swait.ge [sflag:s23], $0x800  }
0x59: {  	s19 =	sshra.s32 s4, $0x2;
	[sflag:s23] =	ssyncset.done $0x0  }
0x5a: {  	p0 =	seq.s32 s4, $0x0;
	s21 =	sadd.s32 $0x2800, s19;
	[sflag:s23] =	ssyncadd.s32 $0xFFFFF800  }
0x5b: {  	[spmem:s2] =	stream.indirect.scatter.add.f32 [tilespmem:s17], [sflag:$0x9], $0x10, s21, s16, $0xb8;
	[tilespmem:$0xDF00] =	vst v63  }
0x5c: {  	s21 =	simm.s32 @!p0 $0xD  }
0x5d: {  	_ =	swait.ge @!p0 [sflag:s21], $0x800  }
0x5e: {  	[sflag:s21] =	ssyncset.done @!p0 $0x0  }
0x5f: {  	s8 =	sadd.s32 $0x200, s19;
	[sflag:s21] =	ssyncadd.s32 @!p0 $0xFFFFF800  }
0x60: {  	[tilespmem:s24], [sflag:$0x5] =	stream.indirect.gather [spmem:s3], $0x10, s8, s16, $0xb8;
	[tilespmem:$0xDF00] =	vst v63  }
0x61: {  	_ =	swait.ge [sflag:s25], $0x800  }
0x62: {  	[sflag:s25] =	ssyncset.done $0x0  }
0x63: {  	s9 =	sadd.s32 $0x2880, s19;
	s21 =	simm.s32 @!p0 $0xE;
	[sflag:s25] =	ssyncadd.s32 $0xFFFFF800  }
0x64: {  	[spmem:s2] =	stream.indirect.scatter.add.f32 [tilespmem:s18], [sflag:$0xA], $0x10, s9, s16, $0xb8;
	[tilespmem:$0xDF00] =	vst v63  }
0x65: {  	_ =	swait.ge @!p0 [sflag:s21], $0x800  }
0x66: {  	[sflag:s21] =	ssyncset.done @!p0 $0x0  }
0x67: {  	s7 =	sadd.s32 $0x280, s19;
	[sflag:s21] =	ssyncadd.s32 @!p0 $0xFFFFF800  }
0x68: {  	[tilespmem:s26], [sflag:$0x6] =	stream.indirect.gather [spmem:s3], $0x10, s7, s16, $0xb8;
	[tilespmem:$0xDF00] =	vst v63  }
0x69: {  	_ =	swait.ge [sflag:s28], $0x800  }
0x6a: {  	[sflag:s28] =	ssyncset.done $0x0  }
0x6b: {  	s8 =	sadd.s32 $0x2900, s19;
	s21 =	simm.s32 @!p0 $0xF;
	[sflag:s28] =	ssyncadd.s32 $0xFFFFF800  }
0x6c: {  	[spmem:s2] =	stream.indirect.scatter.add.f32 [tilespmem:s20], [sflag:$0xB], $0x10, s8, s16, $0xb8;
	[tilespmem:$0xDF00] =	vst v63  }
0x6d: {  	_ =	swait.ge @!p0 [sflag:s21], $0x800  }
0x6e: {  	[sflag:s21] =	ssyncset.done @!p0 $0x0  }
0x6f: {  	s9 =	sadd.s32 $0x300, s19;
	[sflag:s21] =	ssyncadd.s32 @!p0 $0xFFFFF800  }
0x70: {  	[tilespmem:s29], [sflag:$0x7] =	stream.indirect.gather [spmem:s3], $0x10, s9, s16, $0xb8;
	[tilespmem:$0xDF00] =	vst v63  }
0x71: {  	_ =	swait.ge [sflag:s30], $0x800  }
0x72: {  	[sflag:s30] =	ssyncset.done $0x0  }
0x73: {  	s7 =	sadd.s32 $0x2980, s19;
	s21 =	simm.s32 @!p0 $0x10;
	[sflag:s30] =	ssyncadd.s32 $0xFFFFF800  }
0x74: {  	[spmem:s2] =	stream.indirect.scatter.add.f32 [tilespmem:s22], [sflag:$0xC], $0x10, s7, s16, $0xb8;
	[tilespmem:$0xDF00] =	vst v63  }
0x75: {  	_ =	swait.ge @!p0 [sflag:s21], $0x800  }
0x76: {  	[sflag:s21] =	ssyncset.done @!p0 $0x0  }
0x77: {  	s8 =	sadd.s32 $0x380, s19;
	[sflag:s21] =	ssyncadd.s32 @!p0 $0xFFFFF800  }
0x78: {  	[tilespmem:s31], [sflag:$0x8] =	stream.indirect.gather [spmem:s3], $0x10, s8, s16, $0xb8;
	[tilespmem:$0xDF00] =	vst v63  }
0x79: {  	_ =	swait.ge [sflag:s0], $0x800  }
0x7a: {  	p0 =	seq.s32 s4, $0x9000;
	[sflag:s0] =	ssyncset.done $0x0  }
0x7b: {  	s9 =	sadd.s32 $0x2A00, s19;
	s21 =	simm.s32 @p0 $0x6;
	[sflag:s0] =	ssyncadd.s32 $0xFFFFF800  }
0x7c: {  	[spmem:s2] =	stream.indirect.scatter.add.f32 [tilespmem:s24], [sflag:$0xD], $0x10, s9, s16, $0xb8;
	[tilespmem:$0xDF00] =	vst v63  }
0x7d: {  	_ =	swait.ge @p0 [sflag:s21], $0x800  }
0x7e: {  	[sflag:s21] =	ssyncset.done @p0 $0x0  }
0x7f: {  	[sflag:s21] =	ssyncadd.s32 @p0 $0xFFFFF800;
	s21 =	sshra.s32 @p0 s4, $0x2  }
0x80: {  	s7 =	simm.s32 @p0 $0x80;
	s8 =	simm.s32 @p0 $0x7800;
	s21 =	sadd.s32 @p0 $0x2A80, s21  }
0x81: {  	[spmem:s2] =	stream.indirect.scatter.add.f32 @p0 [tilespmem:s8], [sflag:$0xE], $0x10, s21, s7, $0xb8;
	[tilespmem:$0xDF00] =	vst v63  }
0x82: {  	s7 =	simm.s32 @!p0 $0x9  }
0x83: {  	_ =	swait.ge @!p0 [sflag:s7], $0x800  }
0x84: {  	[sflag:s7] =	ssyncset.done @!p0 $0x0  }
0x85: {  	[sflag:s7] =	ssyncadd.s32 @!p0 $0xFFFFF800;
	s7 =	sshra.s32 @!p0 s4, $0x2  }
0x86: {  	s9 =	simm.s32 @!p0 $0x5000;
	s21 =	simm.s32 @!p0 $0x80;
	s8 =	sadd.s32 @!p0 $0x400, s7  }
0x87: {  	[tilespmem:s9], [sflag:$0x1] =	stream.indirect.gather @!p0 [spmem:s3], $0x10, s8, s21, $0xb8;
	[tilespmem:$0xDF00] =	vst v63  }
0x88: {  	s8 =	simm.s32 @!p0 $0x6  }
0x89: {  	_ =	swait.ge @!p0 [sflag:s8], $0x800  }
0x8a: {  	[sflag:s8] =	ssyncset.done @!p0 $0x0  }
0x8b: {  	s9 =	simm.s32 @!p0 $0x7800;
	[sflag:s8] =	ssyncadd.s32 @!p0 $0xFFFFF800;
	s8 =	sadd.s32 @!p0 $0x2A80, s7  }
0x8c: {  	[spmem:s2] =	stream.indirect.scatter.add.f32 @!p0 [tilespmem:s9], [sflag:$0xE], $0x10, s8, s21, $0xb8;
	[tilespmem:$0xDF00] =	vst v63  }
0x8d: {  	s8 =	simm.s32 @!p0 $0xA  }
0x8e: {  	_ =	swait.ge @!p0 [sflag:s8], $0x800  }
0x8f: {  	[sflag:s8] =	ssyncset.done @!p0 $0x0  }
0x90: {  	s7 =	sadd.s32 @!p0 $0x480, s7;
	[sflag:s8] =	ssyncadd.s32 @!p0 $0xFFFFF800;
	s8 =	simm.s32 @!p0 $0x5800  }
0x91: {  	[tilespmem:s8], [sflag:$0x2] =	stream.indirect.gather @!p0 [spmem:s3], $0x10, s7, s21, $0xb8;
	[tilespmem:$0xDF00] =	vst v63  }
.Ltmp2:
0x92: {  	_ =	swait.ge [sflag:s1], $0x800;
	(pc) =	sbr.rel @p0 .LBB2_4-.Ltmp2, $4  }
0x93: {  	[sflag:s1] =	ssyncset.done $0x0  }
0x94: {  	s21 =	sadd.s32 $0x2B00, s19;
	[sflag:s1] =	ssyncadd.s32 $0xFFFFF800  }
0x95: {  	[spmem:s2] =	stream.indirect.scatter.add.f32 [tilespmem:s29], [sflag:$0xF], $0x10, s21, s16, $0xb8;
	[tilespmem:$0xDF00] =	vst v63  }
0x96: {  	s21 =	sadd.s32 $0x2B80, s19  }
0x97: {  	_ =	swait.ge [sflag:s5], $0x800  }
0x98: {  	[sflag:s5] =	ssyncset.done $0x0  }
0x99: {  	s7 =	sadd.s32 $0x500, s19;
	[sflag:s5] =	ssyncadd.s32 $0xFFFFF800  }
0x9a: {  	[tilespmem:s20], [sflag:$0x3] =	stream.indirect.gather [spmem:s3], $0x10, s7, s16, $0xb8;
	[tilespmem:$0xDF00] =	vst v63  }
0x9b: {  	_ =	swait.ge [sflag:s12], $0x800  }
0x9c: {  	[sflag:s12] =	ssyncset.done $0x0  }
0x9d: {  	[sflag:s12] =	ssyncadd.s32 $0xFFFFF800  }
0x9e: {  	[spmem:s2] =	stream.indirect.scatter.add.f32 [tilespmem:s31], [sflag:$0x10], $0x10, s21, s16, $0xb8;
	[tilespmem:$0xDF00] =	vst v63  }
.Ltmp3:
0x9f: {  	_ = 	snop;
	(pc) =	sbr.rel .LBB2_2-.Ltmp3, $4  }
0xa0: {  	_ =	swait.ge [sflag:s6], $0x800  }
0xa1: {  	[sflag:s6] =	ssyncset.done $0x0  }
0xa2: {  	s4 =	sadd.s32 $0x1000, s4;
	s21 =	sadd.s32 $0x580, s19;
	[sflag:s6] =	ssyncadd.s32 $0xFFFFF800  }
0xa3: {  	[tilespmem:s22], [sflag:$0x4] =	stream.indirect.gather [spmem:s3], $0x10, s21, s16, $0xb8;
	[tilespmem:$0xDF00] =	vst v63  }
.LBB2_5:
0xa4: {  	_ =	sfence.sel $0x180000  }
0xa5: {  	[bflag:$0x0] =	sbarrier.arrive $0xFFFF  }
0xa6: {  	_ =	strace $0x9000004A  }
0xa7: {  	s0 =	stileid.u32;
	[bflag:$0x2] =	sbarrier.arrive $0xFFFF  }
0xa8: {  	p0 =	sne.s32 s0, $0x0;
	s0 =	rddreg [dreg:$0x4]  }
0xa9: {  	s0 =	sadd.s32 @!p0 $0x100000, s0  }
0xaa: {  	[sflag:s0] =	ssyncadd.tile.s32 @!p0 $0x1;
	_ =	shalt  }
.Lfunc_end2:
_tile_overlayer_lowered:
.L_overlay_start_2:
0xab: {  	(tag) =	ssettag $0x2  }
0xac: {  	s0 =	rddreg [dreg:$0x0];
	s2 =	stileid.u32  }
0xad: {  	s1 =	rddreg [dreg:$0x1];
	p0 =	sne.s32 s2, $0x0  }
0xae: {  	s3 =	rddreg [dreg:$0x2];
	[bflag:$0x3] =	sbarrier.arrive $0xFFFF;
	s2 =	simm.s32 @!p0 $0x1C11  }
0xaf: {  	[timem:s3], [sflag:s2] =	dma.local @!p0 [hbm:s0], s1  }
0xb0: {  	s0 =	simm.s32 @!p0 $0x11  }
0xb1: {  	_ =	swait.ge @!p0 [sflag:s0], s1  }
0xb2: {  	s1 =	ssub.s32 @!p0 $0x0, s1;
	[sflag:s0] =	ssyncset.done @!p0 $0x0  }
0xb3: {  	[sflag:s0] =	ssyncadd.s32 @!p0 s1  }
0xb4: {  	[bflag:$0x3] =	sbarrier.arrive $0xFFFF  }
0xb5: {  	_ =	shalt  }

// kernel: kernel.16.cloned.1.call-start
scs
__scs_entry_jumppad:
0x0: {  	(pc) =	sbr.rel $0x88, $3  }
0x1: {  	(tag) =	ssettag $0x0;
	lr =	simm.s32 $0x1  }
0x2: {  	[smem:$0x3F99] =	sst lr;
	_ =	strace $0xD0000000  }
0x3: {  	_ = 	snop  }
0x4: {  	_ = 	snop  }
0x5: {  	_ = 	snop  }
0x6: {  	_ = 	snop  }
0x7: {  	_ = 	snop  }
__scs_overlays_trampoline_lowered:
0x8: {  	[smem:$0x3FA8] =	sst s0  }
0x9: {  	[smem:$0x3FA9] =	sst s1  }
0xa: {  	[smem:$0x3FAA] =	sst s2  }
0xb: {  	[smem:$0x3FAB] =	sst s3  }
0xc: {  	[smem:$0x3FAC] =	sst s4  }
0xd: {  	[smem:$0x3FAD] =	sst s5  }
0xe: {  	[smem:$0x3FAE] =	sst s6  }
0xf: {  	[smem:$0x3FAF] =	sst s7  }
0x10: {  	[smem:$0x3FB0] =	sst s8  }
0x11: {  	[smem:$0x3FB1] =	sst s9;
	s0 =	simm.s32 @!p0 $0x0  }
0x12: {  	s1 =	sld [smem:$0x3F97];
	s0 =	simm.s32 @p0 $0x1  }
0x13: {  	[smem:$0x3FB2] =	sst s0;
	s0 =	simm.s32 @!p1 $0x0  }
0x14: {  	s2 =	sld [smem:$0x3F96];
	s0 =	simm.s32 @p1 $0x1  }
0x15: {  	[smem:$0x3FB3] =	sst s0;
	s0 =	simm.s32 @!p2 $0x0  }
0x16: {  	s3 =	sld [smem:$0x3FDB];
	s0 =	simm.s32 @p2 $0x1  }
0x17: {  	s4 =	simm.s32 $0x1BF5;
	[smem:$0x3FB5] =	sst s0  }
0x18: {  	s0 =	sld [smem:$0x3F98];
	_ =	swait.ge [sflag:s4], $0x0  }
0x19: {  	s7 =	sld [smem:$0x3F99]  }
0x1a: {  	s8 =	sadd.s32 $0xFFFFE003, lr  }
0x1b: {  	s9 =	sadd.s32 $0xFFFFFEF7, lr;
	s5 =	simm.s32 $0xFFFFFFFF;
	p2 =	slt.u32 s8, $0xFFFFF086  }
0x1c: {  	p1 =	slt.u32 s9, $0xF7A;
	s5 =	simm.s32 @!p2 $0x0  }
0x1d: {  	s5 =	simm.s32 @p1 $0x1;
	p0 =	seq.s32 s7, s2  }
0x1e: {  	s7 =	smul.u32 @!p0 $0xF7A, s2;
	p2 =	seq.s32 @!p0 s5, $0x0  }
0x1f: {  	s9 =	smul.u32 $0xF7A, s1;
	s8 =	simm.s32 @!p0 $0x1BF5;
	p2 =	por !p2, p0  }
0x20: {  	[sflag:s8] =	ssyncset.s32 @!p0 $0xFFFFF086;
	s6 =	sadd.s32 @!p0 s3, s7;
	s7 =	simm.s32 @!p0 $0x108  }
0x21: {  	s3 =	sadd.s32 s3, s9;
	s6 =	sadd.s32 @!p0 $0x88, s6;
	s7 =	simm.s32 @p2 $0x1082  }
0x22: {  	[simem:s7], [sflag:s8] =	dma.local @!p0 [hbm:s6], $0xF7A  }
0x23: {  	s9 =	sor.u32 $0xD0000000, s2;
	s6 =	simm.s32 $0x108;
	_ =	swait.ge @!p0 [sflag:s8], $0x0  }
0x24: {  	s3 =	sadd.s32 $0x88, s3;
	s6 =	simm.s32 @!p1 $0x1082;
	[sflag:s4] =	ssyncset.s32 $0xFFFFF086  }
0x25: {  	[simem:s6], [sflag:s4] =	dma.local [hbm:s3], $0xF7A  }
0x26: {  	[smem:$0x3F99] =	sst s1;
	(tag) =	ssettag s2;
	_ =	strace s9  }
0x27: {  	s1 =	sld [smem:$0x3FA9]  }
0x28: {  	s2 =	sld [smem:$0x3FAA]  }
0x29: {  	s4 =	sld [smem:$0x3FAC]  }
0x2a: {  	p0 =	seq.s32 s5, $0x0;
	s5 =	sld [smem:$0x3FAD]  }
0x2b: {  	s6 =	sld [smem:$0x3FAE]  }
0x2c: {  	s7 =	sld [smem:$0x3FAF]  }
0x2d: {  	s3 =	simm.s32 $0x108;
	s8 =	sld [smem:$0x3FB0]  }
0x2e: {  	s3 =	simm.s32 @!p0 $0x1082;
	s9 =	sld [smem:$0x3FB1]  }
0x2f: {  	lr =	sadd.s32 s0, s3;
	s0 =	sld [smem:$0x3FA8]  }
0x30: {  	s3 =	sld [smem:$0x3FAB]  }
0x31: {  	[smem:$0x3FB4] =	sst s10  }
0x32: {  	s10 =	sld [smem:$0x3FB2];
	_ =	sdelay $0x3  }
0x33: {  	p0 =	seq.s32 s10, $0x1;
	s10 =	sld [smem:$0x3FB4];
	_ =	sdelay $0x3  }
0x34: {  	[smem:$0x3FB4] =	sst s10  }
0x35: {  	s10 =	sld [smem:$0x3FB3];
	_ =	sdelay $0x3  }
0x36: {  	p1 =	seq.s32 s10, $0x1;
	s10 =	sld [smem:$0x3FB4];
	_ =	sdelay $0x3  }
0x37: {  	[smem:$0x3FB4] =	sst s10  }
0x38: {  	s10 =	sld [smem:$0x3FB5]  }
0x39: {  	_ = 	snop;
	(pc) =	sbr.ind lr, $3  }
0x3a: {  	_ = 	snop  }
0x3b: {  	_ = 	snop  }
0x3c: {  	p2 =	seq.s32 s10, $0x1;
	s10 =	sld [smem:$0x3FB4]  }
0x3d: {  	_ =	shalt  }
0x3e: {  	_ =	shalt  }
0x3f: {  	_ =	shalt  }
0x40: {  	_ =	shalt  }
0x41: {  	_ =	shalt  }
0x42: {  	_ =	shalt  }
0x43: {  	_ =	shalt  }
0x44: {  	_ =	shalt  }
0x45: {  	_ =	shalt  }
0x46: {  	_ =	shalt  }
0x47: {  	_ =	shalt  }
0x48: {  	_ =	shalt  }
0x49: {  	_ =	shalt  }
0x4a: {  	_ =	shalt  }
0x4b: {  	_ =	shalt  }
0x4c: {  	_ =	shalt  }
0x4d: {  	_ =	shalt  }
0x4e: {  	_ =	shalt  }
0x4f: {  	_ =	shalt  }
0x50: {  	_ =	shalt  }
0x51: {  	_ =	shalt  }
0x52: {  	_ =	shalt  }
0x53: {  	_ =	shalt  }
0x54: {  	_ =	shalt  }
0x55: {  	_ =	shalt  }
0x56: {  	_ =	shalt  }
0x57: {  	_ =	shalt  }
0x58: {  	_ =	shalt  }
0x59: {  	_ =	shalt  }
0x5a: {  	_ =	shalt  }
0x5b: {  	_ =	shalt  }
0x5c: {  	_ =	shalt  }
0x5d: {  	_ =	shalt  }
0x5e: {  	_ =	shalt  }
0x5f: {  	_ =	shalt  }
0x60: {  	_ =	shalt  }
0x61: {  	_ =	shalt  }
0x62: {  	_ =	shalt  }
0x63: {  	_ =	shalt  }
0x64: {  	_ =	shalt  }
0x65: {  	_ =	shalt  }
0x66: {  	_ =	shalt  }
0x67: {  	_ =	shalt  }
0x68: {  	_ =	shalt  }
0x69: {  	_ =	shalt  }
0x6a: {  	_ =	shalt  }
0x6b: {  	_ =	shalt  }
0x6c: {  	_ =	shalt  }
0x6d: {  	_ =	shalt  }
0x6e: {  	_ =	shalt  }
0x6f: {  	_ =	shalt  }
0x70: {  	_ =	shalt  }
0x71: {  	_ =	shalt  }
0x72: {  	_ =	shalt  }
0x73: {  	_ =	shalt  }
0x74: {  	_ =	shalt  }
0x75: {  	_ =	shalt  }
0x76: {  	_ =	shalt  }
0x77: {  	_ =	shalt  }
0x78: {  	_ =	shalt  }
0x79: {  	_ =	shalt  }
0x7a: {  	_ =	shalt  }
0x7b: {  	_ =	shalt  }
0x7c: {  	_ =	shalt  }
0x7d: {  	_ =	shalt  }
0x7e: {  	_ =	shalt  }
0x7f: {  	_ =	shalt  }
0x80: {  	_ =	shalt  }
0x81: {  	_ =	shalt  }
0x82: {  	_ =	shalt  }
0x83: {  	_ =	shalt  }
0x84: {  	_ =	shalt  }
0x85: {  	_ =	shalt  }
0x86: {  	_ =	shalt  }
0x87: {  	_ =	shalt  }
.Lfunc_end0:
.L_simem_size_0:
called_computation.2_lowered:
.L_overlay_start_0:
0x88: {  	s2 =	sld [smem:$0x3FD9]  }
0x89: {  	s3 =	sld [smem:$0x3FFE];
	_ =	sdelay $0x1  }
0x8a: {  	s1 =	srdreg.scid  }
0x8b: {  	s0 =	sand.u32 $0x1, s1  }
0x8c: {  	s17 =	sshll.u32 s0, $0xA;
	s2 =	sadd.s32 s3, s2  }
0x8d: {  	s2 =	sadd.s32 s2, s17  }
0x8e: {  	[smem:$0x3FC0] =	sst s2  }
0x8f: {  	_ = 	snop  }
0x90: {  	s2 =	sld [smem:$0x3FD0];
	(tm) =	ssettm $0x1  }
0x91: {  	s18 =	sld [smem:$0x3FFB];
	_ =	sdelay $0x3  }
0x92: {  	_ =	strace s18  }
0x93: {  	s3 =	sld [smem:$0x3FFC];
	_ =	sdelay $0x3  }
0x94: {  	_ =	strace s3  }
0x95: {  	s3 =	sld [smem:$0x3FFD];
	_ =	sdelay $0x3  }
0x96: {  	_ =	strace s3  }
0x97: {  	_ =	strace $0x8FFFFFFF  }
0x98: {  	s19 =	sld [smem:$0x3FDB];
	_ =	sdelay $0x1  }
0x99: {  	s4 =	simm.s32 $_scs_section_size  }
0x9a: {  	s5 =	simm.s32 $_size__tile_overlayer_lowered;
	s6 =	simm.s32 $_tile_overlayer_lowered  }
0x9b: {  	s22 =	simm.s32 $0x1BFF;
	s21 =	sshll.u32 s6, $0x1;
	s3 =	sadd.s32 s4, s19  }
0x9c: {  	s7 =	simm.s32 $0x0;
	s20 =	sshll.u32 s5, $0x1;
	s5 =	sadd.s32 s21, s3  }
0x9d: {  	[timem:s7], [sflag:s22] =	dma.local [hbm:s5], s20  }
0x9e: {  	_ =	swait.ge [sflag:s22], s20  }
0x9f: {  	s4 =	ssub.s32 $0x0, s20;
	[sflag:s22] =	ssyncset.done $0x0  }
0xa0: {  	[sflag:s22] =	ssyncadd.s32 s4;
	_ =	sdelay $0x1  }
0xa1: {  	s23 =	simm.s32 $0x1B8B  }
0xa2: {  	_ =	swait.ge [sflag:s23], $0x1  }
0xa3: {  	[sflag:s23] =	ssyncset.done $0x0  }
0xa4: {  	s25 =	simm.s32 $0x1B8E;
	s24 =	sld [smem:$0x3FFE];
	[sflag:s23] =	ssyncadd.s32 $0xFFFFFFFF  }
0xa5: {  	s26 =	simm.s32 $execute0_lowered;
	[smem:$0x3FD2] =	sst s25  }
0xa6: {  	s5 =	sshll.u32 s26, $0x1;
	_ =	strace $0x8000004C;
	[dreg:$0x1] =	wrdreg $0xFFFFFFFF  }
0xa7: {  	s28 =	simm.s32 $_size_execute0_lowered;
	s3 =	sadd.s32 s3, s5;
	[dreg:$0x0] =	wrdreg $0x0  }
0xa8: {  	s5 =	sshll.u32 s28, $0x1;
	[dreg:$0x2] =	wrdreg s3  }
0xa9: {  	[dreg:$0x3] =	wrdreg s5  }
0xaa: {  	[dreg:$0x4] =	wrdreg $0xC0  }
0xab: {  	_ =	task [dreg:s7], $0x5FFFF  }
0xac: {  	[dreg:$0x1] =	wrdreg $0xFFFFFFFF  }
0xad: {  	[dreg:$0x0] =	wrdreg $0x60  }
0xae: {  	[dreg:$0x2] =	wrdreg s24  }
0xaf: {  	[dreg:$0x3] =	wrdreg s2  }
0xb0: {  	[dreg:$0x4] =	wrdreg $0xB7800  }
0xb1: {  	[dreg:$0x5] =	wrdreg $0x90000  }
0xb2: {  	[dreg:$0x6] =	wrdreg $0x9  }
0xb3: {  	_ =	task.clear_ibuf [dreg:s7], $0x7FFFF;
	_ =	strace $0x9000004C  }
0xb4: {  	s29 =	simm.s32 $0x9;
	_ =	strace $0x8000004E  }
0xb5: {  	_ =	swait.ge [sflag:s29], $0x1  }
0xb6: {  	[sflag:s29] =	ssyncadd.s32 $0xFFFFFFFF  }
0xb7: {  	_ =	strace $0x9000004E  }
0xb8: {  	_ =	sfence  }
0xb9: {  	s30 =	sld [smem:$0x0];
	_ =	sdelay $0x2  }
0xba: {  	s31 =	sshll.u32 s1, $0xD;
	s1 =	sshrl.u32 s1, $0x2  }
0xbb: {  	s3 =	sand.u32 $0x4000, s31;
	s1 =	sadd.s32 s1, s30  }
0xbc: {  	s0 =	sor.u32 s3, s0;
	s1 =	sshll.u32 s1, $0x11  }
0xbd: {  	s0 =	sor.u32 s1, s0  }
0xbe: {  	s0 =	sadd.s32 $0x8F2B, s0  }
0xbf: {  	[sflag:s0] =	ssyncadd.remote.s32 $0x1  }
0xc0: {  	_ =	sfence.sel $0xFFFF  }
0xc1: {  	[dreg:$0x0] =	wrdreg $0xFFFFFFFF;
	(pc) =	sbr.abs _section_cstart, $3  }
0xc2: {  	[dreg:$0x1] =	wrdreg $0xFFFFFFFF  }
0xc3: {  	_ =	task.clear_ibuf [dreg:s7], $0x2FFFF;
	_ =	strace $0x9FFFFFFF  }
0xc4: {  	(tm) =	ssettm $0x7FFFFFFF  }
0xc5: {  	_ =	shalt  }
tec
execute0_lowered:
.L_overlay_start_1:
0x0: {  	(tag) =	ssettag $0x1  }
0x1: {  	s0 =	rddreg [dreg:$0x0]  }
0x2: {  	s1 =	rddreg [dreg:$0x1]  }
0x3: {  	s2 =	rddreg [dreg:$0x2]  }
0x4: {  	s3 =	rddreg [dreg:$0x3];
	s12 =	stileid.u32  }
0x5: {  	s8 =	simm.s32 $0x0;
	s5 =	srdreg.scid;
	s11 =	simm.s32 $0x11  }
0x6: {  	s16 =	simm.s32 $0x80;
	s17 =	simm.s32 $0x5000;
	s28 =	simm.s32 $0x3  }
0x7: {  	s29 =	simm.s32 $0x8000;
	s30 =	simm.s32 $0x4;
	s31 =	simm.s32 $0x8800  }
0x8: {  	s15 =	simm.s32 $0x0;
	s4 =	smul.u32 $0x2780, s12;
	s5 =	sand.u32 $0x1, s5  }
0x9: {  	s6 =	sshll.u32 s12, $0x1;
	s7 =	smul.u32 $0x4F0, s12;
	[smem:$0x7FF] =	sst s8  }
0xa: {  	s25 =	sshll.u32 s12, $0x6;
	s12 =	simm.s32 $0x8;
	s6 =	sor.u32 s5, s6  }
0xb: {  	s18 =	smul.u32 $0x4F00, s5;
	_ =	strace $0x8000004D;
	s5 =	ssub.s32 $0x2, s5  }
0xc: {  	s13 =	sor.u32 $0x1C11, s25;
	s25 =	simm.s32 $0x2;
	s9 =	sshrl.u32 s4, $0x3  }
0xd: {  	s6 =	smul.u32 $0x500, s6;
	s19 =	sshrl.u32 s5, $0x1;
	s21 =	sadd.s32 s4, s2  }
0xe: {  	s22 =	sadd.s32 s4, s3;
	s10 =	sadd.s32 s9, s0;
	s7 =	sadd.s32 s7, s18  }
0xf: {  	s5 =	ssub.s32 s5, s19;
	s1 =	sadd.s32 s1, s9;
	s14 =	sshrl.u32 s21, $0x3  }
0x10: {  	s26 =	sshrl.u32 s22, $0x3;
	s18 =	simm.s32 $0x5800;
	s22 =	simm.s32 $0x6800  }
0x11: {  	s6 =	sadd.s32 s6, s0;
	s0 =	sadd.s32 s7, s0;
	[dreg:$0x7] =	wrdreg s1  }
0x12: {  	s23 =	sadd.s32 $0x3800, s10;
	s24 =	smax.u32 s5, $0x1;
	[dreg:$0xb] =	wrdreg s26  }
0x13: {  	s26 =	simm.s32 $0x7800;
	s1 =	simm.s32 $0x7;
	[dreg:$0x8] =	wrdreg s23  }
.Ltmp0:
0x14: {  	s20 =	sadd.s32 $0x21200, s6;
	[dreg:$0xa] =	wrdreg s24;
	(pc) =	sbr.rel .LBB2_1-.Ltmp0, $4  }
0x15: {  	s5 =	simm.s32 $0xB;
	s6 =	sadd.s32 $0x2B200, s6;
	[dreg:$0x5] =	wrdreg s20  }
0x16: {  	s10 =	simm.s32 $0x10;
	s0 =	sadd.s32 $0x8800, s0;
	[dreg:$0x6] =	wrdreg s6  }
0x17: {  	s23 =	simm.s32 $0x1;
	s24 =	simm.s32 $0x7000;
	[dreg:$0x9] =	wrdreg s0  }
0x18: {  	s20 =	simm.s32 $0x6000;
	s0 =	simm.s32 $0x5;
	s6 =	simm.s32 $0xC  }
.LBB2_4:
0x19: {  	_ =	swait.ge [sflag:s12], $0x800  }
0x1a: {  	[sflag:s12] =	ssyncset.done $0x0  }
0x1b: {  	s4 =	simm.s32 $0x9;
	[sflag:s12] =	ssyncadd.s32 $0xFFFFF800  }
0x1c: {  	[spmem:s2] =	stream.indirect.scatter.add.f32 [tilespmem:s31], [sflag:$0x10], $0x10, s21, s16, $0xb8;
	[tilespmem:$0xDF00] =	vst v63  }
0x1d: {  	_ =	swait.ge [sflag:s4], $0x800  }
0x1e: {  	[sflag:s4] =	ssyncset.done $0x0  }
0x1f: {  	s21 =	simm.s32 $0xA;
	[sflag:s4] =	ssyncadd.s32 $0xFFFFF800  }
0x20: {  	_ =	swait.ge [sflag:s21], $0x800  }
0x21: {  	[sflag:s21] =	ssyncset.done $0x0  }
0x22: {  	[sflag:s21] =	ssyncadd.s32 $0xFFFFF800  }
0x23: {  	_ =	swait.ge [sflag:s5], $0x800  }
0x24: {  	[sflag:s5] =	ssyncset.done $0x0  }
0x25: {  	[sflag:s5] =	ssyncadd.s32 $0xFFFFF800  }
0x26: {  	_ =	swait.ge [sflag:s6], $0x800  }
0x27: {  	[sflag:s6] =	ssyncset.done $0x0  }
0x28: {  	s7 =	simm.s32 $0xD;
	[sflag:s6] =	ssyncadd.s32 $0xFFFFF800  }
0x29: {  	_ =	swait.ge [sflag:s7], $0x800  }
0x2a: {  	[sflag:s7] =	ssyncset.done $0x0  }
0x2b: {  	s8 =	simm.s32 $0xE;
	[sflag:s7] =	ssyncadd.s32 $0xFFFFF800  }
0x2c: {  	_ =	swait.ge [sflag:s8], $0x800  }
0x2d: {  	[sflag:s8] =	ssyncset.done $0x0  }
0x2e: {  	s9 =	simm.s32 $0xF;
	[sflag:s8] =	ssyncadd.s32 $0xFFFFF800  }
0x2f: {  	_ =	swait.ge [sflag:s9], $0x800  }
0x30: {  	[sflag:s9] =	ssyncset.done $0x0  }
0x31: {  	[sflag:s9] =	ssyncadd.s32 $0xFFFFF800  }
0x32: {  	_ =	swait.ge [sflag:s10], $0x800  }
0x33: {  	[sflag:s10] =	ssyncset.done $0x0  }
0x34: {  	[sflag:s10] =	ssyncadd.s32 $0xFFFFF800  }
0x35: {  	[bflag:$0x0] =	sbarrier.arrive $0xFFFF  }
0x36: {  	s19 =	rddreg [dreg:$0x9]  }
0x37: {  	[hbm:s19], [sflag:s13] =	dma.local [spmem:s14], $0x4F0  }
0x38: {  	_ =	swait.ge [sflag:s11], $0x4F0  }
0x39: {  	s15 =	sadd.s32 $0x1, s15;
	s21 =	rddreg [dreg:$0xa]  }
0x3a: {  	p0 =	sne.s32 s15, s21  }
.Ltmp1:
0x3b: {  	_ = 	snop;
	(pc) =	sbr.rel @!p0 .LBB2_5-.Ltmp1, $3  }
0x3c: {  	_ =	sdelay $0x1  }
0x3d: {  	[sflag:s11] =	ssyncset.done $0x0  }
0x3e: {  	[sflag:s11] =	ssyncadd.s32 $0xFFFFFB10  }
.LBB2_1:
0x3f: {  	s4 =	simm.s32 $0x0;
	s7 =	rddreg [dreg:$0x5]  }
0x40: {  	[tilespmem:s4], [sflag:$0x11] =	stream.linear.gather [hbm4b:s7+s4], $0x2800, $0x38;
	[tilespmem:$0xDF00] =	vst v63  }
0x41: {  	_ =	swait.ge [sflag:s11], $0x2800  }
0x42: {  	[sflag:s11] =	ssyncset.done $0x0  }
0x43: {  	s8 =	simm.s32 $0x2800;
	s19 =	rddreg [dreg:$0x6];
	[sflag:s11] =	ssyncadd.s32 $0xFFFFD800  }
0x44: {  	[tilespmem:s8], [sflag:$0x11] =	stream.linear.gather [hbm4b:s19+s4], $0x2800, $0x38;
	[tilespmem:$0xDF00] =	vst v63  }
0x45: {  	_ =	swait.ge [sflag:s11], $0x2800  }
0x46: {  	[sflag:s11] =	ssyncset.done $0x0  }
0x47: {  	s21 =	rddreg [dreg:$0x7];
	[sflag:s11] =	ssyncadd.s32 $0xFFFFD800  }
0x48: {  	[spmem:s14], [sflag:s13] =	dma.local [hbm:s21], $0x4F0  }
0x49: {  	_ =	swait.ge [sflag:s11], $0x4F0  }
0x4a: {  	[sflag:s11] =	ssyncset.done $0x0;
	s8 =	rddreg [dreg:$0x8]  }
0x4b: {  	s9 =	rddreg [dreg:$0xb];
	[sflag:s11] =	ssyncadd.s32 $0xFFFFFB10  }
0x4c: {  	[spmem:s9], [sflag:s13] =	dma.local [hbm:s8], $0x4F0  }
0x4d: {  	_ =	swait.ge [sflag:s11], $0x4F0  }
0x4e: {  	[sflag:s11] =	ssyncset.done $0x0  }
0x4f: {  	[sflag:s11] =	ssyncadd.s32 $0xFFFFFB10  }
0x50: {  	[bflag:$0x0] =	sbarrier.arrive $0xFFFF  }
0x51: {  	[tilespmem:s17], [sflag:$0x1] =	stream.indirect.gather [spmem:s3], $0x10, s4, s16, $0xb8;
	[tilespmem:$0xDF00] =	vst v63  }
0x52: {  	_ = 	snop  }
0x53: {  	[tilespmem:s18], [sflag:$0x2] =	stream.indirect.gather [spmem:s3], $0x10, s16, s16, $0xb8;
	[tilespmem:$0xDF00] =	vst v63  }
0x54: {  	s19 =	simm.s32 $0x100  }
0x55: {  	[tilespmem:s20], [sflag:$0x3] =	stream.indirect.gather [spmem:s3], $0x10, s19, s16, $0xb8;
	[tilespmem:$0xDF00] =	vst v63  }
0x56: {  	s21 =	simm.s32 $0x180;
	s4 =	simm.s32 $0x0  }
0x57: {  	[tilespmem:s22], [sflag:$0x4] =	stream.indirect.gather [spmem:s3], $0x10, s21, s16, $0xb8;
	[tilespmem:$0xDF00] =	vst v63  }
.LBB2_2:
0x58: {  	_ =	swait.ge [sflag:s23], $0x800  }
0x59: {  	s19 =	sshra.s32 s4, $0x2;
	[sflag:s23] =	ssyncset.done $0x0  }
0x5a: {  	p0 =	seq.s32 s4, $0x0;
	s21 =	sadd.s32 $0x2800, s19;
	[sflag:s23] =	ssyncadd.s32 $0xFFFFF800  }
0x5b: {  	[spmem:s2] =	stream.indirect.scatter.add.f32 [tilespmem:s17], [sflag:$0x9], $0x10, s21, s16, $0xb8;
	[tilespmem:$0xDF00] =	vst v63  }
0x5c: {  	s21 =	simm.s32 @!p0 $0xD  }
0x5d: {  	_ =	swait.ge @!p0 [sflag:s21], $0x800  }
0x5e: {  	[sflag:s21] =	ssyncset.done @!p0 $0x0  }
0x5f: {  	s8 =	sadd.s32 $0x200, s19;
	[sflag:s21] =	ssyncadd.s32 @!p0 $0xFFFFF800  }
0x60: {  	[tilespmem:s24], [sflag:$0x5] =	stream.indirect.gather [spmem:s3], $0x10, s8, s16, $0xb8;
	[tilespmem:$0xDF00] =	vst v63  }
0x61: {  	_ =	swait.ge [sflag:s25], $0x800  }
0x62: {  	[sflag:s25] =	ssyncset.done $0x0  }
0x63: {  	s9 =	sadd.s32 $0x2880, s19;
	s21 =	simm.s32 @!p0 $0xE;
	[sflag:s25] =	ssyncadd.s32 $0xFFFFF800  }
0x64: {  	[spmem:s2] =	stream.indirect.scatter.add.f32 [tilespmem:s18], [sflag:$0xA], $0x10, s9, s16, $0xb8;
	[tilespmem:$0xDF00] =	vst v63  }
0x65: {  	_ =	swait.ge @!p0 [sflag:s21], $0x800  }
0x66: {  	[sflag:s21] =	ssyncset.done @!p0 $0x0  }
0x67: {  	s7 =	sadd.s32 $0x280, s19;
	[sflag:s21] =	ssyncadd.s32 @!p0 $0xFFFFF800  }
0x68: {  	[tilespmem:s26], [sflag:$0x6] =	stream.indirect.gather [spmem:s3], $0x10, s7, s16, $0xb8;
	[tilespmem:$0xDF00] =	vst v63  }
0x69: {  	_ =	swait.ge [sflag:s28], $0x800  }
0x6a: {  	[sflag:s28] =	ssyncset.done $0x0  }
0x6b: {  	s8 =	sadd.s32 $0x2900, s19;
	s21 =	simm.s32 @!p0 $0xF;
	[sflag:s28] =	ssyncadd.s32 $0xFFFFF800  }
0x6c: {  	[spmem:s2] =	stream.indirect.scatter.add.f32 [tilespmem:s20], [sflag:$0xB], $0x10, s8, s16, $0xb8;
	[tilespmem:$0xDF00] =	vst v63  }
0x6d: {  	_ =	swait.ge @!p0 [sflag:s21], $0x800  }
0x6e: {  	[sflag:s21] =	ssyncset.done @!p0 $0x0  }
0x6f: {  	s9 =	sadd.s32 $0x300, s19;
	[sflag:s21] =	ssyncadd.s32 @!p0 $0xFFFFF800  }
0x70: {  	[tilespmem:s29], [sflag:$0x7] =	stream.indirect.gather [spmem:s3], $0x10, s9, s16, $0xb8;
	[tilespmem:$0xDF00] =	vst v63  }
0x71: {  	_ =	swait.ge [sflag:s30], $0x800  }
0x72: {  	[sflag:s30] =	ssyncset.done $0x0  }
0x73: {  	s7 =	sadd.s32 $0x2980, s19;
	s21 =	simm.s32 @!p0 $0x10;
	[sflag:s30] =	ssyncadd.s32 $0xFFFFF800  }
0x74: {  	[spmem:s2] =	stream.indirect.scatter.add.f32 [tilespmem:s22], [sflag:$0xC], $0x10, s7, s16, $0xb8;
	[tilespmem:$0xDF00] =	vst v63  }
0x75: {  	_ =	swait.ge @!p0 [sflag:s21], $0x800  }
0x76: {  	[sflag:s21] =	ssyncset.done @!p0 $0x0  }
0x77: {  	s8 =	sadd.s32 $0x380, s19;
	[sflag:s21] =	ssyncadd.s32 @!p0 $0xFFFFF800  }
0x78: {  	[tilespmem:s31], [sflag:$0x8] =	stream.indirect.gather [spmem:s3], $0x10, s8, s16, $0xb8;
	[tilespmem:$0xDF00] =	vst v63  }
0x79: {  	_ =	swait.ge [sflag:s0], $0x800  }
0x7a: {  	p0 =	seq.s32 s4, $0x9000;
	[sflag:s0] =	ssyncset.done $0x0  }
0x7b: {  	s9 =	sadd.s32 $0x2A00, s19;
	s21 =	simm.s32 @p0 $0x6;
	[sflag:s0] =	ssyncadd.s32 $0xFFFFF800  }
0x7c: {  	[spmem:s2] =	stream.indirect.scatter.add.f32 [tilespmem:s24], [sflag:$0xD], $0x10, s9, s16, $0xb8;
	[tilespmem:$0xDF00] =	vst v63  }
0x7d: {  	_ =	swait.ge @p0 [sflag:s21], $0x800  }
0x7e: {  	[sflag:s21] =	ssyncset.done @p0 $0x0  }
0x7f: {  	[sflag:s21] =	ssyncadd.s32 @p0 $0xFFFFF800;
	s21 =	sshra.s32 @p0 s4, $0x2  }
0x80: {  	s7 =	simm.s32 @p0 $0x80;
	s8 =	simm.s32 @p0 $0x7800;
	s21 =	sadd.s32 @p0 $0x2A80, s21  }
0x81: {  	[spmem:s2] =	stream.indirect.scatter.add.f32 @p0 [tilespmem:s8], [sflag:$0xE], $0x10, s21, s7, $0xb8;
	[tilespmem:$0xDF00] =	vst v63  }
0x82: {  	s7 =	simm.s32 @!p0 $0x9  }
0x83: {  	_ =	swait.ge @!p0 [sflag:s7], $0x800  }
0x84: {  	[sflag:s7] =	ssyncset.done @!p0 $0x0  }
0x85: {  	[sflag:s7] =	ssyncadd.s32 @!p0 $0xFFFFF800;
	s7 =	sshra.s32 @!p0 s4, $0x2  }
0x86: {  	s9 =	simm.s32 @!p0 $0x5000;
	s21 =	simm.s32 @!p0 $0x80;
	s8 =	sadd.s32 @!p0 $0x400, s7  }
0x87: {  	[tilespmem:s9], [sflag:$0x1] =	stream.indirect.gather @!p0 [spmem:s3], $0x10, s8, s21, $0xb8;
	[tilespmem:$0xDF00] =	vst v63  }
0x88: {  	s8 =	simm.s32 @!p0 $0x6  }
0x89: {  	_ =	swait.ge @!p0 [sflag:s8], $0x800  }
0x8a: {  	[sflag:s8] =	ssyncset.done @!p0 $0x0  }
0x8b: {  	s9 =	simm.s32 @!p0 $0x7800;
	[sflag:s8] =	ssyncadd.s32 @!p0 $0xFFFFF800;
	s8 =	sadd.s32 @!p0 $0x2A80, s7  }
0x8c: {  	[spmem:s2] =	stream.indirect.scatter.add.f32 @!p0 [tilespmem:s9], [sflag:$0xE], $0x10, s8, s21, $0xb8;
	[tilespmem:$0xDF00] =	vst v63  }
0x8d: {  	s8 =	simm.s32 @!p0 $0xA  }
0x8e: {  	_ =	swait.ge @!p0 [sflag:s8], $0x800  }
0x8f: {  	[sflag:s8] =	ssyncset.done @!p0 $0x0  }
0x90: {  	s7 =	sadd.s32 @!p0 $0x480, s7;
	[sflag:s8] =	ssyncadd.s32 @!p0 $0xFFFFF800;
	s8 =	simm.s32 @!p0 $0x5800  }
0x91: {  	[tilespmem:s8], [sflag:$0x2] =	stream.indirect.gather @!p0 [spmem:s3], $0x10, s7, s21, $0xb8;
	[tilespmem:$0xDF00] =	vst v63  }
.Ltmp2:
0x92: {  	_ =	swait.ge [sflag:s1], $0x800;
	(pc) =	sbr.rel @p0 .LBB2_4-.Ltmp2, $4  }
0x93: {  	[sflag:s1] =	ssyncset.done $0x0  }
0x94: {  	s21 =	sadd.s32 $0x2B00, s19;
	[sflag:s1] =	ssyncadd.s32 $0xFFFFF800  }
0x95: {  	[spmem:s2] =	stream.indirect.scatter.add.f32 [tilespmem:s29], [sflag:$0xF], $0x10, s21, s16, $0xb8;
	[tilespmem:$0xDF00] =	vst v63  }
0x96: {  	s21 =	sadd.s32 $0x2B80, s19  }
0x97: {  	_ =	swait.ge [sflag:s5], $0x800  }
0x98: {  	[sflag:s5] =	ssyncset.done $0x0  }
0x99: {  	s7 =	sadd.s32 $0x500, s19;
	[sflag:s5] =	ssyncadd.s32 $0xFFFFF800  }
0x9a: {  	[tilespmem:s20], [sflag:$0x3] =	stream.indirect.gather [spmem:s3], $0x10, s7, s16, $0xb8;
	[tilespmem:$0xDF00] =	vst v63  }
0x9b: {  	_ =	swait.ge [sflag:s12], $0x800  }
0x9c: {  	[sflag:s12] =	ssyncset.done $0x0  }
0x9d: {  	[sflag:s12] =	ssyncadd.s32 $0xFFFFF800  }
0x9e: {  	[spmem:s2] =	stream.indirect.scatter.add.f32 [tilespmem:s31], [sflag:$0x10], $0x10, s21, s16, $0xb8;
	[tilespmem:$0xDF00] =	vst v63  }
.Ltmp3:
0x9f: {  	_ = 	snop;
	(pc) =	sbr.rel .LBB2_2-.Ltmp3, $4  }
0xa0: {  	_ =	swait.ge [sflag:s6], $0x800  }
0xa1: {  	[sflag:s6] =	ssyncset.done $0x0  }
0xa2: {  	s4 =	sadd.s32 $0x1000, s4;
	s21 =	sadd.s32 $0x580, s19;
	[sflag:s6] =	ssyncadd.s32 $0xFFFFF800  }
0xa3: {  	[tilespmem:s22], [sflag:$0x4] =	stream.indirect.gather [spmem:s3], $0x10, s21, s16, $0xb8;
	[tilespmem:$0xDF00] =	vst v63  }
.LBB2_5:
0xa4: {  	_ =	sfence.sel $0x180000  }
0xa5: {  	[bflag:$0x0] =	sbarrier.arrive $0xFFFF  }
0xa6: {  	_ =	strace $0x9000004D  }
0xa7: {  	s0 =	stileid.u32;
	[bflag:$0x2] =	sbarrier.arrive $0xFFFF  }
0xa8: {  	p0 =	sne.s32 s0, $0x0;
	s0 =	rddreg [dreg:$0x4]  }
0xa9: {  	s0 =	sadd.s32 @!p0 $0x100000, s0  }
0xaa: {  	[sflag:s0] =	ssyncadd.tile.s32 @!p0 $0x1;
	_ =	shalt  }
.Lfunc_end2:
_tile_overlayer_lowered:
.L_overlay_start_2:
0xab: {  	(tag) =	ssettag $0x2  }
0xac: {  	s0 =	rddreg [dreg:$0x0];
	s2 =	stileid.u32  }
0xad: {  	s1 =	rddreg [dreg:$0x1];
	p0 =	sne.s32 s2, $0x0  }
0xae: {  	s3 =	rddreg [dreg:$0x2];
	[bflag:$0x3] =	sbarrier.arrive $0xFFFF;
	s2 =	simm.s32 @!p0 $0x1C11  }
0xaf: {  	[timem:s3], [sflag:s2] =	dma.local @!p0 [hbm:s0], s1  }
0xb0: {  	s0 =	simm.s32 @!p0 $0x11  }
0xb1: {  	_ =	swait.ge @!p0 [sflag:s0], s1  }
0xb2: {  	s1 =	ssub.s32 @!p0 $0x0, s1;
	[sflag:s0] =	ssyncset.done @!p0 $0x0  }
0xb3: {  	[sflag:s0] =	ssyncadd.s32 @!p0 s1  }
0xb4: {  	[bflag:$0x3] =	sbarrier.arrive $0xFFFF  }
0xb5: {  	_ =	shalt  }

// kernel: kernel.19.cloned.1.call-start
scs
__scs_entry_jumppad:
0x0: {  	(pc) =	sbr.rel $0x88, $3  }
0x1: {  	(tag) =	ssettag $0x0;
	lr =	simm.s32 $0x1  }
0x2: {  	[smem:$0x3F99] =	sst lr;
	_ =	strace $0xD0000000  }
0x3: {  	_ = 	snop  }
0x4: {  	_ = 	snop  }
0x5: {  	_ = 	snop  }
0x6: {  	_ = 	snop  }
0x7: {  	_ = 	snop  }
__scs_overlays_trampoline_lowered:
0x8: {  	[smem:$0x3FA8] =	sst s0  }
0x9: {  	[smem:$0x3FA9] =	sst s1  }
0xa: {  	[smem:$0x3FAA] =	sst s2  }
0xb: {  	[smem:$0x3FAB] =	sst s3  }
0xc: {  	[smem:$0x3FAC] =	sst s4  }
0xd: {  	[smem:$0x3FAD] =	sst s5  }
0xe: {  	[smem:$0x3FAE] =	sst s6  }
0xf: {  	[smem:$0x3FAF] =	sst s7  }
0x10: {  	[smem:$0x3FB0] =	sst s8  }
0x11: {  	[smem:$0x3FB1] =	sst s9;
	s0 =	simm.s32 @!p0 $0x0  }
0x12: {  	s1 =	sld [smem:$0x3F97];
	s0 =	simm.s32 @p0 $0x1  }
0x13: {  	[smem:$0x3FB2] =	sst s0;
	s0 =	simm.s32 @!p1 $0x0  }
0x14: {  	s2 =	sld [smem:$0x3F96];
	s0 =	simm.s32 @p1 $0x1  }
0x15: {  	[smem:$0x3FB3] =	sst s0;
	s0 =	simm.s32 @!p2 $0x0  }
0x16: {  	s3 =	sld [smem:$0x3FDB];
	s0 =	simm.s32 @p2 $0x1  }
0x17: {  	s4 =	simm.s32 $0x1BF5;
	[smem:$0x3FB5] =	sst s0  }
0x18: {  	s0 =	sld [smem:$0x3F98];
	_ =	swait.ge [sflag:s4], $0x0  }
0x19: {  	s7 =	sld [smem:$0x3F99]  }
0x1a: {  	s8 =	sadd.s32 $0xFFFFE003, lr  }
0x1b: {  	s9 =	sadd.s32 $0xFFFFFEF7, lr;
	s5 =	simm.s32 $0xFFFFFFFF;
	p2 =	slt.u32 s8, $0xFFFFF086  }
0x1c: {  	p1 =	slt.u32 s9, $0xF7A;
	s5 =	simm.s32 @!p2 $0x0  }
0x1d: {  	s5 =	simm.s32 @p1 $0x1;
	p0 =	seq.s32 s7, s2  }
0x1e: {  	s7 =	smul.u32 @!p0 $0xF7A, s2;
	p2 =	seq.s32 @!p0 s5, $0x0  }
0x1f: {  	s9 =	smul.u32 $0xF7A, s1;
	s8 =	simm.s32 @!p0 $0x1BF5;
	p2 =	por !p2, p0  }
0x20: {  	[sflag:s8] =	ssyncset.s32 @!p0 $0xFFFFF086;
	s6 =	sadd.s32 @!p0 s3, s7;
	s7 =	simm.s32 @!p0 $0x108  }
0x21: {  	s3 =	sadd.s32 s3, s9;
	s6 =	sadd.s32 @!p0 $0x88, s6;
	s7 =	simm.s32 @p2 $0x1082  }
0x22: {  	[simem:s7], [sflag:s8] =	dma.local @!p0 [hbm:s6], $0xF7A  }
0x23: {  	s9 =	sor.u32 $0xD0000000, s2;
	s6 =	simm.s32 $0x108;
	_ =	swait.ge @!p0 [sflag:s8], $0x0  }
0x24: {  	s3 =	sadd.s32 $0x88, s3;
	s6 =	simm.s32 @!p1 $0x1082;
	[sflag:s4] =	ssyncset.s32 $0xFFFFF086  }
0x25: {  	[simem:s6], [sflag:s4] =	dma.local [hbm:s3], $0xF7A  }
0x26: {  	[smem:$0x3F99] =	sst s1;
	(tag) =	ssettag s2;
	_ =	strace s9  }
0x27: {  	s1 =	sld [smem:$0x3FA9]  }
0x28: {  	s2 =	sld [smem:$0x3FAA]  }
0x29: {  	s4 =	sld [smem:$0x3FAC]  }
0x2a: {  	p0 =	seq.s32 s5, $0x0;
	s5 =	sld [smem:$0x3FAD]  }
0x2b: {  	s6 =	sld [smem:$0x3FAE]  }
0x2c: {  	s7 =	sld [smem:$0x3FAF]  }
0x2d: {  	s3 =	simm.s32 $0x108;
	s8 =	sld [smem:$0x3FB0]  }
0x2e: {  	s3 =	simm.s32 @!p0 $0x1082;
	s9 =	sld [smem:$0x3FB1]  }
0x2f: {  	lr =	sadd.s32 s0, s3;
	s0 =	sld [smem:$0x3FA8]  }
0x30: {  	s3 =	sld [smem:$0x3FAB]  }
0x31: {  	[smem:$0x3FB4] =	sst s10  }
0x32: {  	s10 =	sld [smem:$0x3FB2];
	_ =	sdelay $0x3  }
0x33: {  	p0 =	seq.s32 s10, $0x1;
	s10 =	sld [smem:$0x3FB4];
	_ =	sdelay $0x3  }
0x34: {  	[smem:$0x3FB4] =	sst s10  }
0x35: {  	s10 =	sld [smem:$0x3FB3];
	_ =	sdelay $0x3  }
0x36: {  	p1 =	seq.s32 s10, $0x1;
	s10 =	sld [smem:$0x3FB4];
	_ =	sdelay $0x3  }
0x37: {  	[smem:$0x3FB4] =	sst s10  }
0x38: {  	s10 =	sld [smem:$0x3FB5]  }
0x39: {  	_ = 	snop;
	(pc) =	sbr.ind lr, $3  }
0x3a: {  	_ = 	snop  }
0x3b: {  	_ = 	snop  }
0x3c: {  	p2 =	seq.s32 s10, $0x1;
	s10 =	sld [smem:$0x3FB4]  }
0x3d: {  	_ =	shalt  }
0x3e: {  	_ =	shalt  }
0x3f: {  	_ =	shalt  }
0x40: {  	_ =	shalt  }
0x41: {  	_ =	shalt  }
0x42: {  	_ =	shalt  }
0x43: {  	_ =	shalt  }
0x44: {  	_ =	shalt  }
0x45: {  	_ =	shalt  }
0x46: {  	_ =	shalt  }
0x47: {  	_ =	shalt  }
0x48: {  	_ =	shalt  }
0x49: {  	_ =	shalt  }
0x4a: {  	_ =	shalt  }
0x4b: {  	_ =	shalt  }
0x4c: {  	_ =	shalt  }
0x4d: {  	_ =	shalt  }
0x4e: {  	_ =	shalt  }
0x4f: {  	_ =	shalt  }
0x50: {  	_ =	shalt  }
0x51: {  	_ =	shalt  }
0x52: {  	_ =	shalt  }
0x53: {  	_ =	shalt  }
0x54: {  	_ =	shalt  }
0x55: {  	_ =	shalt  }
0x56: {  	_ =	shalt  }
0x57: {  	_ =	shalt  }
0x58: {  	_ =	shalt  }
0x59: {  	_ =	shalt  }
0x5a: {  	_ =	shalt  }
0x5b: {  	_ =	shalt  }
0x5c: {  	_ =	shalt  }
0x5d: {  	_ =	shalt  }
0x5e: {  	_ =	shalt  }
0x5f: {  	_ =	shalt  }
0x60: {  	_ =	shalt  }
0x61: {  	_ =	shalt  }
0x62: {  	_ =	shalt  }
0x63: {  	_ =	shalt  }
0x64: {  	_ =	shalt  }
0x65: {  	_ =	shalt  }
0x66: {  	_ =	shalt  }
0x67: {  	_ =	shalt  }
0x68: {  	_ =	shalt  }
0x69: {  	_ =	shalt  }
0x6a: {  	_ =	shalt  }
0x6b: {  	_ =	shalt  }
0x6c: {  	_ =	shalt  }
0x6d: {  	_ =	shalt  }
0x6e: {  	_ =	shalt  }
0x6f: {  	_ =	shalt  }
0x70: {  	_ =	shalt  }
0x71: {  	_ =	shalt  }
0x72: {  	_ =	shalt  }
0x73: {  	_ =	shalt  }
0x74: {  	_ =	shalt  }
0x75: {  	_ =	shalt  }
0x76: {  	_ =	shalt  }
0x77: {  	_ =	shalt  }
0x78: {  	_ =	shalt  }
0x79: {  	_ =	shalt  }
0x7a: {  	_ =	shalt  }
0x7b: {  	_ =	shalt  }
0x7c: {  	_ =	shalt  }
0x7d: {  	_ =	shalt  }
0x7e: {  	_ =	shalt  }
0x7f: {  	_ =	shalt  }
0x80: {  	_ =	shalt  }
0x81: {  	_ =	shalt  }
0x82: {  	_ =	shalt  }
0x83: {  	_ =	shalt  }
0x84: {  	_ =	shalt  }
0x85: {  	_ =	shalt  }
0x86: {  	_ =	shalt  }
0x87: {  	_ =	shalt  }
.Lfunc_end0:
.L_simem_size_0:
called_computation.3_lowered:
.L_overlay_start_0:
0x88: {  	s2 =	sld [smem:$0x3FD9]  }
0x89: {  	s3 =	sld [smem:$0x3FFE];
	_ =	sdelay $0x1  }
0x8a: {  	s1 =	srdreg.scid  }
0x8b: {  	s0 =	sand.u32 $0x1, s1  }
0x8c: {  	s17 =	sshll.u32 s0, $0xA;
	s2 =	sadd.s32 s3, s2  }
0x8d: {  	s2 =	sadd.s32 s2, s17  }
0x8e: {  	[smem:$0x3FC0] =	sst s2  }
0x8f: {  	_ = 	snop  }
0x90: {  	s2 =	sld [smem:$0x3FD0];
	(tm) =	ssettm $0x1  }
0x91: {  	s18 =	sld [smem:$0x3FFB];
	_ =	sdelay $0x3  }
0x92: {  	_ =	strace s18  }
0x93: {  	s3 =	sld [smem:$0x3FFC];
	_ =	sdelay $0x3  }
0x94: {  	_ =	strace s3  }
0x95: {  	s3 =	sld [smem:$0x3FFD];
	_ =	sdelay $0x3  }
0x96: {  	_ =	strace s3  }
0x97: {  	_ =	strace $0x8FFFFFFF  }
0x98: {  	s19 =	sld [smem:$0x3FDB];
	_ =	sdelay $0x1  }
0x99: {  	s4 =	simm.s32 $_scs_section_size  }
0x9a: {  	s5 =	simm.s32 $_size__tile_overlayer_lowered;
	s6 =	simm.s32 $_tile_overlayer_lowered  }
0x9b: {  	s22 =	simm.s32 $0x1BFF;
	s21 =	sshll.u32 s6, $0x1;
	s3 =	sadd.s32 s4, s19  }
0x9c: {  	s7 =	simm.s32 $0x0;
	s20 =	sshll.u32 s5, $0x1;
	s5 =	sadd.s32 s21, s3  }
0x9d: {  	[timem:s7], [sflag:s22] =	dma.local [hbm:s5], s20  }
0x9e: {  	_ =	swait.ge [sflag:s22], s20  }
0x9f: {  	s4 =	ssub.s32 $0x0, s20;
	[sflag:s22] =	ssyncset.done $0x0  }
0xa0: {  	[sflag:s22] =	ssyncadd.s32 s4;
	_ =	sdelay $0x1  }
0xa1: {  	s23 =	simm.s32 $0x1B8B  }
0xa2: {  	_ =	swait.ge [sflag:s23], $0x1  }
0xa3: {  	[sflag:s23] =	ssyncset.done $0x0  }
0xa4: {  	s25 =	simm.s32 $0x1B8E;
	s24 =	sld [smem:$0x3FFE];
	[sflag:s23] =	ssyncadd.s32 $0xFFFFFFFF  }
0xa5: {  	s26 =	simm.s32 $execute0_lowered;
	[smem:$0x3FD2] =	sst s25  }
0xa6: {  	s5 =	sshll.u32 s26, $0x1;
	_ =	strace $0x8000004F;
	[dreg:$0x1] =	wrdreg $0xFFFFFFFF  }
0xa7: {  	s28 =	simm.s32 $_size_execute0_lowered;
	s3 =	sadd.s32 s3, s5;
	[dreg:$0x0] =	wrdreg $0x0  }
0xa8: {  	s5 =	sshll.u32 s28, $0x1;
	[dreg:$0x2] =	wrdreg s3  }
0xa9: {  	[dreg:$0x3] =	wrdreg s5  }
0xaa: {  	[dreg:$0x4] =	wrdreg $0xC0  }
0xab: {  	_ =	task [dreg:s7], $0x5FFFF  }
0xac: {  	[dreg:$0x1] =	wrdreg $0xFFFFFFFF  }
0xad: {  	[dreg:$0x0] =	wrdreg $0x60  }
0xae: {  	[dreg:$0x2] =	wrdreg s24  }
0xaf: {  	[dreg:$0x3] =	wrdreg s2  }
0xb0: {  	[dreg:$0x4] =	wrdreg $0x9  }
0xb1: {  	_ =	task.clear_ibuf [dreg:s7], $0x5FFFF;
	_ =	strace $0x9000004F  }
0xb2: {  	s29 =	simm.s32 $0x9;
	_ =	strace $0x80000051  }
0xb3: {  	_ =	swait.ge [sflag:s29], $0x1  }
0xb4: {  	[sflag:s29] =	ssyncadd.s32 $0xFFFFFFFF  }
0xb5: {  	_ =	strace $0x90000051  }
0xb6: {  	_ =	sfence  }
0xb7: {  	s30 =	sld [smem:$0x0];
	_ =	sdelay $0x2  }
0xb8: {  	s31 =	sshll.u32 s1, $0xD;
	s1 =	sshrl.u32 s1, $0x2  }
0xb9: {  	s3 =	sand.u32 $0x4000, s31;
	s1 =	sadd.s32 s1, s30  }
0xba: {  	s0 =	sor.u32 s3, s0;
	s1 =	sshll.u32 s1, $0x11  }
0xbb: {  	s0 =	sor.u32 s1, s0  }
0xbc: {  	s0 =	sadd.s32 $0x8F2B, s0  }
0xbd: {  	[sflag:s0] =	ssyncadd.remote.s32 $0x1  }
0xbe: {  	_ =	sfence.sel $0xFFFF  }
0xbf: {  	[dreg:$0x0] =	wrdreg $0xFFFFFFFF;
	(pc) =	sbr.abs _section_cstart, $3  }
0xc0: {  	[dreg:$0x1] =	wrdreg $0xFFFFFFFF  }
0xc1: {  	_ =	task.clear_ibuf [dreg:s7], $0x2FFFF;
	_ =	strace $0x9FFFFFFF  }
0xc2: {  	(tm) =	ssettm $0x7FFFFFFF  }
0xc3: {  	_ =	shalt  }
tec
execute0_lowered:
.L_overlay_start_1:
0x0: {  	(tag) =	ssettag $0x1  }
0x1: {  	s1 =	srdreg.scid;
	s4 =	rddreg [dreg:$0x0]  }
0x2: {  	s0 =	stileid.u32;
	s9 =	rddreg [dreg:$0x1];
	s2 =	simm.s32 $0x0  }
0x3: {  	s12 =	simm.s32 $0x7700;
	s13 =	simm.s32 $0xC600;
	s14 =	simm.s32 $0x1  }
0x4: {  	s3 =	sand.u32 $0x1, s1;
	s28 =	sshll.u32 s0, $0x1;
	s8 =	smul.u32 $0x4E20, s0  }
0x5: {  	s15 =	simm.s32 $0x0;
	s5 =	sor.u32 s3, s28;
	s11 =	smul.u32 $0x2710, s3  }
0x6: {  	s1 =	rddreg [dreg:$0x2];
	s7 =	ssub.s32 $0x2, s3;
	s6 =	smul.u32 $0x500, s5  }
0x7: {  	[smem:$0x7FF] =	sst s2;
	s5 =	smul.u32 $0x2710, s5;
	s10 =	sshrl.u32 s7, $0x1  }
0x8: {  	_ =	strace $0x80000050;
	s3 =	sadd.s32 $0x3800, s4;
	s7 =	ssub.s32 s7, s10  }
0x9: {  	s8 =	sadd.s32 s11, s8;
	s6 =	sadd.s32 s6, s4;
	s29 =	sshrl.u32 s5, $0x3  }
0xa: {  	s31 =	sadd.s32 $0x80, s8;
	s11 =	sshrl.u32 s8, $0x3;
	s7 =	smax.u32 s7, $0x1  }
0xb: {  	s4 =	sadd.s32 $0x21200, s6;
	s30 =	sadd.s32 s9, s29;
	s10 =	sshrl.u32 s31, $0x3  }
0xc: {  	s5 =	sadd.s32 $0x2B200, s6;
	s6 =	sadd.s32 $0x4E0, s30;
	s8 =	sadd.s32 s10, s9  }
0xd: {  	s9 =	sadd.s32 s11, s9;
	s10 =	simm.s32 $0x2;
	s11 =	simm.s32 $0x4F00  }
.LBB2_1:
0xe: {  	[tilespmem:s2], [sflag:$0x2] =	stream.linear.gather [hbm4b:s3+s2], $0x4F00, $0x38;
	[tilespmem:$0xC700] =	vst v63  }
0xf: {  	_ =	swait.ge [sflag:s10], $0x4F00  }
0x10: {  	[sflag:s10] =	ssyncset.done $0x0  }
0x11: {  	[sflag:s10] =	ssyncadd.s32 $0xFFFFB100  }
0x12: {  	[tilespmem:s11], [sflag:$0x2] =	stream.linear.gather [hbm4b:s4+s2], $0x2800, $0x38;
	[tilespmem:$0xC700] =	vst v63  }
0x13: {  	_ =	swait.ge [sflag:s10], $0x2800  }
0x14: {  	[sflag:s10] =	ssyncset.done $0x0  }
0x15: {  	[sflag:s10] =	ssyncadd.s32 $0xFFFFD800  }
0x16: {  	[tilespmem:s12], [sflag:$0x2] =	stream.linear.gather [hbm4b:s5+s2], $0x2800, $0x38;
	[tilespmem:$0xC700] =	vst v63  }
0x17: {  	_ =	swait.ge [sflag:s10], $0x2800  }
0x18: {  	s16 =	smov.u32 s9;
	s17 =	smov.u32 s8;
	[sflag:s10] =	ssyncset.done $0x0  }
0x19: {  	s18 =	simm.s32 $0x0;
	s19 =	simm.s32 $0x0;
	[sflag:s10] =	ssyncadd.s32 $0xFFFFD800  }
.LBB2_2:
0x1a: {  	s20 =	sshra.s32 s18, $0x2  }
0x1b: {  	v0 =	vld [tilespmem:s20+$0x4F00]  }
0x1c: {  	v1 =	vld [tilespmem:s20+$0x7700];
	_ =	sdelay $0x4  }
0x1d: {  	v0 =	vshll.u32 v0, $0x1;
	v1 =	vshll.u32 v1, $0x1  }
0x1e: {  	v1 =	vor.u32 $0x1, v1;
	_ =	sdelay $0x1  }
0x1f: {  	v2 =	vld [tilespmem:s20+$0x4F10]  }
0x20: {  	v3 =	vld [tilespmem:s20+$0x7710]  }
0x21: {  	v0 =	vld.idx.msk [tilespmem:v0+s2+$0x0], $0xffff  }
0x22: {  	v1 =	vld.idx.msk [tilespmem:v1+s2+$0x0], $0xffff;
	_ =	sdelay $0x2  }
0x23: {  	v2 =	vshll.u32 v2, $0x1;
	v3 =	vshll.u32 v3, $0x1  }
0x24: {  	v3 =	vor.u32 $0x1, v3  }
0x25: {  	v0 =	vadd.f32 v1, v0  }
0x26: {  	v34 =	vld [tilespmem:s20+$0x4F20]  }
0x27: {  	v35 =	vld [tilespmem:s20+$0x7720];
	[tilespmem:s20+$0x9F00] =	vst v0  }
0x28: {  	v2 =	vld.idx.msk [tilespmem:v2+s2+$0x0], $0xffff  }
0x29: {  	v3 =	vld.idx.msk [tilespmem:v3+s2+$0x0], $0xffff;
	_ =	sdelay $0x2  }
0x2a: {  	v1 =	vshll.u32 v34, $0x1;
	v0 =	vshll.u32 v35, $0x1  }
0x2b: {  	v0 =	vor.u32 $0x1, v0  }
0x2c: {  	v2 =	vadd.f32 v3, v2  }
0x2d: {  	v36 =	vld [tilespmem:s20+$0x4F30]  }
0x2e: {  	v37 =	vld [tilespmem:s20+$0x7730];
	[tilespmem:s20+$0x9F10] =	vst v2  }
0x2f: {  	v1 =	vld.idx.msk [tilespmem:v1+s2+$0x0], $0xffff  }
0x30: {  	v0 =	vld.idx.msk [tilespmem:v0+s2+$0x0], $0xffff;
	_ =	sdelay $0x2  }
0x31: {  	v3 =	vshll.u32 v36, $0x1;
	v2 =	vshll.u32 v37, $0x1  }
0x32: {  	v2 =	vor.u32 $0x1, v2  }
0x33: {  	v0 =	vadd.f32 v0, v1  }
0x34: {  	v38 =	vld [tilespmem:s20+$0x4F40]  }
0x35: {  	v39 =	vld [tilespmem:s20+$0x7740];
	[tilespmem:s20+$0x9F20] =	vst v0  }
0x36: {  	v3 =	vld.idx.msk [tilespmem:v3+s2+$0x0], $0xffff  }
0x37: {  	v2 =	vld.idx.msk [tilespmem:v2+s2+$0x0], $0xffff;
	_ =	sdelay $0x2  }
0x38: {  	v1 =	vshll.u32 v38, $0x1;
	v0 =	vshll.u32 v39, $0x1  }
0x39: {  	v0 =	vor.u32 $0x1, v0  }
0x3a: {  	v2 =	vadd.f32 v2, v3  }
0x3b: {  	v40 =	vld [tilespmem:s20+$0x4F50]  }
0x3c: {  	v41 =	vld [tilespmem:s20+$0x7750];
	[tilespmem:s20+$0x9F30] =	vst v2  }
0x3d: {  	v1 =	vld.idx.msk [tilespmem:v1+s2+$0x0], $0xffff  }
0x3e: {  	v0 =	vld.idx.msk [tilespmem:v0+s2+$0x0], $0xffff;
	_ =	sdelay $0x2  }
0x3f: {  	v3 =	vshll.u32 v40, $0x1;
	v2 =	vshll.u32 v41, $0x1  }
0x40: {  	v2 =	vor.u32 $0x1, v2  }
0x41: {  	v0 =	vadd.f32 v0, v1  }
0x42: {  	v42 =	vld [tilespmem:s20+$0x4F60]  }
0x43: {  	v43 =	vld [tilespmem:s20+$0x7760];
	[tilespmem:s20+$0x9F40] =	vst v0  }
0x44: {  	v3 =	vld.idx.msk [tilespmem:v3+s2+$0x0], $0xffff  }
0x45: {  	v2 =	vld.idx.msk [tilespmem:v2+s2+$0x0], $0xffff;
	_ =	sdelay $0x2  }
0x46: {  	v1 =	vshll.u32 v42, $0x1;
	v0 =	vshll.u32 v43, $0x1  }
0x47: {  	v0 =	vor.u32 $0x1, v0  }
0x48: {  	v2 =	vadd.f32 v2, v3  }
0x49: {  	v44 =	vld [tilespmem:s20+$0x4F70]  }
0x4a: {  	v45 =	vld [tilespmem:s20+$0x7770];
	[tilespmem:s20+$0x9F50] =	vst v2  }
0x4b: {  	v1 =	vld.idx.msk [tilespmem:v1+s2+$0x0], $0xffff  }
0x4c: {  	v0 =	vld.idx.msk [tilespmem:v0+s2+$0x0], $0xffff;
	_ =	sdelay $0x2  }
0x4d: {  	v3 =	vshll.u32 v44, $0x1;
	v2 =	vshll.u32 v45, $0x1  }
0x4e: {  	v2 =	vor.u32 $0x1, v2  }
0x4f: {  	v0 =	vadd.f32 v0, v1;
	_ =	sdelay $0x1  }
0x50: {  	[tilespmem:s20+$0x9F60] =	vst v0  }
0x51: {  	v0 =	vld.idx.msk [tilespmem:v3+s2+$0x0], $0xffff  }
0x52: {  	v46 =	vld.idx.msk [tilespmem:v2+s2+$0x0], $0xffff;
	_ =	sdelay $0x4  }
0x53: {  	v0 =	vadd.f32 v46, v0;
	_ =	sdelay $0x1  }
0x54: {  	p0 =	slt.u32 s19, $0x4;
	s21 =	sadd.s32 $0x9F00, s20;
	[tilespmem:s20+$0x9F70] =	vst v0  }
0x55: {  	[hbm4b:s16+s2] =	stream.linear.scatter [tilespmem:s21], [sflag:$0x1], $0x80, $0x38;
	[tilespmem:$0xC700] =	vst v63  }
0x56: {  	s21 =	simm.s32 @!p0 $0x1  }
0x57: {  	_ =	swait.ge @!p0 [sflag:s21], $0x80  }
0x58: {  	[sflag:s21] =	ssyncset.done @!p0 $0x0  }
0x59: {  	[sflag:s21] =	ssyncadd.s32 @!p0 $0xFFFFFF80  }
0x5a: {  	v47 =	vld [tilespmem:s20+$0x4F80]  }
0x5b: {  	v48 =	vld [tilespmem:s20+$0x7780];
	_ =	sdelay $0x4  }
0x5c: {  	v0 =	vshll.u32 v47, $0x1;
	v1 =	vshll.u32 v48, $0x1  }
0x5d: {  	v1 =	vor.u32 $0x1, v1;
	_ =	sdelay $0x1  }
0x5e: {  	v49 =	vld [tilespmem:s20+$0x4F90]  }
0x5f: {  	v50 =	vld [tilespmem:s20+$0x7790]  }
0x60: {  	v0 =	vld.idx.msk [tilespmem:v0+s2+$0x0], $0xffff  }
0x61: {  	v1 =	vld.idx.msk [tilespmem:v1+s2+$0x0], $0xffff;
	_ =	sdelay $0x2  }
0x62: {  	v2 =	vshll.u32 v49, $0x1;
	v3 =	vshll.u32 v50, $0x1  }
0x63: {  	v3 =	vor.u32 $0x1, v3  }
0x64: {  	v0 =	vadd.f32 v1, v0  }
0x65: {  	v51 =	vld [tilespmem:s20+$0x4FA0]  }
0x66: {  	v52 =	vld [tilespmem:s20+$0x77A0];
	[tilespmem:s20+$0x9F80] =	vst v0  }
0x67: {  	v2 =	vld.idx.msk [tilespmem:v2+s2+$0x0], $0xffff  }
0x68: {  	v3 =	vld.idx.msk [tilespmem:v3+s2+$0x0], $0xffff;
	_ =	sdelay $0x2  }
0x69: {  	v1 =	vshll.u32 v51, $0x1;
	v0 =	vshll.u32 v52, $0x1  }
0x6a: {  	v0 =	vor.u32 $0x1, v0  }
0x6b: {  	v2 =	vadd.f32 v3, v2  }
0x6c: {  	v53 =	vld [tilespmem:s20+$0x4FB0]  }
0x6d: {  	v54 =	vld [tilespmem:s20+$0x77B0];
	[tilespmem:s20+$0x9F90] =	vst v2  }
0x6e: {  	v1 =	vld.idx.msk [tilespmem:v1+s2+$0x0], $0xffff  }
0x6f: {  	v0 =	vld.idx.msk [tilespmem:v0+s2+$0x0], $0xffff;
	_ =	sdelay $0x2  }
0x70: {  	v3 =	vshll.u32 v53, $0x1;
	v2 =	vshll.u32 v54, $0x1  }
0x71: {  	v2 =	vor.u32 $0x1, v2  }
0x72: {  	v0 =	vadd.f32 v0, v1  }
0x73: {  	v55 =	vld [tilespmem:s20+$0x4FC0]  }
0x74: {  	v56 =	vld [tilespmem:s20+$0x77C0];
	[tilespmem:s20+$0x9FA0] =	vst v0  }
0x75: {  	v3 =	vld.idx.msk [tilespmem:v3+s2+$0x0], $0xffff  }
0x76: {  	v2 =	vld.idx.msk [tilespmem:v2+s2+$0x0], $0xffff;
	_ =	sdelay $0x2  }
0x77: {  	v1 =	vshll.u32 v55, $0x1;
	v0 =	vshll.u32 v56, $0x1  }
0x78: {  	v0 =	vor.u32 $0x1, v0  }
0x79: {  	v2 =	vadd.f32 v2, v3  }
0x7a: {  	v57 =	vld [tilespmem:s20+$0x4FD0]  }
0x7b: {  	v58 =	vld [tilespmem:s20+$0x77D0];
	[tilespmem:s20+$0x9FB0] =	vst v2  }
0x7c: {  	v1 =	vld.idx.msk [tilespmem:v1+s2+$0x0], $0xffff  }
0x7d: {  	v0 =	vld.idx.msk [tilespmem:v0+s2+$0x0], $0xffff;
	_ =	sdelay $0x2  }
0x7e: {  	v3 =	vshll.u32 v57, $0x1;
	v2 =	vshll.u32 v58, $0x1  }
0x7f: {  	v2 =	vor.u32 $0x1, v2  }
0x80: {  	v0 =	vadd.f32 v0, v1  }
0x81: {  	v59 =	vld [tilespmem:s20+$0x4FE0]  }
0x82: {  	v60 =	vld [tilespmem:s20+$0x77E0];
	[tilespmem:s20+$0x9FC0] =	vst v0  }
0x83: {  	v3 =	vld.idx.msk [tilespmem:v3+s2+$0x0], $0xffff  }
0x84: {  	v2 =	vld.idx.msk [tilespmem:v2+s2+$0x0], $0xffff;
	_ =	sdelay $0x2  }
0x85: {  	v1 =	vshll.u32 v59, $0x1;
	v0 =	vshll.u32 v60, $0x1  }
0x86: {  	v0 =	vor.u32 $0x1, v0  }
0x87: {  	v2 =	vadd.f32 v2, v3  }
0x88: {  	v61 =	vld [tilespmem:s20+$0x4FF0]  }
0x89: {  	v62 =	vld [tilespmem:s20+$0x77F0];
	[tilespmem:s20+$0x9FD0] =	vst v2  }
0x8a: {  	v1 =	vld.idx.msk [tilespmem:v1+s2+$0x0], $0xffff  }
0x8b: {  	v0 =	vld.idx.msk [tilespmem:v0+s2+$0x0], $0xffff;
	_ =	sdelay $0x2  }
0x8c: {  	v3 =	vshll.u32 v61, $0x1;
	v2 =	vshll.u32 v62, $0x1  }
0x8d: {  	v2 =	vor.u32 $0x1, v2  }
0x8e: {  	v0 =	vadd.f32 v0, v1;
	_ =	sdelay $0x1  }
0x8f: {  	[tilespmem:s20+$0x9FE0] =	vst v0  }
0x90: {  	v0 =	vld.idx.msk [tilespmem:v3+s2+$0x0], $0xffff  }
0x91: {  	v63 =	vld.idx.msk [tilespmem:v2+s2+$0x0], $0xffff;
	_ =	sdelay $0x4  }
0x92: {  	v0 =	vadd.f32 v63, v0;
	_ =	sdelay $0x1  }
0x93: {  	s22 =	sadd.s32 $0x9F80, s20;
	[tilespmem:s20+$0x9FF0] =	vst v0  }
0x94: {  	[hbm4b:s17+s2] =	stream.linear.scatter [tilespmem:s22], [sflag:$0x1], $0x80, $0x38;
	[tilespmem:$0xC700] =	vst v63  }
0x95: {  	_ =	swait.ge @!p0 [sflag:s21], $0x80  }
0x96: {  	s18 =	sadd.s32 $0x400, s18;
	[sflag:s21] =	ssyncset.done @!p0 $0x0  }
0x97: {  	[sflag:s21] =	ssyncadd.s32 @!p0 $0xFFFFFF80;
	p0 =	sne.s32 s18, $0x9C00  }
.Ltmp0:
0x98: {  	_ = 	snop;
	(pc) =	sbr.rel @p0 .LBB2_2-.Ltmp0, $2  }
0x99: {  	_ =	sdelay $0x2  }
0x9a: {  	s19 =	sadd.s32 $0x1, s19;
	s16 =	sadd.s32 $0x20, s16;
	s17 =	sadd.s32 $0x20, s17  }
0x9b: {  	v0 =	vld [tilespmem:$0x7600]  }
0x9c: {  	v1 =	vld [tilespmem:$0x9E00];
	_ =	sdelay $0x4  }
0x9d: {  	v0 =	vshll.u32 v0, $0x1;
	v1 =	vshll.u32 v1, $0x1  }
0x9e: {  	v1 =	vor.u32 $0x1, v1;
	_ =	sdelay $0x3  }
0x9f: {  	v0 =	vld.idx.msk [tilespmem:v0+s2+$0x0], $0xffff  }
0xa0: {  	v1 =	vld.idx.msk [tilespmem:v1+s2+$0x0], $0xffff;
	_ =	sdelay $0x4  }
0xa1: {  	v0 =	vadd.f32 v1, v0;
	_ =	sdelay $0x1  }
0xa2: {  	[tilespmem:$0xC600] =	vst v0  }
0xa3: {  	[hbm4b:s6+s2] =	stream.linear.scatter [tilespmem:s13], [sflag:$0x1], $0x10, $0x38;
	[tilespmem:$0xC700] =	vst v63  }
0xa4: {  	_ =	swait.ge [sflag:s14], $0x80  }
0xa5: {  	[sflag:s14] =	ssyncset.done $0x0  }
0xa6: {  	[sflag:s14] =	ssyncadd.s32 $0xFFFFFF80  }
0xa7: {  	_ =	swait.ge [sflag:s14], $0x80  }
0xa8: {  	[sflag:s14] =	ssyncset.done $0x0  }
0xa9: {  	[sflag:s14] =	ssyncadd.s32 $0xFFFFFF80  }
0xaa: {  	_ =	swait.ge [sflag:s14], $0x80  }
0xab: {  	[sflag:s14] =	ssyncset.done $0x0  }
0xac: {  	[sflag:s14] =	ssyncadd.s32 $0xFFFFFF80  }
0xad: {  	_ =	swait.ge [sflag:s14], $0x80  }
0xae: {  	[sflag:s14] =	ssyncset.done $0x0  }
0xaf: {  	[sflag:s14] =	ssyncadd.s32 $0xFFFFFF80  }
0xb0: {  	_ =	swait.ge [sflag:s14], $0x80  }
0xb1: {  	[sflag:s14] =	ssyncset.done $0x0  }
0xb2: {  	[sflag:s14] =	ssyncadd.s32 $0xFFFFFF80  }
0xb3: {  	_ =	swait.ge [sflag:s14], $0x80  }
0xb4: {  	[sflag:s14] =	ssyncset.done $0x0  }
0xb5: {  	[sflag:s14] =	ssyncadd.s32 $0xFFFFFF80  }
0xb6: {  	_ =	swait.ge [sflag:s14], $0x80  }
0xb7: {  	[sflag:s14] =	ssyncset.done $0x0  }
0xb8: {  	s15 =	sadd.s32 $0x1, s15;
	[sflag:s14] =	ssyncadd.s32 $0xFFFFFF80  }
0xb9: {  	p0 =	sne.s32 s15, s7;
	_ =	swait.ge [sflag:s14], $0x80  }
.Ltmp1:
0xba: {  	[sflag:s14] =	ssyncset.done $0x0;
	(pc) =	sbr.rel @p0 .LBB2_1-.Ltmp1, $4  }
0xbb: {  	[sflag:s14] =	ssyncadd.s32 $0xFFFFFF80  }
0xbc: {  	_ =	swait.ge [sflag:s14], $0x10  }
0xbd: {  	[sflag:s14] =	ssyncset.done $0x0  }
0xbe: {  	[sflag:s14] =	ssyncadd.s32 $0xFFFFFFF0  }
0xbf: {  	_ =	sfence.sel $0x180000  }
0xc0: {  	[bflag:$0x0] =	sbarrier.arrive $0xFFFF  }
0xc1: {  	p0 =	sne.s32 s0, $0x0;
	_ =	strace $0x90000050  }
0xc2: {  	s0 =	sadd.s32 @!p0 $0x100000, s1;
	[bflag:$0x2] =	sbarrier.arrive $0xFFFF  }
0xc3: {  	[sflag:s0] =	ssyncadd.tile.s32 @!p0 $0x1;
	_ =	shalt  }
.Lfunc_end2:
_tile_overlayer_lowered:
.L_overlay_start_2:
0xc4: {  	(tag) =	ssettag $0x2  }
0xc5: {  	s0 =	rddreg [dreg:$0x0];
	s2 =	stileid.u32  }
0xc6: {  	s1 =	rddreg [dreg:$0x1];
	p0 =	sne.s32 s2, $0x0  }
0xc7: {  	s3 =	rddreg [dreg:$0x2];
	[bflag:$0x3] =	sbarrier.arrive $0xFFFF;
	s2 =	simm.s32 @!p0 $0x1C02  }
0xc8: {  	[timem:s3], [sflag:s2] =	dma.local @!p0 [hbm:s0], s1  }
0xc9: {  	s0 =	simm.s32 @!p0 $0x2  }
0xca: {  	_ =	swait.ge @!p0 [sflag:s0], s1  }
0xcb: {  	s1 =	ssub.s32 @!p0 $0x0, s1;
	[sflag:s0] =	ssyncset.done @!p0 $0x0  }
0xcc: {  	[sflag:s0] =	ssyncadd.s32 @!p0 s1  }
0xcd: {  	[bflag:$0x3] =	sbarrier.arrive $0xFFFF  }
0xce: {  	_ =	shalt  }

</sc_bundles>
